<compile_context>
chip_gen: v7x
topology: tpu7x:2x2x1
jax: 0.10.2.dev20260603
libtpu: 0.0.44.dev20260713+nightly
codegen_flags: <defaults>
</compile_context>

<pallas_src>
import functools

import jax
import jax.numpy as jnp
from jax import lax
from jax.experimental import pallas as pl
from jax.experimental.pallas import tpu as pltpu
from jax.experimental.pallas import tpu_sc as plsc

N = 10000
E = 320000
F_IN = 128
H = 64
VW = 128
MW = 80
NC = 2
NS = 16
NW = NC * NS
CE = 128
NCHG = E // CE
JMAX_E = (NCHG + NW - 1) // NW
GE = CE // 16
CN = 512
NCHN = E // CN
JMAX_N = (NCHN + NW - 1) // NW
GN = CN // 16
NP = 10240
RPT = NP // NS
ZR = 64
SB = 64
_SCALE = 1.0 / (H ** 0.5)
_EPS = 1e-16

f32 = jnp.float32
i32 = jnp.int32


def _gelu(x):
    return 0.5 * x * (1.0 + lax.erf(x * (2.0 ** -0.5)))



def _qkv_pad(h, wq_ref, wk_ref, wv_ref, q_ref, k_ref, v_ref):
    zero_pad = jnp.zeros((N, VW - H), f32)
    q_ref[:, :H] = jnp.dot(h, wq_ref[...], preferred_element_type=f32)
    q_ref[:, H:] = zero_pad
    k_ref[:, :H] = jnp.dot(h, wk_ref[...], preferred_element_type=f32)
    k_ref[:, H:] = zero_pad
    v_ref[:, :H] = jnp.dot(h, wv_ref[...], preferred_element_type=f32)
    colv = lax.broadcasted_iota(i32, (N, VW - H), 1)
    v_ref[:, H:] = jnp.where(colv == 0, 1.0, 0.0).astype(f32)


def _dense1_body(x_ref, wp_ref, bp_ref, wq_ref, wk_ref, wv_ref,
                 q_ref, k_ref, v_ref):
    h = _gelu(jnp.dot(x_ref[...], wp_ref[...],
                      preferred_element_type=f32) + bp_ref[...])
    _qkv_pad(h, wq_ref, wk_ref, wv_ref, q_ref, k_ref, v_ref)


def _mid_body(h1_ref, wq_ref, wk_ref, wv_ref, q_ref, k_ref, v_ref):
    _qkv_pad(h1_ref[...], wq_ref, wk_ref, wv_ref, q_ref, k_ref, v_ref)


def _fin_body(h2_ref, ws_ref, bs_ref, sig_ref):
    sig_ref[...] = jnp.dot(h2_ref[...], ws_ref[...],
                           preferred_element_type=f32) + bs_ref[...]



_sc_mesh = plsc.VectorSubcoreMesh(core_axis_name="c", subcore_axis_name="s")


@functools.partial(
    pl.kernel,
    out_type=[jax.ShapeDtypeStruct((NW, JMAX_E, 1, CE), f32),
              jax.ShapeDtypeStruct((2, NP, MW), f32)],
    mesh=_sc_mesh,
    scratch_types=[
        pltpu.VMEM((16,), i32),
        pltpu.VMEM((CE,), f32),
        pltpu.VMEM((16, CE), i32),
        pltpu.VMEM((16, CE), i32),
        pltpu.VMEM((SB,), i32),
        pltpu.VMEM((SB,), i32),
        pltpu.VMEM((SB, VW), f32),
        pltpu.VMEM((SB, VW), f32),
        pltpu.VMEM((SB, VW), f32),
        pltpu.VMEM((SB, MW), f32),
        pltpu.VMEM((ZR, MW), f32),
        pltpu.VMEM_SHARED((NP, MW), f32),
        pltpu.SemaphoreType.DMA,
        pltpu.SemaphoreType.DMA,
        pltpu.SemaphoreType.DMA,
    ],
    compiler_params=pltpu.CompilerParams(needs_layout_passes=False),
)
def _edge_pass(q_hbm, k_hbm, v_hbm, src2_hbm, dst2_hbm, ex_hbm, mp_hbm,
               cidxb, exb, srcb2, dstb2, srcA, dstA, qrows, krows, vrows,
               vmsg, zbuf, m_sh, s1, s2, s3):
    cid = lax.axis_index("c")
    sid = lax.axis_index("s")
    wid = cid * NS + sid

    z16 = jnp.zeros((16,), f32)
    zi16 = jnp.zeros((16,), i32)
    iota16 = lax.iota(i32, 16)
    blocks = MW // 16

    def _zz(i, carry):
        r = jnp.full((16,), i // blocks, i32)
        cc = iota16 + (i % blocks) * 16
        plsc.store_scatter(zbuf, [r, cc], z16)
        return carry

    lax.fori_loop(0, ZR * blocks, _zz, 0)

    def _zc(j, carry):
        pltpu.sync_copy(zbuf, m_sh.at[pl.ds(sid * RPT + j * ZR, ZR)])
        return carry

    lax.fori_loop(0, RPT // ZR, _zc, 0)
    plsc.subcore_barrier()

    def _chunk(j, carry):
        chunkid = j * NW + wid

        @pl.when(chunkid < NCHG)
        def _():
            cidxb[pl.ds(0, 16)] = jnp.full((16,), chunkid, i32)
            ci1 = pltpu.async_copy(src2_hbm.at[cidxb], srcb2, s1)
            ci2 = pltpu.async_copy(dst2_hbm.at[cidxb], dstb2, s2)
            ci1.wait()
            ci2.wait()

            def _sub(s, scarry):
                soff = s * SB

                def _ic(i, icarry):
                    col = iota16 + soff + i * 16
                    srcA[pl.ds(i * 16, 16)] = plsc.load_gather(
                        srcb2, [zi16, col])
                    dstA[pl.ds(i * 16, 16)] = plsc.load_gather(
                        dstb2, [zi16, col])
                    return icarry

                lax.fori_loop(0, SB // 16, _ic, 0)
                c1 = pltpu.async_copy(q_hbm.at[dstA], qrows, s1)
                c2 = pltpu.async_copy(k_hbm.at[srcA], krows, s2)
                c3 = pltpu.async_copy(v_hbm.at[srcA], vrows, s3)
                c1.wait()
                c2.wait()
                c3.wait()

                def _group(g, gcarry):
                    rows = iota16 + g * 16
                    acc = jnp.zeros((16,), f32)
                    for c in range(H):
                        cc = jnp.full((16,), c, i32)
                        acc = acc + (plsc.load_gather(qrows, [rows, cc])
                                     * plsc.load_gather(krows, [rows, cc]))
                    exv = jnp.exp(jnp.maximum(acc * _SCALE, 0.0))
                    exb[pl.ds(soff + g * 16, 16)] = exv
                    return gcarry

                lax.fori_loop(0, SB // 16, _group, 0)

                def _scale(e, ecarry):
                    a = plsc.load_gather(exb, [jnp.full((16,), soff + e, i32)])
                    for b in range(MW // 16):
                        vmsg[e, pl.ds(b * 16, 16)] = (
                            vrows[e, pl.ds(b * 16, 16)] * a)
                    return ecarry

                lax.fori_loop(0, SB, _scale, 0)
                pltpu.sync_copy(vmsg, m_sh.at[dstA], add=True)
                return scarry

            lax.fori_loop(0, CE // SB, _sub, 0)
            pltpu.sync_copy(exb, ex_hbm.at[wid, j, 0])

        return carry

    lax.fori_loop(0, JMAX_E, _chunk, 0)

    plsc.subcore_barrier()

    def _wb(j, carry):
        r0 = sid * RPT + j * ZR
        pltpu.sync_copy(m_sh.at[pl.ds(r0, ZR)], mp_hbm.at[cid, pl.ds(r0, ZR)])
        return carry

    lax.fori_loop(0, RPT // ZR, _wb, 0)


@functools.partial(
    pl.kernel,
    out_type=jax.ShapeDtypeStruct((E,), f32),
    mesh=_sc_mesh,
    scratch_types=[
        pltpu.VMEM((CN,), i32),
        pltpu.VMEM((CN,), f32),
        pltpu.VMEM((CN,), f32),
        pltpu.VMEM((N,), f32),
    ],
    compiler_params=pltpu.CompilerParams(needs_layout_passes=False),
)
def _norm_pass(ex_hbm, dst_hbm, denom_hbm, a_hbm, dstb, exb, ab, denom_t):
    cid = lax.axis_index("c")
    sid = lax.axis_index("s")
    wid = cid * NS + sid
    pltpu.sync_copy(denom_hbm, denom_t)

    def _chunk(j, carry):
        chunkid = j * NW + wid

        @pl.when(chunkid < NCHN)
        def _():
            base = pl.multiple_of(chunkid * CN, CN)
            pltpu.sync_copy(dst_hbm.at[pl.ds(base, CN)], dstb)
            pltpu.sync_copy(ex_hbm.at[pl.ds(base, CN)], exb)

            def _g(g, gcarry):
                dstv = dstb[pl.ds(g * 16, 16)]
                exv = exb[pl.ds(g * 16, 16)]
                d = plsc.load_gather(denom_t, [dstv])
                ab[pl.ds(g * 16, 16)] = exv / (d + _EPS)
                return gcarry

            lax.fori_loop(0, GN, _g, 0)
            pltpu.sync_copy(ab, a_hbm.at[pl.ds(base, CN)])

        return carry

    lax.fori_loop(0, JMAX_N, _chunk, 0)


def _unpack_mp(mp32):
    b = jax.lax.bitcast_convert_type(mp32, jnp.bfloat16)
    return b.reshape(2, NP, MW).astype(f32)



def kernel(x, edge_index, W_proj, b_proj, Wq1, Wk1, Wv1, Wq2, Wk2, Wv2, Ws, bs):
    src = edge_index[0]
    dst = edge_index[1]

    q1, k1, v1 = pl.pallas_call(
        _dense1_body,
        out_shape=[jax.ShapeDtypeStruct((N, VW), f32),
                   jax.ShapeDtypeStruct((N, VW), f32),
                   jax.ShapeDtypeStruct((N, VW), f32)],
    )(x, W_proj, b_proj.reshape(1, H), Wq1, Wk1, Wv1)

    src2 = src.reshape(NCHG, CE)
    dst2 = dst.reshape(NCHG, CE)
    ex1, mp1 = _edge_pass(q1, k1, v1, src2, dst2)
    ex1 = jnp.transpose(ex1[:, :, 0, :], (1, 0, 2)).reshape(-1)[:E]

    m1 = mp1[0, :N] + mp1[1, :N]
    h1 = _gelu(m1[:, :H] / (m1[:, H:H + 1] + _EPS))

    q2, k2, v2 = pl.pallas_call(
        _mid_body,
        out_shape=[jax.ShapeDtypeStruct((N, VW), f32),
                   jax.ShapeDtypeStruct((N, VW), f32),
                   jax.ShapeDtypeStruct((N, VW), f32)],
    )(h1, Wq2, Wk2, Wv2)

    a1 = ex1 / (jax.ops.segment_sum(ex1, dst, num_segments=N)[dst] + _EPS)

    ex2, mp2 = _edge_pass(q2, k2, v2, src2, dst2)
    ex2 = jnp.transpose(ex2[:, :, 0, :], (1, 0, 2)).reshape(-1)[:E]

    m2 = mp2[0, :N] + mp2[1, :N]
    h2 = m2[:, :H] / (m2[:, H:H + 1] + _EPS)

    signals = pl.pallas_call(
        _fin_body,
        out_shape=jax.ShapeDtypeStruct((N, 1), f32),
    )(h2, Ws, bs.reshape(1, 1))

    a2 = ex2 / (jax.ops.segment_sum(ex2, dst, num_segments=N)[dst] + _EPS)

    return (signals, a1[:, None], a2[:, None])

# --- scband reference (transcript-rebuilt; emitter-appended) ---
"""Pipeline reference for scband-alpha-gnn-37254546326084 (READ-ONLY COPY).

The authoritative reference and input builder live on the scoring server;
editing this copy changes nothing except your own understanding.
"""

import jax, jax.numpy as jnp
import numpy as np

N = 10000
E = 320000
F_IN = 128
H = 64
HEADS = 1


def setup_inputs(seed: int = 0) -> dict:
    key = jax.random.key(seed)
    ks = jax.random.split(key, 13)
    inp = {}
    inp["x"] = jax.random.normal(ks[0], (N, F_IN), dtype=jnp.float32)
    inp["edge_index"] = jax.random.randint(ks[1], (2, E), 0, N, dtype=jnp.int32)
    inp["W_proj"] = jax.random.normal(ks[2], (F_IN, H), dtype=jnp.float32) * (1.0 / np.sqrt(F_IN))
    inp["b_proj"] = jnp.zeros((H,), dtype=jnp.float32)
    inp["Wq1"] = jax.random.normal(ks[3], (H, HEADS * H), dtype=jnp.float32) * (1.0 / np.sqrt(H))
    inp["Wk1"] = jax.random.normal(ks[4], (H, HEADS * H), dtype=jnp.float32) * (1.0 / np.sqrt(H))
    inp["Wv1"] = jax.random.normal(ks[5], (H, HEADS * H), dtype=jnp.float32) * (1.0 / np.sqrt(H))
    inp["Wq2"] = jax.random.normal(ks[6], (H, HEADS * H), dtype=jnp.float32) * (1.0 / np.sqrt(H))
    inp["Wk2"] = jax.random.normal(ks[7], (H, HEADS * H), dtype=jnp.float32) * (1.0 / np.sqrt(H))
    inp["Wv2"] = jax.random.normal(ks[8], (H, HEADS * H), dtype=jnp.float32) * (1.0 / np.sqrt(H))
    inp["Ws"] = jax.random.normal(ks[9], (H, 1), dtype=jnp.float32) * (1.0 / np.sqrt(H))
    inp["bs"] = jnp.zeros((1,), dtype=jnp.float32)
    return inp


def _segment_softmax(alpha, index, num_segments):
    amax = jax.ops.segment_max(alpha, index, num_segments=num_segments)
    amax = jnp.where(jnp.isfinite(amax), amax, 0.0)
    ex = jnp.exp(alpha - amax[index])
    denom = jax.ops.segment_sum(ex, index, num_segments=num_segments)
    return ex / (denom[index] + 1e-16)


def _attn_layer(x, Wq, Wk, Wv, src, dst, num_nodes):
    q = (x @ Wq).reshape(-1, HEADS, H)
    k = (x @ Wk).reshape(-1, HEADS, H)
    v = (x @ Wv).reshape(-1, HEADS, H)
    q_i = q[dst]
    k_j = k[src]
    v_j = v[src]
    alpha = (q_i * k_j).sum(axis=-1) / (H ** 0.5)  # (E, HEADS)
    alpha = jax.nn.relu(alpha)
    alpha = _segment_softmax(alpha, dst, num_nodes)
    msg = v_j * alpha[:, :, None]
    out = jax.ops.segment_sum(msg, dst, num_segments=num_nodes)  # (N, HEADS, H)
    return out.mean(axis=1), alpha


def reference(x, edge_index, W_proj, b_proj, Wq1, Wk1, Wv1, Wq2, Wk2, Wv2, Ws, bs):
    src = edge_index[0]
    dst = edge_index[1]
    h = jax.nn.gelu(x @ W_proj + b_proj, approximate=False)
    h1, a1 = _attn_layer(h, Wq1, Wk1, Wv1, src, dst, N)
    h1 = jax.nn.gelu(h1, approximate=False)
    h2, a2 = _attn_layer(h1, Wq2, Wk2, Wv2, src, dst, N)
    signals = h2 @ Ws + bs
    return (signals, a1, a2)

if __name__ == "__main__":
    import jax
    _d = setup_inputs()
    print(jax.jit(kernel)(*tuple(_d.values())))

</pallas_src>

<mosaic_0001>
#map = affine_map<(d0, d1) -> (0, 0)>
#map1 = affine_map<(d0, d1) -> (0, 0, 0, 0)>
#map2 = affine_map<(d0, d1) -> (0, 0, 0)>
module attributes {stable_mosaic.version = 14 : i64} {
  func.func @_edge_pass(%arg0: i32, %arg1: i32, %arg2: memref<10000x128xf32, #tpu.memory_space<hbm>>, %arg3: memref<10000x128xf32, #tpu.memory_space<hbm>>, %arg4: memref<10000x128xf32, #tpu.memory_space<hbm>>, %arg5: memref<2500x128xi32, #tpu.memory_space<hbm>>, %arg6: memref<2500x128xi32, #tpu.memory_space<hbm>>, %arg7: memref<32x79x1x128xf32, #tpu.memory_space<hbm>>, %arg8: memref<2x10240x80xf32, #tpu.memory_space<hbm>>, %arg9: memref<16xi32, #tpu.memory_space<vmem>>, %arg10: memref<128xf32, #tpu.memory_space<vmem>>, %arg11: memref<16x128xi32, #tpu.memory_space<vmem>>, %arg12: memref<16x128xi32, #tpu.memory_space<vmem>>, %arg13: memref<64xi32, #tpu.memory_space<vmem>>, %arg14: memref<64xi32, #tpu.memory_space<vmem>>, %arg15: memref<64x128xf32, #tpu.memory_space<vmem>>, %arg16: memref<64x128xf32, #tpu.memory_space<vmem>>, %arg17: memref<64x128xf32, #tpu.memory_space<vmem>>, %arg18: memref<64x80xf32, #tpu.memory_space<vmem>>, %arg19: memref<64x80xf32, #tpu.memory_space<vmem>>, %arg20: memref<10240x80xf32, #tpu.memory_space<vmem_shared>>, %arg21: memref<!tpu.dma_semaphore, #tpu.memory_space<semaphore_mem>>, %arg22: memref<!tpu.dma_semaphore, #tpu.memory_space<semaphore_mem>>, %arg23: memref<!tpu.dma_semaphore, #tpu.memory_space<semaphore_mem>>) attributes {dimension_semantics = [#tpu.dimension_semantics<core_parallel>, #tpu.dimension_semantics<subcore_parallel>], iteration_bounds = array<i64: 2, 16>, scalar_prefetch = 0 : i64, scratch_operands = 15 : i64, tpu.core_type = #tpu.core_type<sc_vector_subcore>, window_params = [{transform_indices = #map}, {transform_indices = #map}, {transform_indices = #map}, {transform_indices = #map}, {transform_indices = #map}, {transform_indices = #map1}, {transform_indices = #map2}]} {
    %mul3A = arith.constant 16 : i32
    %mul3A_0 = arith.muli %arg0, %mul3A : i32
    %add3A = arith.addi %mul3A_0, %arg1 : i32
    %broadcast_in_dim3A = arith.constant 0.000000e+00 : f32
    %broadcast_in_dim3A_1 = vector.broadcast %broadcast_in_dim3A : f32 to vector<16xf32>
    %broadcast_in_dim3A_2 = arith.constant 0 : i32
    %broadcast_in_dim3A_3 = vector.broadcast %broadcast_in_dim3A_2 : i32 to vector<16xi32>
    %iota3A = tpu.iota {dimensions = array<i32: 0>} : vector<16xi32>
    %scan3A = arith.constant 0 : i32
    %scan3A_4 = arith.constant 0 : i32
    %scan3A_5 = arith.constant 320 : i32
    %scan3A_6 = arith.addi %scan3A_4, %scan3A_5 : i32
    %scan3A_7 = arith.constant 1 : i32
    scf.for %scan3A_28 = %scan3A_4 to %scan3A_6 step %scan3A_7  : i32 {
      %jit3A = arith.constant 5 : i32
      %div3A = arith.divsi %scan3A_28, %jit3A : i32
      %sign3A = arith.constant 0 : i32
      %sign3A_29 = arith.cmpi sgt, %scan3A_28, %sign3A : i32
      %sign3A_30 = arith.extui %sign3A_29 : i1 to i32
      %sign3A_31 = arith.constant 0 : i32
      %sign3A_32 = arith.cmpi slt, %scan3A_28, %sign3A_31 : i32
      %sign3A_33 = arith.extui %sign3A_32 : i1 to i32
      %sign3A_34 = arith.subi %sign3A_30, %sign3A_33 : i32
      %sign3A_35 = arith.constant 0 : i32
      %sign3A_36 = arith.cmpi sgt, %jit3A, %sign3A_35 : i32
      %sign3A_37 = arith.extui %sign3A_36 : i1 to i32
      %sign3A_38 = arith.constant 0 : i32
      %sign3A_39 = arith.cmpi slt, %jit3A, %sign3A_38 : i32
      %sign3A_40 = arith.extui %sign3A_39 : i1 to i32
      %sign3A_41 = arith.subi %sign3A_37, %sign3A_40 : i32
      %ne3A = arith.cmpi ne, %sign3A_34, %sign3A_41 : i32
      %rem3A = arith.remsi %scan3A_28, %jit3A : i32
      %ne3A_42 = arith.constant 0 : i32
      %ne3A_43 = arith.cmpi ne, %rem3A, %ne3A_42 : i32
      %and3A = arith.andi %ne3A, %ne3A_43 : i1
      %sub3A = arith.constant 1 : i32
      %sub3A_44 = arith.subi %div3A, %sub3A : i32
      %select_n3A = arith.select %and3A, %sub3A_44, %div3A : i32
      %broadcast_in_dim3A_45 = vector.broadcast %select_n3A : i32 to vector<16xi32>
      %jit3A_46 = arith.constant 5 : i32
      %eq3A = arith.constant 0 : i32
      %eq3A_47 = arith.cmpi eq, %jit3A_46, %eq3A : i32
      %jit3A_48 = arith.constant 1 : i32
      %select_n3A_49 = arith.select %eq3A_47, %jit3A_48, %jit3A_46 : i32
      %rem3A_50 = arith.remsi %scan3A_28, %select_n3A_49 : i32
      %ne3A_51 = arith.constant 0 : i32
      %ne3A_52 = arith.cmpi ne, %rem3A_50, %ne3A_51 : i32
      %lt3A = arith.constant 0 : i32
      %lt3A_53 = arith.cmpi slt, %rem3A_50, %lt3A : i32
      %lt3A_54 = arith.constant 0 : i32
      %lt3A_55 = arith.cmpi slt, %select_n3A_49, %lt3A_54 : i32
      %ne3A_56 = arith.xori %lt3A_53, %lt3A_55 : i1
      %and3A_57 = arith.andi %ne3A_56, %ne3A_52 : i1
      %add3A_58 = arith.addi %rem3A_50, %select_n3A_49 : i32
      %select_n3A_59 = arith.select %and3A_57, %add3A_58, %rem3A_50 : i32
      %mul3A_60 = arith.constant 16 : i32
      %mul3A_61 = arith.muli %select_n3A_59, %mul3A_60 : i32
      %add3A_62 = vector.broadcast %mul3A_61 : i32 to vector<16xi32>
      %add3A_63 = arith.addi %iota3A, %add3A_62 : vector<16xi32>
      tpu.vector_store_idx %arg19[%broadcast_in_dim3A_45, %add3A_63], %broadcast_in_dim3A_1 : memref<64x80xf32, #tpu.memory_space<vmem>>[vector<16xi32>, vector<16xi32>], vector<16xf32>,
    }
    %scan3A_8 = arith.constant 320 : i32
    %scan3A_9 = arith.constant 0 : i32
    %scan3A_10 = arith.constant 0 : i32
    %scan3A_11 = arith.constant 10 : i32
    %scan3A_12 = arith.addi %scan3A_10, %scan3A_11 : i32
    %scan3A_13 = arith.constant 1 : i32
    scf.for %scan3A_28 = %scan3A_10 to %scan3A_12 step %scan3A_13  : i32 {
      %mul3A_29 = arith.constant 640 : i32
      %mul3A_30 = arith.muli %arg1, %mul3A_29 : i32
      %mul3A_31 = arith.constant 64 : i32
      %mul3A_32 = arith.muli %scan3A_28, %mul3A_31 : i32
      %add3A_33 = arith.addi %mul3A_30, %mul3A_32 : i32
      "tpu.region"() ({
        %run_scoped3A = tpu.sem_alloc : memref<!tpu.dma_semaphore, #tpu.memory_space<semaphore_mem>>
        %dma_start3A = arith.constant 0 : i32
        %dma_start3A_34 = tpu.memref_slice %arg20[%add3A_33, %dma_start3A] : memref<10240x80xf32, #tpu.memory_space<vmem_shared>> -> memref<64x80xf32, #tpu.memory_space<vmem_shared>>
        %dma_start3A_35 = arith.constant 0 : i32
        %dma_start3A_36 = tpu.memref_slice %arg20[%add3A_33, %dma_start3A_35] : memref<10240x80xf32, #tpu.memory_space<vmem_shared>> -> memref<64x80xf32, #tpu.memory_space<vmem_shared>>
        tpu.enqueue_dma source(%arg19 : memref<64x80xf32, #tpu.memory_space<vmem>>) target(%dma_start3A_36 : memref<64x80xf32, #tpu.memory_space<vmem_shared>>) target_semaphore(%run_scoped3A : memref<!tpu.dma_semaphore, #tpu.memory_space<semaphore_mem>>)
        %dma_wait3A = arith.constant 0 : i32
        %dma_wait3A_37 = tpu.memref_slice %arg20[%add3A_33, %dma_wait3A] : memref<10240x80xf32, #tpu.memory_space<vmem_shared>> -> memref<64x80xf32, #tpu.memory_space<vmem_shared>>
        %dma_wait3A_38 = arith.constant 0 : i32
        %dma_wait3A_39 = tpu.memref_slice %arg20[%add3A_33, %dma_wait3A_38] : memref<10240x80xf32, #tpu.memory_space<vmem_shared>> -> memref<64x80xf32, #tpu.memory_space<vmem_shared>>
        tpu.wait_dma2 semaphore(%run_scoped3A : memref<!tpu.dma_semaphore, #tpu.memory_space<semaphore_mem>>) src(%arg19 : memref<64x80xf32, #tpu.memory_space<vmem>>) dst(%dma_wait3A_39 : memref<64x80xf32, #tpu.memory_space<vmem_shared>>)
        tpu.yield
      }) : () -> ()
    }
    %scan3A_14 = arith.constant 10 : i32
    %barrier3A = arith.constant 0 : index
    tpu.barrier barrier_id(%barrier3A)
    %scan3A_15 = arith.constant 0 : i32
    %scan3A_16 = arith.constant 0 : i32
    %scan3A_17 = arith.constant 79 : i32
    %scan3A_18 = arith.addi %scan3A_16, %scan3A_17 : i32
    %scan3A_19 = arith.constant 1 : i32
    scf.for %scan3A_28 = %scan3A_16 to %scan3A_18 step %scan3A_19  : i32 {
      %mul3A_29 = arith.constant 32 : i32
      %mul3A_30 = arith.muli %scan3A_28, %mul3A_29 : i32
      %add3A_31 = arith.addi %mul3A_30, %add3A : i32
      %lt3A = arith.constant 2500 : i32
      %lt3A_32 = arith.cmpi slt, %add3A_31, %lt3A : i32
      %convert_element_type3A = arith.extui %lt3A_32 : i1 to i32
      %cond3A = arith.constant 0 : i32
      %cond3A_33 = arith.cmpi ne, %convert_element_type3A, %cond3A : i32
      scf.if %cond3A_33 {
        %broadcast_in_dim3A_34 = vector.broadcast %add3A_31 : i32 to vector<16xi32>
        %swap3A = arith.constant 0 : index
        %swap3A_35 = tpu.vector_load %arg9[%swap3A] {strides = array<i32>} : memref<16xi32, #tpu.memory_space<vmem>>, vector<16xi32>,
        tpu.vector_store %arg9[%swap3A], %broadcast_in_dim3A_34 {strides = array<i32>} : memref<16xi32, #tpu.memory_space<vmem>>, vector<16xi32>,
        %dma_start3A = arith.constant 0 : i32
        %dma_start3A_36 = arith.constant 0 : i32
        %dma_start3A_37 = tpu.memref_slice %arg5[%dma_start3A, %dma_start3A_36] : memref<2500x128xi32, #tpu.memory_space<hbm>> -> memref<2500x128xi32, #tpu.memory_space<hbm>>
        tpu.enqueue_indirect_dma source(%dma_start3A_37 : memref<2500x128xi32, #tpu.memory_space<hbm>>) target(%arg11 : memref<16x128xi32, #tpu.memory_space<vmem>>) offsets(%arg9 : memref<16xi32, #tpu.memory_space<vmem>>) semaphore(%arg21 : memref<!tpu.dma_semaphore, #tpu.memory_space<semaphore_mem>>)
        %dma_start3A_38 = arith.constant 0 : i32
        %dma_start3A_39 = arith.constant 0 : i32
        %dma_start3A_40 = tpu.memref_slice %arg6[%dma_start3A_38, %dma_start3A_39] : memref<2500x128xi32, #tpu.memory_space<hbm>> -> memref<2500x128xi32, #tpu.memory_space<hbm>>
        tpu.enqueue_indirect_dma source(%dma_start3A_40 : memref<2500x128xi32, #tpu.memory_space<hbm>>) target(%arg12 : memref<16x128xi32, #tpu.memory_space<vmem>>) offsets(%arg9 : memref<16xi32, #tpu.memory_space<vmem>>) semaphore(%arg22 : memref<!tpu.dma_semaphore, #tpu.memory_space<semaphore_mem>>)
        %dma_wait3A = arith.constant 0 : i32
        %dma_wait3A_41 = arith.constant 0 : i32
        %dma_wait3A_42 = tpu.memref_slice %arg5[%dma_wait3A, %dma_wait3A_41] : memref<2500x128xi32, #tpu.memory_space<hbm>> -> memref<2500x128xi32, #tpu.memory_space<hbm>>
        tpu.wait_indirect_dma semaphore(%arg21 : memref<!tpu.dma_semaphore, #tpu.memory_space<semaphore_mem>>) src(%dma_wait3A_42 : memref<2500x128xi32, #tpu.memory_space<hbm>>) dst(%arg11 : memref<16x128xi32, #tpu.memory_space<vmem>>)
        %dma_wait3A_43 = arith.constant 0 : i32
        %dma_wait3A_44 = arith.constant 0 : i32
        %dma_wait3A_45 = tpu.memref_slice %arg6[%dma_wait3A_43, %dma_wait3A_44] : memref<2500x128xi32, #tpu.memory_space<hbm>> -> memref<2500x128xi32, #tpu.memory_space<hbm>>
        tpu.wait_indirect_dma semaphore(%arg22 : memref<!tpu.dma_semaphore, #tpu.memory_space<semaphore_mem>>) src(%dma_wait3A_45 : memref<2500x128xi32, #tpu.memory_space<hbm>>) dst(%arg12 : memref<16x128xi32, #tpu.memory_space<vmem>>)
        %scan3A_46 = arith.constant 0 : i32
        %scan3A_47 = arith.constant 0 : i32
        %scan3A_48 = arith.constant 2 : i32
        %scan3A_49 = arith.addi %scan3A_47, %scan3A_48 : i32
        %scan3A_50 = arith.constant 1 : i32
        scf.for %scan3A_52 = %scan3A_47 to %scan3A_49 step %scan3A_50  : i32 {
          %mul3A_53 = arith.constant 64 : i32
          %mul3A_54 = arith.muli %scan3A_52, %mul3A_53 : i32
          %scan3A_55 = arith.constant 0 : i32
          %scan3A_56 = arith.constant 0 : i32
          %scan3A_57 = arith.constant 4 : i32
          %scan3A_58 = arith.addi %scan3A_56, %scan3A_57 : i32
          %scan3A_59 = arith.constant 1 : i32
          scf.for %scan3A_91 = %scan3A_56 to %scan3A_58 step %scan3A_59  : i32 {
            %add3A_92 = vector.broadcast %mul3A_54 : i32 to vector<16xi32>
            %add3A_93 = arith.addi %iota3A, %add3A_92 : vector<16xi32>
            %mul3A_94 = arith.constant 16 : i32
            %mul3A_95 = arith.muli %scan3A_91, %mul3A_94 : i32
            %add3A_96 = vector.broadcast %mul3A_95 : i32 to vector<16xi32>
            %add3A_97 = arith.addi %add3A_93, %add3A_96 : vector<16xi32>
            %gather3A = tpu.vector_load_idx %arg11[%broadcast_in_dim3A_3, %add3A_97] : memref<16x128xi32, #tpu.memory_space<vmem>>[vector<16xi32>, vector<16xi32>], vector<16xi32>,
            %mul3A_98 = arith.constant 16 : i32
            %mul3A_99 = arith.muli %scan3A_91, %mul3A_98 : i32
            %swap3A_100 = arith.index_cast %mul3A_99 : i32 to index
            %swap3A_101 = tpu.vector_load %arg13[%swap3A_100] {strides = array<i32>} : memref<64xi32, #tpu.memory_space<vmem>>, vector<16xi32>,
            tpu.vector_store %arg13[%swap3A_100], %gather3A {strides = array<i32>} : memref<64xi32, #tpu.memory_space<vmem>>, vector<16xi32>,
            %gather3A_102 = tpu.vector_load_idx %arg12[%broadcast_in_dim3A_3, %add3A_97] : memref<16x128xi32, #tpu.memory_space<vmem>>[vector<16xi32>, vector<16xi32>], vector<16xi32>,
            %mul3A_103 = arith.constant 16 : i32
            %mul3A_104 = arith.muli %scan3A_91, %mul3A_103 : i32
            %swap3A_105 = arith.index_cast %mul3A_104 : i32 to index
            %swap3A_106 = tpu.vector_load %arg14[%swap3A_105] {strides = array<i32>} : memref<64xi32, #tpu.memory_space<vmem>>, vector<16xi32>,
            tpu.vector_store %arg14[%swap3A_105], %gather3A_102 {strides = array<i32>} : memref<64xi32, #tpu.memory_space<vmem>>, vector<16xi32>,
          }
          %scan3A_60 = arith.constant 4 : i32
          %dma_start3A_61 = arith.constant 0 : i32
          %dma_start3A_62 = arith.constant 0 : i32
          %dma_start3A_63 = tpu.memref_slice %arg2[%dma_start3A_61, %dma_start3A_62] : memref<10000x128xf32, #tpu.memory_space<hbm>> -> memref<10000x128xf32, #tpu.memory_space<hbm>>
          tpu.enqueue_indirect_dma source(%dma_start3A_63 : memref<10000x128xf32, #tpu.memory_space<hbm>>) target(%arg15 : memref<64x128xf32, #tpu.memory_space<vmem>>) offsets(%arg14 : memref<64xi32, #tpu.memory_space<vmem>>) semaphore(%arg21 : memref<!tpu.dma_semaphore, #tpu.memory_space<semaphore_mem>>)
          %dma_start3A_64 = arith.constant 0 : i32
          %dma_start3A_65 = arith.constant 0 : i32
          %dma_start3A_66 = tpu.memref_slice %arg3[%dma_start3A_64, %dma_start3A_65] : memref<10000x128xf32, #tpu.memory_space<hbm>> -> memref<10000x128xf32, #tpu.memory_space<hbm>>
          tpu.enqueue_indirect_dma source(%dma_start3A_66 : memref<10000x128xf32, #tpu.memory_space<hbm>>) target(%arg16 : memref<64x128xf32, #tpu.memory_space<vmem>>) offsets(%arg13 : memref<64xi32, #tpu.memory_space<vmem>>) semaphore(%arg22 : memref<!tpu.dma_semaphore, #tpu.memory_space<semaphore_mem>>)
          %dma_start3A_67 = arith.constant 0 : i32
          %dma_start3A_68 = arith.constant 0 : i32
          %dma_start3A_69 = tpu.memref_slice %arg4[%dma_start3A_67, %dma_start3A_68] : memref<10000x128xf32, #tpu.memory_space<hbm>> -> memref<10000x128xf32, #tpu.memory_space<hbm>>
          tpu.enqueue_indirect_dma source(%dma_start3A_69 : memref<10000x128xf32, #tpu.memory_space<hbm>>) target(%arg17 : memref<64x128xf32, #tpu.memory_space<vmem>>) offsets(%arg13 : memref<64xi32, #tpu.memory_space<vmem>>) semaphore(%arg23 : memref<!tpu.dma_semaphore, #tpu.memory_space<semaphore_mem>>)
          %dma_wait3A_70 = arith.constant 0 : i32
          %dma_wait3A_71 = arith.constant 0 : i32
          %dma_wait3A_72 = tpu.memref_slice %arg2[%dma_wait3A_70, %dma_wait3A_71] : memref<10000x128xf32, #tpu.memory_space<hbm>> -> memref<10000x128xf32, #tpu.memory_space<hbm>>
          tpu.wait_indirect_dma semaphore(%arg21 : memref<!tpu.dma_semaphore, #tpu.memory_space<semaphore_mem>>) src(%dma_wait3A_72 : memref<10000x128xf32, #tpu.memory_space<hbm>>) dst(%arg15 : memref<64x128xf32, #tpu.memory_space<vmem>>)
          %dma_wait3A_73 = arith.constant 0 : i32
          %dma_wait3A_74 = arith.constant 0 : i32
          %dma_wait3A_75 = tpu.memref_slice %arg3[%dma_wait3A_73, %dma_wait3A_74] : memref<10000x128xf32, #tpu.memory_space<hbm>> -> memref<10000x128xf32, #tpu.memory_space<hbm>>
          tpu.wait_indirect_dma semaphore(%arg22 : memref<!tpu.dma_semaphore, #tpu.memory_space<semaphore_mem>>) src(%dma_wait3A_75 : memref<10000x128xf32, #tpu.memory_space<hbm>>) dst(%arg16 : memref<64x128xf32, #tpu.memory_space<vmem>>)
          %dma_wait3A_76 = arith.constant 0 : i32
          %dma_wait3A_77 = arith.constant 0 : i32
          %dma_wait3A_78 = tpu.memref_slice %arg4[%dma_wait3A_76, %dma_wait3A_77] : memref<10000x128xf32, #tpu.memory_space<hbm>> -> memref<10000x128xf32, #tpu.memory_space<hbm>>
          tpu.wait_indirect_dma semaphore(%arg23 : memref<!tpu.dma_semaphore, #tpu.memory_space<semaphore_mem>>) src(%dma_wait3A_78 : memref<10000x128xf32, #tpu.memory_space<hbm>>) dst(%arg17 : memref<64x128xf32, #tpu.memory_space<vmem>>)
          %scan3A_79 = arith.constant 0 : i32
          %scan3A_80 = arith.constant 0 : i32
          %scan3A_81 = arith.constant 4 : i32
          %scan3A_82 = arith.addi %scan3A_80, %scan3A_81 : i32
          %scan3A_83 = arith.constant 1 : i32
          scf.for %scan3A_91 = %scan3A_80 to %scan3A_82 step %scan3A_83  : i32 {
            %mul3A_92 = arith.constant 16 : i32
            %mul3A_93 = arith.muli %scan3A_91, %mul3A_92 : i32
            %add3A_94 = vector.broadcast %mul3A_93 : i32 to vector<16xi32>
            %add3A_95 = arith.addi %iota3A, %add3A_94 : vector<16xi32>
            %broadcast_in_dim3A_96 = arith.constant 0.000000e+00 : f32
            %broadcast_in_dim3A_97 = vector.broadcast %broadcast_in_dim3A_96 : f32 to vector<16xf32>
            %broadcast_in_dim3A_98 = arith.constant 0 : i32
            %broadcast_in_dim3A_99 = vector.broadcast %broadcast_in_dim3A_98 : i32 to vector<16xi32>
            %gather3A = tpu.vector_load_idx %arg15[%add3A_95, %broadcast_in_dim3A_99] : memref<64x128xf32, #tpu.memory_space<vmem>>[vector<16xi32>, vector<16xi32>], vector<16xf32>,
            %gather3A_100 = tpu.vector_load_idx %arg16[%add3A_95, %broadcast_in_dim3A_99] : memref<64x128xf32, #tpu.memory_space<vmem>>[vector<16xi32>, vector<16xi32>], vector<16xf32>,
            %mul3A_101 = arith.mulf %gather3A, %gather3A_100 : vector<16xf32>
            %add3A_102 = arith.addf %broadcast_in_dim3A_97, %mul3A_101 : vector<16xf32>
            %broadcast_in_dim3A_103 = arith.constant 1 : i32
            %broadcast_in_dim3A_104 = vector.broadcast %broadcast_in_dim3A_103 : i32 to vector<16xi32>
            %gather3A_105 = tpu.vector_load_idx %arg15[%add3A_95, %broadcast_in_dim3A_104] : memref<64x128xf32, #tpu.memory_space<vmem>>[vector<16xi32>, vector<16xi32>], vector<16xf32>,
            %gather3A_106 = tpu.vector_load_idx %arg16[%add3A_95, %broadcast_in_dim3A_104] : memref<64x128xf32, #tpu.memory_space<vmem>>[vector<16xi32>, vector<16xi32>], vector<16xf32>,
            %mul3A_107 = arith.mulf %gather3A_105, %gather3A_106 : vector<16xf32>
            %add3A_108 = arith.addf %add3A_102, %mul3A_107 : vector<16xf32>
            %broadcast_in_dim3A_109 = arith.constant 2 : i32
            %broadcast_in_dim3A_110 = vector.broadcast %broadcast_in_dim3A_109 : i32 to vector<16xi32>
            %gather3A_111 = tpu.vector_load_idx %arg15[%add3A_95, %broadcast_in_dim3A_110] : memref<64x128xf32, #tpu.memory_space<vmem>>[vector<16xi32>, vector<16xi32>], vector<16xf32>,
            %gather3A_112 = tpu.vector_load_idx %arg16[%add3A_95, %broadcast_in_dim3A_110] : memref<64x128xf32, #tpu.memory_space<vmem>>[vector<16xi32>, vector<16xi32>], vector<16xf32>,
            %mul3A_113 = arith.mulf %gather3A_111, %gather3A_112 : vector<16xf32>
            %add3A_114 = arith.addf %add3A_108, %mul3A_113 : vector<16xf32>
            %broadcast_in_dim3A_115 = arith.constant 3 : i32
            %broadcast_in_dim3A_116 = vector.broadcast %broadcast_in_dim3A_115 : i32 to vector<16xi32>
            %gather3A_117 = tpu.vector_load_idx %arg15[%add3A_95, %broadcast_in_dim3A_116] : memref<64x128xf32, #tpu.memory_space<vmem>>[vector<16xi32>, vector<16xi32>], vector<16xf32>,
            %gather3A_118 = tpu.vector_load_idx %arg16[%add3A_95, %broadcast_in_dim3A_116] : memref<64x128xf32, #tpu.memory_space<vmem>>[vector<16xi32>, vector<16xi32>], vector<16xf32>,
            %mul3A_119 = arith.mulf %gather3A_117, %gather3A_118 : vector<16xf32>
            %add3A_120 = arith.addf %add3A_114, %mul3A_119 : vector<16xf32>
            %broadcast_in_dim3A_121 = arith.constant 4 : i32
            %broadcast_in_dim3A_122 = vector.broadcast %broadcast_in_dim3A_121 : i32 to vector<16xi32>
            %gather3A_123 = tpu.vector_load_idx %arg15[%add3A_95, %broadcast_in_dim3A_122] : memref<64x128xf32, #tpu.memory_space<vmem>>[vector<16xi32>, vector<16xi32>], vector<16xf32>,
            %gather3A_124 = tpu.vector_load_idx %arg16[%add3A_95, %broadcast_in_dim3A_122] : memref<64x128xf32, #tpu.memory_space<vmem>>[vector<16xi32>, vector<16xi32>], vector<16xf32>,
            %mul3A_125 = arith.mulf %gather3A_123, %gather3A_124 : vector<16xf32>
            %add3A_126 = arith.addf %add3A_120, %mul3A_125 : vector<16xf32>
            %broadcast_in_dim3A_127 = arith.constant 5 : i32
            %broadcast_in_dim3A_128 = vector.broadcast %broadcast_in_dim3A_127 : i32 to vector<16xi32>
            %gather3A_129 = tpu.vector_load_idx %arg15[%add3A_95, %broadcast_in_dim3A_128] : memref<64x128xf32, #tpu.memory_space<vmem>>[vector<16xi32>, vector<16xi32>], vector<16xf32>,
            %gather3A_130 = tpu.vector_load_idx %arg16[%add3A_95, %broadcast_in_dim3A_128] : memref<64x128xf32, #tpu.memory_space<vmem>>[vector<16xi32>, vector<16xi32>], vector<16xf32>,
            %mul3A_131 = arith.mulf %gather3A_129, %gather3A_130 : vector<16xf32>
            %add3A_132 = arith.addf %add3A_126, %mul3A_131 : vector<16xf32>
            %broadcast_in_dim3A_133 = arith.constant 6 : i32
            %broadcast_in_dim3A_134 = vector.broadcast %broadcast_in_dim3A_133 : i32 to vector<16xi32>
            %gather3A_135 = tpu.vector_load_idx %arg15[%add3A_95, %broadcast_in_dim3A_134] : memref<64x128xf32, #tpu.memory_space<vmem>>[vector<16xi32>, vector<16xi32>], vector<16xf32>,
            %gather3A_136 = tpu.vector_load_idx %arg16[%add3A_95, %broadcast_in_dim3A_134] : memref<64x128xf32, #tpu.memory_space<vmem>>[vector<16xi32>, vector<16xi32>], vector<16xf32>,
            %mul3A_137 = arith.mulf %gather3A_135, %gather3A_136 : vector<16xf32>
            %add3A_138 = arith.addf %add3A_132, %mul3A_137 : vector<16xf32>
            %broadcast_in_dim3A_139 = arith.constant 7 : i32
            %broadcast_in_dim3A_140 = vector.broadcast %broadcast_in_dim3A_139 : i32 to vector<16xi32>
            %gather3A_141 = tpu.vector_load_idx %arg15[%add3A_95, %broadcast_in_dim3A_140] : memref<64x128xf32, #tpu.memory_space<vmem>>[vector<16xi32>, vector<16xi32>], vector<16xf32>,
            %gather3A_142 = tpu.vector_load_idx %arg16[%add3A_95, %broadcast_in_dim3A_140] : memref<64x128xf32, #tpu.memory_space<vmem>>[vector<16xi32>, vector<16xi32>], vector<16xf32>,
            %mul3A_143 = arith.mulf %gather3A_141, %gather3A_142 : vector<16xf32>
            %add3A_144 = arith.addf %add3A_138, %mul3A_143 : vector<16xf32>
            %broadcast_in_dim3A_145 = arith.constant 8 : i32
            %broadcast_in_dim3A_146 = vector.broadcast %broadcast_in_dim3A_145 : i32 to vector<16xi32>
            %gather3A_147 = tpu.vector_load_idx %arg15[%add3A_95, %broadcast_in_dim3A_146] : memref<64x128xf32, #tpu.memory_space<vmem>>[vector<16xi32>, vector<16xi32>], vector<16xf32>,
            %gather3A_148 = tpu.vector_load_idx %arg16[%add3A_95, %broadcast_in_dim3A_146] : memref<64x128xf32, #tpu.memory_space<vmem>>[vector<16xi32>, vector<16xi32>], vector<16xf32>,
            %mul3A_149 = arith.mulf %gather3A_147, %gather3A_148 : vector<16xf32>
            %add3A_150 = arith.addf %add3A_144, %mul3A_149 : vector<16xf32>
            %broadcast_in_dim3A_151 = arith.constant 9 : i32
            %broadcast_in_dim3A_152 = vector.broadcast %broadcast_in_dim3A_151 : i32 to vector<16xi32>
            %gather3A_153 = tpu.vector_load_idx %arg15[%add3A_95, %broadcast_in_dim3A_152] : memref<64x128xf32, #tpu.memory_space<vmem>>[vector<16xi32>, vector<16xi32>], vector<16xf32>,
            %gather3A_154 = tpu.vector_load_idx %arg16[%add3A_95, %broadcast_in_dim3A_152] : memref<64x128xf32, #tpu.memory_space<vmem>>[vector<16xi32>, vector<16xi32>], vector<16xf32>,
            %mul3A_155 = arith.mulf %gather3A_153, %gather3A_154 : vector<16xf32>
            %add3A_156 = arith.addf %add3A_150, %mul3A_155 : vector<16xf32>
            %broadcast_in_dim3A_157 = arith.constant 10 : i32
            %broadcast_in_dim3A_158 = vector.broadcast %broadcast_in_dim3A_157 : i32 to vector<16xi32>
            %gather3A_159 = tpu.vector_load_idx %arg15[%add3A_95, %broadcast_in_dim3A_158] : memref<64x128xf32, #tpu.memory_space<vmem>>[vector<16xi32>, vector<16xi32>], vector<16xf32>,
            %gather3A_160 = tpu.vector_load_idx %arg16[%add3A_95, %broadcast_in_dim3A_158] : memref<64x128xf32, #tpu.memory_space<vmem>>[vector<16xi32>, vector<16xi32>], vector<16xf32>,
            %mul3A_161 = arith.mulf %gather3A_159, %gather3A_160 : vector<16xf32>
            %add3A_162 = arith.addf %add3A_156, %mul3A_161 : vector<16xf32>
            %broadcast_in_dim3A_163 = arith.constant 11 : i32
            %broadcast_in_dim3A_164 = vector.broadcast %broadcast_in_dim3A_163 : i32 to vector<16xi32>
            %gather3A_165 = tpu.vector_load_idx %arg15[%add3A_95, %broadcast_in_dim3A_164] : memref<64x128xf32, #tpu.memory_space<vmem>>[vector<16xi32>, vector<16xi32>], vector<16xf32>,
            %gather3A_166 = tpu.vector_load_idx %arg16[%add3A_95, %broadcast_in_dim3A_164] : memref<64x128xf32, #tpu.memory_space<vmem>>[vector<16xi32>, vector<16xi32>], vector<16xf32>,
            %mul3A_167 = arith.mulf %gather3A_165, %gather3A_166 : vector<16xf32>
            %add3A_168 = arith.addf %add3A_162, %mul3A_167 : vector<16xf32>
            %broadcast_in_dim3A_169 = arith.constant 12 : i32
            %broadcast_in_dim3A_170 = vector.broadcast %broadcast_in_dim3A_169 : i32 to vector<16xi32>
            %gather3A_171 = tpu.vector_load_idx %arg15[%add3A_95, %broadcast_in_dim3A_170] : memref<64x128xf32, #tpu.memory_space<vmem>>[vector<16xi32>, vector<16xi32>], vector<16xf32>,
            %gather3A_172 = tpu.vector_load_idx %arg16[%add3A_95, %broadcast_in_dim3A_170] : memref<64x128xf32, #tpu.memory_space<vmem>>[vector<16xi32>, vector<16xi32>], vector<16xf32>,
            %mul3A_173 = arith.mulf %gather3A_171, %gather3A_172 : vector<16xf32>
            %add3A_174 = arith.addf %add3A_168, %mul3A_173 : vector<16xf32>
            %broadcast_in_dim3A_175 = arith.constant 13 : i32
            %broadcast_in_dim3A_176 = vector.broadcast %broadcast_in_dim3A_175 : i32 to vector<16xi32>
            %gather3A_177 = tpu.vector_load_idx %arg15[%add3A_95, %broadcast_in_dim3A_176] : memref<64x128xf32, #tpu.memory_space<vmem>>[vector<16xi32>, vector<16xi32>], vector<16xf32>,
            %gather3A_178 = tpu.vector_load_idx %arg16[%add3A_95, %broadcast_in_dim3A_176] : memref<64x128xf32, #tpu.memory_space<vmem>>[vector<16xi32>, vector<16xi32>], vector<16xf32>,
            %mul3A_179 = arith.mulf %gather3A_177, %gather3A_178 : vector<16xf32>
            %add3A_180 = arith.addf %add3A_174, %mul3A_179 : vector<16xf32>
            %broadcast_in_dim3A_181 = arith.constant 14 : i32
            %broadcast_in_dim3A_182 = vector.broadcast %broadcast_in_dim3A_181 : i32 to vector<16xi32>
            %gather3A_183 = tpu.vector_load_idx %arg15[%add3A_95, %broadcast_in_dim3A_182] : memref<64x128xf32, #tpu.memory_space<vmem>>[vector<16xi32>, vector<16xi32>], vector<16xf32>,
            %gather3A_184 = tpu.vector_load_idx %arg16[%add3A_95, %broadcast_in_dim3A_182] : memref<64x128xf32, #tpu.memory_space<vmem>>[vector<16xi32>, vector<16xi32>], vector<16xf32>,
            %mul3A_185 = arith.mulf %gather3A_183, %gather3A_184 : vector<16xf32>
            %add3A_186 = arith.addf %add3A_180, %mul3A_185 : vector<16xf32>
            %broadcast_in_dim3A_187 = arith.constant 15 : i32
            %broadcast_in_dim3A_188 = vector.broadcast %broadcast_in_dim3A_187 : i32 to vector<16xi32>
            %gather3A_189 = tpu.vector_load_idx %arg15[%add3A_95, %broadcast_in_dim3A_188] : memref<64x128xf32, #tpu.memory_space<vmem>>[vector<16xi32>, vector<16xi32>], vector<16xf32>,
            %gather3A_190 = tpu.vector_load_idx %arg16[%add3A_95, %broadcast_in_dim3A_188] : memref<64x128xf32, #tpu.memory_space<vmem>>[vector<16xi32>, vector<16xi32>], vector<16xf32>,
            %mul3A_191 = arith.mulf %gather3A_189, %gather3A_190 : vector<16xf32>
            %add3A_192 = arith.addf %add3A_186, %mul3A_191 : vector<16xf32>
            %broadcast_in_dim3A_193 = arith.constant 16 : i32
            %broadcast_in_dim3A_194 = vector.broadcast %broadcast_in_dim3A_193 : i32 to vector<16xi32>
            %gather3A_195 = tpu.vector_load_idx %arg15[%add3A_95, %broadcast_in_dim3A_194] : memref<64x128xf32, #tpu.memory_space<vmem>>[vector<16xi32>, vector<16xi32>], vector<16xf32>,
            %gather3A_196 = tpu.vector_load_idx %arg16[%add3A_95, %broadcast_in_dim3A_194] : memref<64x128xf32, #tpu.memory_space<vmem>>[vector<16xi32>, vector<16xi32>], vector<16xf32>,
            %mul3A_197 = arith.mulf %gather3A_195, %gather3A_196 : vector<16xf32>
            %add3A_198 = arith.addf %add3A_192, %mul3A_197 : vector<16xf32>
            %broadcast_in_dim3A_199 = arith.constant 17 : i32
            %broadcast_in_dim3A_200 = vector.broadcast %broadcast_in_dim3A_199 : i32 to vector<16xi32>
            %gather3A_201 = tpu.vector_load_idx %arg15[%add3A_95, %broadcast_in_dim3A_200] : memref<64x128xf32, #tpu.memory_space<vmem>>[vector<16xi32>, vector<16xi32>], vector<16xf32>,
            %gather3A_202 = tpu.vector_load_idx %arg16[%add3A_95, %broadcast_in_dim3A_200] : memref<64x128xf32, #tpu.memory_space<vmem>>[vector<16xi32>, vector<16xi32>], vector<16xf32>,
            %mul3A_203 = arith.mulf %gather3A_201, %gather3A_202 : vector<16xf32>
            %add3A_204 = arith.addf %add3A_198, %mul3A_203 : vector<16xf32>
            %broadcast_in_dim3A_205 = arith.constant 18 : i32
            %broadcast_in_dim3A_206 = vector.broadcast %broadcast_in_dim3A_205 : i32 to vector<16xi32>
            %gather3A_207 = tpu.vector_load_idx %arg15[%add3A_95, %broadcast_in_dim3A_206] : memref<64x128xf32, #tpu.memory_space<vmem>>[vector<16xi32>, vector<16xi32>], vector<16xf32>,
            %gather3A_208 = tpu.vector_load_idx %arg16[%add3A_95, %broadcast_in_dim3A_206] : memref<64x128xf32, #tpu.memory_space<vmem>>[vector<16xi32>, vector<16xi32>], vector<16xf32>,
            %mul3A_209 = arith.mulf %gather3A_207, %gather3A_208 : vector<16xf32>
            %add3A_210 = arith.addf %add3A_204, %mul3A_209 : vector<16xf32>
            %broadcast_in_dim3A_211 = arith.constant 19 : i32
            %broadcast_in_dim3A_212 = vector.broadcast %broadcast_in_dim3A_211 : i32 to vector<16xi32>
            %gather3A_213 = tpu.vector_load_idx %arg15[%add3A_95, %broadcast_in_dim3A_212] : memref<64x128xf32, #tpu.memory_space<vmem>>[vector<16xi32>, vector<16xi32>], vector<16xf32>,
            %gather3A_214 = tpu.vector_load_idx %arg16[%add3A_95, %broadcast_in_dim3A_212] : memref<64x128xf32, #tpu.memory_space<vmem>>[vector<16xi32>, vector<16xi32>], vector<16xf32>,
            %mul3A_215 = arith.mulf %gather3A_213, %gather3A_214 : vector<16xf32>
            %add3A_216 = arith.addf %add3A_210, %mul3A_215 : vector<16xf32>
            %broadcast_in_dim3A_217 = arith.constant 20 : i32
            %broadcast_in_dim3A_218 = vector.broadcast %broadcast_in_dim3A_217 : i32 to vector<16xi32>
            %gather3A_219 = tpu.vector_load_idx %arg15[%add3A_95, %broadcast_in_dim3A_218] : memref<64x128xf32, #tpu.memory_space<vmem>>[vector<16xi32>, vector<16xi32>], vector<16xf32>,
            %gather3A_220 = tpu.vector_load_idx %arg16[%add3A_95, %broadcast_in_dim3A_218] : memref<64x128xf32, #tpu.memory_space<vmem>>[vector<16xi32>, vector<16xi32>], vector<16xf32>,
            %mul3A_221 = arith.mulf %gather3A_219, %gather3A_220 : vector<16xf32>
            %add3A_222 = arith.addf %add3A_216, %mul3A_221 : vector<16xf32>
            %broadcast_in_dim3A_223 = arith.constant 21 : i32
            %broadcast_in_dim3A_224 = vector.broadcast %broadcast_in_dim3A_223 : i32 to vector<16xi32>
            %gather3A_225 = tpu.vector_load_idx %arg15[%add3A_95, %broadcast_in_dim3A_224] : memref<64x128xf32, #tpu.memory_space<vmem>>[vector<16xi32>, vector<16xi32>], vector<16xf32>,
            %gather3A_226 = tpu.vector_load_idx %arg16[%add3A_95, %broadcast_in_dim3A_224] : memref<64x128xf32, #tpu.memory_space<vmem>>[vector<16xi32>, vector<16xi32>], vector<16xf32>,
            %mul3A_227 = arith.mulf %gather3A_225, %gather3A_226 : vector<16xf32>
            %add3A_228 = arith.addf %add3A_222, %mul3A_227 : vector<16xf32>
            %broadcast_in_dim3A_229 = arith.constant 22 : i32
            %broadcast_in_dim3A_230 = vector.broadcast %broadcast_in_dim3A_229 : i32 to vector<16xi32>
            %gather3A_231 = tpu.vector_load_idx %arg15[%add3A_95, %broadcast_in_dim3A_230] : memref<64x128xf32, #tpu.memory_space<vmem>>[vector<16xi32>, vector<16xi32>], vector<16xf32>,
            %gather3A_232 = tpu.vector_load_idx %arg16[%add3A_95, %broadcast_in_dim3A_230] : memref<64x128xf32, #tpu.memory_space<vmem>>[vector<16xi32>, vector<16xi32>], vector<16xf32>,
            %mul3A_233 = arith.mulf %gather3A_231, %gather3A_232 : vector<16xf32>
            %add3A_234 = arith.addf %add3A_228, %mul3A_233 : vector<16xf32>
            %broadcast_in_dim3A_235 = arith.constant 23 : i32
            %broadcast_in_dim3A_236 = vector.broadcast %broadcast_in_dim3A_235 : i32 to vector<16xi32>
            %gather3A_237 = tpu.vector_load_idx %arg15[%add3A_95, %broadcast_in_dim3A_236] : memref<64x128xf32, #tpu.memory_space<vmem>>[vector<16xi32>, vector<16xi32>], vector<16xf32>,
            %gather3A_238 = tpu.vector_load_idx %arg16[%add3A_95, %broadcast_in_dim3A_236] : memref<64x128xf32, #tpu.memory_space<vmem>>[vector<16xi32>, vector<16xi32>], vector<16xf32>,
            %mul3A_239 = arith.mulf %gather3A_237, %gather3A_238 : vector<16xf32>
            %add3A_240 = arith.addf %add3A_234, %mul3A_239 : vector<16xf32>
            %broadcast_in_dim3A_241 = arith.constant 24 : i32
            %broadcast_in_dim3A_242 = vector.broadcast %broadcast_in_dim3A_241 : i32 to vector<16xi32>
            %gather3A_243 = tpu.vector_load_idx %arg15[%add3A_95, %broadcast_in_dim3A_242] : memref<64x128xf32, #tpu.memory_space<vmem>>[vector<16xi32>, vector<16xi32>], vector<16xf32>,
            %gather3A_244 = tpu.vector_load_idx %arg16[%add3A_95, %broadcast_in_dim3A_242] : memref<64x128xf32, #tpu.memory_space<vmem>>[vector<16xi32>, vector<16xi32>], vector<16xf32>,
            %mul3A_245 = arith.mulf %gather3A_243, %gather3A_244 : vector<16xf32>
            %add3A_246 = arith.addf %add3A_240, %mul3A_245 : vector<16xf32>
            %broadcast_in_dim3A_247 = arith.constant 25 : i32
            %broadcast_in_dim3A_248 = vector.broadcast %broadcast_in_dim3A_247 : i32 to vector<16xi32>
            %gather3A_249 = tpu.vector_load_idx %arg15[%add3A_95, %broadcast_in_dim3A_248] : memref<64x128xf32, #tpu.memory_space<vmem>>[vector<16xi32>, vector<16xi32>], vector<16xf32>,
            %gather3A_250 = tpu.vector_load_idx %arg16[%add3A_95, %broadcast_in_dim3A_248] : memref<64x128xf32, #tpu.memory_space<vmem>>[vector<16xi32>, vector<16xi32>], vector<16xf32>,
            %mul3A_251 = arith.mulf %gather3A_249, %gather3A_250 : vector<16xf32>
            %add3A_252 = arith.addf %add3A_246, %mul3A_251 : vector<16xf32>
            %broadcast_in_dim3A_253 = arith.constant 26 : i32
            %broadcast_in_dim3A_254 = vector.broadcast %broadcast_in_dim3A_253 : i32 to vector<16xi32>
            %gather3A_255 = tpu.vector_load_idx %arg15[%add3A_95, %broadcast_in_dim3A_254] : memref<64x128xf32, #tpu.memory_space<vmem>>[vector<16xi32>, vector<16xi32>], vector<16xf32>,
            %gather3A_256 = tpu.vector_load_idx %arg16[%add3A_95, %broadcast_in_dim3A_254] : memref<64x128xf32, #tpu.memory_space<vmem>>[vector<16xi32>, vector<16xi32>], vector<16xf32>,
            %mul3A_257 = arith.mulf %gather3A_255, %gather3A_256 : vector<16xf32>
            %add3A_258 = arith.addf %add3A_252, %mul3A_257 : vector<16xf32>
            %broadcast_in_dim3A_259 = arith.constant 27 : i32
            %broadcast_in_dim3A_260 = vector.broadcast %broadcast_in_dim3A_259 : i32 to vector<16xi32>
            %gather3A_261 = tpu.vector_load_idx %arg15[%add3A_95, %broadcast_in_dim3A_260] : memref<64x128xf32, #tpu.memory_space<vmem>>[vector<16xi32>, vector<16xi32>], vector<16xf32>,
            %gather3A_262 = tpu.vector_load_idx %arg16[%add3A_95, %broadcast_in_dim3A_260] : memref<64x128xf32, #tpu.memory_space<vmem>>[vector<16xi32>, vector<16xi32>], vector<16xf32>,
            %mul3A_263 = arith.mulf %gather3A_261, %gather3A_262 : vector<16xf32>
            %add3A_264 = arith.addf %add3A_258, %mul3A_263 : vector<16xf32>
            %broadcast_in_dim3A_265 = arith.constant 28 : i32
            %broadcast_in_dim3A_266 = vector.broadcast %broadcast_in_dim3A_265 : i32 to vector<16xi32>
            %gather3A_267 = tpu.vector_load_idx %arg15[%add3A_95, %broadcast_in_dim3A_266] : memref<64x128xf32, #tpu.memory_space<vmem>>[vector<16xi32>, vector<16xi32>], vector<16xf32>,
            %gather3A_268 = tpu.vector_load_idx %arg16[%add3A_95, %broadcast_in_dim3A_266] : memref<64x128xf32, #tpu.memory_space<vmem>>[vector<16xi32>, vector<16xi32>], vector<16xf32>,
            %mul3A_269 = arith.mulf %gather3A_267, %gather3A_268 : vector<16xf32>
            %add3A_270 = arith.addf %add3A_264, %mul3A_269 : vector<16xf32>
            %broadcast_in_dim3A_271 = arith.constant 29 : i32
            %broadcast_in_dim3A_272 = vector.broadcast %broadcast_in_dim3A_271 : i32 to vector<16xi32>
            %gather3A_273 = tpu.vector_load_idx %arg15[%add3A_95, %broadcast_in_dim3A_272] : memref<64x128xf32, #tpu.memory_space<vmem>>[vector<16xi32>, vector<16xi32>], vector<16xf32>,
            %gather3A_274 = tpu.vector_load_idx %arg16[%add3A_95, %broadcast_in_dim3A_272] : memref<64x128xf32, #tpu.memory_space<vmem>>[vector<16xi32>, vector<16xi32>], vector<16xf32>,
            %mul3A_275 = arith.mulf %gather3A_273, %gather3A_274 : vector<16xf32>
            %add3A_276 = arith.addf %add3A_270, %mul3A_275 : vector<16xf32>
            %broadcast_in_dim3A_277 = arith.constant 30 : i32
            %broadcast_in_dim3A_278 = vector.broadcast %broadcast_in_dim3A_277 : i32 to vector<16xi32>
            %gather3A_279 = tpu.vector_load_idx %arg15[%add3A_95, %broadcast_in_dim3A_278] : memref<64x128xf32, #tpu.memory_space<vmem>>[vector<16xi32>, vector<16xi32>], vector<16xf32>,
            %gather3A_280 = tpu.vector_load_idx %arg16[%add3A_95, %broadcast_in_dim3A_278] : memref<64x128xf32, #tpu.memory_space<vmem>>[vector<16xi32>, vector<16xi32>], vector<16xf32>,
            %mul3A_281 = arith.mulf %gather3A_279, %gather3A_280 : vector<16xf32>
            %add3A_282 = arith.addf %add3A_276, %mul3A_281 : vector<16xf32>
            %broadcast_in_dim3A_283 = arith.constant 31 : i32
            %broadcast_in_dim3A_284 = vector.broadcast %broadcast_in_dim3A_283 : i32 to vector<16xi32>
            %gather3A_285 = tpu.vector_load_idx %arg15[%add3A_95, %broadcast_in_dim3A_284] : memref<64x128xf32, #tpu.memory_space<vmem>>[vector<16xi32>, vector<16xi32>], vector<16xf32>,
            %gather3A_286 = tpu.vector_load_idx %arg16[%add3A_95, %broadcast_in_dim3A_284] : memref<64x128xf32, #tpu.memory_space<vmem>>[vector<16xi32>, vector<16xi32>], vector<16xf32>,
            %mul3A_287 = arith.mulf %gather3A_285, %gather3A_286 : vector<16xf32>
            %add3A_288 = arith.addf %add3A_282, %mul3A_287 : vector<16xf32>
            %broadcast_in_dim3A_289 = arith.constant 32 : i32
            %broadcast_in_dim3A_290 = vector.broadcast %broadcast_in_dim3A_289 : i32 to vector<16xi32>
            %gather3A_291 = tpu.vector_load_idx %arg15[%add3A_95, %broadcast_in_dim3A_290] : memref<64x128xf32, #tpu.memory_space<vmem>>[vector<16xi32>, vector<16xi32>], vector<16xf32>,
            %gather3A_292 = tpu.vector_load_idx %arg16[%add3A_95, %broadcast_in_dim3A_290] : memref<64x128xf32, #tpu.memory_space<vmem>>[vector<16xi32>, vector<16xi32>], vector<16xf32>,
            %mul3A_293 = arith.mulf %gather3A_291, %gather3A_292 : vector<16xf32>
            %add3A_294 = arith.addf %add3A_288, %mul3A_293 : vector<16xf32>
            %broadcast_in_dim3A_295 = arith.constant 33 : i32
            %broadcast_in_dim3A_296 = vector.broadcast %broadcast_in_dim3A_295 : i32 to vector<16xi32>
            %gather3A_297 = tpu.vector_load_idx %arg15[%add3A_95, %broadcast_in_dim3A_296] : memref<64x128xf32, #tpu.memory_space<vmem>>[vector<16xi32>, vector<16xi32>], vector<16xf32>,
            %gather3A_298 = tpu.vector_load_idx %arg16[%add3A_95, %broadcast_in_dim3A_296] : memref<64x128xf32, #tpu.memory_space<vmem>>[vector<16xi32>, vector<16xi32>], vector<16xf32>,
            %mul3A_299 = arith.mulf %gather3A_297, %gather3A_298 : vector<16xf32>
            %add3A_300 = arith.addf %add3A_294, %mul3A_299 : vector<16xf32>
            %broadcast_in_dim3A_301 = arith.constant 34 : i32
            %broadcast_in_dim3A_302 = vector.broadcast %broadcast_in_dim3A_301 : i32 to vector<16xi32>
            %gather3A_303 = tpu.vector_load_idx %arg15[%add3A_95, %broadcast_in_dim3A_302] : memref<64x128xf32, #tpu.memory_space<vmem>>[vector<16xi32>, vector<16xi32>], vector<16xf32>,
            %gather3A_304 = tpu.vector_load_idx %arg16[%add3A_95, %broadcast_in_dim3A_302] : memref<64x128xf32, #tpu.memory_space<vmem>>[vector<16xi32>, vector<16xi32>], vector<16xf32>,
            %mul3A_305 = arith.mulf %gather3A_303, %gather3A_304 : vector<16xf32>
            %add3A_306 = arith.addf %add3A_300, %mul3A_305 : vector<16xf32>
            %broadcast_in_dim3A_307 = arith.constant 35 : i32
            %broadcast_in_dim3A_308 = vector.broadcast %broadcast_in_dim3A_307 : i32 to vector<16xi32>
            %gather3A_309 = tpu.vector_load_idx %arg15[%add3A_95, %broadcast_in_dim3A_308] : memref<64x128xf32, #tpu.memory_space<vmem>>[vector<16xi32>, vector<16xi32>], vector<16xf32>,
            %gather3A_310 = tpu.vector_load_idx %arg16[%add3A_95, %broadcast_in_dim3A_308] : memref<64x128xf32, #tpu.memory_space<vmem>>[vector<16xi32>, vector<16xi32>], vector<16xf32>,
            %mul3A_311 = arith.mulf %gather3A_309, %gather3A_310 : vector<16xf32>
            %add3A_312 = arith.addf %add3A_306, %mul3A_311 : vector<16xf32>
            %broadcast_in_dim3A_313 = arith.constant 36 : i32
            %broadcast_in_dim3A_314 = vector.broadcast %broadcast_in_dim3A_313 : i32 to vector<16xi32>
            %gather3A_315 = tpu.vector_load_idx %arg15[%add3A_95, %broadcast_in_dim3A_314] : memref<64x128xf32, #tpu.memory_space<vmem>>[vector<16xi32>, vector<16xi32>], vector<16xf32>,
            %gather3A_316 = tpu.vector_load_idx %arg16[%add3A_95, %broadcast_in_dim3A_314] : memref<64x128xf32, #tpu.memory_space<vmem>>[vector<16xi32>, vector<16xi32>], vector<16xf32>,
            %mul3A_317 = arith.mulf %gather3A_315, %gather3A_316 : vector<16xf32>
            %add3A_318 = arith.addf %add3A_312, %mul3A_317 : vector<16xf32>
            %broadcast_in_dim3A_319 = arith.constant 37 : i32
            %broadcast_in_dim3A_320 = vector.broadcast %broadcast_in_dim3A_319 : i32 to vector<16xi32>
            %gather3A_321 = tpu.vector_load_idx %arg15[%add3A_95, %broadcast_in_dim3A_320] : memref<64x128xf32, #tpu.memory_space<vmem>>[vector<16xi32>, vector<16xi32>], vector<16xf32>,
            %gather3A_322 = tpu.vector_load_idx %arg16[%add3A_95, %broadcast_in_dim3A_320] : memref<64x128xf32, #tpu.memory_space<vmem>>[vector<16xi32>, vector<16xi32>], vector<16xf32>,
            %mul3A_323 = arith.mulf %gather3A_321, %gather3A_322 : vector<16xf32>
            %add3A_324 = arith.addf %add3A_318, %mul3A_323 : vector<16xf32>
            %broadcast_in_dim3A_325 = arith.constant 38 : i32
            %broadcast_in_dim3A_326 = vector.broadcast %broadcast_in_dim3A_325 : i32 to vector<16xi32>
            %gather3A_327 = tpu.vector_load_idx %arg15[%add3A_95, %broadcast_in_dim3A_326] : memref<64x128xf32, #tpu.memory_space<vmem>>[vector<16xi32>, vector<16xi32>], vector<16xf32>,
            %gather3A_328 = tpu.vector_load_idx %arg16[%add3A_95, %broadcast_in_dim3A_326] : memref<64x128xf32, #tpu.memory_space<vmem>>[vector<16xi32>, vector<16xi32>], vector<16xf32>,
            %mul3A_329 = arith.mulf %gather3A_327, %gather3A_328 : vector<16xf32>
            %add3A_330 = arith.addf %add3A_324, %mul3A_329 : vector<16xf32>
            %broadcast_in_dim3A_331 = arith.constant 39 : i32
            %broadcast_in_dim3A_332 = vector.broadcast %broadcast_in_dim3A_331 : i32 to vector<16xi32>
            %gather3A_333 = tpu.vector_load_idx %arg15[%add3A_95, %broadcast_in_dim3A_332] : memref<64x128xf32, #tpu.memory_space<vmem>>[vector<16xi32>, vector<16xi32>], vector<16xf32>,
            %gather3A_334 = tpu.vector_load_idx %arg16[%add3A_95, %broadcast_in_dim3A_332] : memref<64x128xf32, #tpu.memory_space<vmem>>[vector<16xi32>, vector<16xi32>], vector<16xf32>,
            %mul3A_335 = arith.mulf %gather3A_333, %gather3A_334 : vector<16xf32>
            %add3A_336 = arith.addf %add3A_330, %mul3A_335 : vector<16xf32>
            %broadcast_in_dim3A_337 = arith.constant 40 : i32
            %broadcast_in_dim3A_338 = vector.broadcast %broadcast_in_dim3A_337 : i32 to vector<16xi32>
            %gather3A_339 = tpu.vector_load_idx %arg15[%add3A_95, %broadcast_in_dim3A_338] : memref<64x128xf32, #tpu.memory_space<vmem>>[vector<16xi32>, vector<16xi32>], vector<16xf32>,
            %gather3A_340 = tpu.vector_load_idx %arg16[%add3A_95, %broadcast_in_dim3A_338] : memref<64x128xf32, #tpu.memory_space<vmem>>[vector<16xi32>, vector<16xi32>], vector<16xf32>,
            %mul3A_341 = arith.mulf %gather3A_339, %gather3A_340 : vector<16xf32>
            %add3A_342 = arith.addf %add3A_336, %mul3A_341 : vector<16xf32>
            %broadcast_in_dim3A_343 = arith.constant 41 : i32
            %broadcast_in_dim3A_344 = vector.broadcast %broadcast_in_dim3A_343 : i32 to vector<16xi32>
            %gather3A_345 = tpu.vector_load_idx %arg15[%add3A_95, %broadcast_in_dim3A_344] : memref<64x128xf32, #tpu.memory_space<vmem>>[vector<16xi32>, vector<16xi32>], vector<16xf32>,
            %gather3A_346 = tpu.vector_load_idx %arg16[%add3A_95, %broadcast_in_dim3A_344] : memref<64x128xf32, #tpu.memory_space<vmem>>[vector<16xi32>, vector<16xi32>], vector<16xf32>,
            %mul3A_347 = arith.mulf %gather3A_345, %gather3A_346 : vector<16xf32>
            %add3A_348 = arith.addf %add3A_342, %mul3A_347 : vector<16xf32>
            %broadcast_in_dim3A_349 = arith.constant 42 : i32
            %broadcast_in_dim3A_350 = vector.broadcast %broadcast_in_dim3A_349 : i32 to vector<16xi32>
            %gather3A_351 = tpu.vector_load_idx %arg15[%add3A_95, %broadcast_in_dim3A_350] : memref<64x128xf32, #tpu.memory_space<vmem>>[vector<16xi32>, vector<16xi32>], vector<16xf32>,
            %gather3A_352 = tpu.vector_load_idx %arg16[%add3A_95, %broadcast_in_dim3A_350] : memref<64x128xf32, #tpu.memory_space<vmem>>[vector<16xi32>, vector<16xi32>], vector<16xf32>,
            %mul3A_353 = arith.mulf %gather3A_351, %gather3A_352 : vector<16xf32>
            %add3A_354 = arith.addf %add3A_348, %mul3A_353 : vector<16xf32>
            %broadcast_in_dim3A_355 = arith.constant 43 : i32
            %broadcast_in_dim3A_356 = vector.broadcast %broadcast_in_dim3A_355 : i32 to vector<16xi32>
            %gather3A_357 = tpu.vector_load_idx %arg15[%add3A_95, %broadcast_in_dim3A_356] : memref<64x128xf32, #tpu.memory_space<vmem>>[vector<16xi32>, vector<16xi32>], vector<16xf32>,
            %gather3A_358 = tpu.vector_load_idx %arg16[%add3A_95, %broadcast_in_dim3A_356] : memref<64x128xf32, #tpu.memory_space<vmem>>[vector<16xi32>, vector<16xi32>], vector<16xf32>,
            %mul3A_359 = arith.mulf %gather3A_357, %gather3A_358 : vector<16xf32>
            %add3A_360 = arith.addf %add3A_354, %mul3A_359 : vector<16xf32>
            %broadcast_in_dim3A_361 = arith.constant 44 : i32
            %broadcast_in_dim3A_362 = vector.broadcast %broadcast_in_dim3A_361 : i32 to vector<16xi32>
            %gather3A_363 = tpu.vector_load_idx %arg15[%add3A_95, %broadcast_in_dim3A_362] : memref<64x128xf32, #tpu.memory_space<vmem>>[vector<16xi32>, vector<16xi32>], vector<16xf32>,
            %gather3A_364 = tpu.vector_load_idx %arg16[%add3A_95, %broadcast_in_dim3A_362] : memref<64x128xf32, #tpu.memory_space<vmem>>[vector<16xi32>, vector<16xi32>], vector<16xf32>,
            %mul3A_365 = arith.mulf %gather3A_363, %gather3A_364 : vector<16xf32>
            %add3A_366 = arith.addf %add3A_360, %mul3A_365 : vector<16xf32>
            %broadcast_in_dim3A_367 = arith.constant 45 : i32
            %broadcast_in_dim3A_368 = vector.broadcast %broadcast_in_dim3A_367 : i32 to vector<16xi32>
            %gather3A_369 = tpu.vector_load_idx %arg15[%add3A_95, %broadcast_in_dim3A_368] : memref<64x128xf32, #tpu.memory_space<vmem>>[vector<16xi32>, vector<16xi32>], vector<16xf32>,
            %gather3A_370 = tpu.vector_load_idx %arg16[%add3A_95, %broadcast_in_dim3A_368] : memref<64x128xf32, #tpu.memory_space<vmem>>[vector<16xi32>, vector<16xi32>], vector<16xf32>,
            %mul3A_371 = arith.mulf %gather3A_369, %gather3A_370 : vector<16xf32>
            %add3A_372 = arith.addf %add3A_366, %mul3A_371 : vector<16xf32>
            %broadcast_in_dim3A_373 = arith.constant 46 : i32
            %broadcast_in_dim3A_374 = vector.broadcast %broadcast_in_dim3A_373 : i32 to vector<16xi32>
            %gather3A_375 = tpu.vector_load_idx %arg15[%add3A_95, %broadcast_in_dim3A_374] : memref<64x128xf32, #tpu.memory_space<vmem>>[vector<16xi32>, vector<16xi32>], vector<16xf32>,
            %gather3A_376 = tpu.vector_load_idx %arg16[%add3A_95, %broadcast_in_dim3A_374] : memref<64x128xf32, #tpu.memory_space<vmem>>[vector<16xi32>, vector<16xi32>], vector<16xf32>,
            %mul3A_377 = arith.mulf %gather3A_375, %gather3A_376 : vector<16xf32>
            %add3A_378 = arith.addf %add3A_372, %mul3A_377 : vector<16xf32>
            %broadcast_in_dim3A_379 = arith.constant 47 : i32
            %broadcast_in_dim3A_380 = vector.broadcast %broadcast_in_dim3A_379 : i32 to vector<16xi32>
            %gather3A_381 = tpu.vector_load_idx %arg15[%add3A_95, %broadcast_in_dim3A_380] : memref<64x128xf32, #tpu.memory_space<vmem>>[vector<16xi32>, vector<16xi32>], vector<16xf32>,
            %gather3A_382 = tpu.vector_load_idx %arg16[%add3A_95, %broadcast_in_dim3A_380] : memref<64x128xf32, #tpu.memory_space<vmem>>[vector<16xi32>, vector<16xi32>], vector<16xf32>,
            %mul3A_383 = arith.mulf %gather3A_381, %gather3A_382 : vector<16xf32>
            %add3A_384 = arith.addf %add3A_378, %mul3A_383 : vector<16xf32>
            %broadcast_in_dim3A_385 = arith.constant 48 : i32
            %broadcast_in_dim3A_386 = vector.broadcast %broadcast_in_dim3A_385 : i32 to vector<16xi32>
            %gather3A_387 = tpu.vector_load_idx %arg15[%add3A_95, %broadcast_in_dim3A_386] : memref<64x128xf32, #tpu.memory_space<vmem>>[vector<16xi32>, vector<16xi32>], vector<16xf32>,
            %gather3A_388 = tpu.vector_load_idx %arg16[%add3A_95, %broadcast_in_dim3A_386] : memref<64x128xf32, #tpu.memory_space<vmem>>[vector<16xi32>, vector<16xi32>], vector<16xf32>,
            %mul3A_389 = arith.mulf %gather3A_387, %gather3A_388 : vector<16xf32>
            %add3A_390 = arith.addf %add3A_384, %mul3A_389 : vector<16xf32>
            %broadcast_in_dim3A_391 = arith.constant 49 : i32
            %broadcast_in_dim3A_392 = vector.broadcast %broadcast_in_dim3A_391 : i32 to vector<16xi32>
            %gather3A_393 = tpu.vector_load_idx %arg15[%add3A_95, %broadcast_in_dim3A_392] : memref<64x128xf32, #tpu.memory_space<vmem>>[vector<16xi32>, vector<16xi32>], vector<16xf32>,
            %gather3A_394 = tpu.vector_load_idx %arg16[%add3A_95, %broadcast_in_dim3A_392] : memref<64x128xf32, #tpu.memory_space<vmem>>[vector<16xi32>, vector<16xi32>], vector<16xf32>,
            %mul3A_395 = arith.mulf %gather3A_393, %gather3A_394 : vector<16xf32>
            %add3A_396 = arith.addf %add3A_390, %mul3A_395 : vector<16xf32>
            %broadcast_in_dim3A_397 = arith.constant 50 : i32
            %broadcast_in_dim3A_398 = vector.broadcast %broadcast_in_dim3A_397 : i32 to vector<16xi32>
            %gather3A_399 = tpu.vector_load_idx %arg15[%add3A_95, %broadcast_in_dim3A_398] : memref<64x128xf32, #tpu.memory_space<vmem>>[vector<16xi32>, vector<16xi32>], vector<16xf32>,
            %gather3A_400 = tpu.vector_load_idx %arg16[%add3A_95, %broadcast_in_dim3A_398] : memref<64x128xf32, #tpu.memory_space<vmem>>[vector<16xi32>, vector<16xi32>], vector<16xf32>,
            %mul3A_401 = arith.mulf %gather3A_399, %gather3A_400 : vector<16xf32>
            %add3A_402 = arith.addf %add3A_396, %mul3A_401 : vector<16xf32>
            %broadcast_in_dim3A_403 = arith.constant 51 : i32
            %broadcast_in_dim3A_404 = vector.broadcast %broadcast_in_dim3A_403 : i32 to vector<16xi32>
            %gather3A_405 = tpu.vector_load_idx %arg15[%add3A_95, %broadcast_in_dim3A_404] : memref<64x128xf32, #tpu.memory_space<vmem>>[vector<16xi32>, vector<16xi32>], vector<16xf32>,
            %gather3A_406 = tpu.vector_load_idx %arg16[%add3A_95, %broadcast_in_dim3A_404] : memref<64x128xf32, #tpu.memory_space<vmem>>[vector<16xi32>, vector<16xi32>], vector<16xf32>,
            %mul3A_407 = arith.mulf %gather3A_405, %gather3A_406 : vector<16xf32>
            %add3A_408 = arith.addf %add3A_402, %mul3A_407 : vector<16xf32>
            %broadcast_in_dim3A_409 = arith.constant 52 : i32
            %broadcast_in_dim3A_410 = vector.broadcast %broadcast_in_dim3A_409 : i32 to vector<16xi32>
            %gather3A_411 = tpu.vector_load_idx %arg15[%add3A_95, %broadcast_in_dim3A_410] : memref<64x128xf32, #tpu.memory_space<vmem>>[vector<16xi32>, vector<16xi32>], vector<16xf32>,
            %gather3A_412 = tpu.vector_load_idx %arg16[%add3A_95, %broadcast_in_dim3A_410] : memref<64x128xf32, #tpu.memory_space<vmem>>[vector<16xi32>, vector<16xi32>], vector<16xf32>,
            %mul3A_413 = arith.mulf %gather3A_411, %gather3A_412 : vector<16xf32>
            %add3A_414 = arith.addf %add3A_408, %mul3A_413 : vector<16xf32>
            %broadcast_in_dim3A_415 = arith.constant 53 : i32
            %broadcast_in_dim3A_416 = vector.broadcast %broadcast_in_dim3A_415 : i32 to vector<16xi32>
            %gather3A_417 = tpu.vector_load_idx %arg15[%add3A_95, %broadcast_in_dim3A_416] : memref<64x128xf32, #tpu.memory_space<vmem>>[vector<16xi32>, vector<16xi32>], vector<16xf32>,
            %gather3A_418 = tpu.vector_load_idx %arg16[%add3A_95, %broadcast_in_dim3A_416] : memref<64x128xf32, #tpu.memory_space<vmem>>[vector<16xi32>, vector<16xi32>], vector<16xf32>,
            %mul3A_419 = arith.mulf %gather3A_417, %gather3A_418 : vector<16xf32>
            %add3A_420 = arith.addf %add3A_414, %mul3A_419 : vector<16xf32>
            %broadcast_in_dim3A_421 = arith.constant 54 : i32
            %broadcast_in_dim3A_422 = vector.broadcast %broadcast_in_dim3A_421 : i32 to vector<16xi32>
            %gather3A_423 = tpu.vector_load_idx %arg15[%add3A_95, %broadcast_in_dim3A_422] : memref<64x128xf32, #tpu.memory_space<vmem>>[vector<16xi32>, vector<16xi32>], vector<16xf32>,
            %gather3A_424 = tpu.vector_load_idx %arg16[%add3A_95, %broadcast_in_dim3A_422] : memref<64x128xf32, #tpu.memory_space<vmem>>[vector<16xi32>, vector<16xi32>], vector<16xf32>,
            %mul3A_425 = arith.mulf %gather3A_423, %gather3A_424 : vector<16xf32>
            %add3A_426 = arith.addf %add3A_420, %mul3A_425 : vector<16xf32>
            %broadcast_in_dim3A_427 = arith.constant 55 : i32
            %broadcast_in_dim3A_428 = vector.broadcast %broadcast_in_dim3A_427 : i32 to vector<16xi32>
            %gather3A_429 = tpu.vector_load_idx %arg15[%add3A_95, %broadcast_in_dim3A_428] : memref<64x128xf32, #tpu.memory_space<vmem>>[vector<16xi32>, vector<16xi32>], vector<16xf32>,
            %gather3A_430 = tpu.vector_load_idx %arg16[%add3A_95, %broadcast_in_dim3A_428] : memref<64x128xf32, #tpu.memory_space<vmem>>[vector<16xi32>, vector<16xi32>], vector<16xf32>,
            %mul3A_431 = arith.mulf %gather3A_429, %gather3A_430 : vector<16xf32>
            %add3A_432 = arith.addf %add3A_426, %mul3A_431 : vector<16xf32>
            %broadcast_in_dim3A_433 = arith.constant 56 : i32
            %broadcast_in_dim3A_434 = vector.broadcast %broadcast_in_dim3A_433 : i32 to vector<16xi32>
            %gather3A_435 = tpu.vector_load_idx %arg15[%add3A_95, %broadcast_in_dim3A_434] : memref<64x128xf32, #tpu.memory_space<vmem>>[vector<16xi32>, vector<16xi32>], vector<16xf32>,
            %gather3A_436 = tpu.vector_load_idx %arg16[%add3A_95, %broadcast_in_dim3A_434] : memref<64x128xf32, #tpu.memory_space<vmem>>[vector<16xi32>, vector<16xi32>], vector<16xf32>,
            %mul3A_437 = arith.mulf %gather3A_435, %gather3A_436 : vector<16xf32>
            %add3A_438 = arith.addf %add3A_432, %mul3A_437 : vector<16xf32>
            %broadcast_in_dim3A_439 = arith.constant 57 : i32
            %broadcast_in_dim3A_440 = vector.broadcast %broadcast_in_dim3A_439 : i32 to vector<16xi32>
            %gather3A_441 = tpu.vector_load_idx %arg15[%add3A_95, %broadcast_in_dim3A_440] : memref<64x128xf32, #tpu.memory_space<vmem>>[vector<16xi32>, vector<16xi32>], vector<16xf32>,
            %gather3A_442 = tpu.vector_load_idx %arg16[%add3A_95, %broadcast_in_dim3A_440] : memref<64x128xf32, #tpu.memory_space<vmem>>[vector<16xi32>, vector<16xi32>], vector<16xf32>,
            %mul3A_443 = arith.mulf %gather3A_441, %gather3A_442 : vector<16xf32>
            %add3A_444 = arith.addf %add3A_438, %mul3A_443 : vector<16xf32>
            %broadcast_in_dim3A_445 = arith.constant 58 : i32
            %broadcast_in_dim3A_446 = vector.broadcast %broadcast_in_dim3A_445 : i32 to vector<16xi32>
            %gather3A_447 = tpu.vector_load_idx %arg15[%add3A_95, %broadcast_in_dim3A_446] : memref<64x128xf32, #tpu.memory_space<vmem>>[vector<16xi32>, vector<16xi32>], vector<16xf32>,
            %gather3A_448 = tpu.vector_load_idx %arg16[%add3A_95, %broadcast_in_dim3A_446] : memref<64x128xf32, #tpu.memory_space<vmem>>[vector<16xi32>, vector<16xi32>], vector<16xf32>,
            %mul3A_449 = arith.mulf %gather3A_447, %gather3A_448 : vector<16xf32>
            %add3A_450 = arith.addf %add3A_444, %mul3A_449 : vector<16xf32>
            %broadcast_in_dim3A_451 = arith.constant 59 : i32
            %broadcast_in_dim3A_452 = vector.broadcast %broadcast_in_dim3A_451 : i32 to vector<16xi32>
            %gather3A_453 = tpu.vector_load_idx %arg15[%add3A_95, %broadcast_in_dim3A_452] : memref<64x128xf32, #tpu.memory_space<vmem>>[vector<16xi32>, vector<16xi32>], vector<16xf32>,
            %gather3A_454 = tpu.vector_load_idx %arg16[%add3A_95, %broadcast_in_dim3A_452] : memref<64x128xf32, #tpu.memory_space<vmem>>[vector<16xi32>, vector<16xi32>], vector<16xf32>,
            %mul3A_455 = arith.mulf %gather3A_453, %gather3A_454 : vector<16xf32>
            %add3A_456 = arith.addf %add3A_450, %mul3A_455 : vector<16xf32>
            %broadcast_in_dim3A_457 = arith.constant 60 : i32
            %broadcast_in_dim3A_458 = vector.broadcast %broadcast_in_dim3A_457 : i32 to vector<16xi32>
            %gather3A_459 = tpu.vector_load_idx %arg15[%add3A_95, %broadcast_in_dim3A_458] : memref<64x128xf32, #tpu.memory_space<vmem>>[vector<16xi32>, vector<16xi32>], vector<16xf32>,
            %gather3A_460 = tpu.vector_load_idx %arg16[%add3A_95, %broadcast_in_dim3A_458] : memref<64x128xf32, #tpu.memory_space<vmem>>[vector<16xi32>, vector<16xi32>], vector<16xf32>,
            %mul3A_461 = arith.mulf %gather3A_459, %gather3A_460 : vector<16xf32>
            %add3A_462 = arith.addf %add3A_456, %mul3A_461 : vector<16xf32>
            %broadcast_in_dim3A_463 = arith.constant 61 : i32
            %broadcast_in_dim3A_464 = vector.broadcast %broadcast_in_dim3A_463 : i32 to vector<16xi32>
            %gather3A_465 = tpu.vector_load_idx %arg15[%add3A_95, %broadcast_in_dim3A_464] : memref<64x128xf32, #tpu.memory_space<vmem>>[vector<16xi32>, vector<16xi32>], vector<16xf32>,
            %gather3A_466 = tpu.vector_load_idx %arg16[%add3A_95, %broadcast_in_dim3A_464] : memref<64x128xf32, #tpu.memory_space<vmem>>[vector<16xi32>, vector<16xi32>], vector<16xf32>,
            %mul3A_467 = arith.mulf %gather3A_465, %gather3A_466 : vector<16xf32>
            %add3A_468 = arith.addf %add3A_462, %mul3A_467 : vector<16xf32>
            %broadcast_in_dim3A_469 = arith.constant 62 : i32
            %broadcast_in_dim3A_470 = vector.broadcast %broadcast_in_dim3A_469 : i32 to vector<16xi32>
            %gather3A_471 = tpu.vector_load_idx %arg15[%add3A_95, %broadcast_in_dim3A_470] : memref<64x128xf32, #tpu.memory_space<vmem>>[vector<16xi32>, vector<16xi32>], vector<16xf32>,
            %gather3A_472 = tpu.vector_load_idx %arg16[%add3A_95, %broadcast_in_dim3A_470] : memref<64x128xf32, #tpu.memory_space<vmem>>[vector<16xi32>, vector<16xi32>], vector<16xf32>,
            %mul3A_473 = arith.mulf %gather3A_471, %gather3A_472 : vector<16xf32>
            %add3A_474 = arith.addf %add3A_468, %mul3A_473 : vector<16xf32>
            %broadcast_in_dim3A_475 = arith.constant 63 : i32
            %broadcast_in_dim3A_476 = vector.broadcast %broadcast_in_dim3A_475 : i32 to vector<16xi32>
            %gather3A_477 = tpu.vector_load_idx %arg15[%add3A_95, %broadcast_in_dim3A_476] : memref<64x128xf32, #tpu.memory_space<vmem>>[vector<16xi32>, vector<16xi32>], vector<16xf32>,
            %gather3A_478 = tpu.vector_load_idx %arg16[%add3A_95, %broadcast_in_dim3A_476] : memref<64x128xf32, #tpu.memory_space<vmem>>[vector<16xi32>, vector<16xi32>], vector<16xf32>,
            %mul3A_479 = arith.mulf %gather3A_477, %gather3A_478 : vector<16xf32>
            %add3A_480 = arith.addf %add3A_474, %mul3A_479 : vector<16xf32>
            %mul3A_481 = arith.constant 1.250000e-01 : f32
            %mul3A_482 = vector.broadcast %mul3A_481 : f32 to vector<16xf32>
            %mul3A_483 = arith.mulf %add3A_480, %mul3A_482 : vector<16xf32>
            %max3A = arith.constant 0.000000e+00 : f32
            %max3A_484 = vector.broadcast %max3A : f32 to vector<16xf32>
            %max3A_485 = arith.maximumf %mul3A_483, %max3A_484 : vector<16xf32>
            %exp3A = math.exp %max3A_485 : vector<16xf32>
            %mul3A_486 = arith.constant 16 : i32
            %mul3A_487 = arith.muli %scan3A_91, %mul3A_486 : i32
            %add3A_488 = arith.addi %mul3A_54, %mul3A_487 : i32
            %swap3A_489 = arith.index_cast %add3A_488 : i32 to index
            %swap3A_490 = tpu.vector_load %arg10[%swap3A_489] {strides = array<i32>} : memref<128xf32, #tpu.memory_space<vmem>>, vector<16xf32>,
            tpu.vector_store %arg10[%swap3A_489], %exp3A {strides = array<i32>} : memref<128xf32, #tpu.memory_space<vmem>>, vector<16xf32>,
          }
          %scan3A_84 = arith.constant 4 : i32
          %scan3A_85 = arith.constant 0 : i32
          %scan3A_86 = arith.constant 0 : i32
          %scan3A_87 = arith.constant 64 : i32
          %scan3A_88 = arith.addi %scan3A_86, %scan3A_87 : i32
          %scan3A_89 = arith.constant 1 : i32
          scf.for %scan3A_91 = %scan3A_86 to %scan3A_88 step %scan3A_89  : i32 {
            %add3A_92 = arith.addi %mul3A_54, %scan3A_91 : i32
            %broadcast_in_dim3A_93 = vector.broadcast %add3A_92 : i32 to vector<16xi32>
            %gather3A = tpu.vector_load_idx %arg10[%broadcast_in_dim3A_93] : memref<128xf32, #tpu.memory_space<vmem>>[vector<16xi32>], vector<16xf32>,
            %get3A = arith.index_cast %scan3A_91 : i32 to index
            %get3A_94 = arith.constant 0 : index
            %get3A_95 = tpu.vector_load %arg17[%get3A, %get3A_94] {strides = array<i32>} : memref<64x128xf32, #tpu.memory_space<vmem>>, vector<16xf32>,
            %mul3A_96 = arith.mulf %get3A_95, %gather3A : vector<16xf32>
            %swap3A_97 = arith.index_cast %scan3A_91 : i32 to index
            %swap3A_98 = arith.constant 0 : index
            %swap3A_99 = tpu.vector_load %arg18[%swap3A_97, %swap3A_98] {strides = array<i32>} : memref<64x80xf32, #tpu.memory_space<vmem>>, vector<16xf32>,
            tpu.vector_store %arg18[%swap3A_97, %swap3A_98], %mul3A_96 {strides = array<i32>} : memref<64x80xf32, #tpu.memory_space<vmem>>, vector<16xf32>,
            %get3A_100 = arith.index_cast %scan3A_91 : i32 to index
            %get3A_101 = arith.constant 16 : index
            %get3A_102 = tpu.vector_load %arg17[%get3A_100, %get3A_101] {strides = array<i32>} : memref<64x128xf32, #tpu.memory_space<vmem>>, vector<16xf32>,
            %mul3A_103 = arith.mulf %get3A_102, %gather3A : vector<16xf32>
            %swap3A_104 = arith.index_cast %scan3A_91 : i32 to index
            %swap3A_105 = arith.constant 16 : index
            %swap3A_106 = tpu.vector_load %arg18[%swap3A_104, %swap3A_105] {strides = array<i32>} : memref<64x80xf32, #tpu.memory_space<vmem>>, vector<16xf32>,
            tpu.vector_store %arg18[%swap3A_104, %swap3A_105], %mul3A_103 {strides = array<i32>} : memref<64x80xf32, #tpu.memory_space<vmem>>, vector<16xf32>,
            %get3A_107 = arith.index_cast %scan3A_91 : i32 to index
            %get3A_108 = arith.constant 32 : index
            %get3A_109 = tpu.vector_load %arg17[%get3A_107, %get3A_108] {strides = array<i32>} : memref<64x128xf32, #tpu.memory_space<vmem>>, vector<16xf32>,
            %mul3A_110 = arith.mulf %get3A_109, %gather3A : vector<16xf32>
            %swap3A_111 = arith.index_cast %scan3A_91 : i32 to index
            %swap3A_112 = arith.constant 32 : index
            %swap3A_113 = tpu.vector_load %arg18[%swap3A_111, %swap3A_112] {strides = array<i32>} : memref<64x80xf32, #tpu.memory_space<vmem>>, vector<16xf32>,
            tpu.vector_store %arg18[%swap3A_111, %swap3A_112], %mul3A_110 {strides = array<i32>} : memref<64x80xf32, #tpu.memory_space<vmem>>, vector<16xf32>,
            %get3A_114 = arith.index_cast %scan3A_91 : i32 to index
            %get3A_115 = arith.constant 48 : index
            %get3A_116 = tpu.vector_load %arg17[%get3A_114, %get3A_115] {strides = array<i32>} : memref<64x128xf32, #tpu.memory_space<vmem>>, vector<16xf32>,
            %mul3A_117 = arith.mulf %get3A_116, %gather3A : vector<16xf32>
            %swap3A_118 = arith.index_cast %scan3A_91 : i32 to index
            %swap3A_119 = arith.constant 48 : index
            %swap3A_120 = tpu.vector_load %arg18[%swap3A_118, %swap3A_119] {strides = array<i32>} : memref<64x80xf32, #tpu.memory_space<vmem>>, vector<16xf32>,
            tpu.vector_store %arg18[%swap3A_118, %swap3A_119], %mul3A_117 {strides = array<i32>} : memref<64x80xf32, #tpu.memory_space<vmem>>, vector<16xf32>,
            %get3A_121 = arith.index_cast %scan3A_91 : i32 to index
            %get3A_122 = arith.constant 64 : index
            %get3A_123 = tpu.vector_load %arg17[%get3A_121, %get3A_122] {strides = array<i32>} : memref<64x128xf32, #tpu.memory_space<vmem>>, vector<16xf32>,
            %mul3A_124 = arith.mulf %get3A_123, %gather3A : vector<16xf32>
            %swap3A_125 = arith.index_cast %scan3A_91 : i32 to index
            %swap3A_126 = arith.constant 64 : index
            %swap3A_127 = tpu.vector_load %arg18[%swap3A_125, %swap3A_126] {strides = array<i32>} : memref<64x80xf32, #tpu.memory_space<vmem>>, vector<16xf32>,
            tpu.vector_store %arg18[%swap3A_125, %swap3A_126], %mul3A_124 {strides = array<i32>} : memref<64x80xf32, #tpu.memory_space<vmem>>, vector<16xf32>,
          }
          %scan3A_90 = arith.constant 64 : i32
          "tpu.region"() ({
            %run_scoped3A_91 = tpu.sem_alloc : memref<!tpu.dma_semaphore, #tpu.memory_space<semaphore_mem>>
            %dma_start3A_92 = arith.constant 0 : i32
            %dma_start3A_93 = arith.constant 0 : i32
            %dma_start3A_94 = tpu.memref_slice %arg20[%dma_start3A_92, %dma_start3A_93] : memref<10240x80xf32, #tpu.memory_space<vmem_shared>> -> memref<10240x80xf32, #tpu.memory_space<vmem_shared>>
            tpu.enqueue_indirect_dma source(%arg18 : memref<64x80xf32, #tpu.memory_space<vmem>>) target(%dma_start3A_94 : memref<10240x80xf32, #tpu.memory_space<vmem_shared>>) offsets(%arg14 : memref<64xi32, #tpu.memory_space<vmem>>) semaphore(%run_scoped3A_91 : memref<!tpu.dma_semaphore, #tpu.memory_space<semaphore_mem>>) {add = true}
            %dma_wait3A_95 = arith.constant 0 : i32
            %dma_wait3A_96 = arith.constant 0 : i32
            %dma_wait3A_97 = tpu.memref_slice %arg20[%dma_wait3A_95, %dma_wait3A_96] : memref<10240x80xf32, #tpu.memory_space<vmem_shared>> -> memref<10240x80xf32, #tpu.memory_space<vmem_shared>>
            tpu.wait_indirect_dma semaphore(%run_scoped3A_91 : memref<!tpu.dma_semaphore, #tpu.memory_space<semaphore_mem>>) src(%arg18 : memref<64x80xf32, #tpu.memory_space<vmem>>) dst(%dma_wait3A_97 : memref<10240x80xf32, #tpu.memory_space<vmem_shared>>)
            tpu.yield
          }) : () -> ()
        }
        %scan3A_51 = arith.constant 2 : i32
        %run_scoped3A = arith.constant 0 : i32
        "tpu.region"() ({
          %run_scoped3A_52 = tpu.sem_alloc : memref<!tpu.dma_semaphore, #tpu.memory_space<semaphore_mem>>
          %dma_start3A_53 = arith.constant 0 : i32
          %dma_start3A_54 = tpu.memref_slice %arg7[%add3A, %scan3A_28, %run_scoped3A, %dma_start3A_53] : memref<32x79x1x128xf32, #tpu.memory_space<hbm>> -> memref<1x1x1x128xf32, #tpu.memory_space<hbm>>
          %dma_start3A_55 = tpu.memref_squeeze %dma_start3A_54 : memref<1x1x1x128xf32, #tpu.memory_space<hbm>> -> memref<128xf32, #tpu.memory_space<hbm>>
          %dma_start3A_56 = arith.constant 0 : i32
          %dma_start3A_57 = tpu.memref_slice %arg7[%add3A, %scan3A_28, %run_scoped3A, %dma_start3A_56] : memref<32x79x1x128xf32, #tpu.memory_space<hbm>> -> memref<1x1x1x128xf32, #tpu.memory_space<hbm>>
          %dma_start3A_58 = tpu.memref_squeeze %dma_start3A_57 : memref<1x1x1x128xf32, #tpu.memory_space<hbm>> -> memref<128xf32, #tpu.memory_space<hbm>>
          tpu.enqueue_dma source(%arg10 : memref<128xf32, #tpu.memory_space<vmem>>) target(%dma_start3A_58 : memref<128xf32, #tpu.memory_space<hbm>>) target_semaphore(%run_scoped3A_52 : memref<!tpu.dma_semaphore, #tpu.memory_space<semaphore_mem>>)
          %dma_wait3A_59 = arith.constant 0 : i32
          %dma_wait3A_60 = tpu.memref_slice %arg7[%add3A, %scan3A_28, %run_scoped3A, %dma_wait3A_59] : memref<32x79x1x128xf32, #tpu.memory_space<hbm>> -> memref<1x1x1x128xf32, #tpu.memory_space<hbm>>
          %dma_wait3A_61 = tpu.memref_squeeze %dma_wait3A_60 : memref<1x1x1x128xf32, #tpu.memory_space<hbm>> -> memref<128xf32, #tpu.memory_space<hbm>>
          %dma_wait3A_62 = arith.constant 0 : i32
          %dma_wait3A_63 = tpu.memref_slice %arg7[%add3A, %scan3A_28, %run_scoped3A, %dma_wait3A_62] : memref<32x79x1x128xf32, #tpu.memory_space<hbm>> -> memref<1x1x1x128xf32, #tpu.memory_space<hbm>>
          %dma_wait3A_64 = tpu.memref_squeeze %dma_wait3A_63 : memref<1x1x1x128xf32, #tpu.memory_space<hbm>> -> memref<128xf32, #tpu.memory_space<hbm>>
          tpu.wait_dma2 semaphore(%run_scoped3A_52 : memref<!tpu.dma_semaphore, #tpu.memory_space<semaphore_mem>>) src(%arg10 : memref<128xf32, #tpu.memory_space<vmem>>) dst(%dma_wait3A_64 : memref<128xf32, #tpu.memory_space<hbm>>)
          tpu.yield
        }) : () -> ()
      } else {
      }
    }
    %scan3A_20 = arith.constant 79 : i32
    %barrier3A_21 = arith.constant 0 : index
    tpu.barrier barrier_id(%barrier3A_21)
    %scan3A_22 = arith.constant 0 : i32
    %scan3A_23 = arith.constant 0 : i32
    %scan3A_24 = arith.constant 10 : i32
    %scan3A_25 = arith.addi %scan3A_23, %scan3A_24 : i32
    %scan3A_26 = arith.constant 1 : i32
    scf.for %scan3A_28 = %scan3A_23 to %scan3A_25 step %scan3A_26  : i32 {
      %mul3A_29 = arith.constant 640 : i32
      %mul3A_30 = arith.muli %arg1, %mul3A_29 : i32
      %mul3A_31 = arith.constant 64 : i32
      %mul3A_32 = arith.muli %scan3A_28, %mul3A_31 : i32
      %add3A_33 = arith.addi %mul3A_30, %mul3A_32 : i32
      "tpu.region"() ({
        %run_scoped3A = tpu.sem_alloc : memref<!tpu.dma_semaphore, #tpu.memory_space<semaphore_mem>>
        %dma_start3A = arith.constant 0 : i32
        %dma_start3A_34 = tpu.memref_slice %arg8[%arg0, %add3A_33, %dma_start3A] : memref<2x10240x80xf32, #tpu.memory_space<hbm>> -> memref<1x64x80xf32, #tpu.memory_space<hbm>>
        %dma_start3A_35 = tpu.memref_squeeze %dma_start3A_34 : memref<1x64x80xf32, #tpu.memory_space<hbm>> -> memref<64x80xf32, #tpu.memory_space<hbm>>
        %dma_start3A_36 = arith.constant 0 : i32
        %dma_start3A_37 = tpu.memref_slice %arg20[%add3A_33, %dma_start3A_36] : memref<10240x80xf32, #tpu.memory_space<vmem_shared>> -> memref<64x80xf32, #tpu.memory_space<vmem_shared>>
        tpu.enqueue_dma source(%dma_start3A_37 : memref<64x80xf32, #tpu.memory_space<vmem_shared>>) target(%dma_start3A_35 : memref<64x80xf32, #tpu.memory_space<hbm>>) target_semaphore(%run_scoped3A : memref<!tpu.dma_semaphore, #tpu.memory_space<semaphore_mem>>)
        %dma_wait3A = arith.constant 0 : i32
        %dma_wait3A_38 = tpu.memref_slice %arg8[%arg0, %add3A_33, %dma_wait3A] : memref<2x10240x80xf32, #tpu.memory_space<hbm>> -> memref<1x64x80xf32, #tpu.memory_space<hbm>>
        %dma_wait3A_39 = tpu.memref_squeeze %dma_wait3A_38 : memref<1x64x80xf32, #tpu.memory_space<hbm>> -> memref<64x80xf32, #tpu.memory_space<hbm>>
        %dma_wait3A_40 = arith.constant 0 : i32
        %dma_wait3A_41 = tpu.memref_slice %arg20[%add3A_33, %dma_wait3A_40] : memref<10240x80xf32, #tpu.memory_space<vmem_shared>> -> memref<64x80xf32, #tpu.memory_space<vmem_shared>>
        tpu.wait_dma2 semaphore(%run_scoped3A : memref<!tpu.dma_semaphore, #tpu.memory_space<semaphore_mem>>) src(%dma_wait3A_41 : memref<64x80xf32, #tpu.memory_space<vmem_shared>>) dst(%dma_wait3A_39 : memref<64x80xf32, #tpu.memory_space<hbm>>)
        tpu.yield
      }) : () -> ()
    }
    %scan3A_27 = arith.constant 10 : i32
    return
  }
}

#map = affine_map<(d0, d1) -> (0, 0)>
#map1 = affine_map<(d0, d1) -> (0, 0, 0, 0)>
#map2 = affine_map<(d0, d1) -> (0, 0, 0)>
module attributes {stable_mosaic.version = 14 : i64} {
  func.func @_edge_pass(%arg0: i32, %arg1: i32, %arg2: memref<10000x128xf32, #tpu.memory_space<hbm>>, %arg3: memref<10000x128xf32, #tpu.memory_space<hbm>>, %arg4: memref<10000x128xf32, #tpu.memory_space<hbm>>, %arg5: memref<2500x128xi32, #tpu.memory_space<hbm>>, %arg6: memref<2500x128xi32, #tpu.memory_space<hbm>>, %arg7: memref<32x79x1x128xf32, #tpu.memory_space<hbm>>, %arg8: memref<2x10240x80xf32, #tpu.memory_space<hbm>>, %arg9: memref<16xi32, #tpu.memory_space<vmem>>, %arg10: memref<128xf32, #tpu.memory_space<vmem>>, %arg11: memref<16x128xi32, #tpu.memory_space<vmem>>, %arg12: memref<16x128xi32, #tpu.memory_space<vmem>>, %arg13: memref<64xi32, #tpu.memory_space<vmem>>, %arg14: memref<64xi32, #tpu.memory_space<vmem>>, %arg15: memref<64x128xf32, #tpu.memory_space<vmem>>, %arg16: memref<64x128xf32, #tpu.memory_space<vmem>>, %arg17: memref<64x128xf32, #tpu.memory_space<vmem>>, %arg18: memref<64x80xf32, #tpu.memory_space<vmem>>, %arg19: memref<64x80xf32, #tpu.memory_space<vmem>>, %arg20: memref<10240x80xf32, #tpu.memory_space<vmem_shared>>, %arg21: memref<!tpu.dma_semaphore, #tpu.memory_space<semaphore_mem>>, %arg22: memref<!tpu.dma_semaphore, #tpu.memory_space<semaphore_mem>>, %arg23: memref<!tpu.dma_semaphore, #tpu.memory_space<semaphore_mem>>) attributes {dimension_semantics = [#tpu.dimension_semantics<core_parallel>, #tpu.dimension_semantics<subcore_parallel>], iteration_bounds = array<i64: 2, 16>, scalar_prefetch = 0 : i64, scratch_operands = 15 : i64, tpu.core_type = #tpu.core_type<sc_vector_subcore>, window_params = [{transform_indices = #map}, {transform_indices = #map}, {transform_indices = #map}, {transform_indices = #map}, {transform_indices = #map}, {transform_indices = #map1}, {transform_indices = #map2}]} {
    %mul3A = arith.constant 16 : i32
    %mul3A_0 = arith.muli %arg0, %mul3A : i32
    %add3A = arith.addi %mul3A_0, %arg1 : i32
    %broadcast_in_dim3A = arith.constant 0.000000e+00 : f32
    %broadcast_in_dim3A_1 = vector.broadcast %broadcast_in_dim3A : f32 to vector<16xf32>
    %broadcast_in_dim3A_2 = arith.constant 0 : i32
    %broadcast_in_dim3A_3 = vector.broadcast %broadcast_in_dim3A_2 : i32 to vector<16xi32>
    %iota3A = tpu.iota {dimensions = array<i32: 0>} : vector<16xi32>
    %scan3A = arith.constant 0 : i32
    %scan3A_4 = arith.constant 0 : i32
    %scan3A_5 = arith.constant 320 : i32
    %scan3A_6 = arith.addi %scan3A_4, %scan3A_5 : i32
    %scan3A_7 = arith.constant 1 : i32
    scf.for %scan3A_28 = %scan3A_4 to %scan3A_6 step %scan3A_7  : i32 {
      %jit3A = arith.constant 5 : i32
      %div3A = arith.divsi %scan3A_28, %jit3A : i32
      %sign3A = arith.constant 0 : i32
      %sign3A_29 = arith.cmpi sgt, %scan3A_28, %sign3A : i32
      %sign3A_30 = arith.extui %sign3A_29 : i1 to i32
      %sign3A_31 = arith.constant 0 : i32
      %sign3A_32 = arith.cmpi slt, %scan3A_28, %sign3A_31 : i32
      %sign3A_33 = arith.extui %sign3A_32 : i1 to i32
      %sign3A_34 = arith.subi %sign3A_30, %sign3A_33 : i32
      %sign3A_35 = arith.constant 0 : i32
      %sign3A_36 = arith.cmpi sgt, %jit3A, %sign3A_35 : i32
      %sign3A_37 = arith.extui %sign3A_36 : i1 to i32
      %sign3A_38 = arith.constant 0 : i32
      %sign3A_39 = arith.cmpi slt, %jit3A, %sign3A_38 : i32
      %sign3A_40 = arith.extui %sign3A_39 : i1 to i32
      %sign3A_41 = arith.subi %sign3A_37, %sign3A_40 : i32
      %ne3A = arith.cmpi ne, %sign3A_34, %sign3A_41 : i32
      %rem3A = arith.remsi %scan3A_28, %jit3A : i32
      %ne3A_42 = arith.constant 0 : i32
      %ne3A_43 = arith.cmpi ne, %rem3A, %ne3A_42 : i32
      %and3A = arith.andi %ne3A, %ne3A_43 : i1
      %sub3A = arith.constant 1 : i32
      %sub3A_44 = arith.subi %div3A, %sub3A : i32
      %select_n3A = arith.select %and3A, %sub3A_44, %div3A : i32
      %broadcast_in_dim3A_45 = vector.broadcast %select_n3A : i32 to vector<16xi32>
      %jit3A_46 = arith.constant 5 : i32
      %eq3A = arith.constant 0 : i32
      %eq3A_47 = arith.cmpi eq, %jit3A_46, %eq3A : i32
      %jit3A_48 = arith.constant 1 : i32
      %select_n3A_49 = arith.select %eq3A_47, %jit3A_48, %jit3A_46 : i32
      %rem3A_50 = arith.remsi %scan3A_28, %select_n3A_49 : i32
      %ne3A_51 = arith.constant 0 : i32
      %ne3A_52 = arith.cmpi ne, %rem3A_50, %ne3A_51 : i32
      %lt3A = arith.constant 0 : i32
      %lt3A_53 = arith.cmpi slt, %rem3A_50, %lt3A : i32
      %lt3A_54 = arith.constant 0 : i32
      %lt3A_55 = arith.cmpi slt, %select_n3A_49, %lt3A_54 : i32
      %ne3A_56 = arith.xori %lt3A_53, %lt3A_55 : i1
      %and3A_57 = arith.andi %ne3A_56, %ne3A_52 : i1
      %add3A_58 = arith.addi %rem3A_50, %select_n3A_49 : i32
      %select_n3A_59 = arith.select %and3A_57, %add3A_58, %rem3A_50 : i32
      %mul3A_60 = arith.constant 16 : i32
      %mul3A_61 = arith.muli %select_n3A_59, %mul3A_60 : i32
      %add3A_62 = vector.broadcast %mul3A_61 : i32 to vector<16xi32>
      %add3A_63 = arith.addi %iota3A, %add3A_62 : vector<16xi32>
      tpu.vector_store_idx %arg19[%broadcast_in_dim3A_45, %add3A_63], %broadcast_in_dim3A_1 : memref<64x80xf32, #tpu.memory_space<vmem>>[vector<16xi32>, vector<16xi32>], vector<16xf32>,
    }
    %scan3A_8 = arith.constant 320 : i32
    %scan3A_9 = arith.constant 0 : i32
    %scan3A_10 = arith.constant 0 : i32
    %scan3A_11 = arith.constant 10 : i32
    %scan3A_12 = arith.addi %scan3A_10, %scan3A_11 : i32
    %scan3A_13 = arith.constant 1 : i32
    scf.for %scan3A_28 = %scan3A_10 to %scan3A_12 step %scan3A_13  : i32 {
      %mul3A_29 = arith.constant 640 : i32
      %mul3A_30 = arith.muli %arg1, %mul3A_29 : i32
      %mul3A_31 = arith.constant 64 : i32
      %mul3A_32 = arith.muli %scan3A_28, %mul3A_31 : i32
      %add3A_33 = arith.addi %mul3A_30, %mul3A_32 : i32
      "tpu.region"() ({
        %run_scoped3A = tpu.sem_alloc : memref<!tpu.dma_semaphore, #tpu.memory_space<semaphore_mem>>
        %dma_start3A = arith.constant 0 : i32
        %dma_start3A_34 = tpu.memref_slice %arg20[%add3A_33, %dma_start3A] : memref<10240x80xf32, #tpu.memory_space<vmem_shared>> -> memref<64x80xf32, #tpu.memory_space<vmem_shared>>
        %dma_start3A_35 = arith.constant 0 : i32
        %dma_start3A_36 = tpu.memref_slice %arg20[%add3A_33, %dma_start3A_35] : memref<10240x80xf32, #tpu.memory_space<vmem_shared>> -> memref<64x80xf32, #tpu.memory_space<vmem_shared>>
        tpu.enqueue_dma source(%arg19 : memref<64x80xf32, #tpu.memory_space<vmem>>) target(%dma_start3A_36 : memref<64x80xf32, #tpu.memory_space<vmem_shared>>) target_semaphore(%run_scoped3A : memref<!tpu.dma_semaphore, #tpu.memory_space<semaphore_mem>>)
        %dma_wait3A = arith.constant 0 : i32
        %dma_wait3A_37 = tpu.memref_slice %arg20[%add3A_33, %dma_wait3A] : memref<10240x80xf32, #tpu.memory_space<vmem_shared>> -> memref<64x80xf32, #tpu.memory_space<vmem_shared>>
        %dma_wait3A_38 = arith.constant 0 : i32
        %dma_wait3A_39 = tpu.memref_slice %arg20[%add3A_33, %dma_wait3A_38] : memref<10240x80xf32, #tpu.memory_space<vmem_shared>> -> memref<64x80xf32, #tpu.memory_space<vmem_shared>>
        tpu.wait_dma2 semaphore(%run_scoped3A : memref<!tpu.dma_semaphore, #tpu.memory_space<semaphore_mem>>) src(%arg19 : memref<64x80xf32, #tpu.memory_space<vmem>>) dst(%dma_wait3A_39 : memref<64x80xf32, #tpu.memory_space<vmem_shared>>)
        tpu.yield
      }) : () -> ()
    }
    %scan3A_14 = arith.constant 10 : i32
    %barrier3A = arith.constant 0 : index
    tpu.barrier barrier_id(%barrier3A)
    %scan3A_15 = arith.constant 0 : i32
    %scan3A_16 = arith.constant 0 : i32
    %scan3A_17 = arith.constant 79 : i32
    %scan3A_18 = arith.addi %scan3A_16, %scan3A_17 : i32
    %scan3A_19 = arith.constant 1 : i32
    scf.for %scan3A_28 = %scan3A_16 to %scan3A_18 step %scan3A_19  : i32 {
      %mul3A_29 = arith.constant 32 : i32
      %mul3A_30 = arith.muli %scan3A_28, %mul3A_29 : i32
      %add3A_31 = arith.addi %mul3A_30, %add3A : i32
      %lt3A = arith.constant 2500 : i32
      %lt3A_32 = arith.cmpi slt, %add3A_31, %lt3A : i32
      %convert_element_type3A = arith.extui %lt3A_32 : i1 to i32
      %cond3A = arith.constant 0 : i32
      %cond3A_33 = arith.cmpi ne, %convert_element_type3A, %cond3A : i32
      scf.if %cond3A_33 {
        %broadcast_in_dim3A_34 = vector.broadcast %add3A_31 : i32 to vector<16xi32>
        %swap3A = arith.constant 0 : index
        %swap3A_35 = tpu.vector_load %arg9[%swap3A] {strides = array<i32>} : memref<16xi32, #tpu.memory_space<vmem>>, vector<16xi32>,
        tpu.vector_store %arg9[%swap3A], %broadcast_in_dim3A_34 {strides = array<i32>} : memref<16xi32, #tpu.memory_space<vmem>>, vector<16xi32>,
        %dma_start3A = arith.constant 0 : i32
        %dma_start3A_36 = arith.constant 0 : i32
        %dma_start3A_37 = tpu.memref_slice %arg5[%dma_start3A, %dma_start3A_36] : memref<2500x128xi32, #tpu.memory_space<hbm>> -> memref<2500x128xi32, #tpu.memory_space<hbm>>
        tpu.enqueue_indirect_dma source(%dma_start3A_37 : memref<2500x128xi32, #tpu.memory_space<hbm>>) target(%arg11 : memref<16x128xi32, #tpu.memory_space<vmem>>) offsets(%arg9 : memref<16xi32, #tpu.memory_space<vmem>>) semaphore(%arg21 : memref<!tpu.dma_semaphore, #tpu.memory_space<semaphore_mem>>)
        %dma_start3A_38 = arith.constant 0 : i32
        %dma_start3A_39 = arith.constant 0 : i32
        %dma_start3A_40 = tpu.memref_slice %arg6[%dma_start3A_38, %dma_start3A_39] : memref<2500x128xi32, #tpu.memory_space<hbm>> -> memref<2500x128xi32, #tpu.memory_space<hbm>>
        tpu.enqueue_indirect_dma source(%dma_start3A_40 : memref<2500x128xi32, #tpu.memory_space<hbm>>) target(%arg12 : memref<16x128xi32, #tpu.memory_space<vmem>>) offsets(%arg9 : memref<16xi32, #tpu.memory_space<vmem>>) semaphore(%arg22 : memref<!tpu.dma_semaphore, #tpu.memory_space<semaphore_mem>>)
        %dma_wait3A = arith.constant 0 : i32
        %dma_wait3A_41 = arith.constant 0 : i32
        %dma_wait3A_42 = tpu.memref_slice %arg5[%dma_wait3A, %dma_wait3A_41] : memref<2500x128xi32, #tpu.memory_space<hbm>> -> memref<2500x128xi32, #tpu.memory_space<hbm>>
        tpu.wait_indirect_dma semaphore(%arg21 : memref<!tpu.dma_semaphore, #tpu.memory_space<semaphore_mem>>) src(%dma_wait3A_42 : memref<2500x128xi32, #tpu.memory_space<hbm>>) dst(%arg11 : memref<16x128xi32, #tpu.memory_space<vmem>>)
        %dma_wait3A_43 = arith.constant 0 : i32
        %dma_wait3A_44 = arith.constant 0 : i32
        %dma_wait3A_45 = tpu.memref_slice %arg6[%dma_wait3A_43, %dma_wait3A_44] : memref<2500x128xi32, #tpu.memory_space<hbm>> -> memref<2500x128xi32, #tpu.memory_space<hbm>>
        tpu.wait_indirect_dma semaphore(%arg22 : memref<!tpu.dma_semaphore, #tpu.memory_space<semaphore_mem>>) src(%dma_wait3A_45 : memref<2500x128xi32, #tpu.memory_space<hbm>>) dst(%arg12 : memref<16x128xi32, #tpu.memory_space<vmem>>)
        %scan3A_46 = arith.constant 0 : i32
        %scan3A_47 = arith.constant 0 : i32
        %scan3A_48 = arith.constant 2 : i32
        %scan3A_49 = arith.addi %scan3A_47, %scan3A_48 : i32
        %scan3A_50 = arith.constant 1 : i32
        scf.for %scan3A_52 = %scan3A_47 to %scan3A_49 step %scan3A_50  : i32 {
          %mul3A_53 = arith.constant 64 : i32
          %mul3A_54 = arith.muli %scan3A_52, %mul3A_53 : i32
          %scan3A_55 = arith.constant 0 : i32
          %scan3A_56 = arith.constant 0 : i32
          %scan3A_57 = arith.constant 4 : i32
          %scan3A_58 = arith.addi %scan3A_56, %scan3A_57 : i32
          %scan3A_59 = arith.constant 1 : i32
          scf.for %scan3A_91 = %scan3A_56 to %scan3A_58 step %scan3A_59  : i32 {
            %add3A_92 = vector.broadcast %mul3A_54 : i32 to vector<16xi32>
            %add3A_93 = arith.addi %iota3A, %add3A_92 : vector<16xi32>
            %mul3A_94 = arith.constant 16 : i32
            %mul3A_95 = arith.muli %scan3A_91, %mul3A_94 : i32
            %add3A_96 = vector.broadcast %mul3A_95 : i32 to vector<16xi32>
            %add3A_97 = arith.addi %add3A_93, %add3A_96 : vector<16xi32>
            %gather3A = tpu.vector_load_idx %arg11[%broadcast_in_dim3A_3, %add3A_97] : memref<16x128xi32, #tpu.memory_space<vmem>>[vector<16xi32>, vector<16xi32>], vector<16xi32>,
            %mul3A_98 = arith.constant 16 : i32
            %mul3A_99 = arith.muli %scan3A_91, %mul3A_98 : i32
            %swap3A_100 = arith.index_cast %mul3A_99 : i32 to index
            %swap3A_101 = tpu.vector_load %arg13[%swap3A_100] {strides = array<i32>} : memref<64xi32, #tpu.memory_space<vmem>>, vector<16xi32>,
            tpu.vector_store %arg13[%swap3A_100], %gather3A {strides = array<i32>} : memref<64xi32, #tpu.memory_space<vmem>>, vector<16xi32>,
            %gather3A_102 = tpu.vector_load_idx %arg12[%broadcast_in_dim3A_3, %add3A_97] : memref<16x128xi32, #tpu.memory_space<vmem>>[vector<16xi32>, vector<16xi32>], vector<16xi32>,
            %mul3A_103 = arith.constant 16 : i32
            %mul3A_104 = arith.muli %scan3A_91, %mul3A_103 : i32
            %swap3A_105 = arith.index_cast %mul3A_104 : i32 to index
            %swap3A_106 = tpu.vector_load %arg14[%swap3A_105] {strides = array<i32>} : memref<64xi32, #tpu.memory_space<vmem>>, vector<16xi32>,
            tpu.vector_store %arg14[%swap3A_105], %gather3A_102 {strides = array<i32>} : memref<64xi32, #tpu.memory_space<vmem>>, vector<16xi32>,
          }
          %scan3A_60 = arith.constant 4 : i32
          %dma_start3A_61 = arith.constant 0 : i32
          %dma_start3A_62 = arith.constant 0 : i32
          %dma_start3A_63 = tpu.memref_slice %arg2[%dma_start3A_61, %dma_start3A_62] : memref<10000x128xf32, #tpu.memory_space<hbm>> -> memref<10000x128xf32, #tpu.memory_space<hbm>>
          tpu.enqueue_indirect_dma source(%dma_start3A_63 : memref<10000x128xf32, #tpu.memory_space<hbm>>) target(%arg15 : memref<64x128xf32, #tpu.memory_space<vmem>>) offsets(%arg14 : memref<64xi32, #tpu.memory_space<vmem>>) semaphore(%arg21 : memref<!tpu.dma_semaphore, #tpu.memory_space<semaphore_mem>>)
          %dma_start3A_64 = arith.constant 0 : i32
          %dma_start3A_65 = arith.constant 0 : i32
          %dma_start3A_66 = tpu.memref_slice %arg3[%dma_start3A_64, %dma_start3A_65] : memref<10000x128xf32, #tpu.memory_space<hbm>> -> memref<10000x128xf32, #tpu.memory_space<hbm>>
          tpu.enqueue_indirect_dma source(%dma_start3A_66 : memref<10000x128xf32, #tpu.memory_space<hbm>>) target(%arg16 : memref<64x128xf32, #tpu.memory_space<vmem>>) offsets(%arg13 : memref<64xi32, #tpu.memory_space<vmem>>) semaphore(%arg22 : memref<!tpu.dma_semaphore, #tpu.memory_space<semaphore_mem>>)
          %dma_start3A_67 = arith.constant 0 : i32
          %dma_start3A_68 = arith.constant 0 : i32
          %dma_start3A_69 = tpu.memref_slice %arg4[%dma_start3A_67, %dma_start3A_68] : memref<10000x128xf32, #tpu.memory_space<hbm>> -> memref<10000x128xf32, #tpu.memory_space<hbm>>
          tpu.enqueue_indirect_dma source(%dma_start3A_69 : memref<10000x128xf32, #tpu.memory_space<hbm>>) target(%arg17 : memref<64x128xf32, #tpu.memory_space<vmem>>) offsets(%arg13 : memref<64xi32, #tpu.memory_space<vmem>>) semaphore(%arg23 : memref<!tpu.dma_semaphore, #tpu.memory_space<semaphore_mem>>)
          %dma_wait3A_70 = arith.constant 0 : i32
          %dma_wait3A_71 = arith.constant 0 : i32
          %dma_wait3A_72 = tpu.memref_slice %arg2[%dma_wait3A_70, %dma_wait3A_71] : memref<10000x128xf32, #tpu.memory_space<hbm>> -> memref<10000x128xf32, #tpu.memory_space<hbm>>
          tpu.wait_indirect_dma semaphore(%arg21 : memref<!tpu.dma_semaphore, #tpu.memory_space<semaphore_mem>>) src(%dma_wait3A_72 : memref<10000x128xf32, #tpu.memory_space<hbm>>) dst(%arg15 : memref<64x128xf32, #tpu.memory_space<vmem>>)
          %dma_wait3A_73 = arith.constant 0 : i32
          %dma_wait3A_74 = arith.constant 0 : i32
          %dma_wait3A_75 = tpu.memref_slice %arg3[%dma_wait3A_73, %dma_wait3A_74] : memref<10000x128xf32, #tpu.memory_space<hbm>> -> memref<10000x128xf32, #tpu.memory_space<hbm>>
          tpu.wait_indirect_dma semaphore(%arg22 : memref<!tpu.dma_semaphore, #tpu.memory_space<semaphore_mem>>) src(%dma_wait3A_75 : memref<10000x128xf32, #tpu.memory_space<hbm>>) dst(%arg16 : memref<64x128xf32, #tpu.memory_space<vmem>>)
          %dma_wait3A_76 = arith.constant 0 : i32
          %dma_wait3A_77 = arith.constant 0 : i32
          %dma_wait3A_78 = tpu.memref_slice %arg4[%dma_wait3A_76, %dma_wait3A_77] : memref<10000x128xf32, #tpu.memory_space<hbm>> -> memref<10000x128xf32, #tpu.memory_space<hbm>>
          tpu.wait_indirect_dma semaphore(%arg23 : memref<!tpu.dma_semaphore, #tpu.memory_space<semaphore_mem>>) src(%dma_wait3A_78 : memref<10000x128xf32, #tpu.memory_space<hbm>>) dst(%arg17 : memref<64x128xf32, #tpu.memory_space<vmem>>)
          %scan3A_79 = arith.constant 0 : i32
          %scan3A_80 = arith.constant 0 : i32
          %scan3A_81 = arith.constant 4 : i32
          %scan3A_82 = arith.addi %scan3A_80, %scan3A_81 : i32
          %scan3A_83 = arith.constant 1 : i32
          scf.for %scan3A_91 = %scan3A_80 to %scan3A_82 step %scan3A_83  : i32 {
            %mul3A_92 = arith.constant 16 : i32
            %mul3A_93 = arith.muli %scan3A_91, %mul3A_92 : i32
            %add3A_94 = vector.broadcast %mul3A_93 : i32 to vector<16xi32>
            %add3A_95 = arith.addi %iota3A, %add3A_94 : vector<16xi32>
            %broadcast_in_dim3A_96 = arith.constant 0.000000e+00 : f32
            %broadcast_in_dim3A_97 = vector.broadcast %broadcast_in_dim3A_96 : f32 to vector<16xf32>
            %broadcast_in_dim3A_98 = arith.constant 0 : i32
            %broadcast_in_dim3A_99 = vector.broadcast %broadcast_in_dim3A_98 : i32 to vector<16xi32>
            %gather3A = tpu.vector_load_idx %arg15[%add3A_95, %broadcast_in_dim3A_99] : memref<64x128xf32, #tpu.memory_space<vmem>>[vector<16xi32>, vector<16xi32>], vector<16xf32>,
            %gather3A_100 = tpu.vector_load_idx %arg16[%add3A_95, %broadcast_in_dim3A_99] : memref<64x128xf32, #tpu.memory_space<vmem>>[vector<16xi32>, vector<16xi32>], vector<16xf32>,
            %mul3A_101 = arith.mulf %gather3A, %gather3A_100 : vector<16xf32>
            %add3A_102 = arith.addf %broadcast_in_dim3A_97, %mul3A_101 : vector<16xf32>
            %broadcast_in_dim3A_103 = arith.constant 1 : i32
            %broadcast_in_dim3A_104 = vector.broadcast %broadcast_in_dim3A_103 : i32 to vector<16xi32>
            %gather3A_105 = tpu.vector_load_idx %arg15[%add3A_95, %broadcast_in_dim3A_104] : memref<64x128xf32, #tpu.memory_space<vmem>>[vector<16xi32>, vector<16xi32>], vector<16xf32>,
            %gather3A_106 = tpu.vector_load_idx %arg16[%add3A_95, %broadcast_in_dim3A_104] : memref<64x128xf32, #tpu.memory_space<vmem>>[vector<16xi32>, vector<16xi32>], vector<16xf32>,
            %mul3A_107 = arith.mulf %gather3A_105, %gather3A_106 : vector<16xf32>
            %add3A_108 = arith.addf %add3A_102, %mul3A_107 : vector<16xf32>
            %broadcast_in_dim3A_109 = arith.constant 2 : i32
            %broadcast_in_dim3A_110 = vector.broadcast %broadcast_in_dim3A_109 : i32 to vector<16xi32>
            %gather3A_111 = tpu.vector_load_idx %arg15[%add3A_95, %broadcast_in_dim3A_110] : memref<64x128xf32, #tpu.memory_space<vmem>>[vector<16xi32>, vector<16xi32>], vector<16xf32>,
            %gather3A_112 = tpu.vector_load_idx %arg16[%add3A_95, %broadcast_in_dim3A_110] : memref<64x128xf32, #tpu.memory_space<vmem>>[vector<16xi32>, vector<16xi32>], vector<16xf32>,
            %mul3A_113 = arith.mulf %gather3A_111, %gather3A_112 : vector<16xf32>
            %add3A_114 = arith.addf %add3A_108, %mul3A_113 : vector<16xf32>
            %broadcast_in_dim3A_115 = arith.constant 3 : i32
            %broadcast_in_dim3A_116 = vector.broadcast %broadcast_in_dim3A_115 : i32 to vector<16xi32>
            %gather3A_117 = tpu.vector_load_idx %arg15[%add3A_95, %broadcast_in_dim3A_116] : memref<64x128xf32, #tpu.memory_space<vmem>>[vector<16xi32>, vector<16xi32>], vector<16xf32>,
            %gather3A_118 = tpu.vector_load_idx %arg16[%add3A_95, %broadcast_in_dim3A_116] : memref<64x128xf32, #tpu.memory_space<vmem>>[vector<16xi32>, vector<16xi32>], vector<16xf32>,
            %mul3A_119 = arith.mulf %gather3A_117, %gather3A_118 : vector<16xf32>
            %add3A_120 = arith.addf %add3A_114, %mul3A_119 : vector<16xf32>
            %broadcast_in_dim3A_121 = arith.constant 4 : i32
            %broadcast_in_dim3A_122 = vector.broadcast %broadcast_in_dim3A_121 : i32 to vector<16xi32>
            %gather3A_123 = tpu.vector_load_idx %arg15[%add3A_95, %broadcast_in_dim3A_122] : memref<64x128xf32, #tpu.memory_space<vmem>>[vector<16xi32>, vector<16xi32>], vector<16xf32>,
            %gather3A_124 = tpu.vector_load_idx %arg16[%add3A_95, %broadcast_in_dim3A_122] : memref<64x128xf32, #tpu.memory_space<vmem>>[vector<16xi32>, vector<16xi32>], vector<16xf32>,
            %mul3A_125 = arith.mulf %gather3A_123, %gather3A_124 : vector<16xf32>
            %add3A_126 = arith.addf %add3A_120, %mul3A_125 : vector<16xf32>
            %broadcast_in_dim3A_127 = arith.constant 5 : i32
            %broadcast_in_dim3A_128 = vector.broadcast %broadcast_in_dim3A_127 : i32 to vector<16xi32>
            %gather3A_129 = tpu.vector_load_idx %arg15[%add3A_95, %broadcast_in_dim3A_128] : memref<64x128xf32, #tpu.memory_space<vmem>>[vector<16xi32>, vector<16xi32>], vector<16xf32>,
            %gather3A_130 = tpu.vector_load_idx %arg16[%add3A_95, %broadcast_in_dim3A_128] : memref<64x128xf32, #tpu.memory_space<vmem>>[vector<16xi32>, vector<16xi32>], vector<16xf32>,
            %mul3A_131 = arith.mulf %gather3A_129, %gather3A_130 : vector<16xf32>
            %add3A_132 = arith.addf %add3A_126, %mul3A_131 : vector<16xf32>
            %broadcast_in_dim3A_133 = arith.constant 6 : i32
            %broadcast_in_dim3A_134 = vector.broadcast %broadcast_in_dim3A_133 : i32 to vector<16xi32>
            %gather3A_135 = tpu.vector_load_idx %arg15[%add3A_95, %broadcast_in_dim3A_134] : memref<64x128xf32, #tpu.memory_space<vmem>>[vector<16xi32>, vector<16xi32>], vector<16xf32>,
            %gather3A_136 = tpu.vector_load_idx %arg16[%add3A_95, %broadcast_in_dim3A_134] : memref<64x128xf32, #tpu.memory_space<vmem>>[vector<16xi32>, vector<16xi32>], vector<16xf32>,
            %mul3A_137 = arith.mulf %gather3A_135, %gather3A_136 : vector<16xf32>
            %add3A_138 = arith.addf %add3A_132, %mul3A_137 : vector<16xf32>
            %broadcast_in_dim3A_139 = arith.constant 7 : i32
            %broadcast_in_dim3A_140 = vector.broadcast %broadcast_in_dim3A_139 : i32 to vector<16xi32>
            %gather3A_141 = tpu.vector_load_idx %arg15[%add3A_95, %broadcast_in_dim3A_140] : memref<64x128xf32, #tpu.memory_space<vmem>>[vector<16xi32>, vector<16xi32>], vector<16xf32>,
            %gather3A_142 = tpu.vector_load_idx %arg16[%add3A_95, %broadcast_in_dim3A_140] : memref<64x128xf32, #tpu.memory_space<vmem>>[vector<16xi32>, vector<16xi32>], vector<16xf32>,
            %mul3A_143 = arith.mulf %gather3A_141, %gather3A_142 : vector<16xf32>
            %add3A_144 = arith.addf %add3A_138, %mul3A_143 : vector<16xf32>
            %broadcast_in_dim3A_145 = arith.constant 8 : i32
            %broadcast_in_dim3A_146 = vector.broadcast %broadcast_in_dim3A_145 : i32 to vector<16xi32>
            %gather3A_147 = tpu.vector_load_idx %arg15[%add3A_95, %broadcast_in_dim3A_146] : memref<64x128xf32, #tpu.memory_space<vmem>>[vector<16xi32>, vector<16xi32>], vector<16xf32>,
            %gather3A_148 = tpu.vector_load_idx %arg16[%add3A_95, %broadcast_in_dim3A_146] : memref<64x128xf32, #tpu.memory_space<vmem>>[vector<16xi32>, vector<16xi32>], vector<16xf32>,
            %mul3A_149 = arith.mulf %gather3A_147, %gather3A_148 : vector<16xf32>
            %add3A_150 = arith.addf %add3A_144, %mul3A_149 : vector<16xf32>
            %broadcast_in_dim3A_151 = arith.constant 9 : i32
            %broadcast_in_dim3A_152 = vector.broadcast %broadcast_in_dim3A_151 : i32 to vector<16xi32>
            %gather3A_153 = tpu.vector_load_idx %arg15[%add3A_95, %broadcast_in_dim3A_152] : memref<64x128xf32, #tpu.memory_space<vmem>>[vector<16xi32>, vector<16xi32>], vector<16xf32>,
            %gather3A_154 = tpu.vector_load_idx %arg16[%add3A_95, %broadcast_in_dim3A_152] : memref<64x128xf32, #tpu.memory_space<vmem>>[vector<16xi32>, vector<16xi32>], vector<16xf32>,
            %mul3A_155 = arith.mulf %gather3A_153, %gather3A_154 : vector<16xf32>
            %add3A_156 = arith.addf %add3A_150, %mul3A_155 : vector<16xf32>
            %broadcast_in_dim3A_157 = arith.constant 10 : i32
            %broadcast_in_dim3A_158 = vector.broadcast %broadcast_in_dim3A_157 : i32 to vector<16xi32>
            %gather3A_159 = tpu.vector_load_idx %arg15[%add3A_95, %broadcast_in_dim3A_158] : memref<64x128xf32, #tpu.memory_space<vmem>>[vector<16xi32>, vector<16xi32>], vector<16xf32>,
            %gather3A_160 = tpu.vector_load_idx %arg16[%add3A_95, %broadcast_in_dim3A_158] : memref<64x128xf32, #tpu.memory_space<vmem>>[vector<16xi32>, vector<16xi32>], vector<16xf32>,
            %mul3A_161 = arith.mulf %gather3A_159, %gather3A_160 : vector<16xf32>
            %add3A_162 = arith.addf %add3A_156, %mul3A_161 : vector<16xf32>
            %broadcast_in_dim3A_163 = arith.constant 11 : i32
            %broadcast_in_dim3A_164 = vector.broadcast %broadcast_in_dim3A_163 : i32 to vector<16xi32>
            %gather3A_165 = tpu.vector_load_idx %arg15[%add3A_95, %broadcast_in_dim3A_164] : memref<64x128xf32, #tpu.memory_space<vmem>>[vector<16xi32>, vector<16xi32>], vector<16xf32>,
            %gather3A_166 = tpu.vector_load_idx %arg16[%add3A_95, %broadcast_in_dim3A_164] : memref<64x128xf32, #tpu.memory_space<vmem>>[vector<16xi32>, vector<16xi32>], vector<16xf32>,
            %mul3A_167 = arith.mulf %gather3A_165, %gather3A_166 : vector<16xf32>
            %add3A_168 = arith.addf %add3A_162, %mul3A_167 : vector<16xf32>
            %broadcast_in_dim3A_169 = arith.constant 12 : i32
            %broadcast_in_dim3A_170 = vector.broadcast %broadcast_in_dim3A_169 : i32 to vector<16xi32>
            %gather3A_171 = tpu.vector_load_idx %arg15[%add3A_95, %broadcast_in_dim3A_170] : memref<64x128xf32, #tpu.memory_space<vmem>>[vector<16xi32>, vector<16xi32>], vector<16xf32>,
            %gather3A_172 = tpu.vector_load_idx %arg16[%add3A_95, %broadcast_in_dim3A_170] : memref<64x128xf32, #tpu.memory_space<vmem>>[vector<16xi32>, vector<16xi32>], vector<16xf32>,
            %mul3A_173 = arith.mulf %gather3A_171, %gather3A_172 : vector<16xf32>
            %add3A_174 = arith.addf %add3A_168, %mul3A_173 : vector<16xf32>
            %broadcast_in_dim3A_175 = arith.constant 13 : i32
            %broadcast_in_dim3A_176 = vector.broadcast %broadcast_in_dim3A_175 : i32 to vector<16xi32>
            %gather3A_177 = tpu.vector_load_idx %arg15[%add3A_95, %broadcast_in_dim3A_176] : memref<64x128xf32, #tpu.memory_space<vmem>>[vector<16xi32>, vector<16xi32>], vector<16xf32>,
            %gather3A_178 = tpu.vector_load_idx %arg16[%add3A_95, %broadcast_in_dim3A_176] : memref<64x128xf32, #tpu.memory_space<vmem>>[vector<16xi32>, vector<16xi32>], vector<16xf32>,
            %mul3A_179 = arith.mulf %gather3A_177, %gather3A_178 : vector<16xf32>
            %add3A_180 = arith.addf %add3A_174, %mul3A_179 : vector<16xf32>
            %broadcast_in_dim3A_181 = arith.constant 14 : i32
            %broadcast_in_dim3A_182 = vector.broadcast %broadcast_in_dim3A_181 : i32 to vector<16xi32>
            %gather3A_183 = tpu.vector_load_idx %arg15[%add3A_95, %broadcast_in_dim3A_182] : memref<64x128xf32, #tpu.memory_space<vmem>>[vector<16xi32>, vector<16xi32>], vector<16xf32>,
            %gather3A_184 = tpu.vector_load_idx %arg16[%add3A_95, %broadcast_in_dim3A_182] : memref<64x128xf32, #tpu.memory_space<vmem>>[vector<16xi32>, vector<16xi32>], vector<16xf32>,
            %mul3A_185 = arith.mulf %gather3A_183, %gather3A_184 : vector<16xf32>
            %add3A_186 = arith.addf %add3A_180, %mul3A_185 : vector<16xf32>
            %broadcast_in_dim3A_187 = arith.constant 15 : i32
            %broadcast_in_dim3A_188 = vector.broadcast %broadcast_in_dim3A_187 : i32 to vector<16xi32>
            %gather3A_189 = tpu.vector_load_idx %arg15[%add3A_95, %broadcast_in_dim3A_188] : memref<64x128xf32, #tpu.memory_space<vmem>>[vector<16xi32>, vector<16xi32>], vector<16xf32>,
            %gather3A_190 = tpu.vector_load_idx %arg16[%add3A_95, %broadcast_in_dim3A_188] : memref<64x128xf32, #tpu.memory_space<vmem>>[vector<16xi32>, vector<16xi32>], vector<16xf32>,
            %mul3A_191 = arith.mulf %gather3A_189, %gather3A_190 : vector<16xf32>
            %add3A_192 = arith.addf %add3A_186, %mul3A_191 : vector<16xf32>
            %broadcast_in_dim3A_193 = arith.constant 16 : i32
            %broadcast_in_dim3A_194 = vector.broadcast %broadcast_in_dim3A_193 : i32 to vector<16xi32>
            %gather3A_195 = tpu.vector_load_idx %arg15[%add3A_95, %broadcast_in_dim3A_194] : memref<64x128xf32, #tpu.memory_space<vmem>>[vector<16xi32>, vector<16xi32>], vector<16xf32>,
            %gather3A_196 = tpu.vector_load_idx %arg16[%add3A_95, %broadcast_in_dim3A_194] : memref<64x128xf32, #tpu.memory_space<vmem>>[vector<16xi32>, vector<16xi32>], vector<16xf32>,
            %mul3A_197 = arith.mulf %gather3A_195, %gather3A_196 : vector<16xf32>
            %add3A_198 = arith.addf %add3A_192, %mul3A_197 : vector<16xf32>
            %broadcast_in_dim3A_199 = arith.constant 17 : i32
            %broadcast_in_dim3A_200 = vector.broadcast %broadcast_in_dim3A_199 : i32 to vector<16xi32>
            %gather3A_201 = tpu.vector_load_idx %arg15[%add3A_95, %broadcast_in_dim3A_200] : memref<64x128xf32, #tpu.memory_space<vmem>>[vector<16xi32>, vector<16xi32>], vector<16xf32>,
            %gather3A_202 = tpu.vector_load_idx %arg16[%add3A_95, %broadcast_in_dim3A_200] : memref<64x128xf32, #tpu.memory_space<vmem>>[vector<16xi32>, vector<16xi32>], vector<16xf32>,
            %mul3A_203 = arith.mulf %gather3A_201, %gather3A_202 : vector<16xf32>
            %add3A_204 = arith.addf %add3A_198, %mul3A_203 : vector<16xf32>
            %broadcast_in_dim3A_205 = arith.constant 18 : i32
            %broadcast_in_dim3A_206 = vector.broadcast %broadcast_in_dim3A_205 : i32 to vector<16xi32>
            %gather3A_207 = tpu.vector_load_idx %arg15[%add3A_95, %broadcast_in_dim3A_206] : memref<64x128xf32, #tpu.memory_space<vmem>>[vector<16xi32>, vector<16xi32>], vector<16xf32>,
            %gather3A_208 = tpu.vector_load_idx %arg16[%add3A_95, %broadcast_in_dim3A_206] : memref<64x128xf32, #tpu.memory_space<vmem>>[vector<16xi32>, vector<16xi32>], vector<16xf32>,
            %mul3A_209 = arith.mulf %gather3A_207, %gather3A_208 : vector<16xf32>
            %add3A_210 = arith.addf %add3A_204, %mul3A_209 : vector<16xf32>
            %broadcast_in_dim3A_211 = arith.constant 19 : i32
            %broadcast_in_dim3A_212 = vector.broadcast %broadcast_in_dim3A_211 : i32 to vector<16xi32>
            %gather3A_213 = tpu.vector_load_idx %arg15[%add3A_95, %broadcast_in_dim3A_212] : memref<64x128xf32, #tpu.memory_space<vmem>>[vector<16xi32>, vector<16xi32>], vector<16xf32>,
            %gather3A_214 = tpu.vector_load_idx %arg16[%add3A_95, %broadcast_in_dim3A_212] : memref<64x128xf32, #tpu.memory_space<vmem>>[vector<16xi32>, vector<16xi32>], vector<16xf32>,
            %mul3A_215 = arith.mulf %gather3A_213, %gather3A_214 : vector<16xf32>
            %add3A_216 = arith.addf %add3A_210, %mul3A_215 : vector<16xf32>
            %broadcast_in_dim3A_217 = arith.constant 20 : i32
            %broadcast_in_dim3A_218 = vector.broadcast %broadcast_in_dim3A_217 : i32 to vector<16xi32>
            %gather3A_219 = tpu.vector_load_idx %arg15[%add3A_95, %broadcast_in_dim3A_218] : memref<64x128xf32, #tpu.memory_space<vmem>>[vector<16xi32>, vector<16xi32>], vector<16xf32>,
            %gather3A_220 = tpu.vector_load_idx %arg16[%add3A_95, %broadcast_in_dim3A_218] : memref<64x128xf32, #tpu.memory_space<vmem>>[vector<16xi32>, vector<16xi32>], vector<16xf32>,
            %mul3A_221 = arith.mulf %gather3A_219, %gather3A_220 : vector<16xf32>
            %add3A_222 = arith.addf %add3A_216, %mul3A_221 : vector<16xf32>
            %broadcast_in_dim3A_223 = arith.constant 21 : i32
            %broadcast_in_dim3A_224 = vector.broadcast %broadcast_in_dim3A_223 : i32 to vector<16xi32>
            %gather3A_225 = tpu.vector_load_idx %arg15[%add3A_95, %broadcast_in_dim3A_224] : memref<64x128xf32, #tpu.memory_space<vmem>>[vector<16xi32>, vector<16xi32>], vector<16xf32>,
            %gather3A_226 = tpu.vector_load_idx %arg16[%add3A_95, %broadcast_in_dim3A_224] : memref<64x128xf32, #tpu.memory_space<vmem>>[vector<16xi32>, vector<16xi32>], vector<16xf32>,
            %mul3A_227 = arith.mulf %gather3A_225, %gather3A_226 : vector<16xf32>
            %add3A_228 = arith.addf %add3A_222, %mul3A_227 : vector<16xf32>
            %broadcast_in_dim3A_229 = arith.constant 22 : i32
            %broadcast_in_dim3A_230 = vector.broadcast %broadcast_in_dim3A_229 : i32 to vector<16xi32>
            %gather3A_231 = tpu.vector_load_idx %arg15[%add3A_95, %broadcast_in_dim3A_230] : memref<64x128xf32, #tpu.memory_space<vmem>>[vector<16xi32>, vector<16xi32>], vector<16xf32>,
            %gather3A_232 = tpu.vector_load_idx %arg16[%add3A_95, %broadcast_in_dim3A_230] : memref<64x128xf32, #tpu.memory_space<vmem>>[vector<16xi32>, vector<16xi32>], vector<16xf32>,
            %mul3A_233 = arith.mulf %gather3A_231, %gather3A_232 : vector<16xf32>
            %add3A_234 = arith.addf %add3A_228, %mul3A_233 : vector<16xf32>
            %broadcast_in_dim3A_235 = arith.constant 23 : i32
            %broadcast_in_dim3A_236 = vector.broadcast %broadcast_in_dim3A_235 : i32 to vector<16xi32>
            %gather3A_237 = tpu.vector_load_idx %arg15[%add3A_95, %broadcast_in_dim3A_236] : memref<64x128xf32, #tpu.memory_space<vmem>>[vector<16xi32>, vector<16xi32>], vector<16xf32>,
            %gather3A_238 = tpu.vector_load_idx %arg16[%add3A_95, %broadcast_in_dim3A_236] : memref<64x128xf32, #tpu.memory_space<vmem>>[vector<16xi32>, vector<16xi32>], vector<16xf32>,
            %mul3A_239 = arith.mulf %gather3A_237, %gather3A_238 : vector<16xf32>
            %add3A_240 = arith.addf %add3A_234, %mul3A_239 : vector<16xf32>
            %broadcast_in_dim3A_241 = arith.constant 24 : i32
            %broadcast_in_dim3A_242 = vector.broadcast %broadcast_in_dim3A_241 : i32 to vector<16xi32>
            %gather3A_243 = tpu.vector_load_idx %arg15[%add3A_95, %broadcast_in_dim3A_242] : memref<64x128xf32, #tpu.memory_space<vmem>>[vector<16xi32>, vector<16xi32>], vector<16xf32>,
            %gather3A_244 = tpu.vector_load_idx %arg16[%add3A_95, %broadcast_in_dim3A_242] : memref<64x128xf32, #tpu.memory_space<vmem>>[vector<16xi32>, vector<16xi32>], vector<16xf32>,
            %mul3A_245 = arith.mulf %gather3A_243, %gather3A_244 : vector<16xf32>
            %add3A_246 = arith.addf %add3A_240, %mul3A_245 : vector<16xf32>
            %broadcast_in_dim3A_247 = arith.constant 25 : i32
            %broadcast_in_dim3A_248 = vector.broadcast %broadcast_in_dim3A_247 : i32 to vector<16xi32>
            %gather3A_249 = tpu.vector_load_idx %arg15[%add3A_95, %broadcast_in_dim3A_248] : memref<64x128xf32, #tpu.memory_space<vmem>>[vector<16xi32>, vector<16xi32>], vector<16xf32>,
            %gather3A_250 = tpu.vector_load_idx %arg16[%add3A_95, %broadcast_in_dim3A_248] : memref<64x128xf32, #tpu.memory_space<vmem>>[vector<16xi32>, vector<16xi32>], vector<16xf32>,
            %mul3A_251 = arith.mulf %gather3A_249, %gather3A_250 : vector<16xf32>
            %add3A_252 = arith.addf %add3A_246, %mul3A_251 : vector<16xf32>
            %broadcast_in_dim3A_253 = arith.constant 26 : i32
            %broadcast_in_dim3A_254 = vector.broadcast %broadcast_in_dim3A_253 : i32 to vector<16xi32>
            %gather3A_255 = tpu.vector_load_idx %arg15[%add3A_95, %broadcast_in_dim3A_254] : memref<64x128xf32, #tpu.memory_space<vmem>>[vector<16xi32>, vector<16xi32>], vector<16xf32>,
            %gather3A_256 = tpu.vector_load_idx %arg16[%add3A_95, %broadcast_in_dim3A_254] : memref<64x128xf32, #tpu.memory_space<vmem>>[vector<16xi32>, vector<16xi32>], vector<16xf32>,
            %mul3A_257 = arith.mulf %gather3A_255, %gather3A_256 : vector<16xf32>
            %add3A_258 = arith.addf %add3A_252, %mul3A_257 : vector<16xf32>
            %broadcast_in_dim3A_259 = arith.constant 27 : i32
            %broadcast_in_dim3A_260 = vector.broadcast %broadcast_in_dim3A_259 : i32 to vector<16xi32>
            %gather3A_261 = tpu.vector_load_idx %arg15[%add3A_95, %broadcast_in_dim3A_260] : memref<64x128xf32, #tpu.memory_space<vmem>>[vector<16xi32>, vector<16xi32>], vector<16xf32>,
            %gather3A_262 = tpu.vector_load_idx %arg16[%add3A_95, %broadcast_in_dim3A_260] : memref<64x128xf32, #tpu.memory_space<vmem>>[vector<16xi32>, vector<16xi32>], vector<16xf32>,
            %mul3A_263 = arith.mulf %gather3A_261, %gather3A_262 : vector<16xf32>
            %add3A_264 = arith.addf %add3A_258, %mul3A_263 : vector<16xf32>
            %broadcast_in_dim3A_265 = arith.constant 28 : i32
            %broadcast_in_dim3A_266 = vector.broadcast %broadcast_in_dim3A_265 : i32 to vector<16xi32>
            %gather3A_267 = tpu.vector_load_idx %arg15[%add3A_95, %broadcast_in_dim3A_266] : memref<64x128xf32, #tpu.memory_space<vmem>>[vector<16xi32>, vector<16xi32>], vector<16xf32>,
            %gather3A_268 = tpu.vector_load_idx %arg16[%add3A_95, %broadcast_in_dim3A_266] : memref<64x128xf32, #tpu.memory_space<vmem>>[vector<16xi32>, vector<16xi32>], vector<16xf32>,
            %mul3A_269 = arith.mulf %gather3A_267, %gather3A_268 : vector<16xf32>
            %add3A_270 = arith.addf %add3A_264, %mul3A_269 : vector<16xf32>
            %broadcast_in_dim3A_271 = arith.constant 29 : i32
            %broadcast_in_dim3A_272 = vector.broadcast %broadcast_in_dim3A_271 : i32 to vector<16xi32>
            %gather3A_273 = tpu.vector_load_idx %arg15[%add3A_95, %broadcast_in_dim3A_272] : memref<64x128xf32, #tpu.memory_space<vmem>>[vector<16xi32>, vector<16xi32>], vector<16xf32>,
            %gather3A_274 = tpu.vector_load_idx %arg16[%add3A_95, %broadcast_in_dim3A_272] : memref<64x128xf32, #tpu.memory_space<vmem>>[vector<16xi32>, vector<16xi32>], vector<16xf32>,
            %mul3A_275 = arith.mulf %gather3A_273, %gather3A_274 : vector<16xf32>
            %add3A_276 = arith.addf %add3A_270, %mul3A_275 : vector<16xf32>
            %broadcast_in_dim3A_277 = arith.constant 30 : i32
            %broadcast_in_dim3A_278 = vector.broadcast %broadcast_in_dim3A_277 : i32 to vector<16xi32>
            %gather3A_279 = tpu.vector_load_idx %arg15[%add3A_95, %broadcast_in_dim3A_278] : memref<64x128xf32, #tpu.memory_space<vmem>>[vector<16xi32>, vector<16xi32>], vector<16xf32>,
            %gather3A_280 = tpu.vector_load_idx %arg16[%add3A_95, %broadcast_in_dim3A_278] : memref<64x128xf32, #tpu.memory_space<vmem>>[vector<16xi32>, vector<16xi32>], vector<16xf32>,
            %mul3A_281 = arith.mulf %gather3A_279, %gather3A_280 : vector<16xf32>
            %add3A_282 = arith.addf %add3A_276, %mul3A_281 : vector<16xf32>
            %broadcast_in_dim3A_283 = arith.constant 31 : i32
            %broadcast_in_dim3A_284 = vector.broadcast %broadcast_in_dim3A_283 : i32 to vector<16xi32>
            %gather3A_285 = tpu.vector_load_idx %arg15[%add3A_95, %broadcast_in_dim3A_284] : memref<64x128xf32, #tpu.memory_space<vmem>>[vector<16xi32>, vector<16xi32>], vector<16xf32>,
            %gather3A_286 = tpu.vector_load_idx %arg16[%add3A_95, %broadcast_in_dim3A_284] : memref<64x128xf32, #tpu.memory_space<vmem>>[vector<16xi32>, vector<16xi32>], vector<16xf32>,
            %mul3A_287 = arith.mulf %gather3A_285, %gather3A_286 : vector<16xf32>
            %add3A_288 = arith.addf %add3A_282, %mul3A_287 : vector<16xf32>
            %broadcast_in_dim3A_289 = arith.constant 32 : i32
            %broadcast_in_dim3A_290 = vector.broadcast %broadcast_in_dim3A_289 : i32 to vector<16xi32>
            %gather3A_291 = tpu.vector_load_idx %arg15[%add3A_95, %broadcast_in_dim3A_290] : memref<64x128xf32, #tpu.memory_space<vmem>>[vector<16xi32>, vector<16xi32>], vector<16xf32>,
            %gather3A_292 = tpu.vector_load_idx %arg16[%add3A_95, %broadcast_in_dim3A_290] : memref<64x128xf32, #tpu.memory_space<vmem>>[vector<16xi32>, vector<16xi32>], vector<16xf32>,
            %mul3A_293 = arith.mulf %gather3A_291, %gather3A_292 : vector<16xf32>
            %add3A_294 = arith.addf %add3A_288, %mul3A_293 : vector<16xf32>
            %broadcast_in_dim3A_295 = arith.constant 33 : i32
            %broadcast_in_dim3A_296 = vector.broadcast %broadcast_in_dim3A_295 : i32 to vector<16xi32>
            %gather3A_297 = tpu.vector_load_idx %arg15[%add3A_95, %broadcast_in_dim3A_296] : memref<64x128xf32, #tpu.memory_space<vmem>>[vector<16xi32>, vector<16xi32>], vector<16xf32>,
            %gather3A_298 = tpu.vector_load_idx %arg16[%add3A_95, %broadcast_in_dim3A_296] : memref<64x128xf32, #tpu.memory_space<vmem>>[vector<16xi32>, vector<16xi32>], vector<16xf32>,
            %mul3A_299 = arith.mulf %gather3A_297, %gather3A_298 : vector<16xf32>
            %add3A_300 = arith.addf %add3A_294, %mul3A_299 : vector<16xf32>
            %broadcast_in_dim3A_301 = arith.constant 34 : i32
            %broadcast_in_dim3A_302 = vector.broadcast %broadcast_in_dim3A_301 : i32 to vector<16xi32>
            %gather3A_303 = tpu.vector_load_idx %arg15[%add3A_95, %broadcast_in_dim3A_302] : memref<64x128xf32, #tpu.memory_space<vmem>>[vector<16xi32>, vector<16xi32>], vector<16xf32>,
            %gather3A_304 = tpu.vector_load_idx %arg16[%add3A_95, %broadcast_in_dim3A_302] : memref<64x128xf32, #tpu.memory_space<vmem>>[vector<16xi32>, vector<16xi32>], vector<16xf32>,
            %mul3A_305 = arith.mulf %gather3A_303, %gather3A_304 : vector<16xf32>
            %add3A_306 = arith.addf %add3A_300, %mul3A_305 : vector<16xf32>
            %broadcast_in_dim3A_307 = arith.constant 35 : i32
            %broadcast_in_dim3A_308 = vector.broadcast %broadcast_in_dim3A_307 : i32 to vector<16xi32>
            %gather3A_309 = tpu.vector_load_idx %arg15[%add3A_95, %broadcast_in_dim3A_308] : memref<64x128xf32, #tpu.memory_space<vmem>>[vector<16xi32>, vector<16xi32>], vector<16xf32>,
            %gather3A_310 = tpu.vector_load_idx %arg16[%add3A_95, %broadcast_in_dim3A_308] : memref<64x128xf32, #tpu.memory_space<vmem>>[vector<16xi32>, vector<16xi32>], vector<16xf32>,
            %mul3A_311 = arith.mulf %gather3A_309, %gather3A_310 : vector<16xf32>
            %add3A_312 = arith.addf %add3A_306, %mul3A_311 : vector<16xf32>
            %broadcast_in_dim3A_313 = arith.constant 36 : i32
            %broadcast_in_dim3A_314 = vector.broadcast %broadcast_in_dim3A_313 : i32 to vector<16xi32>
            %gather3A_315 = tpu.vector_load_idx %arg15[%add3A_95, %broadcast_in_dim3A_314] : memref<64x128xf32, #tpu.memory_space<vmem>>[vector<16xi32>, vector<16xi32>], vector<16xf32>,
            %gather3A_316 = tpu.vector_load_idx %arg16[%add3A_95, %broadcast_in_dim3A_314] : memref<64x128xf32, #tpu.memory_space<vmem>>[vector<16xi32>, vector<16xi32>], vector<16xf32>,
            %mul3A_317 = arith.mulf %gather3A_315, %gather3A_316 : vector<16xf32>
            %add3A_318 = arith.addf %add3A_312, %mul3A_317 : vector<16xf32>
            %broadcast_in_dim3A_319 = arith.constant 37 : i32
            %broadcast_in_dim3A_320 = vector.broadcast %broadcast_in_dim3A_319 : i32 to vector<16xi32>
            %gather3A_321 = tpu.vector_load_idx %arg15[%add3A_95, %broadcast_in_dim3A_320] : memref<64x128xf32, #tpu.memory_space<vmem>>[vector<16xi32>, vector<16xi32>], vector<16xf32>,
            %gather3A_322 = tpu.vector_load_idx %arg16[%add3A_95, %broadcast_in_dim3A_320] : memref<64x128xf32, #tpu.memory_space<vmem>>[vector<16xi32>, vector<16xi32>], vector<16xf32>,
            %mul3A_323 = arith.mulf %gather3A_321, %gather3A_322 : vector<16xf32>
            %add3A_324 = arith.addf %add3A_318, %mul3A_323 : vector<16xf32>
            %broadcast_in_dim3A_325 = arith.constant 38 : i32
            %broadcast_in_dim3A_326 = vector.broadcast %broadcast_in_dim3A_325 : i32 to vector<16xi32>
            %gather3A_327 = tpu.vector_load_idx %arg15[%add3A_95, %broadcast_in_dim3A_326] : memref<64x128xf32, #tpu.memory_space<vmem>>[vector<16xi32>, vector<16xi32>], vector<16xf32>,
            %gather3A_328 = tpu.vector_load_idx %arg16[%add3A_95, %broadcast_in_dim3A_326] : memref<64x128xf32, #tpu.memory_space<vmem>>[vector<16xi32>, vector<16xi32>], vector<16xf32>,
            %mul3A_329 = arith.mulf %gather3A_327, %gather3A_328 : vector<16xf32>
            %add3A_330 = arith.addf %add3A_324, %mul3A_329 : vector<16xf32>
            %broadcast_in_dim3A_331 = arith.constant 39 : i32
            %broadcast_in_dim3A_332 = vector.broadcast %broadcast_in_dim3A_331 : i32 to vector<16xi32>
            %gather3A_333 = tpu.vector_load_idx %arg15[%add3A_95, %broadcast_in_dim3A_332] : memref<64x128xf32, #tpu.memory_space<vmem>>[vector<16xi32>, vector<16xi32>], vector<16xf32>,
            %gather3A_334 = tpu.vector_load_idx %arg16[%add3A_95, %broadcast_in_dim3A_332] : memref<64x128xf32, #tpu.memory_space<vmem>>[vector<16xi32>, vector<16xi32>], vector<16xf32>,
            %mul3A_335 = arith.mulf %gather3A_333, %gather3A_334 : vector<16xf32>
            %add3A_336 = arith.addf %add3A_330, %mul3A_335 : vector<16xf32>
            %broadcast_in_dim3A_337 = arith.constant 40 : i32
            %broadcast_in_dim3A_338 = vector.broadcast %broadcast_in_dim3A_337 : i32 to vector<16xi32>
            %gather3A_339 = tpu.vector_load_idx %arg15[%add3A_95, %broadcast_in_dim3A_338] : memref<64x128xf32, #tpu.memory_space<vmem>>[vector<16xi32>, vector<16xi32>], vector<16xf32>,
            %gather3A_340 = tpu.vector_load_idx %arg16[%add3A_95, %broadcast_in_dim3A_338] : memref<64x128xf32, #tpu.memory_space<vmem>>[vector<16xi32>, vector<16xi32>], vector<16xf32>,
            %mul3A_341 = arith.mulf %gather3A_339, %gather3A_340 : vector<16xf32>
            %add3A_342 = arith.addf %add3A_336, %mul3A_341 : vector<16xf32>
            %broadcast_in_dim3A_343 = arith.constant 41 : i32
            %broadcast_in_dim3A_344 = vector.broadcast %broadcast_in_dim3A_343 : i32 to vector<16xi32>
            %gather3A_345 = tpu.vector_load_idx %arg15[%add3A_95, %broadcast_in_dim3A_344] : memref<64x128xf32, #tpu.memory_space<vmem>>[vector<16xi32>, vector<16xi32>], vector<16xf32>,
            %gather3A_346 = tpu.vector_load_idx %arg16[%add3A_95, %broadcast_in_dim3A_344] : memref<64x128xf32, #tpu.memory_space<vmem>>[vector<16xi32>, vector<16xi32>], vector<16xf32>,
            %mul3A_347 = arith.mulf %gather3A_345, %gather3A_346 : vector<16xf32>
            %add3A_348 = arith.addf %add3A_342, %mul3A_347 : vector<16xf32>
            %broadcast_in_dim3A_349 = arith.constant 42 : i32
            %broadcast_in_dim3A_350 = vector.broadcast %broadcast_in_dim3A_349 : i32 to vector<16xi32>
            %gather3A_351 = tpu.vector_load_idx %arg15[%add3A_95, %broadcast_in_dim3A_350] : memref<64x128xf32, #tpu.memory_space<vmem>>[vector<16xi32>, vector<16xi32>], vector<16xf32>,
            %gather3A_352 = tpu.vector_load_idx %arg16[%add3A_95, %broadcast_in_dim3A_350] : memref<64x128xf32, #tpu.memory_space<vmem>>[vector<16xi32>, vector<16xi32>], vector<16xf32>,
            %mul3A_353 = arith.mulf %gather3A_351, %gather3A_352 : vector<16xf32>
            %add3A_354 = arith.addf %add3A_348, %mul3A_353 : vector<16xf32>
            %broadcast_in_dim3A_355 = arith.constant 43 : i32
            %broadcast_in_dim3A_356 = vector.broadcast %broadcast_in_dim3A_355 : i32 to vector<16xi32>
            %gather3A_357 = tpu.vector_load_idx %arg15[%add3A_95, %broadcast_in_dim3A_356] : memref<64x128xf32, #tpu.memory_space<vmem>>[vector<16xi32>, vector<16xi32>], vector<16xf32>,
            %gather3A_358 = tpu.vector_load_idx %arg16[%add3A_95, %broadcast_in_dim3A_356] : memref<64x128xf32, #tpu.memory_space<vmem>>[vector<16xi32>, vector<16xi32>], vector<16xf32>,
            %mul3A_359 = arith.mulf %gather3A_357, %gather3A_358 : vector<16xf32>
            %add3A_360 = arith.addf %add3A_354, %mul3A_359 : vector<16xf32>
            %broadcast_in_dim3A_361 = arith.constant 44 : i32
            %broadcast_in_dim3A_362 = vector.broadcast %broadcast_in_dim3A_361 : i32 to vector<16xi32>
            %gather3A_363 = tpu.vector_load_idx %arg15[%add3A_95, %broadcast_in_dim3A_362] : memref<64x128xf32, #tpu.memory_space<vmem>>[vector<16xi32>, vector<16xi32>], vector<16xf32>,
            %gather3A_364 = tpu.vector_load_idx %arg16[%add3A_95, %broadcast_in_dim3A_362] : memref<64x128xf32, #tpu.memory_space<vmem>>[vector<16xi32>, vector<16xi32>], vector<16xf32>,
            %mul3A_365 = arith.mulf %gather3A_363, %gather3A_364 : vector<16xf32>
            %add3A_366 = arith.addf %add3A_360, %mul3A_365 : vector<16xf32>
            %broadcast_in_dim3A_367 = arith.constant 45 : i32
            %broadcast_in_dim3A_368 = vector.broadcast %broadcast_in_dim3A_367 : i32 to vector<16xi32>
            %gather3A_369 = tpu.vector_load_idx %arg15[%add3A_95, %broadcast_in_dim3A_368] : memref<64x128xf32, #tpu.memory_space<vmem>>[vector<16xi32>, vector<16xi32>], vector<16xf32>,
            %gather3A_370 = tpu.vector_load_idx %arg16[%add3A_95, %broadcast_in_dim3A_368] : memref<64x128xf32, #tpu.memory_space<vmem>>[vector<16xi32>, vector<16xi32>], vector<16xf32>,
            %mul3A_371 = arith.mulf %gather3A_369, %gather3A_370 : vector<16xf32>
            %add3A_372 = arith.addf %add3A_366, %mul3A_371 : vector<16xf32>
            %broadcast_in_dim3A_373 = arith.constant 46 : i32
            %broadcast_in_dim3A_374 = vector.broadcast %broadcast_in_dim3A_373 : i32 to vector<16xi32>
            %gather3A_375 = tpu.vector_load_idx %arg15[%add3A_95, %broadcast_in_dim3A_374] : memref<64x128xf32, #tpu.memory_space<vmem>>[vector<16xi32>, vector<16xi32>], vector<16xf32>,
            %gather3A_376 = tpu.vector_load_idx %arg16[%add3A_95, %broadcast_in_dim3A_374] : memref<64x128xf32, #tpu.memory_space<vmem>>[vector<16xi32>, vector<16xi32>], vector<16xf32>,
            %mul3A_377 = arith.mulf %gather3A_375, %gather3A_376 : vector<16xf32>
            %add3A_378 = arith.addf %add3A_372, %mul3A_377 : vector<16xf32>
            %broadcast_in_dim3A_379 = arith.constant 47 : i32
            %broadcast_in_dim3A_380 = vector.broadcast %broadcast_in_dim3A_379 : i32 to vector<16xi32>
            %gather3A_381 = tpu.vector_load_idx %arg15[%add3A_95, %broadcast_in_dim3A_380] : memref<64x128xf32, #tpu.memory_space<vmem>>[vector<16xi32>, vector<16xi32>], vector<16xf32>,
            %gather3A_382 = tpu.vector_load_idx %arg16[%add3A_95, %broadcast_in_dim3A_380] : memref<64x128xf32, #tpu.memory_space<vmem>>[vector<16xi32>, vector<16xi32>], vector<16xf32>,
            %mul3A_383 = arith.mulf %gather3A_381, %gather3A_382 : vector<16xf32>
            %add3A_384 = arith.addf %add3A_378, %mul3A_383 : vector<16xf32>
            %broadcast_in_dim3A_385 = arith.constant 48 : i32
            %broadcast_in_dim3A_386 = vector.broadcast %broadcast_in_dim3A_385 : i32 to vector<16xi32>
            %gather3A_387 = tpu.vector_load_idx %arg15[%add3A_95, %broadcast_in_dim3A_386] : memref<64x128xf32, #tpu.memory_space<vmem>>[vector<16xi32>, vector<16xi32>], vector<16xf32>,
            %gather3A_388 = tpu.vector_load_idx %arg16[%add3A_95, %broadcast_in_dim3A_386] : memref<64x128xf32, #tpu.memory_space<vmem>>[vector<16xi32>, vector<16xi32>], vector<16xf32>,
            %mul3A_389 = arith.mulf %gather3A_387, %gather3A_388 : vector<16xf32>
            %add3A_390 = arith.addf %add3A_384, %mul3A_389 : vector<16xf32>
            %broadcast_in_dim3A_391 = arith.constant 49 : i32
            %broadcast_in_dim3A_392 = vector.broadcast %broadcast_in_dim3A_391 : i32 to vector<16xi32>
            %gather3A_393 = tpu.vector_load_idx %arg15[%add3A_95, %broadcast_in_dim3A_392] : memref<64x128xf32, #tpu.memory_space<vmem>>[vector<16xi32>, vector<16xi32>], vector<16xf32>,
            %gather3A_394 = tpu.vector_load_idx %arg16[%add3A_95, %broadcast_in_dim3A_392] : memref<64x128xf32, #tpu.memory_space<vmem>>[vector<16xi32>, vector<16xi32>], vector<16xf32>,
            %mul3A_395 = arith.mulf %gather3A_393, %gather3A_394 : vector<16xf32>
            %add3A_396 = arith.addf %add3A_390, %mul3A_395 : vector<16xf32>
            %broadcast_in_dim3A_397 = arith.constant 50 : i32
            %broadcast_in_dim3A_398 = vector.broadcast %broadcast_in_dim3A_397 : i32 to vector<16xi32>
            %gather3A_399 = tpu.vector_load_idx %arg15[%add3A_95, %broadcast_in_dim3A_398] : memref<64x128xf32, #tpu.memory_space<vmem>>[vector<16xi32>, vector<16xi32>], vector<16xf32>,
            %gather3A_400 = tpu.vector_load_idx %arg16[%add3A_95, %broadcast_in_dim3A_398] : memref<64x128xf32, #tpu.memory_space<vmem>>[vector<16xi32>, vector<16xi32>], vector<16xf32>,
            %mul3A_401 = arith.mulf %gather3A_399, %gather3A_400 : vector<16xf32>
            %add3A_402 = arith.addf %add3A_396, %mul3A_401 : vector<16xf32>
            %broadcast_in_dim3A_403 = arith.constant 51 : i32
            %broadcast_in_dim3A_404 = vector.broadcast %broadcast_in_dim3A_403 : i32 to vector<16xi32>
            %gather3A_405 = tpu.vector_load_idx %arg15[%add3A_95, %broadcast_in_dim3A_404] : memref<64x128xf32, #tpu.memory_space<vmem>>[vector<16xi32>, vector<16xi32>], vector<16xf32>,
            %gather3A_406 = tpu.vector_load_idx %arg16[%add3A_95, %broadcast_in_dim3A_404] : memref<64x128xf32, #tpu.memory_space<vmem>>[vector<16xi32>, vector<16xi32>], vector<16xf32>,
            %mul3A_407 = arith.mulf %gather3A_405, %gather3A_406 : vector<16xf32>
            %add3A_408 = arith.addf %add3A_402, %mul3A_407 : vector<16xf32>
            %broadcast_in_dim3A_409 = arith.constant 52 : i32
            %broadcast_in_dim3A_410 = vector.broadcast %broadcast_in_dim3A_409 : i32 to vector<16xi32>
            %gather3A_411 = tpu.vector_load_idx %arg15[%add3A_95, %broadcast_in_dim3A_410] : memref<64x128xf32, #tpu.memory_space<vmem>>[vector<16xi32>, vector<16xi32>], vector<16xf32>,
            %gather3A_412 = tpu.vector_load_idx %arg16[%add3A_95, %broadcast_in_dim3A_410] : memref<64x128xf32, #tpu.memory_space<vmem>>[vector<16xi32>, vector<16xi32>], vector<16xf32>,
            %mul3A_413 = arith.mulf %gather3A_411, %gather3A_412 : vector<16xf32>
            %add3A_414 = arith.addf %add3A_408, %mul3A_413 : vector<16xf32>
            %broadcast_in_dim3A_415 = arith.constant 53 : i32
            %broadcast_in_dim3A_416 = vector.broadcast %broadcast_in_dim3A_415 : i32 to vector<16xi32>
            %gather3A_417 = tpu.vector_load_idx %arg15[%add3A_95, %broadcast_in_dim3A_416] : memref<64x128xf32, #tpu.memory_space<vmem>>[vector<16xi32>, vector<16xi32>], vector<16xf32>,
            %gather3A_418 = tpu.vector_load_idx %arg16[%add3A_95, %broadcast_in_dim3A_416] : memref<64x128xf32, #tpu.memory_space<vmem>>[vector<16xi32>, vector<16xi32>], vector<16xf32>,
            %mul3A_419 = arith.mulf %gather3A_417, %gather3A_418 : vector<16xf32>
            %add3A_420 = arith.addf %add3A_414, %mul3A_419 : vector<16xf32>
            %broadcast_in_dim3A_421 = arith.constant 54 : i32
            %broadcast_in_dim3A_422 = vector.broadcast %broadcast_in_dim3A_421 : i32 to vector<16xi32>
            %gather3A_423 = tpu.vector_load_idx %arg15[%add3A_95, %broadcast_in_dim3A_422] : memref<64x128xf32, #tpu.memory_space<vmem>>[vector<16xi32>, vector<16xi32>], vector<16xf32>,
            %gather3A_424 = tpu.vector_load_idx %arg16[%add3A_95, %broadcast_in_dim3A_422] : memref<64x128xf32, #tpu.memory_space<vmem>>[vector<16xi32>, vector<16xi32>], vector<16xf32>,
            %mul3A_425 = arith.mulf %gather3A_423, %gather3A_424 : vector<16xf32>
            %add3A_426 = arith.addf %add3A_420, %mul3A_425 : vector<16xf32>
            %broadcast_in_dim3A_427 = arith.constant 55 : i32
            %broadcast_in_dim3A_428 = vector.broadcast %broadcast_in_dim3A_427 : i32 to vector<16xi32>
            %gather3A_429 = tpu.vector_load_idx %arg15[%add3A_95, %broadcast_in_dim3A_428] : memref<64x128xf32, #tpu.memory_space<vmem>>[vector<16xi32>, vector<16xi32>], vector<16xf32>,
            %gather3A_430 = tpu.vector_load_idx %arg16[%add3A_95, %broadcast_in_dim3A_428] : memref<64x128xf32, #tpu.memory_space<vmem>>[vector<16xi32>, vector<16xi32>], vector<16xf32>,
            %mul3A_431 = arith.mulf %gather3A_429, %gather3A_430 : vector<16xf32>
            %add3A_432 = arith.addf %add3A_426, %mul3A_431 : vector<16xf32>
            %broadcast_in_dim3A_433 = arith.constant 56 : i32
            %broadcast_in_dim3A_434 = vector.broadcast %broadcast_in_dim3A_433 : i32 to vector<16xi32>
            %gather3A_435 = tpu.vector_load_idx %arg15[%add3A_95, %broadcast_in_dim3A_434] : memref<64x128xf32, #tpu.memory_space<vmem>>[vector<16xi32>, vector<16xi32>], vector<16xf32>,
            %gather3A_436 = tpu.vector_load_idx %arg16[%add3A_95, %broadcast_in_dim3A_434] : memref<64x128xf32, #tpu.memory_space<vmem>>[vector<16xi32>, vector<16xi32>], vector<16xf32>,
            %mul3A_437 = arith.mulf %gather3A_435, %gather3A_436 : vector<16xf32>
            %add3A_438 = arith.addf %add3A_432, %mul3A_437 : vector<16xf32>
            %broadcast_in_dim3A_439 = arith.constant 57 : i32
            %broadcast_in_dim3A_440 = vector.broadcast %broadcast_in_dim3A_439 : i32 to vector<16xi32>
            %gather3A_441 = tpu.vector_load_idx %arg15[%add3A_95, %broadcast_in_dim3A_440] : memref<64x128xf32, #tpu.memory_space<vmem>>[vector<16xi32>, vector<16xi32>], vector<16xf32>,
            %gather3A_442 = tpu.vector_load_idx %arg16[%add3A_95, %broadcast_in_dim3A_440] : memref<64x128xf32, #tpu.memory_space<vmem>>[vector<16xi32>, vector<16xi32>], vector<16xf32>,
            %mul3A_443 = arith.mulf %gather3A_441, %gather3A_442 : vector<16xf32>
            %add3A_444 = arith.addf %add3A_438, %mul3A_443 : vector<16xf32>
            %broadcast_in_dim3A_445 = arith.constant 58 : i32
            %broadcast_in_dim3A_446 = vector.broadcast %broadcast_in_dim3A_445 : i32 to vector<16xi32>
            %gather3A_447 = tpu.vector_load_idx %arg15[%add3A_95, %broadcast_in_dim3A_446] : memref<64x128xf32, #tpu.memory_space<vmem>>[vector<16xi32>, vector<16xi32>], vector<16xf32>,
            %gather3A_448 = tpu.vector_load_idx %arg16[%add3A_95, %broadcast_in_dim3A_446] : memref<64x128xf32, #tpu.memory_space<vmem>>[vector<16xi32>, vector<16xi32>], vector<16xf32>,
            %mul3A_449 = arith.mulf %gather3A_447, %gather3A_448 : vector<16xf32>
            %add3A_450 = arith.addf %add3A_444, %mul3A_449 : vector<16xf32>
            %broadcast_in_dim3A_451 = arith.constant 59 : i32
            %broadcast_in_dim3A_452 = vector.broadcast %broadcast_in_dim3A_451 : i32 to vector<16xi32>
            %gather3A_453 = tpu.vector_load_idx %arg15[%add3A_95, %broadcast_in_dim3A_452] : memref<64x128xf32, #tpu.memory_space<vmem>>[vector<16xi32>, vector<16xi32>], vector<16xf32>,
            %gather3A_454 = tpu.vector_load_idx %arg16[%add3A_95, %broadcast_in_dim3A_452] : memref<64x128xf32, #tpu.memory_space<vmem>>[vector<16xi32>, vector<16xi32>], vector<16xf32>,
            %mul3A_455 = arith.mulf %gather3A_453, %gather3A_454 : vector<16xf32>
            %add3A_456 = arith.addf %add3A_450, %mul3A_455 : vector<16xf32>
            %broadcast_in_dim3A_457 = arith.constant 60 : i32
            %broadcast_in_dim3A_458 = vector.broadcast %broadcast_in_dim3A_457 : i32 to vector<16xi32>
            %gather3A_459 = tpu.vector_load_idx %arg15[%add3A_95, %broadcast_in_dim3A_458] : memref<64x128xf32, #tpu.memory_space<vmem>>[vector<16xi32>, vector<16xi32>], vector<16xf32>,
            %gather3A_460 = tpu.vector_load_idx %arg16[%add3A_95, %broadcast_in_dim3A_458] : memref<64x128xf32, #tpu.memory_space<vmem>>[vector<16xi32>, vector<16xi32>], vector<16xf32>,
            %mul3A_461 = arith.mulf %gather3A_459, %gather3A_460 : vector<16xf32>
            %add3A_462 = arith.addf %add3A_456, %mul3A_461 : vector<16xf32>
            %broadcast_in_dim3A_463 = arith.constant 61 : i32
            %broadcast_in_dim3A_464 = vector.broadcast %broadcast_in_dim3A_463 : i32 to vector<16xi32>
            %gather3A_465 = tpu.vector_load_idx %arg15[%add3A_95, %broadcast_in_dim3A_464] : memref<64x128xf32, #tpu.memory_space<vmem>>[vector<16xi32>, vector<16xi32>], vector<16xf32>,
            %gather3A_466 = tpu.vector_load_idx %arg16[%add3A_95, %broadcast_in_dim3A_464] : memref<64x128xf32, #tpu.memory_space<vmem>>[vector<16xi32>, vector<16xi32>], vector<16xf32>,
            %mul3A_467 = arith.mulf %gather3A_465, %gather3A_466 : vector<16xf32>
            %add3A_468 = arith.addf %add3A_462, %mul3A_467 : vector<16xf32>
            %broadcast_in_dim3A_469 = arith.constant 62 : i32
            %broadcast_in_dim3A_470 = vector.broadcast %broadcast_in_dim3A_469 : i32 to vector<16xi32>
            %gather3A_471 = tpu.vector_load_idx %arg15[%add3A_95, %broadcast_in_dim3A_470] : memref<64x128xf32, #tpu.memory_space<vmem>>[vector<16xi32>, vector<16xi32>], vector<16xf32>,
            %gather3A_472 = tpu.vector_load_idx %arg16[%add3A_95, %broadcast_in_dim3A_470] : memref<64x128xf32, #tpu.memory_space<vmem>>[vector<16xi32>, vector<16xi32>], vector<16xf32>,
            %mul3A_473 = arith.mulf %gather3A_471, %gather3A_472 : vector<16xf32>
            %add3A_474 = arith.addf %add3A_468, %mul3A_473 : vector<16xf32>
            %broadcast_in_dim3A_475 = arith.constant 63 : i32
            %broadcast_in_dim3A_476 = vector.broadcast %broadcast_in_dim3A_475 : i32 to vector<16xi32>
            %gather3A_477 = tpu.vector_load_idx %arg15[%add3A_95, %broadcast_in_dim3A_476] : memref<64x128xf32, #tpu.memory_space<vmem>>[vector<16xi32>, vector<16xi32>], vector<16xf32>,
            %gather3A_478 = tpu.vector_load_idx %arg16[%add3A_95, %broadcast_in_dim3A_476] : memref<64x128xf32, #tpu.memory_space<vmem>>[vector<16xi32>, vector<16xi32>], vector<16xf32>,
            %mul3A_479 = arith.mulf %gather3A_477, %gather3A_478 : vector<16xf32>
            %add3A_480 = arith.addf %add3A_474, %mul3A_479 : vector<16xf32>
            %mul3A_481 = arith.constant 1.250000e-01 : f32
            %mul3A_482 = vector.broadcast %mul3A_481 : f32 to vector<16xf32>
            %mul3A_483 = arith.mulf %add3A_480, %mul3A_482 : vector<16xf32>
            %max3A = arith.constant 0.000000e+00 : f32
            %max3A_484 = vector.broadcast %max3A : f32 to vector<16xf32>
            %max3A_485 = arith.maximumf %mul3A_483, %max3A_484 : vector<16xf32>
            %exp3A = math.exp %max3A_485 : vector<16xf32>
            %mul3A_486 = arith.constant 16 : i32
            %mul3A_487 = arith.muli %scan3A_91, %mul3A_486 : i32
            %add3A_488 = arith.addi %mul3A_54, %mul3A_487 : i32
            %swap3A_489 = arith.index_cast %add3A_488 : i32 to index
            %swap3A_490 = tpu.vector_load %arg10[%swap3A_489] {strides = array<i32>} : memref<128xf32, #tpu.memory_space<vmem>>, vector<16xf32>,
            tpu.vector_store %arg10[%swap3A_489], %exp3A {strides = array<i32>} : memref<128xf32, #tpu.memory_space<vmem>>, vector<16xf32>,
          }
          %scan3A_84 = arith.constant 4 : i32
          %scan3A_85 = arith.constant 0 : i32
          %scan3A_86 = arith.constant 0 : i32
          %scan3A_87 = arith.constant 64 : i32
          %scan3A_88 = arith.addi %scan3A_86, %scan3A_87 : i32
          %scan3A_89 = arith.constant 1 : i32
          scf.for %scan3A_91 = %scan3A_86 to %scan3A_88 step %scan3A_89  : i32 {
            %add3A_92 = arith.addi %mul3A_54, %scan3A_91 : i32
            %broadcast_in_dim3A_93 = vector.broadcast %add3A_92 : i32 to vector<16xi32>
            %gather3A = tpu.vector_load_idx %arg10[%broadcast_in_dim3A_93] : memref<128xf32, #tpu.memory_space<vmem>>[vector<16xi32>], vector<16xf32>,
            %get3A = arith.index_cast %scan3A_91 : i32 to index
            %get3A_94 = arith.constant 0 : index
            %get3A_95 = tpu.vector_load %arg17[%get3A, %get3A_94] {strides = array<i32>} : memref<64x128xf32, #tpu.memory_space<vmem>>, vector<16xf32>,
            %mul3A_96 = arith.mulf %get3A_95, %gather3A : vector<16xf32>
            %swap3A_97 = arith.index_cast %scan3A_91 : i32 to index
            %swap3A_98 = arith.constant 0 : index
            %swap3A_99 = tpu.vector_load %arg18[%swap3A_97, %swap3A_98] {strides = array<i32>} : memref<64x80xf32, #tpu.memory_space<vmem>>, vector<16xf32>,
            tpu.vector_store %arg18[%swap3A_97, %swap3A_98], %mul3A_96 {strides = array<i32>} : memref<64x80xf32, #tpu.memory_space<vmem>>, vector<16xf32>,
            %get3A_100 = arith.index_cast %scan3A_91 : i32 to index
            %get3A_101 = arith.constant 16 : index
            %get3A_102 = tpu.vector_load %arg17[%get3A_100, %get3A_101] {strides = array<i32>} : memref<64x128xf32, #tpu.memory_space<vmem>>, vector<16xf32>,
            %mul3A_103 = arith.mulf %get3A_102, %gather3A : vector<16xf32>
            %swap3A_104 = arith.index_cast %scan3A_91 : i32 to index
            %swap3A_105 = arith.constant 16 : index
            %swap3A_106 = tpu.vector_load %arg18[%swap3A_104, %swap3A_105] {strides = array<i32>} : memref<64x80xf32, #tpu.memory_space<vmem>>, vector<16xf32>,
            tpu.vector_store %arg18[%swap3A_104, %swap3A_105], %mul3A_103 {strides = array<i32>} : memref<64x80xf32, #tpu.memory_space<vmem>>, vector<16xf32>,
            %get3A_107 = arith.index_cast %scan3A_91 : i32 to index
            %get3A_108 = arith.constant 32 : index
            %get3A_109 = tpu.vector_load %arg17[%get3A_107, %get3A_108] {strides = array<i32>} : memref<64x128xf32, #tpu.memory_space<vmem>>, vector<16xf32>,
            %mul3A_110 = arith.mulf %get3A_109, %gather3A : vector<16xf32>
            %swap3A_111 = arith.index_cast %scan3A_91 : i32 to index
            %swap3A_112 = arith.constant 32 : index
            %swap3A_113 = tpu.vector_load %arg18[%swap3A_111, %swap3A_112] {strides = array<i32>} : memref<64x80xf32, #tpu.memory_space<vmem>>, vector<16xf32>,
            tpu.vector_store %arg18[%swap3A_111, %swap3A_112], %mul3A_110 {strides = array<i32>} : memref<64x80xf32, #tpu.memory_space<vmem>>, vector<16xf32>,
            %get3A_114 = arith.index_cast %scan3A_91 : i32 to index
            %get3A_115 = arith.constant 48 : index
            %get3A_116 = tpu.vector_load %arg17[%get3A_114, %get3A_115] {strides = array<i32>} : memref<64x128xf32, #tpu.memory_space<vmem>>, vector<16xf32>,
            %mul3A_117 = arith.mulf %get3A_116, %gather3A : vector<16xf32>
            %swap3A_118 = arith.index_cast %scan3A_91 : i32 to index
            %swap3A_119 = arith.constant 48 : index
            %swap3A_120 = tpu.vector_load %arg18[%swap3A_118, %swap3A_119] {strides = array<i32>} : memref<64x80xf32, #tpu.memory_space<vmem>>, vector<16xf32>,
            tpu.vector_store %arg18[%swap3A_118, %swap3A_119], %mul3A_117 {strides = array<i32>} : memref<64x80xf32, #tpu.memory_space<vmem>>, vector<16xf32>,
            %get3A_121 = arith.index_cast %scan3A_91 : i32 to index
            %get3A_122 = arith.constant 64 : index
            %get3A_123 = tpu.vector_load %arg17[%get3A_121, %get3A_122] {strides = array<i32>} : memref<64x128xf32, #tpu.memory_space<vmem>>, vector<16xf32>,
            %mul3A_124 = arith.mulf %get3A_123, %gather3A : vector<16xf32>
            %swap3A_125 = arith.index_cast %scan3A_91 : i32 to index
            %swap3A_126 = arith.constant 64 : index
            %swap3A_127 = tpu.vector_load %arg18[%swap3A_125, %swap3A_126] {strides = array<i32>} : memref<64x80xf32, #tpu.memory_space<vmem>>, vector<16xf32>,
            tpu.vector_store %arg18[%swap3A_125, %swap3A_126], %mul3A_124 {strides = array<i32>} : memref<64x80xf32, #tpu.memory_space<vmem>>, vector<16xf32>,
          }
          %scan3A_90 = arith.constant 64 : i32
          "tpu.region"() ({
            %run_scoped3A_91 = tpu.sem_alloc : memref<!tpu.dma_semaphore, #tpu.memory_space<semaphore_mem>>
            %dma_start3A_92 = arith.constant 0 : i32
            %dma_start3A_93 = arith.constant 0 : i32
            %dma_start3A_94 = tpu.memref_slice %arg20[%dma_start3A_92, %dma_start3A_93] : memref<10240x80xf32, #tpu.memory_space<vmem_shared>> -> memref<10240x80xf32, #tpu.memory_space<vmem_shared>>
            tpu.enqueue_indirect_dma source(%arg18 : memref<64x80xf32, #tpu.memory_space<vmem>>) target(%dma_start3A_94 : memref<10240x80xf32, #tpu.memory_space<vmem_shared>>) offsets(%arg14 : memref<64xi32, #tpu.memory_space<vmem>>) semaphore(%run_scoped3A_91 : memref<!tpu.dma_semaphore, #tpu.memory_space<semaphore_mem>>) {add = true}
            %dma_wait3A_95 = arith.constant 0 : i32
            %dma_wait3A_96 = arith.constant 0 : i32
            %dma_wait3A_97 = tpu.memref_slice %arg20[%dma_wait3A_95, %dma_wait3A_96] : memref<10240x80xf32, #tpu.memory_space<vmem_shared>> -> memref<10240x80xf32, #tpu.memory_space<vmem_shared>>
            tpu.wait_indirect_dma semaphore(%run_scoped3A_91 : memref<!tpu.dma_semaphore, #tpu.memory_space<semaphore_mem>>) src(%arg18 : memref<64x80xf32, #tpu.memory_space<vmem>>) dst(%dma_wait3A_97 : memref<10240x80xf32, #tpu.memory_space<vmem_shared>>)
            tpu.yield
          }) : () -> ()
        }
        %scan3A_51 = arith.constant 2 : i32
        %run_scoped3A = arith.constant 0 : i32
        "tpu.region"() ({
          %run_scoped3A_52 = tpu.sem_alloc : memref<!tpu.dma_semaphore, #tpu.memory_space<semaphore_mem>>
          %dma_start3A_53 = arith.constant 0 : i32
          %dma_start3A_54 = tpu.memref_slice %arg7[%add3A, %scan3A_28, %run_scoped3A, %dma_start3A_53] : memref<32x79x1x128xf32, #tpu.memory_space<hbm>> -> memref<1x1x1x128xf32, #tpu.memory_space<hbm>>
          %dma_start3A_55 = tpu.memref_squeeze %dma_start3A_54 : memref<1x1x1x128xf32, #tpu.memory_space<hbm>> -> memref<128xf32, #tpu.memory_space<hbm>>
          %dma_start3A_56 = arith.constant 0 : i32
          %dma_start3A_57 = tpu.memref_slice %arg7[%add3A, %scan3A_28, %run_scoped3A, %dma_start3A_56] : memref<32x79x1x128xf32, #tpu.memory_space<hbm>> -> memref<1x1x1x128xf32, #tpu.memory_space<hbm>>
          %dma_start3A_58 = tpu.memref_squeeze %dma_start3A_57 : memref<1x1x1x128xf32, #tpu.memory_space<hbm>> -> memref<128xf32, #tpu.memory_space<hbm>>
          tpu.enqueue_dma source(%arg10 : memref<128xf32, #tpu.memory_space<vmem>>) target(%dma_start3A_58 : memref<128xf32, #tpu.memory_space<hbm>>) target_semaphore(%run_scoped3A_52 : memref<!tpu.dma_semaphore, #tpu.memory_space<semaphore_mem>>)
          %dma_wait3A_59 = arith.constant 0 : i32
          %dma_wait3A_60 = tpu.memref_slice %arg7[%add3A, %scan3A_28, %run_scoped3A, %dma_wait3A_59] : memref<32x79x1x128xf32, #tpu.memory_space<hbm>> -> memref<1x1x1x128xf32, #tpu.memory_space<hbm>>
          %dma_wait3A_61 = tpu.memref_squeeze %dma_wait3A_60 : memref<1x1x1x128xf32, #tpu.memory_space<hbm>> -> memref<128xf32, #tpu.memory_space<hbm>>
          %dma_wait3A_62 = arith.constant 0 : i32
          %dma_wait3A_63 = tpu.memref_slice %arg7[%add3A, %scan3A_28, %run_scoped3A, %dma_wait3A_62] : memref<32x79x1x128xf32, #tpu.memory_space<hbm>> -> memref<1x1x1x128xf32, #tpu.memory_space<hbm>>
          %dma_wait3A_64 = tpu.memref_squeeze %dma_wait3A_63 : memref<1x1x1x128xf32, #tpu.memory_space<hbm>> -> memref<128xf32, #tpu.memory_space<hbm>>
          tpu.wait_dma2 semaphore(%run_scoped3A_52 : memref<!tpu.dma_semaphore, #tpu.memory_space<semaphore_mem>>) src(%arg10 : memref<128xf32, #tpu.memory_space<vmem>>) dst(%dma_wait3A_64 : memref<128xf32, #tpu.memory_space<hbm>>)
          tpu.yield
        }) : () -> ()
      } else {
      }
    }
    %scan3A_20 = arith.constant 79 : i32
    %barrier3A_21 = arith.constant 0 : index
    tpu.barrier barrier_id(%barrier3A_21)
    %scan3A_22 = arith.constant 0 : i32
    %scan3A_23 = arith.constant 0 : i32
    %scan3A_24 = arith.constant 10 : i32
    %scan3A_25 = arith.addi %scan3A_23, %scan3A_24 : i32
    %scan3A_26 = arith.constant 1 : i32
    scf.for %scan3A_28 = %scan3A_23 to %scan3A_25 step %scan3A_26  : i32 {
      %mul3A_29 = arith.constant 640 : i32
      %mul3A_30 = arith.muli %arg1, %mul3A_29 : i32
      %mul3A_31 = arith.constant 64 : i32
      %mul3A_32 = arith.muli %scan3A_28, %mul3A_31 : i32
      %add3A_33 = arith.addi %mul3A_30, %mul3A_32 : i32
      "tpu.region"() ({
        %run_scoped3A = tpu.sem_alloc : memref<!tpu.dma_semaphore, #tpu.memory_space<semaphore_mem>>
        %dma_start3A = arith.constant 0 : i32
        %dma_start3A_34 = tpu.memref_slice %arg8[%arg0, %add3A_33, %dma_start3A] : memref<2x10240x80xf32, #tpu.memory_space<hbm>> -> memref<1x64x80xf32, #tpu.memory_space<hbm>>
        %dma_start3A_35 = tpu.memref_squeeze %dma_start3A_34 : memref<1x64x80xf32, #tpu.memory_space<hbm>> -> memref<64x80xf32, #tpu.memory_space<hbm>>
        %dma_start3A_36 = arith.constant 0 : i32
        %dma_start3A_37 = tpu.memref_slice %arg20[%add3A_33, %dma_start3A_36] : memref<10240x80xf32, #tpu.memory_space<vmem_shared>> -> memref<64x80xf32, #tpu.memory_space<vmem_shared>>
        tpu.enqueue_dma source(%dma_start3A_37 : memref<64x80xf32, #tpu.memory_space<vmem_shared>>) target(%dma_start3A_35 : memref<64x80xf32, #tpu.memory_space<hbm>>) target_semaphore(%run_scoped3A : memref<!tpu.dma_semaphore, #tpu.memory_space<semaphore_mem>>)
        %dma_wait3A = arith.constant 0 : i32
        %dma_wait3A_38 = tpu.memref_slice %arg8[%arg0, %add3A_33, %dma_wait3A] : memref<2x10240x80xf32, #tpu.memory_space<hbm>> -> memref<1x64x80xf32, #tpu.memory_space<hbm>>
        %dma_wait3A_39 = tpu.memref_squeeze %dma_wait3A_38 : memref<1x64x80xf32, #tpu.memory_space<hbm>> -> memref<64x80xf32, #tpu.memory_space<hbm>>
        %dma_wait3A_40 = arith.constant 0 : i32
        %dma_wait3A_41 = tpu.memref_slice %arg20[%add3A_33, %dma_wait3A_40] : memref<10240x80xf32, #tpu.memory_space<vmem_shared>> -> memref<64x80xf32, #tpu.memory_space<vmem_shared>>
        tpu.wait_dma2 semaphore(%run_scoped3A : memref<!tpu.dma_semaphore, #tpu.memory_space<semaphore_mem>>) src(%dma_wait3A_41 : memref<64x80xf32, #tpu.memory_space<vmem_shared>>) dst(%dma_wait3A_39 : memref<64x80xf32, #tpu.memory_space<hbm>>)
        tpu.yield
      }) : () -> ()
    }
    %scan3A_27 = arith.constant 10 : i32
    return
  }
}

module attributes {stable_mosaic.version = 14 : i64} {
  func.func @_dense1_body(%arg0: memref<10000x128xf32, #tpu.memory_space<vmem>>, %arg1: memref<128x64xf32, #tpu.memory_space<vmem>>, %arg2: memref<1x64xf32, #tpu.memory_space<vmem>>, %arg3: memref<64x64xf32, #tpu.memory_space<vmem>>, %arg4: memref<64x64xf32, #tpu.memory_space<vmem>>, %arg5: memref<64x64xf32, #tpu.memory_space<vmem>>, %arg6: memref<10000x128xf32, #tpu.memory_space<vmem>>, %arg7: memref<10000x128xf32, #tpu.memory_space<vmem>>, %arg8: memref<10000x128xf32, #tpu.memory_space<vmem>>) attributes {dimension_semantics = [], scalar_prefetch = 0 : i64, scratch_operands = 0 : i64, tpu.core_type = #tpu.core_type<tc>} {
    %get3A = arith.constant 0 : index
    %get3A_0 = arith.constant 0 : index
    %get3A_1 = vector.load %arg0[%get3A, %get3A_0] : memref<10000x128xf32, #tpu.memory_space<vmem>>, vector<10000x128xf32>
    %get3A_2 = arith.constant 0 : index
    %get3A_3 = arith.constant 0 : index
    %get3A_4 = vector.load %arg1[%get3A_2, %get3A_3] : memref<128x64xf32, #tpu.memory_space<vmem>>, vector<128x64xf32>
    %dot_general3A = arith.constant dense<0.000000e+00> : vector<10000x64xf32>
    %dot_general3A_5 = tpu.matmul %get3A_1, %get3A_4, %dot_general3A {dimension_numbers = #tpu.dot_dimension_numbers<[1], [0], [0], [1], [0, 0, 1, 1], [], []>, transpose_lhs_hint = false} : vector<10000x128xf32>, vector<128x64xf32>, vector<10000x64xf32> -> vector<10000x64xf32>
    %get3A_6 = arith.constant 0 : index
    %get3A_7 = arith.constant 0 : index
    %get3A_8 = vector.load %arg2[%get3A_6, %get3A_7] : memref<1x64xf32, #tpu.memory_space<vmem>>, vector<1x64xf32>
    %add3A = vector.broadcast %get3A_8 : vector<1x64xf32> to vector<10000x64xf32>
    %add3A_9 = arith.addf %dot_general3A_5, %add3A : vector<10000x64xf32>
    %mul3A = arith.constant 5.000000e-01 : f32
    %mul3A_10 = vector.broadcast %mul3A : f32 to vector<10000x64xf32>
    %mul3A_11 = arith.mulf %mul3A_10, %add3A_9 : vector<10000x64xf32>
    %mul3A_12 = arith.constant 0.707106769 : f32
    %mul3A_13 = vector.broadcast %mul3A_12 : f32 to vector<10000x64xf32>
    %mul3A_14 = arith.mulf %add3A_9, %mul3A_13 : vector<10000x64xf32>
    %erf3A = math.erf %mul3A_14 : vector<10000x64xf32>
    %add3A_15 = arith.constant 1.000000e+00 : f32
    %add3A_16 = vector.broadcast %add3A_15 : f32 to vector<10000x64xf32>
    %add3A_17 = arith.addf %add3A_16, %erf3A : vector<10000x64xf32>
    %mul3A_18 = arith.mulf %mul3A_11, %add3A_17 : vector<10000x64xf32>
    %broadcast_in_dim3A = arith.constant 0.000000e+00 : f32
    %broadcast_in_dim3A_19 = vector.broadcast %broadcast_in_dim3A : f32 to vector<10000x64xf32>
    %get3A_20 = arith.constant 0 : index
    %get3A_21 = arith.constant 0 : index
    %get3A_22 = vector.load %arg3[%get3A_20, %get3A_21] : memref<64x64xf32, #tpu.memory_space<vmem>>, vector<64x64xf32>
    %dot_general3A_23 = arith.constant dense<0.000000e+00> : vector<10000x64xf32>
    %dot_general3A_24 = tpu.matmul %mul3A_18, %get3A_22, %dot_general3A_23 {dimension_numbers = #tpu.dot_dimension_numbers<[1], [0], [0], [1], [0, 0, 1, 1], [], []>, transpose_lhs_hint = false} : vector<10000x64xf32>, vector<64x64xf32>, vector<10000x64xf32> -> vector<10000x64xf32>
    %swap3A = arith.constant 0 : index
    %swap3A_25 = arith.constant 0 : index
    %swap3A_26 = vector.load %arg6[%swap3A, %swap3A_25] : memref<10000x128xf32, #tpu.memory_space<vmem>>, vector<10000x64xf32>
    tpu.vector_store %arg6[%swap3A, %swap3A_25], %dot_general3A_24 {strides = array<i32>} : memref<10000x128xf32, #tpu.memory_space<vmem>>, vector<10000x64xf32>,
    %swap3A_27 = arith.constant 0 : index
    %swap3A_28 = arith.constant 64 : index
    %swap3A_29 = vector.load %arg6[%swap3A_27, %swap3A_28] : memref<10000x128xf32, #tpu.memory_space<vmem>>, vector<10000x64xf32>
    tpu.vector_store %arg6[%swap3A_27, %swap3A_28], %broadcast_in_dim3A_19 {strides = array<i32>} : memref<10000x128xf32, #tpu.memory_space<vmem>>, vector<10000x64xf32>,
    %get3A_30 = arith.constant 0 : index
    %get3A_31 = arith.constant 0 : index
    %get3A_32 = vector.load %arg4[%get3A_30, %get3A_31] : memref<64x64xf32, #tpu.memory_space<vmem>>, vector<64x64xf32>
    %dot_general3A_33 = arith.constant dense<0.000000e+00> : vector<10000x64xf32>
    %dot_general3A_34 = tpu.matmul %mul3A_18, %get3A_32, %dot_general3A_33 {dimension_numbers = #tpu.dot_dimension_numbers<[1], [0], [0], [1], [0, 0, 1, 1], [], []>, transpose_lhs_hint = false} : vector<10000x64xf32>, vector<64x64xf32>, vector<10000x64xf32> -> vector<10000x64xf32>
    %swap3A_35 = arith.constant 0 : index
    %swap3A_36 = arith.constant 0 : index
    %swap3A_37 = vector.load %arg7[%swap3A_35, %swap3A_36] : memref<10000x128xf32, #tpu.memory_space<vmem>>, vector<10000x64xf32>
    tpu.vector_store %arg7[%swap3A_35, %swap3A_36], %dot_general3A_34 {strides = array<i32>} : memref<10000x128xf32, #tpu.memory_space<vmem>>, vector<10000x64xf32>,
    %swap3A_38 = arith.constant 0 : index
    %swap3A_39 = arith.constant 64 : index
    %swap3A_40 = vector.load %arg7[%swap3A_38, %swap3A_39] : memref<10000x128xf32, #tpu.memory_space<vmem>>, vector<10000x64xf32>
    tpu.vector_store %arg7[%swap3A_38, %swap3A_39], %broadcast_in_dim3A_19 {strides = array<i32>} : memref<10000x128xf32, #tpu.memory_space<vmem>>, vector<10000x64xf32>,
    %get3A_41 = arith.constant 0 : index
    %get3A_42 = arith.constant 0 : index
    %get3A_43 = vector.load %arg5[%get3A_41, %get3A_42] : memref<64x64xf32, #tpu.memory_space<vmem>>, vector<64x64xf32>
    %dot_general3A_44 = arith.constant dense<0.000000e+00> : vector<10000x64xf32>
    %dot_general3A_45 = tpu.matmul %mul3A_18, %get3A_43, %dot_general3A_44 {dimension_numbers = #tpu.dot_dimension_numbers<[1], [0], [0], [1], [0, 0, 1, 1], [], []>, transpose_lhs_hint = false} : vector<10000x64xf32>, vector<64x64xf32>, vector<10000x64xf32> -> vector<10000x64xf32>
    %swap3A_46 = arith.constant 0 : index
    %swap3A_47 = arith.constant 0 : index
    %swap3A_48 = vector.load %arg8[%swap3A_46, %swap3A_47] : memref<10000x128xf32, #tpu.memory_space<vmem>>, vector<10000x64xf32>
    tpu.vector_store %arg8[%swap3A_46, %swap3A_47], %dot_general3A_45 {strides = array<i32>} : memref<10000x128xf32, #tpu.memory_space<vmem>>, vector<10000x64xf32>,
    %iota3A = tpu.iota {dimensions = array<i32: 1>} : vector<10000x64xi32>
    %eq3A = arith.constant 0 : i32
    %eq3A_49 = vector.broadcast %eq3A : i32 to vector<10000x64xi32>
    %eq3A_50 = arith.cmpi eq, %iota3A, %eq3A_49 : vector<10000x64xi32>
    %jit3A = arith.constant 1.000000e+00 : f32
    %jit3A_51 = arith.constant 0.000000e+00 : f32
    %broadcast_in_dim3A_52 = vector.broadcast %jit3A : f32 to vector<10000x64xf32>
    %broadcast_in_dim3A_53 = vector.broadcast %jit3A_51 : f32 to vector<10000x64xf32>
    %select_n3A = arith.select %eq3A_50, %broadcast_in_dim3A_52, %broadcast_in_dim3A_53 : vector<10000x64xi1>, vector<10000x64xf32>
    %swap3A_54 = arith.constant 0 : index
    %swap3A_55 = arith.constant 64 : index
    %swap3A_56 = vector.load %arg8[%swap3A_54, %swap3A_55] : memref<10000x128xf32, #tpu.memory_space<vmem>>, vector<10000x64xf32>
    tpu.vector_store %arg8[%swap3A_54, %swap3A_55], %select_n3A {strides = array<i32>} : memref<10000x128xf32, #tpu.memory_space<vmem>>, vector<10000x64xf32>,
    return
  }
}

module attributes {stable_mosaic.version = 14 : i64} {
  func.func @_mid_body(%arg0: memref<10000x64xf32, #tpu.memory_space<vmem>>, %arg1: memref<64x64xf32, #tpu.memory_space<vmem>>, %arg2: memref<64x64xf32, #tpu.memory_space<vmem>>, %arg3: memref<64x64xf32, #tpu.memory_space<vmem>>, %arg4: memref<10000x128xf32, #tpu.memory_space<vmem>>, %arg5: memref<10000x128xf32, #tpu.memory_space<vmem>>, %arg6: memref<10000x128xf32, #tpu.memory_space<vmem>>) attributes {dimension_semantics = [], scalar_prefetch = 0 : i64, scratch_operands = 0 : i64, tpu.core_type = #tpu.core_type<tc>} {
    %get3A = arith.constant 0 : index
    %get3A_0 = arith.constant 0 : index
    %get3A_1 = vector.load %arg0[%get3A, %get3A_0] : memref<10000x64xf32, #tpu.memory_space<vmem>>, vector<10000x64xf32>
    %broadcast_in_dim3A = arith.constant 0.000000e+00 : f32
    %broadcast_in_dim3A_2 = vector.broadcast %broadcast_in_dim3A : f32 to vector<10000x64xf32>
    %get3A_3 = arith.constant 0 : index
    %get3A_4 = arith.constant 0 : index
    %get3A_5 = vector.load %arg1[%get3A_3, %get3A_4] : memref<64x64xf32, #tpu.memory_space<vmem>>, vector<64x64xf32>
    %dot_general3A = arith.constant dense<0.000000e+00> : vector<10000x64xf32>
    %dot_general3A_6 = tpu.matmul %get3A_1, %get3A_5, %dot_general3A {dimension_numbers = #tpu.dot_dimension_numbers<[1], [0], [0], [1], [0, 0, 1, 1], [], []>, transpose_lhs_hint = false} : vector<10000x64xf32>, vector<64x64xf32>, vector<10000x64xf32> -> vector<10000x64xf32>
    %swap3A = arith.constant 0 : index
    %swap3A_7 = arith.constant 0 : index
    %swap3A_8 = vector.load %arg4[%swap3A, %swap3A_7] : memref<10000x128xf32, #tpu.memory_space<vmem>>, vector<10000x64xf32>
    tpu.vector_store %arg4[%swap3A, %swap3A_7], %dot_general3A_6 {strides = array<i32>} : memref<10000x128xf32, #tpu.memory_space<vmem>>, vector<10000x64xf32>,
    %swap3A_9 = arith.constant 0 : index
    %swap3A_10 = arith.constant 64 : index
    %swap3A_11 = vector.load %arg4[%swap3A_9, %swap3A_10] : memref<10000x128xf32, #tpu.memory_space<vmem>>, vector<10000x64xf32>
    tpu.vector_store %arg4[%swap3A_9, %swap3A_10], %broadcast_in_dim3A_2 {strides = array<i32>} : memref<10000x128xf32, #tpu.memory_space<vmem>>, vector<10000x64xf32>,
    %get3A_12 = arith.constant 0 : index
    %get3A_13 = arith.constant 0 : index
    %get3A_14 = vector.load %arg2[%get3A_12, %get3A_13] : memref<64x64xf32, #tpu.memory_space<vmem>>, vector<64x64xf32>
    %dot_general3A_15 = arith.constant dense<0.000000e+00> : vector<10000x64xf32>
    %dot_general3A_16 = tpu.matmul %get3A_1, %get3A_14, %dot_general3A_15 {dimension_numbers = #tpu.dot_dimension_numbers<[1], [0], [0], [1], [0, 0, 1, 1], [], []>, transpose_lhs_hint = false} : vector<10000x64xf32>, vector<64x64xf32>, vector<10000x64xf32> -> vector<10000x64xf32>
    %swap3A_17 = arith.constant 0 : index
    %swap3A_18 = arith.constant 0 : index
    %swap3A_19 = vector.load %arg5[%swap3A_17, %swap3A_18] : memref<10000x128xf32, #tpu.memory_space<vmem>>, vector<10000x64xf32>
    tpu.vector_store %arg5[%swap3A_17, %swap3A_18], %dot_general3A_16 {strides = array<i32>} : memref<10000x128xf32, #tpu.memory_space<vmem>>, vector<10000x64xf32>,
    %swap3A_20 = arith.constant 0 : index
    %swap3A_21 = arith.constant 64 : index
    %swap3A_22 = vector.load %arg5[%swap3A_20, %swap3A_21] : memref<10000x128xf32, #tpu.memory_space<vmem>>, vector<10000x64xf32>
    tpu.vector_store %arg5[%swap3A_20, %swap3A_21], %broadcast_in_dim3A_2 {strides = array<i32>} : memref<10000x128xf32, #tpu.memory_space<vmem>>, vector<10000x64xf32>,
    %get3A_23 = arith.constant 0 : index
    %get3A_24 = arith.constant 0 : index
    %get3A_25 = vector.load %arg3[%get3A_23, %get3A_24] : memref<64x64xf32, #tpu.memory_space<vmem>>, vector<64x64xf32>
    %dot_general3A_26 = arith.constant dense<0.000000e+00> : vector<10000x64xf32>
    %dot_general3A_27 = tpu.matmul %get3A_1, %get3A_25, %dot_general3A_26 {dimension_numbers = #tpu.dot_dimension_numbers<[1], [0], [0], [1], [0, 0, 1, 1], [], []>, transpose_lhs_hint = false} : vector<10000x64xf32>, vector<64x64xf32>, vector<10000x64xf32> -> vector<10000x64xf32>
    %swap3A_28 = arith.constant 0 : index
    %swap3A_29 = arith.constant 0 : index
    %swap3A_30 = vector.load %arg6[%swap3A_28, %swap3A_29] : memref<10000x128xf32, #tpu.memory_space<vmem>>, vector<10000x64xf32>
    tpu.vector_store %arg6[%swap3A_28, %swap3A_29], %dot_general3A_27 {strides = array<i32>} : memref<10000x128xf32, #tpu.memory_space<vmem>>, vector<10000x64xf32>,
    %iota3A = tpu.iota {dimensions = array<i32: 1>} : vector<10000x64xi32>
    %eq3A = arith.constant 0 : i32
    %eq3A_31 = vector.broadcast %eq3A : i32 to vector<10000x64xi32>
    %eq3A_32 = arith.cmpi eq, %iota3A, %eq3A_31 : vector<10000x64xi32>
    %jit3A = arith.constant 1.000000e+00 : f32
    %jit3A_33 = arith.constant 0.000000e+00 : f32
    %broadcast_in_dim3A_34 = vector.broadcast %jit3A : f32 to vector<10000x64xf32>
    %broadcast_in_dim3A_35 = vector.broadcast %jit3A_33 : f32 to vector<10000x64xf32>
    %select_n3A = arith.select %eq3A_32, %broadcast_in_dim3A_34, %broadcast_in_dim3A_35 : vector<10000x64xi1>, vector<10000x64xf32>
    %swap3A_36 = arith.constant 0 : index
    %swap3A_37 = arith.constant 64 : index
    %swap3A_38 = vector.load %arg6[%swap3A_36, %swap3A_37] : memref<10000x128xf32, #tpu.memory_space<vmem>>, vector<10000x64xf32>
    tpu.vector_store %arg6[%swap3A_36, %swap3A_37], %select_n3A {strides = array<i32>} : memref<10000x128xf32, #tpu.memory_space<vmem>>, vector<10000x64xf32>,
    return
  }
}

module attributes {stable_mosaic.version = 14 : i64} {
  func.func @_fin_body(%arg0: memref<10000x64xf32, #tpu.memory_space<vmem>>, %arg1: memref<64x1xf32, #tpu.memory_space<vmem>>, %arg2: memref<1x1xf32, #tpu.memory_space<vmem>>, %arg3: memref<10000x1xf32, #tpu.memory_space<vmem>>) attributes {dimension_semantics = [], scalar_prefetch = 0 : i64, scratch_operands = 0 : i64, tpu.core_type = #tpu.core_type<tc>} {
    %get3A = arith.constant 0 : index
    %get3A_0 = arith.constant 0 : index
    %get3A_1 = vector.load %arg0[%get3A, %get3A_0] : memref<10000x64xf32, #tpu.memory_space<vmem>>, vector<10000x64xf32>
    %get3A_2 = arith.constant 0 : index
    %get3A_3 = arith.constant 0 : index
    %get3A_4 = vector.load %arg1[%get3A_2, %get3A_3] : memref<64x1xf32, #tpu.memory_space<vmem>>, vector<64x1xf32>
    %dot_general3A = arith.constant dense<0.000000e+00> : vector<10000x1xf32>
    %dot_general3A_5 = tpu.matmul %get3A_1, %get3A_4, %dot_general3A {dimension_numbers = #tpu.dot_dimension_numbers<[1], [0], [0], [1], [0, 0, 1, 1], [], []>, transpose_lhs_hint = false} : vector<10000x64xf32>, vector<64x1xf32>, vector<10000x1xf32> -> vector<10000x1xf32>
    %get3A_6 = arith.constant 0 : index
    %get3A_7 = arith.constant 0 : index
    %get3A_8 = vector.load %arg2[%get3A_6, %get3A_7] : memref<1x1xf32, #tpu.memory_space<vmem>>, vector<1x1xf32>
    %add3A = vector.broadcast %get3A_8 : vector<1x1xf32> to vector<10000x1xf32>
    %add3A_9 = arith.addf %dot_general3A_5, %add3A : vector<10000x1xf32>
    %swap3A = arith.constant 0 : index
    %swap3A_10 = arith.constant 0 : index
    %swap3A_11 = vector.load %arg3[%swap3A, %swap3A_10] : memref<10000x1xf32, #tpu.memory_space<vmem>>, vector<10000x1xf32>
    tpu.vector_store %arg3[%swap3A, %swap3A_10], %add3A_9 {strides = array<i32>} : memref<10000x1xf32, #tpu.memory_space<vmem>>, vector<10000x1xf32>,
    return
  }
}

</mosaic_0001>

<sc_bundles>
// kernel: kernel.10.cloned.1.call-start
scs
__scs_entry_jumppad:
0x0: {  	(pc) =	sbr.rel $0x88, $3  }
0x1: {  	(tag) =	ssettag $0x0;
	lr =	simm.s32 $0x1  }
0x2: {  	[smem:$0x3F95] =	sst lr;
	_ =	strace $0xD0000000  }
0x3: {  	_ = 	snop  }
0x4: {  	_ = 	snop  }
0x5: {  	_ = 	snop  }
0x6: {  	_ = 	snop  }
0x7: {  	_ = 	snop  }
__scs_overlays_trampoline_lowered:
0x8: {  	[smem:$0x3FA4] =	sst s0  }
0x9: {  	[smem:$0x3FA5] =	sst s1  }
0xa: {  	[smem:$0x3FA6] =	sst s2  }
0xb: {  	[smem:$0x3FA7] =	sst s3  }
0xc: {  	[smem:$0x3FA8] =	sst s4  }
0xd: {  	[smem:$0x3FA9] =	sst s5  }
0xe: {  	[smem:$0x3FAA] =	sst s6  }
0xf: {  	[smem:$0x3FAB] =	sst s7  }
0x10: {  	[smem:$0x3FAC] =	sst s8  }
0x11: {  	[smem:$0x3FAD] =	sst s9;
	s0 =	simm.s32 @!p0 $0x0  }
0x12: {  	s1 =	sld [smem:$0x3F93];
	s0 =	simm.s32 @p0 $0x1  }
0x13: {  	[smem:$0x3FAE] =	sst s0;
	s0 =	simm.s32 @!p1 $0x0  }
0x14: {  	s2 =	sld [smem:$0x3F92];
	s0 =	simm.s32 @p1 $0x1  }
0x15: {  	[smem:$0x3FAF] =	sst s0;
	s0 =	simm.s32 @!p2 $0x0  }
0x16: {  	s3 =	sld [smem:$0x3FDB];
	s0 =	simm.s32 @p2 $0x1  }
0x17: {  	s4 =	simm.s32 $0x1BF5;
	[smem:$0x3FB1] =	sst s0  }
0x18: {  	s0 =	sld [smem:$0x3F94];
	_ =	swait.ge [sflag:s4], $0x0  }
0x19: {  	s7 =	sld [smem:$0x3F95]  }
0x1a: {  	s8 =	sadd.s32 $0xFFFFE003, lr  }
0x1b: {  	s9 =	sadd.s32 $0xFFFFFEF7, lr;
	s5 =	simm.s32 $0xFFFFFFFF;
	p2 =	slt.u32 s8, $0xFFFFF086  }
0x1c: {  	p1 =	slt.u32 s9, $0xF7A;
	s5 =	simm.s32 @!p2 $0x0  }
0x1d: {  	s5 =	simm.s32 @p1 $0x1;
	p0 =	seq.s32 s7, s2  }
0x1e: {  	s7 =	smul.u32 @!p0 $0xF7A, s2;
	p2 =	seq.s32 @!p0 s5, $0x0  }
0x1f: {  	s9 =	smul.u32 $0xF7A, s1;
	s8 =	simm.s32 @!p0 $0x1BF5;
	p2 =	por !p2, p0  }
0x20: {  	[sflag:s8] =	ssyncset.s32 @!p0 $0xFFFFF086;
	s6 =	sadd.s32 @!p0 s3, s7;
	s7 =	simm.s32 @!p0 $0x108  }
0x21: {  	s3 =	sadd.s32 s3, s9;
	s6 =	sadd.s32 @!p0 $0x88, s6;
	s7 =	simm.s32 @p2 $0x1082  }
0x22: {  	[simem:s7], [sflag:s8] =	dma.local @!p0 [hbm:s6], $0xF7A  }
0x23: {  	s9 =	sor.u32 $0xD0000000, s2;
	s6 =	simm.s32 $0x108;
	_ =	swait.ge @!p0 [sflag:s8], $0x0  }
0x24: {  	s3 =	sadd.s32 $0x88, s3;
	s6 =	simm.s32 @!p1 $0x1082;
	[sflag:s4] =	ssyncset.s32 $0xFFFFF086  }
0x25: {  	[simem:s6], [sflag:s4] =	dma.local [hbm:s3], $0xF7A  }
0x26: {  	[smem:$0x3F95] =	sst s1;
	(tag) =	ssettag s2;
	_ =	strace s9  }
0x27: {  	s1 =	sld [smem:$0x3FA5]  }
0x28: {  	s2 =	sld [smem:$0x3FA6]  }
0x29: {  	s4 =	sld [smem:$0x3FA8]  }
0x2a: {  	p0 =	seq.s32 s5, $0x0;
	s5 =	sld [smem:$0x3FA9]  }
0x2b: {  	s6 =	sld [smem:$0x3FAA]  }
0x2c: {  	s7 =	sld [smem:$0x3FAB]  }
0x2d: {  	s3 =	simm.s32 $0x108;
	s8 =	sld [smem:$0x3FAC]  }
0x2e: {  	s3 =	simm.s32 @!p0 $0x1082;
	s9 =	sld [smem:$0x3FAD]  }
0x2f: {  	lr =	sadd.s32 s0, s3;
	s0 =	sld [smem:$0x3FA4]  }
0x30: {  	s3 =	sld [smem:$0x3FA7]  }
0x31: {  	[smem:$0x3FB0] =	sst s10  }
0x32: {  	s10 =	sld [smem:$0x3FAE];
	_ =	sdelay $0x3  }
0x33: {  	p0 =	seq.s32 s10, $0x1;
	s10 =	sld [smem:$0x3FB0];
	_ =	sdelay $0x3  }
0x34: {  	[smem:$0x3FB0] =	sst s10  }
0x35: {  	s10 =	sld [smem:$0x3FAF];
	_ =	sdelay $0x3  }
0x36: {  	p1 =	seq.s32 s10, $0x1;
	s10 =	sld [smem:$0x3FB0];
	_ =	sdelay $0x3  }
0x37: {  	[smem:$0x3FB0] =	sst s10  }
0x38: {  	s10 =	sld [smem:$0x3FB1]  }
0x39: {  	_ = 	snop;
	(pc) =	sbr.ind lr, $3  }
0x3a: {  	_ = 	snop  }
0x3b: {  	_ = 	snop  }
0x3c: {  	p2 =	seq.s32 s10, $0x1;
	s10 =	sld [smem:$0x3FB0]  }
0x3d: {  	_ =	shalt  }
0x3e: {  	_ =	shalt  }
0x3f: {  	_ =	shalt  }
0x40: {  	_ =	shalt  }
0x41: {  	_ =	shalt  }
0x42: {  	_ =	shalt  }
0x43: {  	_ =	shalt  }
0x44: {  	_ =	shalt  }
0x45: {  	_ =	shalt  }
0x46: {  	_ =	shalt  }
0x47: {  	_ =	shalt  }
0x48: {  	_ =	shalt  }
0x49: {  	_ =	shalt  }
0x4a: {  	_ =	shalt  }
0x4b: {  	_ =	shalt  }
0x4c: {  	_ =	shalt  }
0x4d: {  	_ =	shalt  }
0x4e: {  	_ =	shalt  }
0x4f: {  	_ =	shalt  }
0x50: {  	_ =	shalt  }
0x51: {  	_ =	shalt  }
0x52: {  	_ =	shalt  }
0x53: {  	_ =	shalt  }
0x54: {  	_ =	shalt  }
0x55: {  	_ =	shalt  }
0x56: {  	_ =	shalt  }
0x57: {  	_ =	shalt  }
0x58: {  	_ =	shalt  }
0x59: {  	_ =	shalt  }
0x5a: {  	_ =	shalt  }
0x5b: {  	_ =	shalt  }
0x5c: {  	_ =	shalt  }
0x5d: {  	_ =	shalt  }
0x5e: {  	_ =	shalt  }
0x5f: {  	_ =	shalt  }
0x60: {  	_ =	shalt  }
0x61: {  	_ =	shalt  }
0x62: {  	_ =	shalt  }
0x63: {  	_ =	shalt  }
0x64: {  	_ =	shalt  }
0x65: {  	_ =	shalt  }
0x66: {  	_ =	shalt  }
0x67: {  	_ =	shalt  }
0x68: {  	_ =	shalt  }
0x69: {  	_ =	shalt  }
0x6a: {  	_ =	shalt  }
0x6b: {  	_ =	shalt  }
0x6c: {  	_ =	shalt  }
0x6d: {  	_ =	shalt  }
0x6e: {  	_ =	shalt  }
0x6f: {  	_ =	shalt  }
0x70: {  	_ =	shalt  }
0x71: {  	_ =	shalt  }
0x72: {  	_ =	shalt  }
0x73: {  	_ =	shalt  }
0x74: {  	_ =	shalt  }
0x75: {  	_ =	shalt  }
0x76: {  	_ =	shalt  }
0x77: {  	_ =	shalt  }
0x78: {  	_ =	shalt  }
0x79: {  	_ =	shalt  }
0x7a: {  	_ =	shalt  }
0x7b: {  	_ =	shalt  }
0x7c: {  	_ =	shalt  }
0x7d: {  	_ =	shalt  }
0x7e: {  	_ =	shalt  }
0x7f: {  	_ =	shalt  }
0x80: {  	_ =	shalt  }
0x81: {  	_ =	shalt  }
0x82: {  	_ =	shalt  }
0x83: {  	_ =	shalt  }
0x84: {  	_ =	shalt  }
0x85: {  	_ =	shalt  }
0x86: {  	_ =	shalt  }
0x87: {  	_ =	shalt  }
.Lfunc_end0:
.L_simem_size_0:
called_computation.3_lowered:
.L_overlay_start_0:
0x88: {  	s2 =	sld [smem:$0x3FD9]  }
0x89: {  	s3 =	sld [smem:$0x3FFE];
	_ =	sdelay $0x1  }
0x8a: {  	s1 =	srdreg.scid  }
0x8b: {  	s0 =	sand.u32 $0x1, s1  }
0x8c: {  	s17 =	sshll.u32 s0, $0xA;
	s2 =	sadd.s32 s3, s2  }
0x8d: {  	s2 =	sadd.s32 s2, s17  }
0x8e: {  	[smem:$0x3FBC] =	sst s2  }
0x8f: {  	_ = 	snop  }
0x90: {  	(tm) =	ssettm $0x1  }
0x91: {  	s18 =	sld [smem:$0x3FFB];
	_ =	sdelay $0x3  }
0x92: {  	_ =	strace s18  }
0x93: {  	s2 =	sld [smem:$0x3FFC];
	_ =	sdelay $0x3  }
0x94: {  	_ =	strace s2  }
0x95: {  	s2 =	sld [smem:$0x3FFD];
	_ =	sdelay $0x3  }
0x96: {  	_ =	strace s2  }
0x97: {  	_ =	strace $0x8FFFFFFF  }
0x98: {  	s19 =	sld [smem:$0x3FDB];
	_ =	sdelay $0x1  }
0x99: {  	s20 =	simm.s32 $_scs_section_size  }
0x9a: {  	s4 =	simm.s32 $_size__tile_overlayer_lowered;
	s5 =	simm.s32 $_tile_overlayer_lowered  }
0x9b: {  	s6 =	simm.s32 $0x1BFF;
	s21 =	sshll.u32 s5, $0x1;
	s3 =	sadd.s32 s20, s19  }
0x9c: {  	s22 =	simm.s32 $0x0;
	s4 =	sshll.u32 s4, $0x1;
	s5 =	sadd.s32 s21, s3  }
0x9d: {  	[timem:s22], [sflag:s6] =	dma.local [hbm:s5], s4  }
0x9e: {  	_ =	swait.ge [sflag:s6], s4  }
0x9f: {  	s4 =	ssub.s32 $0x0, s4;
	[sflag:s6] =	ssyncset.done $0x0  }
0xa0: {  	[sflag:s6] =	ssyncadd.s32 s4;
	_ =	sdelay $0x1  }
0xa1: {  	s23 =	simm.s32 $0x1B8B  }
0xa2: {  	_ =	swait.ge [sflag:s23], $0x1  }
0xa3: {  	[sflag:s23] =	ssyncset.done $0x0  }
0xa4: {  	[sflag:s23] =	ssyncadd.s32 $0xFFFFFFFF  }
0xa5: {  	s4 =	sld [smem:$0x0]  }
0xa6: {  	s5 =	sand.u32 $0xFFFFFFFE, s1  }
0xa7: {  	p0 =	sne.s32 s1, s5  }
0xa8: {  	s5 =	sshll.u32 @p0 s5, $0xE  }
0xa9: {  	s5 =	sadd.s32 @p0 $0x11B8D, s5;
	s6 =	sshll.u32 @p0 s4, $0x11  }
0xaa: {  	s5 =	sor.u32 @p0 s6, s5  }
0xab: {  	[sflag:s5] =	ssyncadd.remote.s32 @p0 $0x1;
	_ =	sdelay $0x1  }
0xac: {  	s5 =	simm.s32 @p0 $0x1B8D  }
0xad: {  	_ =	swait.eq @p0 [sflag:s5], $0x1  }
0xae: {  	[sflag:s5] =	ssyncadd.s32 @p0 $0xFFFFFFFF  }
0xaf: {  	s6 =	sshll.u32 @!p0 s1, $0xE  }
0xb0: {  	s6 =	sor.u32 @!p0 $0x4000, s6;
	s5 =	simm.s32 @!p0 $0x1B8D  }
0xb1: {  	s4 =	sshll.u32 @!p0 s4, $0x11;
	s6 =	sadd.s32 @!p0 $0x11B8D, s6;
	_ =	swait.eq @!p0 [sflag:s5], $0x1  }
0xb2: {  	s4 =	sor.u32 @!p0 s4, s6;
	[sflag:s5] =	ssyncadd.s32 @!p0 $0xFFFFFFFF  }
0xb3: {  	s25 =	simm.s32 $0x1B8E;
	s24 =	sld [smem:$0x3FFE];
	[sflag:s4] =	ssyncadd.remote.s32 @!p0 $0x1  }
0xb4: {  	s26 =	simm.s32 $execute0_lowered;
	[smem:$0x3FD2] =	sst s25  }
0xb5: {  	s5 =	sshll.u32 s26, $0x1;
	_ =	strace $0x8000004F;
	[dreg:$0x1] =	wrdreg $0xFFFFFFFF  }
0xb6: {  	s28 =	simm.s32 $_size_execute0_lowered;
	s3 =	sadd.s32 s3, s5;
	[dreg:$0x0] =	wrdreg $0x0  }
0xb7: {  	s5 =	sshll.u32 s28, $0x1;
	[dreg:$0x2] =	wrdreg s3  }
0xb8: {  	[dreg:$0x3] =	wrdreg s5  }
0xb9: {  	[dreg:$0x4] =	wrdreg $0xC0  }
0xba: {  	_ =	task [dreg:s22], $0x5FFFF  }
0xbb: {  	[dreg:$0x1] =	wrdreg $0xFFFFFFFF  }
0xbc: {  	[dreg:$0x0] =	wrdreg $0x60  }
0xbd: {  	[dreg:$0x2] =	wrdreg s24  }
0xbe: {  	[dreg:$0x3] =	wrdreg $0xB2000  }
0xbf: {  	[dreg:$0x4] =	wrdreg $0xB  }
0xc0: {  	_ =	task.clear_ibuf [dreg:s22], $0x5FFFF;
	_ =	strace $0x9000004F  }
0xc1: {  	s29 =	simm.s32 $0xB;
	_ =	strace $0x80000051  }
0xc2: {  	_ =	swait.ge [sflag:s29], $0x1  }
0xc3: {  	[sflag:s29] =	ssyncadd.s32 $0xFFFFFFFF  }
0xc4: {  	_ =	strace $0x90000051  }
0xc5: {  	_ =	sfence  }
0xc6: {  	s30 =	sld [smem:$0x0];
	_ =	sdelay $0x2  }
0xc7: {  	s31 =	sshll.u32 s1, $0xD;
	s1 =	sshrl.u32 s1, $0x2  }
0xc8: {  	s4 =	sand.u32 $0x4000, s31;
	s1 =	sadd.s32 s1, s30  }
0xc9: {  	s0 =	sor.u32 s4, s0;
	s1 =	sshll.u32 s1, $0x11  }
0xca: {  	s0 =	sor.u32 s1, s0  }
0xcb: {  	s0 =	sadd.s32 $0x8F2B, s0  }
0xcc: {  	[sflag:s0] =	ssyncadd.remote.s32 $0x1  }
0xcd: {  	_ =	sfence.sel $0xFFFF  }
0xce: {  	[dreg:$0x0] =	wrdreg $0xFFFFFFFF;
	(pc) =	sbr.abs _section_cstart, $3  }
0xcf: {  	[dreg:$0x1] =	wrdreg $0xFFFFFFFF  }
0xd0: {  	_ =	task.clear_ibuf [dreg:s22], $0x2FFFF;
	_ =	strace $0x9FFFFFFF  }
0xd1: {  	(tm) =	ssettm $0x7FFFFFFF  }
tec
execute0_lowered:
.L_overlay_start_1:
0x0: {  	(tag) =	ssettag $0x1  }
0x1: {  	s0 =	srdreg.scid  }
0x2: {  	s2 =	rddreg [dreg:$0x0];
	s20 =	stileid.u32  }
0x3: {  	s1 =	rddreg [dreg:$0x1];
	s5 =	simm.s32 $0x0;
	s28 =	simm.s32 $0x2  }
0x4: {  	s29 =	simm.s32 $0x40;
	s30 =	simm.s32 $0x1180;
	s0 =	sand.u32 $0x1, s0  }
0x5: {  	s4 =	smul.u32 $0x14000, s20;
	[smem:$0x7FF] =	sst s5;
	s6 =	sadd.s32 $0xB3200, s2  }
0x6: {  	s24 =	smul.u32 $0x50000, s20;
	s25 =	sadd.s32 $0x2200, s2;
	s26 =	sadd.s32 $0xC000, s2  }
0x7: {  	s3 =	smul.u32 $0x140000, s0;
	s11 =	ssub.s32 $0x2, s0;
	s0 =	sshll.u32 s0, $0x4  }
0x8: {  	s7 =	sshrl.u32 s11, $0x1;
	s9 =	sadd.s32 $0x4000, s4;
	s20 =	sor.u32 s20, s0  }
0x9: {  	s8 =	sadd.s32 s3, s4;
	s5 =	ssub.s32 s11, s7;
	s10 =	sadd.s32 s3, s9  }
0xa: {  	s11 =	sadd.s32 $0x6000, s4;
	s9 =	sadd.s32 s9, s1;
	s12 =	sshrl.u32 s8, $0x3  }
0xb: {  	s8 =	sor.u32 $0x2000, s4;
	s14 =	sshrl.u32 s10, $0x3;
	s15 =	sadd.s32 s3, s11  }
0xc: {  	s10 =	sadd.s32 $0x8000, s4;
	s7 =	sadd.s32 s6, s12;
	s13 =	sadd.s32 s3, s8  }
0xd: {  	s16 =	sshrl.u32 s15, $0x3;
	[dreg:$0x3] =	wrdreg s7;
	s7 =	sshrl.u32 s13, $0x3  }
0xe: {  	s17 =	sadd.s32 s3, s10;
	s12 =	sadd.s32 $0xA000, s4;
	s7 =	sadd.s32 s6, s7  }
0xf: {  	s13 =	sadd.s32 s3, s12;
	[dreg:$0x4] =	wrdreg s7;
	s7 =	sadd.s32 s6, s14  }
0x10: {  	s18 =	sshrl.u32 s13, $0x3;
	[dreg:$0x5] =	wrdreg s7;
	s7 =	sadd.s32 s6, s16  }
0x11: {  	s13 =	sadd.s32 $0xE000, s4;
	[dreg:$0x6] =	wrdreg s7;
	s7 =	sshrl.u32 s17, $0x3  }
0x12: {  	s22 =	sadd.s32 s3, s13;
	s17 =	sadd.s32 $0xC000, s4;
	s7 =	sadd.s32 s6, s7  }
0x13: {  	s19 =	sadd.s32 s3, s17;
	[dreg:$0x7] =	wrdreg s7;
	s7 =	sadd.s32 s6, s18  }
0x14: {  	s21 =	sshrl.u32 s19, $0x3;
	s18 =	sadd.s32 $0x10000, s4;
	s4 =	sadd.s32 $0x12000, s4  }
0x15: {  	[dreg:$0x8] =	wrdreg s7;
	s7 =	sadd.s32 s6, s21;
	s14 =	sadd.s32 s3, s18  }
0x16: {  	s3 =	sadd.s32 s3, s4;
	[dreg:$0x9] =	wrdreg s7;
	s7 =	sshrl.u32 s22, $0x3  }
0x17: {  	s11 =	sadd.s32 s11, s1;
	s3 =	sshrl.u32 s3, $0x3;
	s7 =	sadd.s32 s6, s7  }
0x18: {  	s23 =	sshrl.u32 s14, $0x3;
	s3 =	sadd.s32 s6, s3;
	[dreg:$0xa] =	wrdreg s7  }
0x19: {  	s8 =	sadd.s32 s8, s1;
	s7 =	sadd.s32 s6, s23;
	[dreg:$0xc] =	wrdreg s3  }
0x1a: {  	s15 =	sadd.s32 $0x5B000, s2;
	s0 =	sshrl.u32 s8, $0x3;
	[dreg:$0xb] =	wrdreg s7  }
0x1b: {  	s16 =	sadd.s32 $0x82200, s2;
	_ =	strace $0x80000050;
	[dreg:$0xd] =	wrdreg s25  }
0x1c: {  	s19 =	sadd.s32 $0xA9400, s2;
	s7 =	smax.u32 s5, $0x1;
	[dreg:$0xe] =	wrdreg s26  }
0x1d: {  	s4 =	sadd.s32 s4, s1;
	s14 =	sadd.s32 $0x15E00, s2;
	[dreg:$0x10] =	wrdreg s7  }
0x1e: {  	s22 =	sadd.s32 s10, s1;
	s2 =	sshrl.u32 s9, $0x3;
	[dreg:$0x11] =	wrdreg s0  }
0x1f: {  	s6 =	sshrl.u32 s24, $0x2;
	s3 =	sshrl.u32 s11, $0x3;
	[dreg:$0x12] =	wrdreg s2  }
0x20: {  	s23 =	sadd.s32 s12, s1;
	s5 =	sshrl.u32 s22, $0x3;
	[dreg:$0x13] =	wrdreg s3  }
0x21: {  	s21 =	sadd.s32 s6, s1;
	s6 =	sshrl.u32 s23, $0x3;
	[dreg:$0x14] =	wrdreg s5  }
0x22: {  	s31 =	simm.s32 $0x1200;
	s11 =	sshrl.u32 s4, $0x3;
	[dreg:$0x15] =	wrdreg s6  }
0x23: {  	s9 =	simm.s32 $0x0;
	s24 =	sadd.s32 s17, s1;
	[dreg:$0x19] =	wrdreg s11  }
0x24: {  	s4 =	simm.s32 $0x5200;
	s7 =	sshrl.u32 s24, $0x3;
	[dreg:$0xf] =	wrdreg s21  }
0x25: {  	s25 =	sadd.s32 s13, s1;
	s12 =	sadd.s32 $0x2000, s21;
	[dreg:$0x16] =	wrdreg s7  }
0x26: {  	s26 =	sadd.s32 s18, s1;
	s13 =	sadd.s32 $0x4000, s21;
	[dreg:$0x1a] =	wrdreg s12  }
0x27: {  	s0 =	smul.u32 $0x2780, s20;
	s17 =	sadd.s32 $0x6000, s21;
	[dreg:$0x1b] =	wrdreg s13  }
0x28: {  	s18 =	sadd.s32 $0x8000, s21;
	s22 =	sadd.s32 $0xA000, s21;
	[dreg:$0x1c] =	wrdreg s17  }
0x29: {  	s23 =	sadd.s32 $0xC000, s21;
	s24 =	sadd.s32 $0xE000, s21;
	[dreg:$0x1d] =	wrdreg s18  }
0x2a: {  	s3 =	simm.s32 $0x3200;
	s5 =	simm.s32 $0x3;
	[dreg:$0x1e] =	wrdreg s22  }
0x2b: {  	s6 =	simm.s32 $0x80;
	s8 =	sshrl.u32 s25, $0x3;
	[dreg:$0x1f] =	wrdreg s23  }
0x2c: {  	s10 =	sshrl.u32 s26, $0x3;
	[smem:$0x7FB] =	sst s24;
	s25 =	sadd.s32 $0x10000, s21  }
.Ltmp0:
0x2d: {  	s26 =	sadd.s32 $0x12000, s21;
	[dreg:$0x17] =	wrdreg s8;
	(pc) =	sbr.rel .LBB2_1-.Ltmp0, $4  }
0x2e: {  	s13 =	simm.s32 $0x9200;
	s22 =	simm.s32 $0x4;
	[dreg:$0x18] =	wrdreg s10  }
0x2f: {  	s23 =	simm.s32 $0x10;
	s24 =	simm.s32 $0x100;
	[smem:$0x7FC] =	sst s25  }
0x30: {  	v0 =	vlaneseq.u32;
	s7 =	simm.s32 $0x7200;
	[smem:$0x7FD] =	sst s26;
	s25 =	simm.s32 $0x900  }
0x31: {  	v1 =	vimm.f32 $0.0e+00;
	v2 =	vmul.u32 $0x80, v0;
	s26 =	simm.s32 $0x1;
	s10 =	simm.s32 $0x1100;
	s8 =	simm.s32 $0x5  }
.LBB2_13:
0x32: {  	s2 =	stileid.u32;
	[bflag:$0x0] =	sbarrier.arrive $0xFFFF  }
0x33: {  	s2 =	sshll.u32 s2, $0x6;
	s9 =	rddreg [dreg:$0xf]  }
0x34: {  	s11 =	rddreg [dreg:$0x3];
	s2 =	sor.u32 $0x1C04, s2;
	s9 =	sshrl.u32 s9, $0x3  }
0x35: {  	[hbm:s11], [sflag:s2] =	dma.local [spmem:s9], $0x400  }
0x36: {  	_ =	swait.ge [sflag:s22], $0x400  }
0x37: {  	[sflag:s22] =	ssyncset.done $0x0;
	s12 =	rddreg [dreg:$0x4]  }
0x38: {  	s17 =	rddreg [dreg:$0x11];
	[sflag:s22] =	ssyncadd.s32 $0xFFFFFC00  }
0x39: {  	[hbm:s12], [sflag:s2] =	dma.local [spmem:s17], $0x400  }
0x3a: {  	_ =	swait.ge [sflag:s22], $0x400  }
0x3b: {  	[sflag:s22] =	ssyncset.done $0x0;
	s18 =	rddreg [dreg:$0x5]  }
0x3c: {  	s21 =	rddreg [dreg:$0x12];
	[sflag:s22] =	ssyncadd.s32 $0xFFFFFC00  }
0x3d: {  	[hbm:s18], [sflag:s2] =	dma.local [spmem:s21], $0x400  }
0x3e: {  	_ =	swait.ge [sflag:s22], $0x400  }
0x3f: {  	[sflag:s22] =	ssyncset.done $0x0;
	s12 =	rddreg [dreg:$0x6]  }
0x40: {  	s17 =	rddreg [dreg:$0x13];
	[sflag:s22] =	ssyncadd.s32 $0xFFFFFC00  }
0x41: {  	[hbm:s12], [sflag:s2] =	dma.local [spmem:s17], $0x400  }
0x42: {  	_ =	swait.ge [sflag:s22], $0x400  }
0x43: {  	[sflag:s22] =	ssyncset.done $0x0;
	s18 =	rddreg [dreg:$0x7]  }
0x44: {  	s21 =	rddreg [dreg:$0x14];
	[sflag:s22] =	ssyncadd.s32 $0xFFFFFC00  }
0x45: {  	[hbm:s18], [sflag:s2] =	dma.local [spmem:s21], $0x400  }
0x46: {  	_ =	swait.ge [sflag:s22], $0x400  }
0x47: {  	[sflag:s22] =	ssyncset.done $0x0;
	s12 =	rddreg [dreg:$0x8]  }
0x48: {  	s17 =	rddreg [dreg:$0x15];
	[sflag:s22] =	ssyncadd.s32 $0xFFFFFC00  }
0x49: {  	[hbm:s12], [sflag:s2] =	dma.local [spmem:s17], $0x400  }
0x4a: {  	_ =	swait.ge [sflag:s22], $0x400  }
0x4b: {  	[sflag:s22] =	ssyncset.done $0x0;
	s18 =	rddreg [dreg:$0x9]  }
0x4c: {  	s21 =	rddreg [dreg:$0x16];
	[sflag:s22] =	ssyncadd.s32 $0xFFFFFC00  }
0x4d: {  	[hbm:s18], [sflag:s2] =	dma.local [spmem:s21], $0x400  }
0x4e: {  	_ =	swait.ge [sflag:s22], $0x400  }
0x4f: {  	[sflag:s22] =	ssyncset.done $0x0;
	s12 =	rddreg [dreg:$0xa]  }
0x50: {  	s17 =	rddreg [dreg:$0x17];
	[sflag:s22] =	ssyncadd.s32 $0xFFFFFC00  }
0x51: {  	[hbm:s12], [sflag:s2] =	dma.local [spmem:s17], $0x400  }
0x52: {  	_ =	swait.ge [sflag:s22], $0x400  }
0x53: {  	[sflag:s22] =	ssyncset.done $0x0;
	s18 =	rddreg [dreg:$0xb]  }
0x54: {  	s21 =	rddreg [dreg:$0x18];
	[sflag:s22] =	ssyncadd.s32 $0xFFFFFC00  }
0x55: {  	[hbm:s18], [sflag:s2] =	dma.local [spmem:s21], $0x400  }
0x56: {  	_ =	swait.ge [sflag:s22], $0x400  }
0x57: {  	[sflag:s22] =	ssyncset.done $0x0;
	s12 =	rddreg [dreg:$0xc]  }
0x58: {  	s17 =	rddreg [dreg:$0x19];
	[sflag:s22] =	ssyncadd.s32 $0xFFFFFC00  }
0x59: {  	[hbm:s12], [sflag:s2] =	dma.local [spmem:s17], $0x400  }
0x5a: {  	_ =	swait.ge [sflag:s22], $0x400  }
0x5b: {  	s18 =	sld [smem:$0x7FA];
	_ =	sdelay $0x2  }
0x5c: {  	s21 =	rddreg [dreg:$0x10];
	s9 =	sadd.s32 $0x1, s18  }
0x5d: {  	p0 =	sne.s32 s9, s21  }
.Ltmp1:
0x5e: {  	_ = 	snop;
	(pc) =	sbr.rel @!p0 .LBB2_14-.Ltmp1, $3  }
0x5f: {  	_ =	sdelay $0x1  }
0x60: {  	[sflag:s22] =	ssyncset.done $0x0  }
0x61: {  	[sflag:s22] =	ssyncadd.s32 $0xFFFFFC00  }
.LBB2_1:
0x62: {  	s2 =	simm.s32 $0x0  }
0x63: {  	s2 =	smul.u32 $0xCCCD, s2;
	_ =	sdelay $0x1  }
0x64: {  	s21 =	sshrl.u32 s2, $0x12  }
0x65: {  	s11 =	smul.u32 $0x5, s21;
	_ =	sdelay $0x1  }
0x66: {  	s2 =	simm.s32 $0x1;
	s11 =	ssub.s32 $0x0, s11  }
0x67: {  	s12 =	smul.u32 $0xCCCD, s2;
	s11 =	sshll.u32 s11, $0x4  }
0x68: {  	s17 =	sshll.u32 s21, $0x7;
	s11 =	sand.u32 $0xFFF0, s11  }
0x69: {  	[smem:$0x7FA] =	sst s9;
	s9 =	sshrl.u32 s12, $0x12;
	s17 =	sor.u32 s11, s17  }
0x6a: {  	s12 =	smul.u32 $0x5, s9;
	s11 =	simm.s32 $0x2;
	v3 =	vor.u32 s17, v0  }
.LBB2_2:
0x6b: {  	s17 =	smul.u32 $0xCCCD, s11;
	p0 =	seq.s32 s11, $0x13F  }
.Ltmp2:
0x6c: {  	s12 =	ssub.s32 s2, s12;
	s2 =	smov.u32 s11;
	(pc) =	sbr.rel @!p0 .LBB2_2-.Ltmp2, $4  }
0x6d: {  	s11 =	sadd.s32 $0x1, s11;
	s12 =	sshll.u32 s12, $0x4  }
0x6e: {  	s18 =	sshll.u32 s9, $0x7;
	s12 =	sand.u32 $0xFFF0, s12  }
0x6f: {  	s9 =	sshrl.u32 s17, $0x12;
	s17 =	sor.u32 s12, s18;
	[tilespmem:v3+s13+$0x0] =	vst.idx.msk $0xffff, v1  }
0x70: {  	s12 =	smul.u32 $0x5, s9;
	v3 =	vor.u32 s17, v0  }
0x71: {  	_ = 	snop  }
0x72: {  	s2 =	ssub.s32 s2, s12  }
0x73: {  	s2 =	sshll.u32 s2, $0x4  }
0x74: {  	s9 =	sshll.u32 s9, $0x7;
	s2 =	sand.u32 $0xFFF0, s2  }
0x75: {  	s2 =	sor.u32 s2, s9  }
0x76: {  	v4 =	vor.u32 s2, v0;
	_ =	sdelay $0x3  }
0x77: {  	[tilespmem:v3+s13+$0x0] =	vst.idx.msk $0xffff, v1  }
0x78: {  	s12 =	rddreg [dreg:$0xf];
	[tilespmem:v4+s13+$0x0] =	vst.idx.msk $0xffff, v1  }
0x79: {  	[spmem:s12] =	stream.linear.scatter [tilespmem:s13], [sflag:$0x4], $0x2000, $0x38;
	[tilespmem:$0x17A00] =	vst v63  }
0x7a: {  	_ =	swait.ge [sflag:s22], $0x2000  }
0x7b: {  	[sflag:s22] =	ssyncset.done $0x0  }
0x7c: {  	s17 =	rddreg [dreg:$0x1a];
	[sflag:s22] =	ssyncadd.s32 $0xFFFFE000  }
0x7d: {  	[spmem:s17] =	stream.linear.scatter [tilespmem:s13], [sflag:$0x4], $0x2000, $0x38;
	[tilespmem:$0x17A00] =	vst v63  }
0x7e: {  	_ =	swait.ge [sflag:s22], $0x2000  }
0x7f: {  	[sflag:s22] =	ssyncset.done $0x0  }
0x80: {  	s18 =	rddreg [dreg:$0x1b];
	[sflag:s22] =	ssyncadd.s32 $0xFFFFE000  }
0x81: {  	[spmem:s18] =	stream.linear.scatter [tilespmem:s13], [sflag:$0x4], $0x2000, $0x38;
	[tilespmem:$0x17A00] =	vst v63  }
0x82: {  	_ =	swait.ge [sflag:s22], $0x2000  }
0x83: {  	[sflag:s22] =	ssyncset.done $0x0  }
0x84: {  	s21 =	rddreg [dreg:$0x1c];
	[sflag:s22] =	ssyncadd.s32 $0xFFFFE000  }
0x85: {  	[spmem:s21] =	stream.linear.scatter [tilespmem:s13], [sflag:$0x4], $0x2000, $0x38;
	[tilespmem:$0x17A00] =	vst v63  }
0x86: {  	_ =	swait.ge [sflag:s22], $0x2000  }
0x87: {  	[sflag:s22] =	ssyncset.done $0x0  }
0x88: {  	s9 =	rddreg [dreg:$0x1d];
	[sflag:s22] =	ssyncadd.s32 $0xFFFFE000  }
0x89: {  	[spmem:s9] =	stream.linear.scatter [tilespmem:s13], [sflag:$0x4], $0x2000, $0x38;
	[tilespmem:$0x17A00] =	vst v63  }
0x8a: {  	_ =	swait.ge [sflag:s22], $0x2000  }
0x8b: {  	[sflag:s22] =	ssyncset.done $0x0  }
0x8c: {  	s11 =	rddreg [dreg:$0x1e];
	[sflag:s22] =	ssyncadd.s32 $0xFFFFE000  }
0x8d: {  	[spmem:s11] =	stream.linear.scatter [tilespmem:s13], [sflag:$0x4], $0x2000, $0x38;
	[tilespmem:$0x17A00] =	vst v63  }
0x8e: {  	_ =	swait.ge [sflag:s22], $0x2000  }
0x8f: {  	[sflag:s22] =	ssyncset.done $0x0  }
0x90: {  	s12 =	rddreg [dreg:$0x1f];
	[sflag:s22] =	ssyncadd.s32 $0xFFFFE000  }
0x91: {  	[spmem:s12] =	stream.linear.scatter [tilespmem:s13], [sflag:$0x4], $0x2000, $0x38;
	[tilespmem:$0x17A00] =	vst v63  }
0x92: {  	_ =	swait.ge [sflag:s22], $0x2000  }
0x93: {  	s17 =	sld [smem:$0x7FB]  }
0x94: {  	[sflag:s22] =	ssyncset.done $0x0  }
0x95: {  	[sflag:s22] =	ssyncadd.s32 $0xFFFFE000  }
0x96: {  	[spmem:s17] =	stream.linear.scatter [tilespmem:s13], [sflag:$0x4], $0x2000, $0x38;
	[tilespmem:$0x17A00] =	vst v63  }
0x97: {  	_ =	swait.ge [sflag:s22], $0x2000  }
0x98: {  	s18 =	sld [smem:$0x7FC]  }
0x99: {  	[sflag:s22] =	ssyncset.done $0x0  }
0x9a: {  	[sflag:s22] =	ssyncadd.s32 $0xFFFFE000  }
0x9b: {  	[spmem:s18] =	stream.linear.scatter [tilespmem:s13], [sflag:$0x4], $0x2000, $0x38;
	[tilespmem:$0x17A00] =	vst v63  }
0x9c: {  	_ =	swait.ge [sflag:s22], $0x2000  }
0x9d: {  	s21 =	sld [smem:$0x7FD]  }
0x9e: {  	[sflag:s22] =	ssyncset.done $0x0  }
0x9f: {  	[sflag:s22] =	ssyncadd.s32 $0xFFFFE000  }
0xa0: {  	[spmem:s21] =	stream.linear.scatter [tilespmem:s13], [sflag:$0x4], $0x2000, $0x38;
	[tilespmem:$0x17A00] =	vst v63  }
.Ltmp3:
0xa1: {  	_ =	swait.ge [sflag:s22], $0x2000;
	(pc) =	sbr.rel .LBB2_4-.Ltmp3, $4  }
0xa2: {  	[sflag:s22] =	ssyncset.done $0x0  }
0xa3: {  	[sflag:s22] =	ssyncadd.s32 $0xFFFFE000  }
0xa4: {  	[bflag:$0x0] =	sbarrier.arrive $0xFFFF  }
0xa5: {  	s11 =	simm.s32 $0x0  }
.LBB2_12:
0xa6: {  	s11 =	sadd.s32 $0x1, s11  }
0xa7: {  	p0 =	sne.s32 s11, $0x4F  }
.Ltmp4:
0xa8: {  	_ = 	snop;
	(pc) =	sbr.rel @!p0 .LBB2_13-.Ltmp4, $1  }
0xa9: {  	_ =	sdelay $0x3  }
.LBB2_4:
0xaa: {  	s2 =	sshll.u32 s11, $0x5  }
0xab: {  	s2 =	sor.u32 s20, s2  }
0xac: {  	p0 =	sgt.u32 s2, $0x9C3  }
.Ltmp5:
0xad: {  	_ = 	snop;
	(pc) =	sbr.rel @p0 .LBB2_12-.Ltmp5, $1  }
0xae: {  	_ =	sdelay $0x3  }
0xaf: {  	v3 =	vmov s2  }
0xb0: {  	s12 =	simm.s32 $0x0;
	s18 =	rddreg [dreg:$0xd];
	[tilespmem:$0x0] =	vst v3  }
0xb1: {  	[tilespmem:s24], [sflag:$0x1] =	stream.indirect.gather [hbm4b:s18+s23], $0x80, s12, s23, $0xb8;
	[tilespmem:$0x17A00] =	vst v63  }
0xb2: {  	s21 =	rddreg [dreg:$0xe]  }
0xb3: {  	[tilespmem:s25], [sflag:$0x2] =	stream.indirect.gather [hbm4b:s21+s23], $0x80, s12, s23, $0xb8;
	[tilespmem:$0x17A00] =	vst v63  }
0xb4: {  	_ =	swait.ge [sflag:s26], $0x800  }
0xb5: {  	[sflag:s26] =	ssyncset.done $0x0  }
0xb6: {  	[sflag:s26] =	ssyncadd.s32 $0xFFFFF800  }
0xb7: {  	_ =	swait.ge [sflag:s28], $0x800  }
0xb8: {  	[sflag:s28] =	ssyncset.done $0x0  }
0xb9: {  	p1 =	por $0x1, $0x1;
	s21 =	simm.s32 $0x0;
	[sflag:s28] =	ssyncadd.s32 $0xFFFFF800  }
.LBB2_6:
0xba: {  	v4 =	vor.u32 s21, v0;
	_ =	sdelay $0x4  }
0xbb: {  	v5 =	vld.idx.msk [tilespmem:v4+s24+$0x0], $0xffff;
	_ =	sdelay $0x2  }
0xbc: {  	v1 =	vmov s21  }
0xbd: {  	v6 =	vor.u32 $0x10, v1  }
0xbe: {  	[tilespmem:$0x1100] =	vst v5;
	v5 =	vbroadcast v6, $0x0  }
0xbf: {  	v4 =	vld.idx.msk [tilespmem:v4+s25+$0x0], $0xffff  }
0xc0: {  	v5 =	vor.u32 v0, v5;
	_ =	sdelay $0x3  }
0xc1: {  	[tilespmem:$0x1180] =	vst v4  }
0xc2: {  	v4 =	vld.idx.msk [tilespmem:v5+s24+$0x0], $0xffff;
	_ =	sdelay $0x3  }
0xc3: {  	v6 =	vor.u32 $0x20, v1  }
0xc4: {  	[tilespmem:$0x1110] =	vst v4;
	v4 =	vbroadcast v6, $0x0  }
0xc5: {  	v5 =	vld.idx.msk [tilespmem:v5+s25+$0x0], $0xffff  }
0xc6: {  	v4 =	vor.u32 v0, v4;
	_ =	sdelay $0x3  }
0xc7: {  	[tilespmem:$0x1190] =	vst v5  }
0xc8: {  	v5 =	vld.idx.msk [tilespmem:v4+s24+$0x0], $0xffff;
	_ =	sdelay $0x3  }
0xc9: {  	v6 =	vor.u32 $0x30, v1  }
0xca: {  	[tilespmem:$0x1120] =	vst v5;
	v5 =	vbroadcast v6, $0x0  }
0xcb: {  	v4 =	vld.idx.msk [tilespmem:v4+s25+$0x0], $0xffff  }
0xcc: {  	v5 =	vor.u32 v0, v5;
	_ =	sdelay $0x3  }
0xcd: {  	[tilespmem:$0x11A0] =	vst v4  }
0xce: {  	v4 =	vld.idx.msk [tilespmem:v5+s24+$0x0], $0xffff;
	_ =	sdelay $0x4  }
0xcf: {  	[tilespmem:$0x1130] =	vst v4  }
0xd0: {  	v4 =	vld.idx.msk [tilespmem:v5+s25+$0x0], $0xffff;
	_ =	sdelay $0x4  }
0xd1: {  	[tilespmem:$0x11B0] =	vst v4  }
0xd2: {  	[tilespmem:s31], [sflag:$0x1] =	stream.indirect.gather [hbm4b:s14+s29], $0x80, s30, s29, $0xb8;
	[tilespmem:$0x17A00] =	vst v63  }
0xd3: {  	_ = 	snop  }
0xd4: {  	[tilespmem:s3], [sflag:$0x2] =	stream.indirect.gather [hbm4b:s15+s29], $0x80, s10, s29, $0xb8;
	[tilespmem:$0x17A00] =	vst v63  }
0xd5: {  	[tilespmem:$0x1FFF0] =	vst v1  }
0xd6: {  	[tilespmem:s4], [sflag:$0x3] =	stream.indirect.gather [hbm4b:s16+s29], $0x80, s10, s29, $0xb8;
	[tilespmem:$0x17A00] =	vst v63  }
0xd7: {  	_ =	swait.ge [sflag:s26], $0x2000  }
0xd8: {  	[sflag:s26] =	ssyncset.done $0x0  }
0xd9: {  	v4 =	vmov s12;
	[sflag:s26] =	ssyncadd.s32 $0xFFFFE000  }
0xda: {  	v4 =	vshll.u32 v4, $0x7;
	_ =	swait.ge [sflag:s28], $0x2000  }
0xdb: {  	v4 =	vor.u32 v2, v4;
	[sflag:s28] =	ssyncset.done $0x0  }
0xdc: {  	[sflag:s28] =	ssyncadd.s32 $0xFFFFE000  }
0xdd: {  	v5 =	vor.u32 $0x1, v4;
	_ =	swait.ge [sflag:s5], $0x2000  }
0xde: {  	[sflag:s5] =	ssyncset.done $0x0  }
0xdf: {  	v6 =	vor.u32 $0x2, v4;
	[sflag:s5] =	ssyncadd.s32 $0xFFFFE000  }
0xe0: {  	v7 =	vld.idx.msk [tilespmem:v4+s31+$0x0], $0xffff  }
0xe1: {  	v8 =	vor.u32 $0x3, v4;
	v9 =	vld.idx.msk [tilespmem:v4+s3+$0x0], $0xffff  }
0xe2: {  	v10 =	vld.idx.msk [tilespmem:v5+s3+$0x0], $0xffff  }
0xe3: {  	v11 =	vor.u32 $0x4, v4;
	v5 =	vld.idx.msk [tilespmem:v5+s31+$0x0], $0xffff  }
0xe4: {  	v12 =	vld.idx.msk [tilespmem:v6+s3+$0x0], $0xffff  }
0xe5: {  	v13 =	vor.u32 $0x5, v4;
	v6 =	vld.idx.msk [tilespmem:v6+s31+$0x0], $0xffff  }
0xe6: {  	v14 =	vld.idx.msk [tilespmem:v8+s3+$0x0], $0xffff;
	v7 =	vmul.f32 v9, v7  }
0xe7: {  	v21 =	vor.u32 $0x6, v4;
	v8 =	vld.idx.msk [tilespmem:v8+s31+$0x0], $0xffff  }
0xe8: {  	v15 =	vld.idx.msk [tilespmem:v11+s3+$0x0], $0xffff;
	v5 =	vmul.f32 v10, v5;
	v7 =	vadd.f32 $0.0e+00, v7  }
0xe9: {  	v22 =	vor.u32 $0x7, v4;
	v11 =	vld.idx.msk [tilespmem:v11+s31+$0x0], $0xffff  }
0xea: {  	v23 =	vld.idx.msk [tilespmem:v13+s3+$0x0], $0xffff;
	v6 =	vmul.f32 v12, v6;
	v5 =	vadd.f32 v5, v7  }
0xeb: {  	v13 =	vld.idx.msk [tilespmem:v13+s31+$0x0], $0xffff;
	v7 =	vor.u32 $0x8, v4  }
0xec: {  	v24 =	vld.idx.msk [tilespmem:v21+s3+$0x0], $0xffff;
	v8 =	vmul.f32 v14, v8;
	v5 =	vadd.f32 v6, v5  }
0xed: {  	v9 =	vld.idx.msk [tilespmem:v21+s31+$0x0], $0xffff;
	v6 =	vor.u32 $0x9, v4  }
0xee: {  	v25 =	vld.idx.msk [tilespmem:v22+s3+$0x0], $0xffff;
	v11 =	vmul.f32 v15, v11;
	v5 =	vadd.f32 v8, v5  }
0xef: {  	v10 =	vld.idx.msk [tilespmem:v22+s31+$0x0], $0xffff;
	v8 =	vor.u32 $0xA, v4  }
0xf0: {  	v12 =	vmul.f32 v23, v13;
	v26 =	vld.idx.msk [tilespmem:v7+s3+$0x0], $0xffff;
	v5 =	vadd.f32 v11, v5  }
0xf1: {  	v27 =	vor.u32 $0xB, v4;
	v7 =	vld.idx.msk [tilespmem:v7+s31+$0x0], $0xffff  }
0xf2: {  	v9 =	vmul.f32 v24, v9;
	v28 =	vld.idx.msk [tilespmem:v6+s3+$0x0], $0xffff;
	v5 =	vadd.f32 v12, v5  }
0xf3: {  	v29 =	vor.u32 $0xC, v4;
	v6 =	vld.idx.msk [tilespmem:v6+s31+$0x0], $0xffff  }
0xf4: {  	v10 =	vmul.f32 v25, v10;
	v30 =	vld.idx.msk [tilespmem:v8+s3+$0x0], $0xffff;
	v5 =	vadd.f32 v9, v5  }
0xf5: {  	v31 =	vor.u32 $0xD, v4;
	v8 =	vld.idx.msk [tilespmem:v8+s31+$0x0], $0xffff  }
0xf6: {  	v32 =	vld.idx.msk [tilespmem:v27+s3+$0x0], $0xffff;
	v7 =	vmul.f32 v26, v7;
	v5 =	vadd.f32 v10, v5  }
0xf7: {  	v33 =	vor.u32 $0xE, v4;
	v11 =	vld.idx.msk [tilespmem:v27+s31+$0x0], $0xffff  }
0xf8: {  	v34 =	vld.idx.msk [tilespmem:v29+s3+$0x0], $0xffff;
	v6 =	vmul.f32 v28, v6;
	v5 =	vadd.f32 v7, v5  }
0xf9: {  	v12 =	vld.idx.msk [tilespmem:v29+s31+$0x0], $0xffff;
	v7 =	vor.u32 $0xF, v4  }
0xfa: {  	v35 =	vld.idx.msk [tilespmem:v31+s3+$0x0], $0xffff;
	v8 =	vmul.f32 v30, v8;
	v5 =	vadd.f32 v6, v5  }
0xfb: {  	v9 =	vld.idx.msk [tilespmem:v31+s31+$0x0], $0xffff;
	v6 =	vor.u32 $0x10, v4  }
0xfc: {  	v36 =	vld.idx.msk [tilespmem:v33+s3+$0x0], $0xffff;
	v11 =	vmul.f32 v32, v11;
	v5 =	vadd.f32 v8, v5  }
0xfd: {  	v10 =	vld.idx.msk [tilespmem:v33+s31+$0x0], $0xffff;
	v8 =	vor.u32 $0x11, v4  }
0xfe: {  	v12 =	vmul.f32 v34, v12;
	v37 =	vld.idx.msk [tilespmem:v7+s3+$0x0], $0xffff;
	v5 =	vadd.f32 v11, v5  }
0xff: {  	v38 =	vor.u32 $0x12, v4;
	v7 =	vld.idx.msk [tilespmem:v7+s31+$0x0], $0xffff  }
0x100: {  	v9 =	vmul.f32 v35, v9;
	v39 =	vld.idx.msk [tilespmem:v6+s3+$0x0], $0xffff;
	v5 =	vadd.f32 v12, v5  }
0x101: {  	v40 =	vor.u32 $0x13, v4;
	v6 =	vld.idx.msk [tilespmem:v6+s31+$0x0], $0xffff  }
0x102: {  	v10 =	vmul.f32 v36, v10;
	v41 =	vld.idx.msk [tilespmem:v8+s3+$0x0], $0xffff;
	v5 =	vadd.f32 v9, v5  }
0x103: {  	v42 =	vor.u32 $0x14, v4;
	v8 =	vld.idx.msk [tilespmem:v8+s31+$0x0], $0xffff  }
0x104: {  	v43 =	vld.idx.msk [tilespmem:v38+s3+$0x0], $0xffff;
	v7 =	vmul.f32 v37, v7;
	v5 =	vadd.f32 v10, v5  }
0x105: {  	v44 =	vor.u32 $0x15, v4;
	v11 =	vld.idx.msk [tilespmem:v38+s31+$0x0], $0xffff  }
0x106: {  	v45 =	vld.idx.msk [tilespmem:v40+s3+$0x0], $0xffff;
	v6 =	vmul.f32 v39, v6;
	v5 =	vadd.f32 v7, v5  }
0x107: {  	v12 =	vld.idx.msk [tilespmem:v40+s31+$0x0], $0xffff;
	v7 =	vor.u32 $0x16, v4  }
0x108: {  	v46 =	vld.idx.msk [tilespmem:v42+s3+$0x0], $0xffff;
	v8 =	vmul.f32 v41, v8;
	v5 =	vadd.f32 v6, v5  }
0x109: {  	v9 =	vld.idx.msk [tilespmem:v42+s31+$0x0], $0xffff;
	v6 =	vor.u32 $0x17, v4  }
0x10a: {  	v47 =	vld.idx.msk [tilespmem:v44+s3+$0x0], $0xffff;
	v11 =	vmul.f32 v43, v11;
	v5 =	vadd.f32 v8, v5  }
0x10b: {  	v10 =	vld.idx.msk [tilespmem:v44+s31+$0x0], $0xffff;
	v8 =	vor.u32 $0x18, v4  }
0x10c: {  	v12 =	vmul.f32 v45, v12;
	v48 =	vld.idx.msk [tilespmem:v7+s3+$0x0], $0xffff;
	v5 =	vadd.f32 v11, v5  }
0x10d: {  	v49 =	vor.u32 $0x19, v4;
	v7 =	vld.idx.msk [tilespmem:v7+s31+$0x0], $0xffff  }
0x10e: {  	v9 =	vmul.f32 v46, v9;
	v50 =	vld.idx.msk [tilespmem:v6+s3+$0x0], $0xffff;
	v5 =	vadd.f32 v12, v5  }
0x10f: {  	v51 =	vor.u32 $0x1A, v4;
	v6 =	vld.idx.msk [tilespmem:v6+s31+$0x0], $0xffff  }
0x110: {  	v10 =	vmul.f32 v47, v10;
	v52 =	vld.idx.msk [tilespmem:v8+s3+$0x0], $0xffff;
	v5 =	vadd.f32 v9, v5  }
0x111: {  	v53 =	vor.u32 $0x1B, v4;
	v8 =	vld.idx.msk [tilespmem:v8+s31+$0x0], $0xffff  }
0x112: {  	v54 =	vld.idx.msk [tilespmem:v49+s3+$0x0], $0xffff;
	v7 =	vmul.f32 v48, v7;
	v5 =	vadd.f32 v10, v5  }
0x113: {  	v55 =	vor.u32 $0x1C, v4;
	v11 =	vld.idx.msk [tilespmem:v49+s31+$0x0], $0xffff  }
0x114: {  	v56 =	vld.idx.msk [tilespmem:v51+s3+$0x0], $0xffff;
	v6 =	vmul.f32 v50, v6;
	v5 =	vadd.f32 v7, v5  }
0x115: {  	v12 =	vld.idx.msk [tilespmem:v51+s31+$0x0], $0xffff;
	v7 =	vor.u32 $0x1D, v4  }
0x116: {  	v57 =	vld.idx.msk [tilespmem:v53+s3+$0x0], $0xffff;
	v8 =	vmul.f32 v52, v8;
	v5 =	vadd.f32 v6, v5  }
0x117: {  	v9 =	vld.idx.msk [tilespmem:v53+s31+$0x0], $0xffff;
	v6 =	vor.u32 $0x1E, v4  }
0x118: {  	v58 =	vld.idx.msk [tilespmem:v55+s3+$0x0], $0xffff;
	v11 =	vmul.f32 v54, v11;
	v5 =	vadd.f32 v8, v5  }
0x119: {  	v10 =	vld.idx.msk [tilespmem:v55+s31+$0x0], $0xffff;
	v8 =	vor.u32 $0x1F, v4  }
0x11a: {  	v12 =	vmul.f32 v56, v12;
	v59 =	vld.idx.msk [tilespmem:v7+s3+$0x0], $0xffff;
	v5 =	vadd.f32 v11, v5  }
0x11b: {  	v60 =	vor.u32 $0x20, v4;
	v7 =	vld.idx.msk [tilespmem:v7+s31+$0x0], $0xffff  }
0x11c: {  	v9 =	vmul.f32 v57, v9;
	v61 =	vld.idx.msk [tilespmem:v6+s3+$0x0], $0xffff;
	v5 =	vadd.f32 v12, v5  }
0x11d: {  	v62 =	vor.u32 $0x21, v4;
	v6 =	vld.idx.msk [tilespmem:v6+s31+$0x0], $0xffff  }
0x11e: {  	v10 =	vmul.f32 v58, v10;
	v63 =	vld.idx.msk [tilespmem:v8+s3+$0x0], $0xffff;
	v5 =	vadd.f32 v9, v5  }
0x11f: {  	v18 =	vor.u32 $0x22, v4;
	v8 =	vld.idx.msk [tilespmem:v8+s31+$0x0], $0xffff  }
0x120: {  	v19 =	vld.idx.msk [tilespmem:v60+s3+$0x0], $0xffff;
	v7 =	vmul.f32 v59, v7;
	v5 =	vadd.f32 v10, v5  }
0x121: {  	v20 =	vor.u32 $0x23, v4;
	v11 =	vld.idx.msk [tilespmem:v60+s31+$0x0], $0xffff  }
0x122: {  	v21 =	vld.idx.msk [tilespmem:v62+s3+$0x0], $0xffff;
	v6 =	vmul.f32 v61, v6;
	v5 =	vadd.f32 v7, v5  }
0x123: {  	v12 =	vld.idx.msk [tilespmem:v62+s31+$0x0], $0xffff;
	v7 =	vor.u32 $0x24, v4  }
0x124: {  	v22 =	vld.idx.msk [tilespmem:v18+s3+$0x0], $0xffff;
	v8 =	vmul.f32 v63, v8;
	v5 =	vadd.f32 v6, v5  }
0x125: {  	v9 =	vld.idx.msk [tilespmem:v18+s31+$0x0], $0xffff;
	v6 =	vor.u32 $0x25, v4  }
0x126: {  	v23 =	vld.idx.msk [tilespmem:v20+s3+$0x0], $0xffff;
	v11 =	vmul.f32 v19, v11;
	v5 =	vadd.f32 v8, v5  }
0x127: {  	v10 =	vld.idx.msk [tilespmem:v20+s31+$0x0], $0xffff;
	v8 =	vor.u32 $0x26, v4  }
0x128: {  	v12 =	vmul.f32 v21, v12;
	v24 =	vld.idx.msk [tilespmem:v7+s3+$0x0], $0xffff;
	v5 =	vadd.f32 v11, v5  }
0x129: {  	v25 =	vor.u32 $0x27, v4;
	v7 =	vld.idx.msk [tilespmem:v7+s31+$0x0], $0xffff  }
0x12a: {  	v9 =	vmul.f32 v22, v9;
	v26 =	vld.idx.msk [tilespmem:v6+s3+$0x0], $0xffff;
	v5 =	vadd.f32 v12, v5  }
0x12b: {  	v27 =	vor.u32 $0x28, v4;
	v6 =	vld.idx.msk [tilespmem:v6+s31+$0x0], $0xffff  }
0x12c: {  	v10 =	vmul.f32 v23, v10;
	v28 =	vld.idx.msk [tilespmem:v8+s3+$0x0], $0xffff;
	v5 =	vadd.f32 v9, v5  }
0x12d: {  	v29 =	vor.u32 $0x29, v4;
	v8 =	vld.idx.msk [tilespmem:v8+s31+$0x0], $0xffff  }
0x12e: {  	v30 =	vld.idx.msk [tilespmem:v25+s3+$0x0], $0xffff;
	v7 =	vmul.f32 v24, v7;
	v5 =	vadd.f32 v10, v5  }
0x12f: {  	v31 =	vor.u32 $0x2A, v4;
	v11 =	vld.idx.msk [tilespmem:v25+s31+$0x0], $0xffff  }
0x130: {  	v32 =	vld.idx.msk [tilespmem:v27+s3+$0x0], $0xffff;
	v6 =	vmul.f32 v26, v6;
	v5 =	vadd.f32 v7, v5  }
0x131: {  	v12 =	vld.idx.msk [tilespmem:v27+s31+$0x0], $0xffff;
	v7 =	vor.u32 $0x2B, v4  }
0x132: {  	v33 =	vld.idx.msk [tilespmem:v29+s3+$0x0], $0xffff;
	v8 =	vmul.f32 v28, v8;
	v5 =	vadd.f32 v6, v5  }
0x133: {  	v9 =	vld.idx.msk [tilespmem:v29+s31+$0x0], $0xffff;
	v6 =	vor.u32 $0x2C, v4  }
0x134: {  	v34 =	vld.idx.msk [tilespmem:v31+s3+$0x0], $0xffff;
	v11 =	vmul.f32 v30, v11;
	v5 =	vadd.f32 v8, v5  }
0x135: {  	v10 =	vld.idx.msk [tilespmem:v31+s31+$0x0], $0xffff;
	v8 =	vor.u32 $0x2D, v4  }
0x136: {  	v12 =	vmul.f32 v32, v12;
	v35 =	vld.idx.msk [tilespmem:v7+s3+$0x0], $0xffff;
	v5 =	vadd.f32 v11, v5  }
0x137: {  	v36 =	vor.u32 $0x2E, v4;
	v7 =	vld.idx.msk [tilespmem:v7+s31+$0x0], $0xffff  }
0x138: {  	v9 =	vmul.f32 v33, v9;
	v37 =	vld.idx.msk [tilespmem:v6+s3+$0x0], $0xffff;
	v5 =	vadd.f32 v12, v5  }
0x139: {  	v38 =	vor.u32 $0x2F, v4;
	v6 =	vld.idx.msk [tilespmem:v6+s31+$0x0], $0xffff  }
0x13a: {  	v10 =	vmul.f32 v34, v10;
	v39 =	vld.idx.msk [tilespmem:v8+s3+$0x0], $0xffff;
	v5 =	vadd.f32 v9, v5  }
0x13b: {  	v40 =	vor.u32 $0x30, v4;
	v8 =	vld.idx.msk [tilespmem:v8+s31+$0x0], $0xffff  }
0x13c: {  	v41 =	vld.idx.msk [tilespmem:v36+s3+$0x0], $0xffff;
	v7 =	vmul.f32 v35, v7;
	v5 =	vadd.f32 v10, v5  }
0x13d: {  	v42 =	vor.u32 $0x31, v4;
	v11 =	vld.idx.msk [tilespmem:v36+s31+$0x0], $0xffff  }
0x13e: {  	v43 =	vld.idx.msk [tilespmem:v38+s3+$0x0], $0xffff;
	v6 =	vmul.f32 v37, v6;
	v5 =	vadd.f32 v7, v5  }
0x13f: {  	v12 =	vld.idx.msk [tilespmem:v38+s31+$0x0], $0xffff;
	v7 =	vor.u32 $0x32, v4  }
0x140: {  	v44 =	vld.idx.msk [tilespmem:v40+s3+$0x0], $0xffff;
	v8 =	vmul.f32 v39, v8;
	v5 =	vadd.f32 v6, v5  }
0x141: {  	v9 =	vld.idx.msk [tilespmem:v40+s31+$0x0], $0xffff;
	v6 =	vor.u32 $0x33, v4  }
0x142: {  	v45 =	vld.idx.msk [tilespmem:v42+s3+$0x0], $0xffff;
	v11 =	vmul.f32 v41, v11;
	v5 =	vadd.f32 v8, v5  }
0x143: {  	v10 =	vld.idx.msk [tilespmem:v42+s31+$0x0], $0xffff;
	v8 =	vor.u32 $0x34, v4  }
0x144: {  	v12 =	vmul.f32 v43, v12;
	v46 =	vld.idx.msk [tilespmem:v7+s3+$0x0], $0xffff;
	v5 =	vadd.f32 v11, v5  }
0x145: {  	v47 =	vor.u32 $0x35, v4;
	v7 =	vld.idx.msk [tilespmem:v7+s31+$0x0], $0xffff  }
0x146: {  	v9 =	vmul.f32 v44, v9;
	v48 =	vld.idx.msk [tilespmem:v6+s3+$0x0], $0xffff;
	v5 =	vadd.f32 v12, v5  }
0x147: {  	v49 =	vor.u32 $0x36, v4;
	v6 =	vld.idx.msk [tilespmem:v6+s31+$0x0], $0xffff  }
0x148: {  	v10 =	vmul.f32 v45, v10;
	v50 =	vld.idx.msk [tilespmem:v8+s3+$0x0], $0xffff;
	v5 =	vadd.f32 v9, v5  }
0x149: {  	v51 =	vor.u32 $0x37, v4;
	v8 =	vld.idx.msk [tilespmem:v8+s31+$0x0], $0xffff  }
0x14a: {  	v52 =	vld.idx.msk [tilespmem:v47+s3+$0x0], $0xffff;
	v7 =	vmul.f32 v46, v7;
	v5 =	vadd.f32 v10, v5  }
0x14b: {  	v53 =	vor.u32 $0x38, v4;
	v11 =	vld.idx.msk [tilespmem:v47+s31+$0x0], $0xffff  }
0x14c: {  	v54 =	vld.idx.msk [tilespmem:v49+s3+$0x0], $0xffff;
	v6 =	vmul.f32 v48, v6;
	v5 =	vadd.f32 v7, v5  }
0x14d: {  	v12 =	vld.idx.msk [tilespmem:v49+s31+$0x0], $0xffff;
	v7 =	vor.u32 $0x39, v4  }
0x14e: {  	v55 =	vld.idx.msk [tilespmem:v51+s3+$0x0], $0xffff;
	v8 =	vmul.f32 v50, v8;
	v5 =	vadd.f32 v6, v5  }
0x14f: {  	v9 =	vld.idx.msk [tilespmem:v51+s31+$0x0], $0xffff;
	v6 =	vor.u32 $0x3A, v4  }
0x150: {  	v56 =	vld.idx.msk [tilespmem:v53+s3+$0x0], $0xffff;
	v11 =	vmul.f32 v52, v11;
	v5 =	vadd.f32 v8, v5  }
0x151: {  	v10 =	vld.idx.msk [tilespmem:v53+s31+$0x0], $0xffff;
	v8 =	vor.u32 $0x3B, v4  }
0x152: {  	v12 =	vmul.f32 v54, v12;
	v57 =	vld.idx.msk [tilespmem:v7+s3+$0x0], $0xffff;
	v5 =	vadd.f32 v11, v5  }
0x153: {  	v58 =	vor.u32 $0x3C, v4;
	v7 =	vld.idx.msk [tilespmem:v7+s31+$0x0], $0xffff  }
0x154: {  	v9 =	vmul.f32 v55, v9;
	v59 =	vld.idx.msk [tilespmem:v6+s3+$0x0], $0xffff;
	v5 =	vadd.f32 v12, v5  }
0x155: {  	v60 =	vor.u32 $0x3D, v4;
	v6 =	vld.idx.msk [tilespmem:v6+s31+$0x0], $0xffff  }
0x156: {  	v10 =	vmul.f32 v56, v10;
	v61 =	vld.idx.msk [tilespmem:v8+s3+$0x0], $0xffff;
	v5 =	vadd.f32 v9, v5  }
0x157: {  	v62 =	vor.u32 $0x3E, v4;
	v8 =	vld.idx.msk [tilespmem:v8+s31+$0x0], $0xffff  }
0x158: {  	v63 =	vld.idx.msk [tilespmem:v58+s3+$0x0], $0xffff;
	v7 =	vmul.f32 v57, v7;
	v5 =	vadd.f32 v10, v5  }
0x159: {  	v4 =	vor.u32 $0x3F, v4;
	v11 =	vld.idx.msk [tilespmem:v58+s31+$0x0], $0xffff  }
0x15a: {  	v12 =	vld.idx.msk [tilespmem:v60+s31+$0x0], $0xffff;
	v6 =	vmul.f32 v59, v6;
	v5 =	vadd.f32 v7, v5  }
0x15b: {  	v7 =	vld.idx.msk [tilespmem:v60+s3+$0x0], $0xffff  }
0x15c: {  	v9 =	vld.idx.msk [tilespmem:v62+s31+$0x0], $0xffff;
	v8 =	vmul.f32 v61, v8;
	v5 =	vadd.f32 v6, v5  }
0x15d: {  	v6 =	vld.idx.msk [tilespmem:v62+s3+$0x0], $0xffff  }
0x15e: {  	v10 =	vmul.f32 v63, v11;
	v5 =	vadd.f32 v8, v5;
	v8 =	vld.idx.msk [tilespmem:v4+s3+$0x0], $0xffff  }
0x15f: {  	v4 =	vld.idx.msk [tilespmem:v4+s31+$0x0], $0xffff  }
0x160: {  	v7 =	vmul.f32 v7, v12;
	v5 =	vadd.f32 v10, v5;
	_ =	sdelay $0x1  }
0x161: {  	v6 =	vmul.f32 v6, v9;
	v5 =	vadd.f32 v7, v5;
	_ =	sdelay $0x1  }
0x162: {  	v4 =	vmul.f32 v8, v4;
	v5 =	vadd.f32 v6, v5;
	_ =	sdelay $0x1  }
0x163: {  	v4 =	vadd.f32 v4, v5;
	_ =	sdelay $0x1  }
0x164: {  	v4 =	vmul.f32 $1.250000000e-01, v4;
	_ =	sdelay $0x1  }
0x165: {  	v4 =	vmax.f32 v4, $0.0e+00  }
0x166: {  	v4 =	vmul.f32 $1.442695020e+00, v4;
	_ =	sdelay $0x1  }
0x167: {  	(erf) = vpow2.f32 v4;
	_ =	sdelay $0x1  }
0x168: {  	s2 =	simm.s32 $0x10  }
0x169: {  	v5 =	vmov s2  }
0x16a: {  	v5 =	vshll.u32 v5, $0x7  }
0x16b: {  	s9 =	sadd.s32 $0x80, s21;
	v4 =	vor.u32 v2, v5  }
0x16c: {  	p0 =	por p1, p1;
	s17 =	smov.u32 s9;
	s2 =	simm.s32 $0x20;
	v7 =	vor.u32 $0x1, v4;
	v6 =	vor.u32 $0x2, v4;
	v5 =	vor.u32 $0x3, v4  }
.LBB2_7:
0x16d: {  	p1 =	sne.s32 s2, $0x30  }
0x16e: {  	v8 =	vor.u32 $0x4, v4;
	v9 =	vor.u32 $0x5, v4;
	v10 =	vor.u32 $0x6, v4;
	s9 =	sadd.s32 $0x10, s9;
	s18 =	smov.u32 s2;
	s2 =	sadd.s32 $0x10, s2  }
0x16f: {  	v11 =	vor.u32 $0x7, v4;
	v12 =	vor.u32 $0x8, v4;
	v54 =	vor.u32 $0x9, v4;
	v13 =	vpop (erf)  }
0x170: {  	v55 =	vor.u32 $0xA, v4;
	v56 =	vor.u32 $0xB, v4;
	v57 =	vor.u32 $0xC, v4;
	[tilespmem:s17+$0x0] =	vst v13;
	s17 =	smov.u32 s9  }
0x171: {  	v58 =	vor.u32 $0xD, v4;
	v53 =	vor.u32 $0xE, v4;
	v52 =	vor.u32 $0xF, v4;
	v13 =	vld.idx.msk [tilespmem:v4+s31+$0x0], $0xffff  }
0x172: {  	v51 =	vor.u32 $0x10, v4;
	v50 =	vor.u32 $0x11, v4;
	v49 =	vor.u32 $0x12, v4;
	v14 =	vld.idx.msk [tilespmem:v7+s3+$0x0], $0xffff  }
0x173: {  	v48 =	vor.u32 $0x13, v4;
	v47 =	vor.u32 $0x14, v4;
	v46 =	vor.u32 $0x15, v4;
	v15 =	vld.idx.msk [tilespmem:v4+s3+$0x0], $0xffff  }
0x174: {  	v45 =	vor.u32 $0x16, v4;
	v44 =	vor.u32 $0x17, v4;
	v43 =	vor.u32 $0x18, v4;
	v7 =	vld.idx.msk [tilespmem:v7+s31+$0x0], $0xffff  }
0x175: {  	v42 =	vor.u32 $0x19, v4;
	v41 =	vor.u32 $0x1A, v4;
	v40 =	vor.u32 $0x1B, v4;
	v16 =	vld.idx.msk [tilespmem:v6+s3+$0x0], $0xffff  }
0x176: {  	v39 =	vor.u32 $0x1C, v4;
	v38 =	vor.u32 $0x1D, v4;
	v37 =	vor.u32 $0x1E, v4;
	v6 =	vld.idx.msk [tilespmem:v6+s31+$0x0], $0xffff  }
0x177: {  	v36 =	vor.u32 $0x1F, v4;
	v35 =	vor.u32 $0x20, v4;
	v34 =	vor.u32 $0x21, v4;
	v17 =	vld.idx.msk [tilespmem:v5+s3+$0x0], $0xffff  }
0x178: {  	v33 =	vor.u32 $0x22, v4;
	v32 =	vor.u32 $0x23, v4;
	v31 =	vor.u32 $0x24, v4;
	v5 =	vld.idx.msk [tilespmem:v5+s31+$0x0], $0xffff  }
0x179: {  	v30 =	vor.u32 $0x25, v4;
	v29 =	vor.u32 $0x26, v4;
	v13 =	vmul.f32 v15, v13;
	v15 =	vld.idx.msk [tilespmem:v8+s3+$0x0], $0xffff  }
0x17a: {  	v28 =	vor.u32 $0x27, v4;
	v27 =	vor.u32 $0x28, v4;
	v7 =	vmul.f32 v14, v7;
	v8 =	vld.idx.msk [tilespmem:v8+s31+$0x0], $0xffff  }
0x17b: {  	v26 =	vor.u32 $0x29, v4;
	v25 =	vor.u32 $0x2A, v4;
	v13 =	vadd.f32 $0.0e+00, v13;
	v59 =	vld.idx.msk [tilespmem:v9+s3+$0x0], $0xffff  }
0x17c: {  	v24 =	vor.u32 $0x2B, v4;
	v23 =	vor.u32 $0x2C, v4;
	v6 =	vmul.f32 v16, v6;
	v9 =	vld.idx.msk [tilespmem:v9+s31+$0x0], $0xffff  }
0x17d: {  	v22 =	vor.u32 $0x2D, v4;
	v21 =	vor.u32 $0x2E, v4;
	v7 =	vadd.f32 v7, v13;
	v60 =	vld.idx.msk [tilespmem:v10+s3+$0x0], $0xffff  }
0x17e: {  	v20 =	vor.u32 $0x2F, v4;
	v19 =	vor.u32 $0x30, v4;
	v5 =	vmul.f32 v17, v5;
	v61 =	vld.idx.msk [tilespmem:v10+s31+$0x0], $0xffff  }
0x17f: {  	v18 =	vor.u32 $0x31, v4;
	v17 =	vor.u32 $0x32, v4;
	v6 =	vadd.f32 v6, v7;
	v62 =	vld.idx.msk [tilespmem:v11+s3+$0x0], $0xffff  }
0x180: {  	v16 =	vor.u32 $0x33, v4;
	v7 =	vmul.f32 v15, v8;
	v15 =	vor.u32 $0x34, v4;
	v63 =	vld.idx.msk [tilespmem:v11+s31+$0x0], $0xffff  }
0x181: {  	v14 =	vor.u32 $0x35, v4;
	v13 =	vor.u32 $0x36, v4;
	v5 =	vadd.f32 v5, v6;
	v1 =	vld.idx.msk [tilespmem:v12+s3+$0x0], $0xffff  }
0x182: {  	v11 =	vor.u32 $0x38, v4;
	v6 =	vmul.f32 v59, v9;
	v59 =	vld.idx.msk [tilespmem:v12+s31+$0x0], $0xffff;
	v12 =	vor.u32 $0x37, v4  }
0x183: {  	v10 =	vor.u32 $0x39, v4;
	v9 =	vor.u32 $0x3A, v4;
	v5 =	vadd.f32 v7, v5;
	v0 =	vld.idx.msk [tilespmem:v54+s3+$0x0], $0xffff  }
0x184: {  	v8 =	vor.u32 $0x3B, v4;
	v7 =	vor.u32 $0x3C, v4;
	v60 =	vmul.f32 v60, v61;
	v54 =	vld.idx.msk [tilespmem:v54+s31+$0x0], $0xffff  }
0x185: {  	v61 =	vadd.f32 v6, v5;
	v6 =	vor.u32 $0x3D, v4;
	v5 =	vor.u32 $0x3E, v4;
	v3 =	vld.idx.msk [tilespmem:v55+s3+$0x0], $0xffff  }
0x186: {  	v4 =	vor.u32 $0x3F, v4;
	v62 =	vmul.f32 v62, v63;
	v55 =	vld.idx.msk [tilespmem:v55+s31+$0x0], $0xffff  }
0x187: {  	v60 =	vadd.f32 v60, v61;
	v61 =	vld.idx.msk [tilespmem:v56+s3+$0x0], $0xffff  }
0x188: {  	v1 =	vmul.f32 v1, v59;
	v56 =	vld.idx.msk [tilespmem:v56+s31+$0x0], $0xffff  }
0x189: {  	v59 =	vadd.f32 v62, v60;
	v60 =	vld.idx.msk [tilespmem:v57+s3+$0x0], $0xffff  }
0x18a: {  	v0 =	vmul.f32 v0, v54;
	v54 =	vld.idx.msk [tilespmem:v57+s31+$0x0], $0xffff  }
0x18b: {  	v1 =	vadd.f32 v1, v59;
	v57 =	vld.idx.msk [tilespmem:v58+s3+$0x0], $0xffff  }
0x18c: {  	v3 =	vmul.f32 v3, v55;
	v55 =	vld.idx.msk [tilespmem:v58+s31+$0x0], $0xffff  }
0x18d: {  	v0 =	vadd.f32 v0, v1;
	v1 =	vld.idx.msk [tilespmem:v53+s3+$0x0], $0xffff  }
0x18e: {  	v56 =	vmul.f32 v61, v56;
	v53 =	vld.idx.msk [tilespmem:v53+s31+$0x0], $0xffff  }
0x18f: {  	v0 =	vadd.f32 v3, v0;
	v3 =	vld.idx.msk [tilespmem:v52+s3+$0x0], $0xffff  }
0x190: {  	v54 =	vmul.f32 v60, v54;
	v52 =	vld.idx.msk [tilespmem:v52+s31+$0x0], $0xffff  }
0x191: {  	v0 =	vadd.f32 v56, v0;
	v56 =	vld.idx.msk [tilespmem:v51+s3+$0x0], $0xffff  }
0x192: {  	v55 =	vmul.f32 v57, v55;
	v51 =	vld.idx.msk [tilespmem:v51+s31+$0x0], $0xffff  }
0x193: {  	v0 =	vadd.f32 v54, v0;
	v54 =	vld.idx.msk [tilespmem:v50+s3+$0x0], $0xffff  }
0x194: {  	v1 =	vmul.f32 v1, v53;
	v50 =	vld.idx.msk [tilespmem:v50+s31+$0x0], $0xffff  }
0x195: {  	v0 =	vadd.f32 v55, v0;
	v53 =	vld.idx.msk [tilespmem:v49+s3+$0x0], $0xffff  }
0x196: {  	v3 =	vmul.f32 v3, v52;
	v49 =	vld.idx.msk [tilespmem:v49+s31+$0x0], $0xffff  }
0x197: {  	v0 =	vadd.f32 v1, v0;
	v1 =	vld.idx.msk [tilespmem:v48+s3+$0x0], $0xffff  }
0x198: {  	v51 =	vmul.f32 v56, v51;
	v48 =	vld.idx.msk [tilespmem:v48+s31+$0x0], $0xffff  }
0x199: {  	v0 =	vadd.f32 v3, v0;
	v3 =	vld.idx.msk [tilespmem:v47+s3+$0x0], $0xffff  }
0x19a: {  	v50 =	vmul.f32 v54, v50;
	v47 =	vld.idx.msk [tilespmem:v47+s31+$0x0], $0xffff  }
0x19b: {  	v0 =	vadd.f32 v51, v0;
	v51 =	vld.idx.msk [tilespmem:v46+s3+$0x0], $0xffff  }
0x19c: {  	v49 =	vmul.f32 v53, v49;
	v46 =	vld.idx.msk [tilespmem:v46+s31+$0x0], $0xffff  }
0x19d: {  	v0 =	vadd.f32 v50, v0;
	v50 =	vld.idx.msk [tilespmem:v45+s3+$0x0], $0xffff  }
0x19e: {  	v1 =	vmul.f32 v1, v48;
	v45 =	vld.idx.msk [tilespmem:v45+s31+$0x0], $0xffff  }
0x19f: {  	v0 =	vadd.f32 v49, v0;
	v48 =	vld.idx.msk [tilespmem:v44+s3+$0x0], $0xffff  }
0x1a0: {  	v3 =	vmul.f32 v3, v47;
	v44 =	vld.idx.msk [tilespmem:v44+s31+$0x0], $0xffff  }
0x1a1: {  	v0 =	vadd.f32 v1, v0;
	v1 =	vld.idx.msk [tilespmem:v43+s3+$0x0], $0xffff  }
0x1a2: {  	v46 =	vmul.f32 v51, v46;
	v43 =	vld.idx.msk [tilespmem:v43+s31+$0x0], $0xffff  }
0x1a3: {  	v0 =	vadd.f32 v3, v0;
	v3 =	vld.idx.msk [tilespmem:v42+s3+$0x0], $0xffff  }
0x1a4: {  	v45 =	vmul.f32 v50, v45;
	v42 =	vld.idx.msk [tilespmem:v42+s31+$0x0], $0xffff  }
0x1a5: {  	v0 =	vadd.f32 v46, v0;
	v46 =	vld.idx.msk [tilespmem:v41+s3+$0x0], $0xffff  }
0x1a6: {  	v44 =	vmul.f32 v48, v44;
	v41 =	vld.idx.msk [tilespmem:v41+s31+$0x0], $0xffff  }
0x1a7: {  	v0 =	vadd.f32 v45, v0;
	v45 =	vld.idx.msk [tilespmem:v40+s3+$0x0], $0xffff  }
0x1a8: {  	v1 =	vmul.f32 v1, v43;
	v40 =	vld.idx.msk [tilespmem:v40+s31+$0x0], $0xffff  }
0x1a9: {  	v0 =	vadd.f32 v44, v0;
	v43 =	vld.idx.msk [tilespmem:v39+s3+$0x0], $0xffff  }
0x1aa: {  	v3 =	vmul.f32 v3, v42;
	v39 =	vld.idx.msk [tilespmem:v39+s31+$0x0], $0xffff  }
0x1ab: {  	v0 =	vadd.f32 v1, v0;
	v1 =	vld.idx.msk [tilespmem:v38+s3+$0x0], $0xffff  }
0x1ac: {  	v41 =	vmul.f32 v46, v41;
	v38 =	vld.idx.msk [tilespmem:v38+s31+$0x0], $0xffff  }
0x1ad: {  	v0 =	vadd.f32 v3, v0;
	v3 =	vld.idx.msk [tilespmem:v37+s3+$0x0], $0xffff  }
0x1ae: {  	v40 =	vmul.f32 v45, v40;
	v37 =	vld.idx.msk [tilespmem:v37+s31+$0x0], $0xffff  }
0x1af: {  	v0 =	vadd.f32 v41, v0;
	v41 =	vld.idx.msk [tilespmem:v36+s3+$0x0], $0xffff  }
0x1b0: {  	v39 =	vmul.f32 v43, v39;
	v36 =	vld.idx.msk [tilespmem:v36+s31+$0x0], $0xffff  }
0x1b1: {  	v0 =	vadd.f32 v40, v0;
	v40 =	vld.idx.msk [tilespmem:v35+s3+$0x0], $0xffff  }
0x1b2: {  	v1 =	vmul.f32 v1, v38;
	v35 =	vld.idx.msk [tilespmem:v35+s31+$0x0], $0xffff  }
0x1b3: {  	v0 =	vadd.f32 v39, v0;
	v38 =	vld.idx.msk [tilespmem:v34+s3+$0x0], $0xffff  }
0x1b4: {  	v3 =	vmul.f32 v3, v37;
	v34 =	vld.idx.msk [tilespmem:v34+s31+$0x0], $0xffff  }
0x1b5: {  	v0 =	vadd.f32 v1, v0;
	v1 =	vld.idx.msk [tilespmem:v33+s3+$0x0], $0xffff  }
0x1b6: {  	v36 =	vmul.f32 v41, v36;
	v33 =	vld.idx.msk [tilespmem:v33+s31+$0x0], $0xffff  }
0x1b7: {  	v0 =	vadd.f32 v3, v0;
	v3 =	vld.idx.msk [tilespmem:v32+s3+$0x0], $0xffff  }
0x1b8: {  	v35 =	vmul.f32 v40, v35;
	v32 =	vld.idx.msk [tilespmem:v32+s31+$0x0], $0xffff  }
0x1b9: {  	v0 =	vadd.f32 v36, v0;
	v36 =	vld.idx.msk [tilespmem:v31+s3+$0x0], $0xffff  }
0x1ba: {  	v34 =	vmul.f32 v38, v34;
	v31 =	vld.idx.msk [tilespmem:v31+s31+$0x0], $0xffff  }
0x1bb: {  	v0 =	vadd.f32 v35, v0;
	v35 =	vld.idx.msk [tilespmem:v30+s3+$0x0], $0xffff  }
0x1bc: {  	v1 =	vmul.f32 v1, v33;
	v30 =	vld.idx.msk [tilespmem:v30+s31+$0x0], $0xffff  }
0x1bd: {  	v0 =	vadd.f32 v34, v0;
	v33 =	vld.idx.msk [tilespmem:v29+s3+$0x0], $0xffff  }
0x1be: {  	v3 =	vmul.f32 v3, v32;
	v29 =	vld.idx.msk [tilespmem:v29+s31+$0x0], $0xffff  }
0x1bf: {  	v0 =	vadd.f32 v1, v0;
	v1 =	vld.idx.msk [tilespmem:v28+s3+$0x0], $0xffff  }
0x1c0: {  	v31 =	vmul.f32 v36, v31;
	v28 =	vld.idx.msk [tilespmem:v28+s31+$0x0], $0xffff  }
0x1c1: {  	v0 =	vadd.f32 v3, v0;
	v3 =	vld.idx.msk [tilespmem:v27+s3+$0x0], $0xffff  }
0x1c2: {  	v30 =	vmul.f32 v35, v30;
	v27 =	vld.idx.msk [tilespmem:v27+s31+$0x0], $0xffff  }
0x1c3: {  	v0 =	vadd.f32 v31, v0;
	v31 =	vld.idx.msk [tilespmem:v26+s3+$0x0], $0xffff  }
0x1c4: {  	v29 =	vmul.f32 v33, v29;
	v26 =	vld.idx.msk [tilespmem:v26+s31+$0x0], $0xffff  }
0x1c5: {  	v0 =	vadd.f32 v30, v0;
	v30 =	vld.idx.msk [tilespmem:v25+s3+$0x0], $0xffff  }
0x1c6: {  	v1 =	vmul.f32 v1, v28;
	v25 =	vld.idx.msk [tilespmem:v25+s31+$0x0], $0xffff  }
0x1c7: {  	v0 =	vadd.f32 v29, v0;
	v28 =	vld.idx.msk [tilespmem:v24+s3+$0x0], $0xffff  }
0x1c8: {  	v3 =	vmul.f32 v3, v27;
	v24 =	vld.idx.msk [tilespmem:v24+s31+$0x0], $0xffff  }
0x1c9: {  	v0 =	vadd.f32 v1, v0;
	v1 =	vld.idx.msk [tilespmem:v23+s3+$0x0], $0xffff  }
0x1ca: {  	v26 =	vmul.f32 v31, v26;
	v23 =	vld.idx.msk [tilespmem:v23+s31+$0x0], $0xffff  }
0x1cb: {  	v0 =	vadd.f32 v3, v0;
	v3 =	vld.idx.msk [tilespmem:v22+s3+$0x0], $0xffff  }
0x1cc: {  	v25 =	vmul.f32 v30, v25;
	v22 =	vld.idx.msk [tilespmem:v22+s31+$0x0], $0xffff  }
0x1cd: {  	v0 =	vadd.f32 v26, v0;
	v26 =	vld.idx.msk [tilespmem:v21+s3+$0x0], $0xffff  }
0x1ce: {  	v24 =	vmul.f32 v28, v24;
	v21 =	vld.idx.msk [tilespmem:v21+s31+$0x0], $0xffff  }
0x1cf: {  	v0 =	vadd.f32 v25, v0;
	v25 =	vld.idx.msk [tilespmem:v20+s3+$0x0], $0xffff  }
0x1d0: {  	v1 =	vmul.f32 v1, v23;
	v20 =	vld.idx.msk [tilespmem:v20+s31+$0x0], $0xffff  }
0x1d1: {  	v0 =	vadd.f32 v24, v0;
	v23 =	vld.idx.msk [tilespmem:v19+s3+$0x0], $0xffff  }
0x1d2: {  	v3 =	vmul.f32 v3, v22;
	v19 =	vld.idx.msk [tilespmem:v19+s31+$0x0], $0xffff  }
0x1d3: {  	v0 =	vadd.f32 v1, v0;
	v1 =	vld.idx.msk [tilespmem:v18+s3+$0x0], $0xffff  }
0x1d4: {  	v21 =	vmul.f32 v26, v21;
	v18 =	vld.idx.msk [tilespmem:v18+s31+$0x0], $0xffff  }
0x1d5: {  	v0 =	vadd.f32 v3, v0;
	v3 =	vld.idx.msk [tilespmem:v17+s3+$0x0], $0xffff  }
0x1d6: {  	v20 =	vmul.f32 v25, v20;
	v17 =	vld.idx.msk [tilespmem:v17+s31+$0x0], $0xffff  }
0x1d7: {  	v0 =	vadd.f32 v21, v0;
	v21 =	vld.idx.msk [tilespmem:v16+s3+$0x0], $0xffff  }
0x1d8: {  	v19 =	vmul.f32 v23, v19;
	v16 =	vld.idx.msk [tilespmem:v16+s31+$0x0], $0xffff  }
0x1d9: {  	v0 =	vadd.f32 v20, v0;
	v20 =	vld.idx.msk [tilespmem:v15+s3+$0x0], $0xffff  }
0x1da: {  	v1 =	vmul.f32 v1, v18;
	v15 =	vld.idx.msk [tilespmem:v15+s31+$0x0], $0xffff  }
0x1db: {  	v0 =	vadd.f32 v19, v0;
	v18 =	vld.idx.msk [tilespmem:v14+s3+$0x0], $0xffff  }
0x1dc: {  	v3 =	vmul.f32 v3, v17;
	v14 =	vld.idx.msk [tilespmem:v14+s31+$0x0], $0xffff  }
0x1dd: {  	v0 =	vadd.f32 v1, v0;
	v1 =	vld.idx.msk [tilespmem:v13+s3+$0x0], $0xffff  }
0x1de: {  	v16 =	vmul.f32 v21, v16;
	v13 =	vld.idx.msk [tilespmem:v13+s31+$0x0], $0xffff  }
0x1df: {  	v0 =	vadd.f32 v3, v0;
	v3 =	vld.idx.msk [tilespmem:v12+s3+$0x0], $0xffff  }
0x1e0: {  	v15 =	vmul.f32 v20, v15;
	v12 =	vld.idx.msk [tilespmem:v12+s31+$0x0], $0xffff  }
0x1e1: {  	v0 =	vadd.f32 v16, v0;
	v16 =	vld.idx.msk [tilespmem:v11+s3+$0x0], $0xffff  }
0x1e2: {  	v14 =	vmul.f32 v18, v14;
	v11 =	vld.idx.msk [tilespmem:v11+s31+$0x0], $0xffff  }
0x1e3: {  	v0 =	vadd.f32 v15, v0;
	v15 =	vld.idx.msk [tilespmem:v10+s3+$0x0], $0xffff  }
0x1e4: {  	v1 =	vmul.f32 v1, v13;
	v10 =	vld.idx.msk [tilespmem:v10+s31+$0x0], $0xffff  }
0x1e5: {  	v0 =	vadd.f32 v14, v0;
	v13 =	vld.idx.msk [tilespmem:v9+s3+$0x0], $0xffff  }
0x1e6: {  	v3 =	vmul.f32 v3, v12;
	v9 =	vld.idx.msk [tilespmem:v9+s31+$0x0], $0xffff  }
0x1e7: {  	v0 =	vadd.f32 v1, v0;
	v1 =	vld.idx.msk [tilespmem:v8+s3+$0x0], $0xffff  }
0x1e8: {  	v11 =	vmul.f32 v16, v11;
	v8 =	vld.idx.msk [tilespmem:v8+s31+$0x0], $0xffff  }
0x1e9: {  	v0 =	vadd.f32 v3, v0;
	v3 =	vld.idx.msk [tilespmem:v7+s3+$0x0], $0xffff  }
0x1ea: {  	v10 =	vmul.f32 v15, v10;
	v7 =	vld.idx.msk [tilespmem:v7+s31+$0x0], $0xffff  }
0x1eb: {  	v0 =	vadd.f32 v11, v0;
	v11 =	vld.idx.msk [tilespmem:v6+s3+$0x0], $0xffff  }
0x1ec: {  	v9 =	vmul.f32 v13, v9;
	v6 =	vld.idx.msk [tilespmem:v6+s31+$0x0], $0xffff  }
0x1ed: {  	v0 =	vadd.f32 v10, v0;
	v10 =	vld.idx.msk [tilespmem:v5+s3+$0x0], $0xffff  }
0x1ee: {  	v1 =	vmul.f32 v1, v8;
	v5 =	vld.idx.msk [tilespmem:v5+s31+$0x0], $0xffff  }
0x1ef: {  	v0 =	vadd.f32 v9, v0;
	v8 =	vld.idx.msk [tilespmem:v4+s3+$0x0], $0xffff  }
0x1f0: {  	v3 =	vmul.f32 v3, v7;
	v4 =	vld.idx.msk [tilespmem:v4+s31+$0x0], $0xffff  }
0x1f1: {  	v0 =	vadd.f32 v1, v0  }
0x1f2: {  	v1 =	vmul.f32 v11, v6  }
0x1f3: {  	v0 =	vadd.f32 v3, v0  }
0x1f4: {  	v3 =	vmul.f32 v10, v5  }
0x1f5: {  	v0 =	vadd.f32 v1, v0  }
0x1f6: {  	v1 =	vmul.f32 v8, v4  }
0x1f7: {  	v0 =	vadd.f32 v3, v0;
	_ =	sdelay $0x1  }
0x1f8: {  	v0 =	vadd.f32 v1, v0;
	_ =	sdelay $0x1  }
0x1f9: {  	v0 =	vmul.f32 $1.250000000e-01, v0;
	_ =	sdelay $0x1  }
0x1fa: {  	v0 =	vmax.f32 v0, $0.0e+00  }
0x1fb: {  	v0 =	vmul.f32 $1.442695020e+00, v0;
	_ =	sdelay $0x1  }
0x1fc: {  	(erf) = vpow2.f32 v0;
	_ =	sdelay $0x2  }
.Ltmp6:
0x1fd: {  	(pc) =	sbr.rel @p1 .LBB2_7-.Ltmp6, $4  }
0x1fe: {  	v0 =	vmov s18  }
0x1ff: {  	v0 =	vshll.u32 v0, $0x7  }
0x200: {  	v4 =	vor.u32 v2, v0  }
0x201: {  	v7 =	vor.u32 $0x1, v4;
	v6 =	vor.u32 $0x2, v4;
	v5 =	vor.u32 $0x3, v4  }
0x202: {  	_ =	sdelay $0x1  }
0x203: {  	v0 =	vpop (erf)  }
0x204: {  	[tilespmem:s17+$0x0] =	vst v0  }
0x205: {  	v0 =	vld.idx.msk [tilespmem:v4+s31+$0x0], $0xffff  }
0x206: {  	v1 =	vld.idx.msk [tilespmem:v4+s3+$0x0], $0xffff  }
0x207: {  	v3 =	vld.idx.msk [tilespmem:v7+s3+$0x0], $0xffff  }
0x208: {  	v8 =	vor.u32 $0x4, v4;
	v7 =	vld.idx.msk [tilespmem:v7+s31+$0x0], $0xffff  }
0x209: {  	v9 =	vld.idx.msk [tilespmem:v6+s3+$0x0], $0xffff  }
0x20a: {  	v10 =	vor.u32 $0x5, v4;
	v6 =	vld.idx.msk [tilespmem:v6+s31+$0x0], $0xffff  }
0x20b: {  	v11 =	vld.idx.msk [tilespmem:v5+s3+$0x0], $0xffff;
	v0 =	vmul.f32 v1, v0  }
0x20c: {  	v5 =	vld.idx.msk [tilespmem:v5+s31+$0x0], $0xffff;
	v1 =	vor.u32 $0x6, v4  }
0x20d: {  	v12 =	vld.idx.msk [tilespmem:v8+s3+$0x0], $0xffff;
	v3 =	vmul.f32 v3, v7;
	v0 =	vadd.f32 $0.0e+00, v0  }
0x20e: {  	v8 =	vld.idx.msk [tilespmem:v8+s31+$0x0], $0xffff;
	v7 =	vor.u32 $0x7, v4  }
0x20f: {  	v13 =	vld.idx.msk [tilespmem:v10+s3+$0x0], $0xffff;
	v6 =	vmul.f32 v9, v6;
	v0 =	vadd.f32 v3, v0  }
0x210: {  	v47 =	vld.idx.msk [tilespmem:v10+s31+$0x0], $0xffff;
	v3 =	vor.u32 $0x8, v4  }
0x211: {  	v5 =	vmul.f32 v11, v5;
	v48 =	vld.idx.msk [tilespmem:v1+s3+$0x0], $0xffff;
	v0 =	vadd.f32 v6, v0  }
0x212: {  	v1 =	vld.idx.msk [tilespmem:v1+s31+$0x0], $0xffff;
	v6 =	vor.u32 $0x9, v4  }
0x213: {  	v8 =	vmul.f32 v12, v8;
	v49 =	vld.idx.msk [tilespmem:v7+s3+$0x0], $0xffff;
	v0 =	vadd.f32 v5, v0  }
0x214: {  	v7 =	vld.idx.msk [tilespmem:v7+s31+$0x0], $0xffff;
	v5 =	vor.u32 $0xA, v4  }
0x215: {  	v9 =	vmul.f32 v13, v47;
	v50 =	vld.idx.msk [tilespmem:v3+s3+$0x0], $0xffff;
	v0 =	vadd.f32 v8, v0  }
0x216: {  	v3 =	vld.idx.msk [tilespmem:v3+s31+$0x0], $0xffff;
	v8 =	vor.u32 $0xB, v4  }
0x217: {  	v1 =	vmul.f32 v48, v1;
	v51 =	vld.idx.msk [tilespmem:v6+s3+$0x0], $0xffff;
	v0 =	vadd.f32 v9, v0  }
0x218: {  	v52 =	vor.u32 $0xC, v4;
	v6 =	vld.idx.msk [tilespmem:v6+s31+$0x0], $0xffff  }
0x219: {  	v7 =	vmul.f32 v49, v7;
	v53 =	vld.idx.msk [tilespmem:v5+s3+$0x0], $0xffff;
	v0 =	vadd.f32 v1, v0  }
0x21a: {  	v5 =	vld.idx.msk [tilespmem:v5+s31+$0x0], $0xffff;
	v1 =	vor.u32 $0xD, v4  }
0x21b: {  	v3 =	vmul.f32 v50, v3;
	v54 =	vld.idx.msk [tilespmem:v8+s3+$0x0], $0xffff;
	v0 =	vadd.f32 v7, v0  }
0x21c: {  	v8 =	vld.idx.msk [tilespmem:v8+s31+$0x0], $0xffff;
	v7 =	vor.u32 $0xE, v4  }
0x21d: {  	v55 =	vld.idx.msk [tilespmem:v52+s3+$0x0], $0xffff;
	v6 =	vmul.f32 v51, v6;
	v0 =	vadd.f32 v3, v0  }
0x21e: {  	v9 =	vld.idx.msk [tilespmem:v52+s31+$0x0], $0xffff;
	v3 =	vor.u32 $0xF, v4  }
0x21f: {  	v5 =	vmul.f32 v53, v5;
	v56 =	vld.idx.msk [tilespmem:v1+s3+$0x0], $0xffff;
	v0 =	vadd.f32 v6, v0  }
0x220: {  	v1 =	vld.idx.msk [tilespmem:v1+s31+$0x0], $0xffff;
	v6 =	vor.u32 $0x10, v4  }
0x221: {  	v8 =	vmul.f32 v54, v8;
	v57 =	vld.idx.msk [tilespmem:v7+s3+$0x0], $0xffff;
	v0 =	vadd.f32 v5, v0  }
0x222: {  	v7 =	vld.idx.msk [tilespmem:v7+s31+$0x0], $0xffff;
	v5 =	vor.u32 $0x11, v4  }
0x223: {  	v9 =	vmul.f32 v55, v9;
	v58 =	vld.idx.msk [tilespmem:v3+s3+$0x0], $0xffff;
	v0 =	vadd.f32 v8, v0  }
0x224: {  	v3 =	vld.idx.msk [tilespmem:v3+s31+$0x0], $0xffff;
	v8 =	vor.u32 $0x12, v4  }
0x225: {  	v1 =	vmul.f32 v56, v1;
	v59 =	vld.idx.msk [tilespmem:v6+s3+$0x0], $0xffff;
	v0 =	vadd.f32 v9, v0  }
0x226: {  	v60 =	vor.u32 $0x13, v4;
	v6 =	vld.idx.msk [tilespmem:v6+s31+$0x0], $0xffff  }
0x227: {  	v7 =	vmul.f32 v57, v7;
	v61 =	vld.idx.msk [tilespmem:v5+s3+$0x0], $0xffff;
	v0 =	vadd.f32 v1, v0  }
0x228: {  	v5 =	vld.idx.msk [tilespmem:v5+s31+$0x0], $0xffff;
	v1 =	vor.u32 $0x14, v4  }
0x229: {  	v3 =	vmul.f32 v58, v3;
	v62 =	vld.idx.msk [tilespmem:v8+s3+$0x0], $0xffff;
	v0 =	vadd.f32 v7, v0  }
0x22a: {  	v8 =	vld.idx.msk [tilespmem:v8+s31+$0x0], $0xffff;
	v7 =	vor.u32 $0x15, v4  }
0x22b: {  	v63 =	vld.idx.msk [tilespmem:v60+s3+$0x0], $0xffff;
	v6 =	vmul.f32 v59, v6;
	v0 =	vadd.f32 v3, v0  }
0x22c: {  	v9 =	vld.idx.msk [tilespmem:v60+s31+$0x0], $0xffff;
	v3 =	vor.u32 $0x16, v4  }
0x22d: {  	v5 =	vmul.f32 v61, v5;
	v16 =	vld.idx.msk [tilespmem:v1+s3+$0x0], $0xffff;
	v0 =	vadd.f32 v6, v0  }
0x22e: {  	v1 =	vld.idx.msk [tilespmem:v1+s31+$0x0], $0xffff;
	v6 =	vor.u32 $0x17, v4  }
0x22f: {  	v8 =	vmul.f32 v62, v8;
	v17 =	vld.idx.msk [tilespmem:v7+s3+$0x0], $0xffff;
	v0 =	vadd.f32 v5, v0  }
0x230: {  	v7 =	vld.idx.msk [tilespmem:v7+s31+$0x0], $0xffff;
	v5 =	vor.u32 $0x18, v4  }
0x231: {  	v9 =	vmul.f32 v63, v9;
	v18 =	vld.idx.msk [tilespmem:v3+s3+$0x0], $0xffff;
	v0 =	vadd.f32 v8, v0  }
0x232: {  	v3 =	vld.idx.msk [tilespmem:v3+s31+$0x0], $0xffff;
	v8 =	vor.u32 $0x19, v4  }
0x233: {  	v1 =	vmul.f32 v16, v1;
	v19 =	vld.idx.msk [tilespmem:v6+s3+$0x0], $0xffff;
	v0 =	vadd.f32 v9, v0  }
0x234: {  	v20 =	vor.u32 $0x1A, v4;
	v6 =	vld.idx.msk [tilespmem:v6+s31+$0x0], $0xffff  }
0x235: {  	v7 =	vmul.f32 v17, v7;
	v21 =	vld.idx.msk [tilespmem:v5+s3+$0x0], $0xffff;
	v0 =	vadd.f32 v1, v0  }
0x236: {  	v5 =	vld.idx.msk [tilespmem:v5+s31+$0x0], $0xffff;
	v1 =	vor.u32 $0x1B, v4  }
0x237: {  	v3 =	vmul.f32 v18, v3;
	v22 =	vld.idx.msk [tilespmem:v8+s3+$0x0], $0xffff;
	v0 =	vadd.f32 v7, v0  }
0x238: {  	v8 =	vld.idx.msk [tilespmem:v8+s31+$0x0], $0xffff;
	v7 =	vor.u32 $0x1C, v4  }
0x239: {  	v23 =	vld.idx.msk [tilespmem:v20+s3+$0x0], $0xffff;
	v6 =	vmul.f32 v19, v6;
	v0 =	vadd.f32 v3, v0  }
0x23a: {  	v9 =	vld.idx.msk [tilespmem:v20+s31+$0x0], $0xffff;
	v3 =	vor.u32 $0x1D, v4  }
0x23b: {  	v5 =	vmul.f32 v21, v5;
	v24 =	vld.idx.msk [tilespmem:v1+s3+$0x0], $0xffff;
	v0 =	vadd.f32 v6, v0  }
0x23c: {  	v1 =	vld.idx.msk [tilespmem:v1+s31+$0x0], $0xffff;
	v6 =	vor.u32 $0x1E, v4  }
0x23d: {  	v8 =	vmul.f32 v22, v8;
	v25 =	vld.idx.msk [tilespmem:v7+s3+$0x0], $0xffff;
	v0 =	vadd.f32 v5, v0  }
0x23e: {  	v7 =	vld.idx.msk [tilespmem:v7+s31+$0x0], $0xffff;
	v5 =	vor.u32 $0x1F, v4  }
0x23f: {  	v9 =	vmul.f32 v23, v9;
	v26 =	vld.idx.msk [tilespmem:v3+s3+$0x0], $0xffff;
	v0 =	vadd.f32 v8, v0  }
0x240: {  	v3 =	vld.idx.msk [tilespmem:v3+s31+$0x0], $0xffff;
	v8 =	vor.u32 $0x20, v4  }
0x241: {  	v1 =	vmul.f32 v24, v1;
	v27 =	vld.idx.msk [tilespmem:v6+s3+$0x0], $0xffff;
	v0 =	vadd.f32 v9, v0  }
0x242: {  	v28 =	vor.u32 $0x21, v4;
	v6 =	vld.idx.msk [tilespmem:v6+s31+$0x0], $0xffff  }
0x243: {  	v7 =	vmul.f32 v25, v7;
	v29 =	vld.idx.msk [tilespmem:v5+s3+$0x0], $0xffff;
	v0 =	vadd.f32 v1, v0  }
0x244: {  	v5 =	vld.idx.msk [tilespmem:v5+s31+$0x0], $0xffff;
	v1 =	vor.u32 $0x22, v4  }
0x245: {  	v3 =	vmul.f32 v26, v3;
	v30 =	vld.idx.msk [tilespmem:v8+s3+$0x0], $0xffff;
	v0 =	vadd.f32 v7, v0  }
0x246: {  	v8 =	vld.idx.msk [tilespmem:v8+s31+$0x0], $0xffff;
	v7 =	vor.u32 $0x23, v4  }
0x247: {  	v31 =	vld.idx.msk [tilespmem:v28+s3+$0x0], $0xffff;
	v6 =	vmul.f32 v27, v6;
	v0 =	vadd.f32 v3, v0  }
0x248: {  	v9 =	vld.idx.msk [tilespmem:v28+s31+$0x0], $0xffff;
	v3 =	vor.u32 $0x24, v4  }
0x249: {  	v5 =	vmul.f32 v29, v5;
	v32 =	vld.idx.msk [tilespmem:v1+s3+$0x0], $0xffff;
	v0 =	vadd.f32 v6, v0  }
0x24a: {  	v1 =	vld.idx.msk [tilespmem:v1+s31+$0x0], $0xffff;
	v6 =	vor.u32 $0x25, v4  }
0x24b: {  	v8 =	vmul.f32 v30, v8;
	v33 =	vld.idx.msk [tilespmem:v7+s3+$0x0], $0xffff;
	v0 =	vadd.f32 v5, v0  }
0x24c: {  	v7 =	vld.idx.msk [tilespmem:v7+s31+$0x0], $0xffff;
	v5 =	vor.u32 $0x26, v4  }
0x24d: {  	v9 =	vmul.f32 v31, v9;
	v34 =	vld.idx.msk [tilespmem:v3+s3+$0x0], $0xffff;
	v0 =	vadd.f32 v8, v0  }
0x24e: {  	v3 =	vld.idx.msk [tilespmem:v3+s31+$0x0], $0xffff;
	v8 =	vor.u32 $0x27, v4  }
0x24f: {  	v1 =	vmul.f32 v32, v1;
	v35 =	vld.idx.msk [tilespmem:v6+s3+$0x0], $0xffff;
	v0 =	vadd.f32 v9, v0  }
0x250: {  	v36 =	vor.u32 $0x28, v4;
	v6 =	vld.idx.msk [tilespmem:v6+s31+$0x0], $0xffff  }
0x251: {  	v7 =	vmul.f32 v33, v7;
	v37 =	vld.idx.msk [tilespmem:v5+s3+$0x0], $0xffff;
	v0 =	vadd.f32 v1, v0  }
0x252: {  	v5 =	vld.idx.msk [tilespmem:v5+s31+$0x0], $0xffff;
	v1 =	vor.u32 $0x29, v4  }
0x253: {  	v3 =	vmul.f32 v34, v3;
	v38 =	vld.idx.msk [tilespmem:v8+s3+$0x0], $0xffff;
	v0 =	vadd.f32 v7, v0  }
0x254: {  	v8 =	vld.idx.msk [tilespmem:v8+s31+$0x0], $0xffff;
	v7 =	vor.u32 $0x2A, v4  }
0x255: {  	v39 =	vld.idx.msk [tilespmem:v36+s3+$0x0], $0xffff;
	v6 =	vmul.f32 v35, v6;
	v0 =	vadd.f32 v3, v0  }
0x256: {  	v9 =	vld.idx.msk [tilespmem:v36+s31+$0x0], $0xffff;
	v3 =	vor.u32 $0x2B, v4  }
0x257: {  	v5 =	vmul.f32 v37, v5;
	v40 =	vld.idx.msk [tilespmem:v1+s3+$0x0], $0xffff;
	v0 =	vadd.f32 v6, v0  }
0x258: {  	v1 =	vld.idx.msk [tilespmem:v1+s31+$0x0], $0xffff;
	v6 =	vor.u32 $0x2C, v4  }
0x259: {  	v8 =	vmul.f32 v38, v8;
	v41 =	vld.idx.msk [tilespmem:v7+s3+$0x0], $0xffff;
	v0 =	vadd.f32 v5, v0  }
0x25a: {  	v7 =	vld.idx.msk [tilespmem:v7+s31+$0x0], $0xffff;
	v5 =	vor.u32 $0x2D, v4  }
0x25b: {  	v9 =	vmul.f32 v39, v9;
	v42 =	vld.idx.msk [tilespmem:v3+s3+$0x0], $0xffff;
	v0 =	vadd.f32 v8, v0  }
0x25c: {  	v3 =	vld.idx.msk [tilespmem:v3+s31+$0x0], $0xffff;
	v8 =	vor.u32 $0x2E, v4  }
0x25d: {  	v1 =	vmul.f32 v40, v1;
	v43 =	vld.idx.msk [tilespmem:v6+s3+$0x0], $0xffff;
	v0 =	vadd.f32 v9, v0  }
0x25e: {  	v44 =	vor.u32 $0x2F, v4;
	v6 =	vld.idx.msk [tilespmem:v6+s31+$0x0], $0xffff  }
0x25f: {  	v7 =	vmul.f32 v41, v7;
	v45 =	vld.idx.msk [tilespmem:v5+s3+$0x0], $0xffff;
	v0 =	vadd.f32 v1, v0  }
0x260: {  	v5 =	vld.idx.msk [tilespmem:v5+s31+$0x0], $0xffff;
	v1 =	vor.u32 $0x30, v4  }
0x261: {  	v3 =	vmul.f32 v42, v3;
	v46 =	vld.idx.msk [tilespmem:v8+s3+$0x0], $0xffff;
	v0 =	vadd.f32 v7, v0  }
0x262: {  	v8 =	vld.idx.msk [tilespmem:v8+s31+$0x0], $0xffff;
	v7 =	vor.u32 $0x31, v4  }
0x263: {  	v47 =	vld.idx.msk [tilespmem:v44+s3+$0x0], $0xffff;
	v6 =	vmul.f32 v43, v6;
	v0 =	vadd.f32 v3, v0  }
0x264: {  	v9 =	vld.idx.msk [tilespmem:v44+s31+$0x0], $0xffff;
	v3 =	vor.u32 $0x32, v4  }
0x265: {  	v5 =	vmul.f32 v45, v5;
	v48 =	vld.idx.msk [tilespmem:v1+s3+$0x0], $0xffff;
	v0 =	vadd.f32 v6, v0  }
0x266: {  	v1 =	vld.idx.msk [tilespmem:v1+s31+$0x0], $0xffff;
	v6 =	vor.u32 $0x33, v4  }
0x267: {  	v8 =	vmul.f32 v46, v8;
	v49 =	vld.idx.msk [tilespmem:v7+s3+$0x0], $0xffff;
	v0 =	vadd.f32 v5, v0  }
0x268: {  	v7 =	vld.idx.msk [tilespmem:v7+s31+$0x0], $0xffff;
	v5 =	vor.u32 $0x34, v4  }
0x269: {  	v9 =	vmul.f32 v47, v9;
	v50 =	vld.idx.msk [tilespmem:v3+s3+$0x0], $0xffff;
	v0 =	vadd.f32 v8, v0  }
0x26a: {  	v3 =	vld.idx.msk [tilespmem:v3+s31+$0x0], $0xffff;
	v8 =	vor.u32 $0x35, v4  }
0x26b: {  	v1 =	vmul.f32 v48, v1;
	v51 =	vld.idx.msk [tilespmem:v6+s3+$0x0], $0xffff;
	v0 =	vadd.f32 v9, v0  }
0x26c: {  	v52 =	vor.u32 $0x36, v4;
	v6 =	vld.idx.msk [tilespmem:v6+s31+$0x0], $0xffff  }
0x26d: {  	v7 =	vmul.f32 v49, v7;
	v53 =	vld.idx.msk [tilespmem:v5+s3+$0x0], $0xffff;
	v0 =	vadd.f32 v1, v0  }
0x26e: {  	v5 =	vld.idx.msk [tilespmem:v5+s31+$0x0], $0xffff;
	v1 =	vor.u32 $0x37, v4  }
0x26f: {  	v3 =	vmul.f32 v50, v3;
	v54 =	vld.idx.msk [tilespmem:v8+s3+$0x0], $0xffff;
	v0 =	vadd.f32 v7, v0  }
0x270: {  	v8 =	vld.idx.msk [tilespmem:v8+s31+$0x0], $0xffff;
	v7 =	vor.u32 $0x38, v4  }
0x271: {  	v55 =	vld.idx.msk [tilespmem:v52+s3+$0x0], $0xffff;
	v6 =	vmul.f32 v51, v6;
	v0 =	vadd.f32 v3, v0  }
0x272: {  	v9 =	vld.idx.msk [tilespmem:v52+s31+$0x0], $0xffff;
	v3 =	vor.u32 $0x39, v4  }
0x273: {  	v5 =	vmul.f32 v53, v5;
	v56 =	vld.idx.msk [tilespmem:v1+s3+$0x0], $0xffff;
	v0 =	vadd.f32 v6, v0  }
0x274: {  	v1 =	vld.idx.msk [tilespmem:v1+s31+$0x0], $0xffff;
	v6 =	vor.u32 $0x3A, v4  }
0x275: {  	v8 =	vmul.f32 v54, v8;
	v57 =	vld.idx.msk [tilespmem:v7+s3+$0x0], $0xffff;
	v0 =	vadd.f32 v5, v0  }
0x276: {  	v7 =	vld.idx.msk [tilespmem:v7+s31+$0x0], $0xffff;
	v5 =	vor.u32 $0x3B, v4  }
0x277: {  	v9 =	vmul.f32 v55, v9;
	v58 =	vld.idx.msk [tilespmem:v3+s3+$0x0], $0xffff;
	v0 =	vadd.f32 v8, v0  }
0x278: {  	v3 =	vld.idx.msk [tilespmem:v3+s31+$0x0], $0xffff;
	v8 =	vor.u32 $0x3C, v4  }
0x279: {  	v1 =	vmul.f32 v56, v1;
	v59 =	vld.idx.msk [tilespmem:v6+s3+$0x0], $0xffff;
	v0 =	vadd.f32 v9, v0  }
0x27a: {  	v60 =	vor.u32 $0x3D, v4;
	v6 =	vld.idx.msk [tilespmem:v6+s31+$0x0], $0xffff  }
0x27b: {  	v7 =	vmul.f32 v57, v7;
	v61 =	vld.idx.msk [tilespmem:v5+s3+$0x0], $0xffff;
	v0 =	vadd.f32 v1, v0  }
0x27c: {  	v5 =	vld.idx.msk [tilespmem:v5+s31+$0x0], $0xffff;
	v1 =	vor.u32 $0x3E, v4  }
0x27d: {  	v3 =	vmul.f32 v58, v3;
	v62 =	vld.idx.msk [tilespmem:v8+s3+$0x0], $0xffff;
	v0 =	vadd.f32 v7, v0  }
0x27e: {  	v4 =	vor.u32 $0x3F, v4;
	v7 =	vld.idx.msk [tilespmem:v8+s31+$0x0], $0xffff  }
0x27f: {  	v8 =	vld.idx.msk [tilespmem:v60+s3+$0x0], $0xffff;
	v6 =	vmul.f32 v59, v6;
	v0 =	vadd.f32 v3, v0  }
0x280: {  	v3 =	vld.idx.msk [tilespmem:v60+s31+$0x0], $0xffff  }
0x281: {  	v5 =	vmul.f32 v61, v5;
	v63 =	vld.idx.msk [tilespmem:v1+s3+$0x0], $0xffff;
	v0 =	vadd.f32 v6, v0  }
0x282: {  	v1 =	vld.idx.msk [tilespmem:v1+s31+$0x0], $0xffff  }
0x283: {  	v6 =	vld.idx.msk [tilespmem:v4+s3+$0x0], $0xffff;
	v7 =	vmul.f32 v62, v7;
	v0 =	vadd.f32 v5, v0  }
0x284: {  	v4 =	vld.idx.msk [tilespmem:v4+s31+$0x0], $0xffff  }
0x285: {  	v3 =	vmul.f32 v8, v3;
	v0 =	vadd.f32 v7, v0;
	_ =	sdelay $0x1  }
0x286: {  	v1 =	vmul.f32 v63, v1;
	v0 =	vadd.f32 v3, v0;
	_ =	sdelay $0x1  }
0x287: {  	v3 =	vmul.f32 v6, v4;
	v0 =	vadd.f32 v1, v0;
	_ =	sdelay $0x1  }
0x288: {  	v0 =	vadd.f32 v3, v0;
	_ =	sdelay $0x1  }
0x289: {  	v0 =	vmul.f32 $1.250000000e-01, v0;
	_ =	sdelay $0x1  }
0x28a: {  	v0 =	vmax.f32 v0, $0.0e+00  }
0x28b: {  	v0 =	vmul.f32 $1.442695020e+00, v0;
	_ =	sdelay $0x1  }
0x28c: {  	(erf) = vpow2.f32 v0;
	_ =	sdelay $0x4  }
0x28d: {  	v3 =	vld [tilespmem:$0x1FFF0];
	_ =	sdelay $0x3  }
0x28e: {  	s2 =	sadd.s32 $0x10, s9;
	v0 =	vpop (erf)  }
0x28f: {  	[tilespmem:s2+$0x0] =	vst v0;
	s2 =	simm.s32 $0x0  }
0x290: {  	v0 =	vld [tilespmem:s2+$0x5200]  }
0x291: {  	v1 =	vld [tilespmem:s2+$0x5210]  }
0x292: {  	v7 =	vld.idx.msk [tilespmem:v3+s6+$0x0], $0xffff  }
0x293: {  	v3 =	vld [tilespmem:s2+$0x5220]  }
0x294: {  	v4 =	vld [tilespmem:s2+$0x5230]  }
0x295: {  	v8 =	vld [tilespmem:s2+$0x5240];
	_ =	sdelay $0x2  }
0x296: {  	v0 =	vmul.f32 v0, v7  }
0x297: {  	s9 =	sadd.s32 $0x1, s21;
	v6 =	vmul.f32 v1, v7;
	v5 =	vmul.f32 v3, v7  }
0x298: {  	s18 =	simm.s32 $0x400;
	s17 =	simm.s32 $0x200;
	v4 =	vmul.f32 v4, v7;
	v3 =	vmov s9;
	v7 =	vmul.f32 v8, v7;
	[tilespmem:s2+$0x7200] =	vst v0  }
.LBB2_9:
0x299: {  	p1 =	sne.s32 s18, $0x7E00;
	[tilespmem:s2+$0x7210] =	vst v6  }
0x29a: {  	s21 =	sshra.s32 s17, $0x2;
	s17 =	smov.u32 s18;
	[tilespmem:s2+$0x7220] =	vst v5  }
0x29b: {  	v0 =	vld [tilespmem:s21+$0x5200];
	[tilespmem:s2+$0x7230] =	vst v4  }
0x29c: {  	v1 =	vld [tilespmem:s21+$0x5210];
	[tilespmem:s2+$0x7240] =	vst v7;
	s2 =	smov.u32 s21  }
0x29d: {  	v7 =	vld.idx.msk [tilespmem:v3+s6+$0x0], $0xffff  }
0x29e: {  	v3 =	vld [tilespmem:s2+$0x5220]  }
0x29f: {  	v4 =	vld [tilespmem:s2+$0x5230]  }
0x2a0: {  	v8 =	vld [tilespmem:s2+$0x5240]  }
.Ltmp7:
0x2a1: {  	(pc) =	sbr.rel @p1 .LBB2_9-.Ltmp7, $4  }
0x2a2: {  	_ = 	snop  }
0x2a3: {  	v0 =	vmul.f32 v0, v7;
	v6 =	vmul.f32 v1, v7  }
0x2a4: {  	s9 =	sadd.s32 $0x1, s9;
	v5 =	vmul.f32 v3, v7;
	v4 =	vmul.f32 v4, v7  }
0x2a5: {  	s18 =	sadd.s32 $0x200, s18;
	v3 =	vmov s9;
	[tilespmem:s2+$0x7200] =	vst v0;
	v7 =	vmul.f32 v8, v7  }
0x2a6: {  	[tilespmem:s2+$0x7210] =	vst v6  }
0x2a7: {  	s9 =	sshra.s32 s17, $0x2;
	[tilespmem:s2+$0x7220] =	vst v5  }
0x2a8: {  	v0 =	vld [tilespmem:s9+$0x5200];
	[tilespmem:s2+$0x7230] =	vst v4  }
0x2a9: {  	v1 =	vld [tilespmem:s9+$0x5210];
	[tilespmem:s2+$0x7240] =	vst v7  }
0x2aa: {  	v3 =	vld.idx.msk [tilespmem:v3+s6+$0x0], $0xffff;
	_ =	sdelay $0x1  }
0x2ab: {  	v4 =	vld [tilespmem:s9+$0x5220]  }
0x2ac: {  	v5 =	vld [tilespmem:s9+$0x5230]  }
0x2ad: {  	v6 =	vld [tilespmem:s9+$0x5240]  }
0x2ae: {  	v0 =	vmul.f32 v0, v3  }
0x2af: {  	v1 =	vmul.f32 v1, v3  }
0x2b0: {  	v4 =	vmul.f32 v4, v3;
	[tilespmem:s9+$0x7200] =	vst v0  }
0x2b1: {  	v0 =	vmul.f32 v5, v3;
	[tilespmem:s9+$0x7210] =	vst v1  }
0x2b2: {  	v1 =	vmul.f32 v6, v3;
	[tilespmem:s9+$0x7220] =	vst v4  }
0x2b3: {  	[tilespmem:s9+$0x7230] =	vst v0  }
.Ltmp8:
0x2b4: {  	s21 =	simm.s32 $0x40;
	[tilespmem:s9+$0x7240] =	vst v1;
	(pc) =	sbr.rel @p0 .LBB2_6-.Ltmp8, $4  }
0x2b5: {  	[spmem:s1] =	stream.indirect.scatter.add.f32 [tilespmem:s7], [sflag:$0x5], $0x50, s30, s21, $0xb8;
	[tilespmem:$0x17A00] =	vst v63  }
0x2b6: {  	_ =	swait.ge [sflag:s8], $0x1400  }
0x2b7: {  	[sflag:s8] =	ssyncset.done $0x0  }
0x2b8: {  	p1 =	por $0x0, $0x0;
	v0 =	vlaneseq.u32;
	[sflag:s8] =	ssyncadd.s32 $0xFFFFEC00  }
0x2b9: {  	s2 =	sshll.u32 s11, $0x7  }
0x2ba: {  	s2 =	sadd.s32 s0, s2  }
0x2bb: {  	s2 =	sshrl.u32 s2, $0x3  }
.Ltmp9:
0x2bc: {  	s9 =	simm.s32 $0x0;
	s2 =	sadd.s32 s19, s2;
	(pc) =	sbr.rel .LBB2_12-.Ltmp9, $4  }
0x2bd: {  	[hbm4b:s2+s9] =	stream.linear.scatter [tilespmem:s6], [sflag:$0x4], $0x80, $0x38;
	[tilespmem:$0x17A00] =	vst v63  }
0x2be: {  	_ =	swait.ge [sflag:s22], $0x80  }
0x2bf: {  	[sflag:s22] =	ssyncset.done $0x0  }
0x2c0: {  	v1 =	vimm.f32 $0.0e+00;
	[sflag:s22] =	ssyncadd.s32 $0xFFFFFF80  }
.LBB2_14:
0x2c1: {  	_ =	sfence.sel $0x180000  }
0x2c2: {  	[bflag:$0x0] =	sbarrier.arrive $0xFFFF  }
0x2c3: {  	_ =	strace $0x90000050  }
0x2c4: {  	s0 =	stileid.u32;
	[bflag:$0x2] =	sbarrier.arrive $0xFFFF  }
0x2c5: {  	p0 =	sne.s32 s0, $0x0;
	s0 =	rddreg [dreg:$0x2]  }
0x2c6: {  	s0 =	sadd.s32 @!p0 $0x100000, s0  }
0x2c7: {  	[sflag:s0] =	ssyncadd.tile.s32 @!p0 $0x1;
	_ =	shalt  }
.Lfunc_end2:
_tile_overlayer_lowered:
.L_overlay_start_2:
0x2c8: {  	(tag) =	ssettag $0x2  }
0x2c9: {  	s0 =	rddreg [dreg:$0x0];
	s2 =	stileid.u32  }
0x2ca: {  	s1 =	rddreg [dreg:$0x1];
	p0 =	sne.s32 s2, $0x0  }
0x2cb: {  	s3 =	rddreg [dreg:$0x2];
	[bflag:$0x3] =	sbarrier.arrive $0xFFFF;
	s2 =	simm.s32 @!p0 $0x1C04  }
0x2cc: {  	[timem:s3], [sflag:s2] =	dma.local @!p0 [hbm:s0], s1  }
0x2cd: {  	s0 =	simm.s32 @!p0 $0x4  }
0x2ce: {  	_ =	swait.ge @!p0 [sflag:s0], s1  }
0x2cf: {  	s1 =	ssub.s32 @!p0 $0x0, s1;
	[sflag:s0] =	ssyncset.done @!p0 $0x0  }
0x2d0: {  	[sflag:s0] =	ssyncadd.s32 @!p0 s1  }
0x2d1: {  	[bflag:$0x3] =	sbarrier.arrive $0xFFFF  }
0x2d2: {  	_ =	shalt  }

// kernel: kernel.7.cloned.1.call-start
scs
__scs_entry_jumppad:
0x0: {  	(pc) =	sbr.rel $0x88, $3  }
0x1: {  	(tag) =	ssettag $0x0;
	lr =	simm.s32 $0x1  }
0x2: {  	[smem:$0x3F95] =	sst lr;
	_ =	strace $0xD0000000  }
0x3: {  	_ = 	snop  }
0x4: {  	_ = 	snop  }
0x5: {  	_ = 	snop  }
0x6: {  	_ = 	snop  }
0x7: {  	_ = 	snop  }
__scs_overlays_trampoline_lowered:
0x8: {  	[smem:$0x3FA4] =	sst s0  }
0x9: {  	[smem:$0x3FA5] =	sst s1  }
0xa: {  	[smem:$0x3FA6] =	sst s2  }
0xb: {  	[smem:$0x3FA7] =	sst s3  }
0xc: {  	[smem:$0x3FA8] =	sst s4  }
0xd: {  	[smem:$0x3FA9] =	sst s5  }
0xe: {  	[smem:$0x3FAA] =	sst s6  }
0xf: {  	[smem:$0x3FAB] =	sst s7  }
0x10: {  	[smem:$0x3FAC] =	sst s8  }
0x11: {  	[smem:$0x3FAD] =	sst s9;
	s0 =	simm.s32 @!p0 $0x0  }
0x12: {  	s1 =	sld [smem:$0x3F93];
	s0 =	simm.s32 @p0 $0x1  }
0x13: {  	[smem:$0x3FAE] =	sst s0;
	s0 =	simm.s32 @!p1 $0x0  }
0x14: {  	s2 =	sld [smem:$0x3F92];
	s0 =	simm.s32 @p1 $0x1  }
0x15: {  	[smem:$0x3FAF] =	sst s0;
	s0 =	simm.s32 @!p2 $0x0  }
0x16: {  	s3 =	sld [smem:$0x3FDB];
	s0 =	simm.s32 @p2 $0x1  }
0x17: {  	s4 =	simm.s32 $0x1BF5;
	[smem:$0x3FB1] =	sst s0  }
0x18: {  	s0 =	sld [smem:$0x3F94];
	_ =	swait.ge [sflag:s4], $0x0  }
0x19: {  	s7 =	sld [smem:$0x3F95]  }
0x1a: {  	s8 =	sadd.s32 $0xFFFFE003, lr  }
0x1b: {  	s9 =	sadd.s32 $0xFFFFFEF7, lr;
	s5 =	simm.s32 $0xFFFFFFFF;
	p2 =	slt.u32 s8, $0xFFFFF086  }
0x1c: {  	p1 =	slt.u32 s9, $0xF7A;
	s5 =	simm.s32 @!p2 $0x0  }
0x1d: {  	s5 =	simm.s32 @p1 $0x1;
	p0 =	seq.s32 s7, s2  }
0x1e: {  	s7 =	smul.u32 @!p0 $0xF7A, s2;
	p2 =	seq.s32 @!p0 s5, $0x0  }
0x1f: {  	s9 =	smul.u32 $0xF7A, s1;
	s8 =	simm.s32 @!p0 $0x1BF5;
	p2 =	por !p2, p0  }
0x20: {  	[sflag:s8] =	ssyncset.s32 @!p0 $0xFFFFF086;
	s6 =	sadd.s32 @!p0 s3, s7;
	s7 =	simm.s32 @!p0 $0x108  }
0x21: {  	s3 =	sadd.s32 s3, s9;
	s6 =	sadd.s32 @!p0 $0x88, s6;
	s7 =	simm.s32 @p2 $0x1082  }
0x22: {  	[simem:s7], [sflag:s8] =	dma.local @!p0 [hbm:s6], $0xF7A  }
0x23: {  	s9 =	sor.u32 $0xD0000000, s2;
	s6 =	simm.s32 $0x108;
	_ =	swait.ge @!p0 [sflag:s8], $0x0  }
0x24: {  	s3 =	sadd.s32 $0x88, s3;
	s6 =	simm.s32 @!p1 $0x1082;
	[sflag:s4] =	ssyncset.s32 $0xFFFFF086  }
0x25: {  	[simem:s6], [sflag:s4] =	dma.local [hbm:s3], $0xF7A  }
0x26: {  	[smem:$0x3F95] =	sst s1;
	(tag) =	ssettag s2;
	_ =	strace s9  }
0x27: {  	s1 =	sld [smem:$0x3FA5]  }
0x28: {  	s2 =	sld [smem:$0x3FA6]  }
0x29: {  	s4 =	sld [smem:$0x3FA8]  }
0x2a: {  	p0 =	seq.s32 s5, $0x0;
	s5 =	sld [smem:$0x3FA9]  }
0x2b: {  	s6 =	sld [smem:$0x3FAA]  }
0x2c: {  	s7 =	sld [smem:$0x3FAB]  }
0x2d: {  	s3 =	simm.s32 $0x108;
	s8 =	sld [smem:$0x3FAC]  }
0x2e: {  	s3 =	simm.s32 @!p0 $0x1082;
	s9 =	sld [smem:$0x3FAD]  }
0x2f: {  	lr =	sadd.s32 s0, s3;
	s0 =	sld [smem:$0x3FA4]  }
0x30: {  	s3 =	sld [smem:$0x3FA7]  }
0x31: {  	[smem:$0x3FB0] =	sst s10  }
0x32: {  	s10 =	sld [smem:$0x3FAE];
	_ =	sdelay $0x3  }
0x33: {  	p0 =	seq.s32 s10, $0x1;
	s10 =	sld [smem:$0x3FB0];
	_ =	sdelay $0x3  }
0x34: {  	[smem:$0x3FB0] =	sst s10  }
0x35: {  	s10 =	sld [smem:$0x3FAF];
	_ =	sdelay $0x3  }
0x36: {  	p1 =	seq.s32 s10, $0x1;
	s10 =	sld [smem:$0x3FB0];
	_ =	sdelay $0x3  }
0x37: {  	[smem:$0x3FB0] =	sst s10  }
0x38: {  	s10 =	sld [smem:$0x3FB1]  }
0x39: {  	_ = 	snop;
	(pc) =	sbr.ind lr, $3  }
0x3a: {  	_ = 	snop  }
0x3b: {  	_ = 	snop  }
0x3c: {  	p2 =	seq.s32 s10, $0x1;
	s10 =	sld [smem:$0x3FB0]  }
0x3d: {  	_ =	shalt  }
0x3e: {  	_ =	shalt  }
0x3f: {  	_ =	shalt  }
0x40: {  	_ =	shalt  }
0x41: {  	_ =	shalt  }
0x42: {  	_ =	shalt  }
0x43: {  	_ =	shalt  }
0x44: {  	_ =	shalt  }
0x45: {  	_ =	shalt  }
0x46: {  	_ =	shalt  }
0x47: {  	_ =	shalt  }
0x48: {  	_ =	shalt  }
0x49: {  	_ =	shalt  }
0x4a: {  	_ =	shalt  }
0x4b: {  	_ =	shalt  }
0x4c: {  	_ =	shalt  }
0x4d: {  	_ =	shalt  }
0x4e: {  	_ =	shalt  }
0x4f: {  	_ =	shalt  }
0x50: {  	_ =	shalt  }
0x51: {  	_ =	shalt  }
0x52: {  	_ =	shalt  }
0x53: {  	_ =	shalt  }
0x54: {  	_ =	shalt  }
0x55: {  	_ =	shalt  }
0x56: {  	_ =	shalt  }
0x57: {  	_ =	shalt  }
0x58: {  	_ =	shalt  }
0x59: {  	_ =	shalt  }
0x5a: {  	_ =	shalt  }
0x5b: {  	_ =	shalt  }
0x5c: {  	_ =	shalt  }
0x5d: {  	_ =	shalt  }
0x5e: {  	_ =	shalt  }
0x5f: {  	_ =	shalt  }
0x60: {  	_ =	shalt  }
0x61: {  	_ =	shalt  }
0x62: {  	_ =	shalt  }
0x63: {  	_ =	shalt  }
0x64: {  	_ =	shalt  }
0x65: {  	_ =	shalt  }
0x66: {  	_ =	shalt  }
0x67: {  	_ =	shalt  }
0x68: {  	_ =	shalt  }
0x69: {  	_ =	shalt  }
0x6a: {  	_ =	shalt  }
0x6b: {  	_ =	shalt  }
0x6c: {  	_ =	shalt  }
0x6d: {  	_ =	shalt  }
0x6e: {  	_ =	shalt  }
0x6f: {  	_ =	shalt  }
0x70: {  	_ =	shalt  }
0x71: {  	_ =	shalt  }
0x72: {  	_ =	shalt  }
0x73: {  	_ =	shalt  }
0x74: {  	_ =	shalt  }
0x75: {  	_ =	shalt  }
0x76: {  	_ =	shalt  }
0x77: {  	_ =	shalt  }
0x78: {  	_ =	shalt  }
0x79: {  	_ =	shalt  }
0x7a: {  	_ =	shalt  }
0x7b: {  	_ =	shalt  }
0x7c: {  	_ =	shalt  }
0x7d: {  	_ =	shalt  }
0x7e: {  	_ =	shalt  }
0x7f: {  	_ =	shalt  }
0x80: {  	_ =	shalt  }
0x81: {  	_ =	shalt  }
0x82: {  	_ =	shalt  }
0x83: {  	_ =	shalt  }
0x84: {  	_ =	shalt  }
0x85: {  	_ =	shalt  }
0x86: {  	_ =	shalt  }
0x87: {  	_ =	shalt  }
.Lfunc_end0:
.L_simem_size_0:
called_computation.2_lowered:
.L_overlay_start_0:
0x88: {  	s2 =	sld [smem:$0x3FD9]  }
0x89: {  	s3 =	sld [smem:$0x3FFE];
	_ =	sdelay $0x1  }
0x8a: {  	s1 =	srdreg.scid  }
0x8b: {  	s0 =	sand.u32 $0x1, s1  }
0x8c: {  	s16 =	sshll.u32 s0, $0xA;
	s2 =	sadd.s32 s3, s2  }
0x8d: {  	s2 =	sadd.s32 s2, s16  }
0x8e: {  	[smem:$0x3FBC] =	sst s2  }
0x8f: {  	_ = 	snop  }
0x90: {  	(tm) =	ssettm $0x1  }
0x91: {  	s17 =	sld [smem:$0x3FFB];
	_ =	sdelay $0x3  }
0x92: {  	_ =	strace s17  }
0x93: {  	s2 =	sld [smem:$0x3FFC];
	_ =	sdelay $0x3  }
0x94: {  	_ =	strace s2  }
0x95: {  	s2 =	sld [smem:$0x3FFD];
	_ =	sdelay $0x3  }
0x96: {  	_ =	strace s2  }
0x97: {  	_ =	strace $0x8FFFFFFF  }
0x98: {  	s18 =	sld [smem:$0x3FDB];
	_ =	sdelay $0x1  }
0x99: {  	s19 =	simm.s32 $_scs_section_size  }
0x9a: {  	s4 =	simm.s32 $_size__tile_overlayer_lowered;
	s5 =	simm.s32 $_tile_overlayer_lowered  }
0x9b: {  	s22 =	simm.s32 $0x1BFF;
	s21 =	sshll.u32 s5, $0x1;
	s2 =	sadd.s32 s19, s18  }
0x9c: {  	s6 =	simm.s32 $0x0;
	s20 =	sshll.u32 s4, $0x1;
	s4 =	sadd.s32 s21, s2  }
0x9d: {  	[timem:s6], [sflag:s22] =	dma.local [hbm:s4], s20  }
0x9e: {  	_ =	swait.ge [sflag:s22], s20  }
0x9f: {  	s3 =	ssub.s32 $0x0, s20;
	[sflag:s22] =	ssyncset.done $0x0  }
0xa0: {  	[sflag:s22] =	ssyncadd.s32 s3;
	_ =	sdelay $0x1  }
0xa1: {  	s23 =	simm.s32 $0x1B8B  }
0xa2: {  	_ =	swait.ge [sflag:s23], $0x1  }
0xa3: {  	[sflag:s23] =	ssyncset.done $0x0  }
0xa4: {  	s25 =	simm.s32 $0x1B8E;
	s24 =	sld [smem:$0x3FFE];
	[sflag:s23] =	ssyncadd.s32 $0xFFFFFFFF  }
0xa5: {  	s26 =	simm.s32 $execute0_lowered;
	[smem:$0x3FD2] =	sst s25  }
0xa6: {  	s4 =	sshll.u32 s26, $0x1;
	_ =	strace $0x80000046;
	[dreg:$0x1] =	wrdreg $0xFFFFFFFF  }
0xa7: {  	s28 =	simm.s32 $_size_execute0_lowered;
	s2 =	sadd.s32 s2, s4;
	[dreg:$0x0] =	wrdreg $0x0  }
0xa8: {  	s4 =	sshll.u32 s28, $0x1;
	[dreg:$0x2] =	wrdreg s2  }
0xa9: {  	[dreg:$0x3] =	wrdreg s4  }
0xaa: {  	[dreg:$0x4] =	wrdreg $0xC0  }
0xab: {  	_ =	task [dreg:s6], $0x5FFFF  }
0xac: {  	[dreg:$0x1] =	wrdreg $0xFFFFFFFF  }
0xad: {  	[dreg:$0x0] =	wrdreg $0x60  }
0xae: {  	[dreg:$0x2] =	wrdreg s24  }
0xaf: {  	[dreg:$0x3] =	wrdreg $0xB2000  }
0xb0: {  	[dreg:$0x4] =	wrdreg $0x9  }
0xb1: {  	_ =	task.clear_ibuf [dreg:s6], $0x5FFFF;
	_ =	strace $0x90000046  }
0xb2: {  	s29 =	simm.s32 $0x9;
	_ =	strace $0x80000048  }
0xb3: {  	_ =	swait.ge [sflag:s29], $0x1  }
0xb4: {  	[sflag:s29] =	ssyncadd.s32 $0xFFFFFFFF  }
0xb5: {  	_ =	strace $0x90000048  }
0xb6: {  	_ =	sfence  }
0xb7: {  	s30 =	sld [smem:$0x0];
	_ =	sdelay $0x2  }
0xb8: {  	s31 =	sshll.u32 s1, $0xD;
	s1 =	sshrl.u32 s1, $0x2  }
0xb9: {  	s3 =	sand.u32 $0x4000, s31;
	s1 =	sadd.s32 s1, s30  }
0xba: {  	s0 =	sor.u32 s3, s0;
	s1 =	sshll.u32 s1, $0x11  }
0xbb: {  	s0 =	sor.u32 s1, s0  }
0xbc: {  	s0 =	sadd.s32 $0x8F2B, s0  }
0xbd: {  	[sflag:s0] =	ssyncadd.remote.s32 $0x1  }
0xbe: {  	_ =	sfence.sel $0xFFFF  }
0xbf: {  	[dreg:$0x0] =	wrdreg $0xFFFFFFFF;
	(pc) =	sbr.abs _section_cstart, $3  }
0xc0: {  	[dreg:$0x1] =	wrdreg $0xFFFFFFFF  }
0xc1: {  	_ =	task.clear_ibuf [dreg:s6], $0x2FFFF;
	_ =	strace $0x9FFFFFFF  }
0xc2: {  	(tm) =	ssettm $0x7FFFFFFF  }
0xc3: {  	_ =	shalt  }
tec
execute0_lowered:
.L_overlay_start_1:
0x0: {  	(tag) =	ssettag $0x1  }
0x1: {  	s0 =	srdreg.scid  }
0x2: {  	s2 =	rddreg [dreg:$0x0];
	s20 =	stileid.u32  }
0x3: {  	s1 =	rddreg [dreg:$0x1];
	s5 =	simm.s32 $0x0;
	s28 =	simm.s32 $0x2  }
0x4: {  	s29 =	simm.s32 $0x40;
	s30 =	simm.s32 $0x1180;
	s0 =	sand.u32 $0x1, s0  }
0x5: {  	s4 =	smul.u32 $0x14000, s20;
	[smem:$0x7FF] =	sst s5;
	s6 =	sadd.s32 $0x8B400, s2  }
0x6: {  	s24 =	smul.u32 $0x50000, s20;
	s25 =	sadd.s32 $0x2200, s2;
	s26 =	sadd.s32 $0xC000, s2  }
0x7: {  	s3 =	smul.u32 $0x140000, s0;
	s11 =	ssub.s32 $0x2, s0;
	s0 =	sshll.u32 s0, $0x4  }
0x8: {  	s7 =	sshrl.u32 s11, $0x1;
	s9 =	sadd.s32 $0x4000, s4;
	s20 =	sor.u32 s20, s0  }
0x9: {  	s8 =	sadd.s32 s3, s4;
	s5 =	ssub.s32 s11, s7;
	s10 =	sadd.s32 s3, s9  }
0xa: {  	s11 =	sadd.s32 $0x6000, s4;
	s9 =	sadd.s32 s9, s1;
	s12 =	sshrl.u32 s8, $0x3  }
0xb: {  	s8 =	sor.u32 $0x2000, s4;
	s14 =	sshrl.u32 s10, $0x3;
	s15 =	sadd.s32 s3, s11  }
0xc: {  	s10 =	sadd.s32 $0x8000, s4;
	s7 =	sadd.s32 s6, s12;
	s13 =	sadd.s32 s3, s8  }
0xd: {  	s16 =	sshrl.u32 s15, $0x3;
	[dreg:$0x3] =	wrdreg s7;
	s7 =	sshrl.u32 s13, $0x3  }
0xe: {  	s17 =	sadd.s32 s3, s10;
	s12 =	sadd.s32 $0xA000, s4;
	s7 =	sadd.s32 s6, s7  }
0xf: {  	s13 =	sadd.s32 s3, s12;
	[dreg:$0x4] =	wrdreg s7;
	s7 =	sadd.s32 s6, s14  }
0x10: {  	s18 =	sshrl.u32 s13, $0x3;
	[dreg:$0x5] =	wrdreg s7;
	s7 =	sadd.s32 s6, s16  }
0x11: {  	s13 =	sadd.s32 $0xE000, s4;
	[dreg:$0x6] =	wrdreg s7;
	s7 =	sshrl.u32 s17, $0x3  }
0x12: {  	s22 =	sadd.s32 s3, s13;
	s17 =	sadd.s32 $0xC000, s4;
	s7 =	sadd.s32 s6, s7  }
0x13: {  	s19 =	sadd.s32 s3, s17;
	[dreg:$0x7] =	wrdreg s7;
	s7 =	sadd.s32 s6, s18  }
0x14: {  	s21 =	sshrl.u32 s19, $0x3;
	s18 =	sadd.s32 $0x10000, s4;
	s4 =	sadd.s32 $0x12000, s4  }
0x15: {  	[dreg:$0x8] =	wrdreg s7;
	s7 =	sadd.s32 s6, s21;
	s14 =	sadd.s32 s3, s18  }
0x16: {  	s3 =	sadd.s32 s3, s4;
	[dreg:$0x9] =	wrdreg s7;
	s7 =	sshrl.u32 s22, $0x3  }
0x17: {  	s11 =	sadd.s32 s11, s1;
	s3 =	sshrl.u32 s3, $0x3;
	s7 =	sadd.s32 s6, s7  }
0x18: {  	s23 =	sshrl.u32 s14, $0x3;
	s3 =	sadd.s32 s6, s3;
	[dreg:$0xa] =	wrdreg s7  }
0x19: {  	s8 =	sadd.s32 s8, s1;
	s7 =	sadd.s32 s6, s23;
	[dreg:$0xc] =	wrdreg s3  }
0x1a: {  	s15 =	sadd.s32 $0x3D000, s2;
	s0 =	sshrl.u32 s8, $0x3;
	[dreg:$0xb] =	wrdreg s7  }
0x1b: {  	s16 =	sadd.s32 $0x64200, s2;
	_ =	strace $0x80000047;
	[dreg:$0xd] =	wrdreg s25  }
0x1c: {  	s19 =	sadd.s32 $0xDB400, s2;
	s7 =	smax.u32 s5, $0x1;
	[dreg:$0xe] =	wrdreg s26  }
0x1d: {  	s4 =	sadd.s32 s4, s1;
	s14 =	sadd.s32 $0x15E00, s2;
	[dreg:$0x10] =	wrdreg s7  }
0x1e: {  	s22 =	sadd.s32 s10, s1;
	s2 =	sshrl.u32 s9, $0x3;
	[dreg:$0x11] =	wrdreg s0  }
0x1f: {  	s6 =	sshrl.u32 s24, $0x2;
	s3 =	sshrl.u32 s11, $0x3;
	[dreg:$0x12] =	wrdreg s2  }
0x20: {  	s23 =	sadd.s32 s12, s1;
	s5 =	sshrl.u32 s22, $0x3;
	[dreg:$0x13] =	wrdreg s3  }
0x21: {  	s21 =	sadd.s32 s6, s1;
	s6 =	sshrl.u32 s23, $0x3;
	[dreg:$0x14] =	wrdreg s5  }
0x22: {  	s31 =	simm.s32 $0x1200;
	s11 =	sshrl.u32 s4, $0x3;
	[dreg:$0x15] =	wrdreg s6  }
0x23: {  	s9 =	simm.s32 $0x0;
	s24 =	sadd.s32 s17, s1;
	[dreg:$0x19] =	wrdreg s11  }
0x24: {  	s4 =	simm.s32 $0x5200;
	s7 =	sshrl.u32 s24, $0x3;
	[dreg:$0xf] =	wrdreg s21  }
0x25: {  	s25 =	sadd.s32 s13, s1;
	s12 =	sadd.s32 $0x2000, s21;
	[dreg:$0x16] =	wrdreg s7  }
0x26: {  	s26 =	sadd.s32 s18, s1;
	s13 =	sadd.s32 $0x4000, s21;
	[dreg:$0x1a] =	wrdreg s12  }
0x27: {  	s0 =	smul.u32 $0x2780, s20;
	s17 =	sadd.s32 $0x6000, s21;
	[dreg:$0x1b] =	wrdreg s13  }
0x28: {  	s18 =	sadd.s32 $0x8000, s21;
	s22 =	sadd.s32 $0xA000, s21;
	[dreg:$0x1c] =	wrdreg s17  }
0x29: {  	s23 =	sadd.s32 $0xC000, s21;
	s24 =	sadd.s32 $0xE000, s21;
	[dreg:$0x1d] =	wrdreg s18  }
0x2a: {  	s3 =	simm.s32 $0x3200;
	s5 =	simm.s32 $0x3;
	[dreg:$0x1e] =	wrdreg s22  }
0x2b: {  	s6 =	simm.s32 $0x80;
	s8 =	sshrl.u32 s25, $0x3;
	[dreg:$0x1f] =	wrdreg s23  }
0x2c: {  	s10 =	sshrl.u32 s26, $0x3;
	[smem:$0x7FB] =	sst s24;
	s25 =	sadd.s32 $0x10000, s21  }
.Ltmp0:
0x2d: {  	s26 =	sadd.s32 $0x12000, s21;
	[dreg:$0x17] =	wrdreg s8;
	(pc) =	sbr.rel .LBB2_1-.Ltmp0, $4  }
0x2e: {  	s13 =	simm.s32 $0x9200;
	s22 =	simm.s32 $0x4;
	[dreg:$0x18] =	wrdreg s10  }
0x2f: {  	s23 =	simm.s32 $0x10;
	s24 =	simm.s32 $0x100;
	[smem:$0x7FC] =	sst s25  }
0x30: {  	v0 =	vlaneseq.u32;
	s7 =	simm.s32 $0x7200;
	[smem:$0x7FD] =	sst s26;
	s25 =	simm.s32 $0x900  }
0x31: {  	v1 =	vimm.f32 $0.0e+00;
	v2 =	vmul.u32 $0x80, v0;
	s26 =	simm.s32 $0x1;
	s10 =	simm.s32 $0x1100;
	s8 =	simm.s32 $0x5  }
.LBB2_13:
0x32: {  	s2 =	stileid.u32;
	[bflag:$0x0] =	sbarrier.arrive $0xFFFF  }
0x33: {  	s2 =	sshll.u32 s2, $0x6;
	s9 =	rddreg [dreg:$0xf]  }
0x34: {  	s11 =	rddreg [dreg:$0x3];
	s2 =	sor.u32 $0x1C04, s2;
	s9 =	sshrl.u32 s9, $0x3  }
0x35: {  	[hbm:s11], [sflag:s2] =	dma.local [spmem:s9], $0x400  }
0x36: {  	_ =	swait.ge [sflag:s22], $0x400  }
0x37: {  	[sflag:s22] =	ssyncset.done $0x0;
	s12 =	rddreg [dreg:$0x4]  }
0x38: {  	s17 =	rddreg [dreg:$0x11];
	[sflag:s22] =	ssyncadd.s32 $0xFFFFFC00  }
0x39: {  	[hbm:s12], [sflag:s2] =	dma.local [spmem:s17], $0x400  }
0x3a: {  	_ =	swait.ge [sflag:s22], $0x400  }
0x3b: {  	[sflag:s22] =	ssyncset.done $0x0;
	s18 =	rddreg [dreg:$0x5]  }
0x3c: {  	s21 =	rddreg [dreg:$0x12];
	[sflag:s22] =	ssyncadd.s32 $0xFFFFFC00  }
0x3d: {  	[hbm:s18], [sflag:s2] =	dma.local [spmem:s21], $0x400  }
0x3e: {  	_ =	swait.ge [sflag:s22], $0x400  }
0x3f: {  	[sflag:s22] =	ssyncset.done $0x0;
	s12 =	rddreg [dreg:$0x6]  }
0x40: {  	s17 =	rddreg [dreg:$0x13];
	[sflag:s22] =	ssyncadd.s32 $0xFFFFFC00  }
0x41: {  	[hbm:s12], [sflag:s2] =	dma.local [spmem:s17], $0x400  }
0x42: {  	_ =	swait.ge [sflag:s22], $0x400  }
0x43: {  	[sflag:s22] =	ssyncset.done $0x0;
	s18 =	rddreg [dreg:$0x7]  }
0x44: {  	s21 =	rddreg [dreg:$0x14];
	[sflag:s22] =	ssyncadd.s32 $0xFFFFFC00  }
0x45: {  	[hbm:s18], [sflag:s2] =	dma.local [spmem:s21], $0x400  }
0x46: {  	_ =	swait.ge [sflag:s22], $0x400  }
0x47: {  	[sflag:s22] =	ssyncset.done $0x0;
	s12 =	rddreg [dreg:$0x8]  }
0x48: {  	s17 =	rddreg [dreg:$0x15];
	[sflag:s22] =	ssyncadd.s32 $0xFFFFFC00  }
0x49: {  	[hbm:s12], [sflag:s2] =	dma.local [spmem:s17], $0x400  }
0x4a: {  	_ =	swait.ge [sflag:s22], $0x400  }
0x4b: {  	[sflag:s22] =	ssyncset.done $0x0;
	s18 =	rddreg [dreg:$0x9]  }
0x4c: {  	s21 =	rddreg [dreg:$0x16];
	[sflag:s22] =	ssyncadd.s32 $0xFFFFFC00  }
0x4d: {  	[hbm:s18], [sflag:s2] =	dma.local [spmem:s21], $0x400  }
0x4e: {  	_ =	swait.ge [sflag:s22], $0x400  }
0x4f: {  	[sflag:s22] =	ssyncset.done $0x0;
	s12 =	rddreg [dreg:$0xa]  }
0x50: {  	s17 =	rddreg [dreg:$0x17];
	[sflag:s22] =	ssyncadd.s32 $0xFFFFFC00  }
0x51: {  	[hbm:s12], [sflag:s2] =	dma.local [spmem:s17], $0x400  }
0x52: {  	_ =	swait.ge [sflag:s22], $0x400  }
0x53: {  	[sflag:s22] =	ssyncset.done $0x0;
	s18 =	rddreg [dreg:$0xb]  }
0x54: {  	s21 =	rddreg [dreg:$0x18];
	[sflag:s22] =	ssyncadd.s32 $0xFFFFFC00  }
0x55: {  	[hbm:s18], [sflag:s2] =	dma.local [spmem:s21], $0x400  }
0x56: {  	_ =	swait.ge [sflag:s22], $0x400  }
0x57: {  	[sflag:s22] =	ssyncset.done $0x0;
	s12 =	rddreg [dreg:$0xc]  }
0x58: {  	s17 =	rddreg [dreg:$0x19];
	[sflag:s22] =	ssyncadd.s32 $0xFFFFFC00  }
0x59: {  	[hbm:s12], [sflag:s2] =	dma.local [spmem:s17], $0x400  }
0x5a: {  	_ =	swait.ge [sflag:s22], $0x400  }
0x5b: {  	s18 =	sld [smem:$0x7FA];
	_ =	sdelay $0x2  }
0x5c: {  	s21 =	rddreg [dreg:$0x10];
	s9 =	sadd.s32 $0x1, s18  }
0x5d: {  	p0 =	sne.s32 s9, s21  }
.Ltmp1:
0x5e: {  	_ = 	snop;
	(pc) =	sbr.rel @!p0 .LBB2_14-.Ltmp1, $3  }
0x5f: {  	_ =	sdelay $0x1  }
0x60: {  	[sflag:s22] =	ssyncset.done $0x0  }
0x61: {  	[sflag:s22] =	ssyncadd.s32 $0xFFFFFC00  }
.LBB2_1:
0x62: {  	s2 =	simm.s32 $0x0  }
0x63: {  	s2 =	smul.u32 $0xCCCD, s2;
	_ =	sdelay $0x1  }
0x64: {  	s21 =	sshrl.u32 s2, $0x12  }
0x65: {  	s11 =	smul.u32 $0x5, s21;
	_ =	sdelay $0x1  }
0x66: {  	s2 =	simm.s32 $0x1;
	s11 =	ssub.s32 $0x0, s11  }
0x67: {  	s12 =	smul.u32 $0xCCCD, s2;
	s11 =	sshll.u32 s11, $0x4  }
0x68: {  	s17 =	sshll.u32 s21, $0x7;
	s11 =	sand.u32 $0xFFF0, s11  }
0x69: {  	[smem:$0x7FA] =	sst s9;
	s9 =	sshrl.u32 s12, $0x12;
	s17 =	sor.u32 s11, s17  }
0x6a: {  	s12 =	smul.u32 $0x5, s9;
	s11 =	simm.s32 $0x2;
	v3 =	vor.u32 s17, v0  }
.LBB2_2:
0x6b: {  	s17 =	smul.u32 $0xCCCD, s11;
	p0 =	seq.s32 s11, $0x13F  }
.Ltmp2:
0x6c: {  	s12 =	ssub.s32 s2, s12;
	s2 =	smov.u32 s11;
	(pc) =	sbr.rel @!p0 .LBB2_2-.Ltmp2, $4  }
0x6d: {  	s11 =	sadd.s32 $0x1, s11;
	s12 =	sshll.u32 s12, $0x4  }
0x6e: {  	s18 =	sshll.u32 s9, $0x7;
	s12 =	sand.u32 $0xFFF0, s12  }
0x6f: {  	s9 =	sshrl.u32 s17, $0x12;
	s17 =	sor.u32 s12, s18;
	[tilespmem:v3+s13+$0x0] =	vst.idx.msk $0xffff, v1  }
0x70: {  	s12 =	smul.u32 $0x5, s9;
	v3 =	vor.u32 s17, v0  }
0x71: {  	_ = 	snop  }
0x72: {  	s2 =	ssub.s32 s2, s12  }
0x73: {  	s2 =	sshll.u32 s2, $0x4  }
0x74: {  	s9 =	sshll.u32 s9, $0x7;
	s2 =	sand.u32 $0xFFF0, s2  }
0x75: {  	s2 =	sor.u32 s2, s9  }
0x76: {  	v4 =	vor.u32 s2, v0;
	_ =	sdelay $0x3  }
0x77: {  	[tilespmem:v3+s13+$0x0] =	vst.idx.msk $0xffff, v1  }
0x78: {  	s12 =	rddreg [dreg:$0xf];
	[tilespmem:v4+s13+$0x0] =	vst.idx.msk $0xffff, v1  }
0x79: {  	[spmem:s12] =	stream.linear.scatter [tilespmem:s13], [sflag:$0x4], $0x2000, $0x38;
	[tilespmem:$0x17A00] =	vst v63  }
0x7a: {  	_ =	swait.ge [sflag:s22], $0x2000  }
0x7b: {  	[sflag:s22] =	ssyncset.done $0x0  }
0x7c: {  	s17 =	rddreg [dreg:$0x1a];
	[sflag:s22] =	ssyncadd.s32 $0xFFFFE000  }
0x7d: {  	[spmem:s17] =	stream.linear.scatter [tilespmem:s13], [sflag:$0x4], $0x2000, $0x38;
	[tilespmem:$0x17A00] =	vst v63  }
0x7e: {  	_ =	swait.ge [sflag:s22], $0x2000  }
0x7f: {  	[sflag:s22] =	ssyncset.done $0x0  }
0x80: {  	s18 =	rddreg [dreg:$0x1b];
	[sflag:s22] =	ssyncadd.s32 $0xFFFFE000  }
0x81: {  	[spmem:s18] =	stream.linear.scatter [tilespmem:s13], [sflag:$0x4], $0x2000, $0x38;
	[tilespmem:$0x17A00] =	vst v63  }
0x82: {  	_ =	swait.ge [sflag:s22], $0x2000  }
0x83: {  	[sflag:s22] =	ssyncset.done $0x0  }
0x84: {  	s21 =	rddreg [dreg:$0x1c];
	[sflag:s22] =	ssyncadd.s32 $0xFFFFE000  }
0x85: {  	[spmem:s21] =	stream.linear.scatter [tilespmem:s13], [sflag:$0x4], $0x2000, $0x38;
	[tilespmem:$0x17A00] =	vst v63  }
0x86: {  	_ =	swait.ge [sflag:s22], $0x2000  }
0x87: {  	[sflag:s22] =	ssyncset.done $0x0  }
0x88: {  	s9 =	rddreg [dreg:$0x1d];
	[sflag:s22] =	ssyncadd.s32 $0xFFFFE000  }
0x89: {  	[spmem:s9] =	stream.linear.scatter [tilespmem:s13], [sflag:$0x4], $0x2000, $0x38;
	[tilespmem:$0x17A00] =	vst v63  }
0x8a: {  	_ =	swait.ge [sflag:s22], $0x2000  }
0x8b: {  	[sflag:s22] =	ssyncset.done $0x0  }
0x8c: {  	s11 =	rddreg [dreg:$0x1e];
	[sflag:s22] =	ssyncadd.s32 $0xFFFFE000  }
0x8d: {  	[spmem:s11] =	stream.linear.scatter [tilespmem:s13], [sflag:$0x4], $0x2000, $0x38;
	[tilespmem:$0x17A00] =	vst v63  }
0x8e: {  	_ =	swait.ge [sflag:s22], $0x2000  }
0x8f: {  	[sflag:s22] =	ssyncset.done $0x0  }
0x90: {  	s12 =	rddreg [dreg:$0x1f];
	[sflag:s22] =	ssyncadd.s32 $0xFFFFE000  }
0x91: {  	[spmem:s12] =	stream.linear.scatter [tilespmem:s13], [sflag:$0x4], $0x2000, $0x38;
	[tilespmem:$0x17A00] =	vst v63  }
0x92: {  	_ =	swait.ge [sflag:s22], $0x2000  }
0x93: {  	s17 =	sld [smem:$0x7FB]  }
0x94: {  	[sflag:s22] =	ssyncset.done $0x0  }
0x95: {  	[sflag:s22] =	ssyncadd.s32 $0xFFFFE000  }
0x96: {  	[spmem:s17] =	stream.linear.scatter [tilespmem:s13], [sflag:$0x4], $0x2000, $0x38;
	[tilespmem:$0x17A00] =	vst v63  }
0x97: {  	_ =	swait.ge [sflag:s22], $0x2000  }
0x98: {  	s18 =	sld [smem:$0x7FC]  }
0x99: {  	[sflag:s22] =	ssyncset.done $0x0  }
0x9a: {  	[sflag:s22] =	ssyncadd.s32 $0xFFFFE000  }
0x9b: {  	[spmem:s18] =	stream.linear.scatter [tilespmem:s13], [sflag:$0x4], $0x2000, $0x38;
	[tilespmem:$0x17A00] =	vst v63  }
0x9c: {  	_ =	swait.ge [sflag:s22], $0x2000  }
0x9d: {  	s21 =	sld [smem:$0x7FD]  }
0x9e: {  	[sflag:s22] =	ssyncset.done $0x0  }
0x9f: {  	[sflag:s22] =	ssyncadd.s32 $0xFFFFE000  }
0xa0: {  	[spmem:s21] =	stream.linear.scatter [tilespmem:s13], [sflag:$0x4], $0x2000, $0x38;
	[tilespmem:$0x17A00] =	vst v63  }
.Ltmp3:
0xa1: {  	_ =	swait.ge [sflag:s22], $0x2000;
	(pc) =	sbr.rel .LBB2_4-.Ltmp3, $4  }
0xa2: {  	[sflag:s22] =	ssyncset.done $0x0  }
0xa3: {  	[sflag:s22] =	ssyncadd.s32 $0xFFFFE000  }
0xa4: {  	[bflag:$0x0] =	sbarrier.arrive $0xFFFF  }
0xa5: {  	s11 =	simm.s32 $0x0  }
.LBB2_12:
0xa6: {  	s11 =	sadd.s32 $0x1, s11  }
0xa7: {  	p0 =	sne.s32 s11, $0x4F  }
.Ltmp4:
0xa8: {  	_ = 	snop;
	(pc) =	sbr.rel @!p0 .LBB2_13-.Ltmp4, $1  }
0xa9: {  	_ =	sdelay $0x3  }
.LBB2_4:
0xaa: {  	s2 =	sshll.u32 s11, $0x5  }
0xab: {  	s2 =	sor.u32 s20, s2  }
0xac: {  	p0 =	sgt.u32 s2, $0x9C3  }
.Ltmp5:
0xad: {  	_ = 	snop;
	(pc) =	sbr.rel @p0 .LBB2_12-.Ltmp5, $1  }
0xae: {  	_ =	sdelay $0x3  }
0xaf: {  	v3 =	vmov s2  }
0xb0: {  	s12 =	simm.s32 $0x0;
	s18 =	rddreg [dreg:$0xd];
	[tilespmem:$0x0] =	vst v3  }
0xb1: {  	[tilespmem:s24], [sflag:$0x1] =	stream.indirect.gather [hbm4b:s18+s23], $0x80, s12, s23, $0xb8;
	[tilespmem:$0x17A00] =	vst v63  }
0xb2: {  	s21 =	rddreg [dreg:$0xe]  }
0xb3: {  	[tilespmem:s25], [sflag:$0x2] =	stream.indirect.gather [hbm4b:s21+s23], $0x80, s12, s23, $0xb8;
	[tilespmem:$0x17A00] =	vst v63  }
0xb4: {  	_ =	swait.ge [sflag:s26], $0x800  }
0xb5: {  	[sflag:s26] =	ssyncset.done $0x0  }
0xb6: {  	[sflag:s26] =	ssyncadd.s32 $0xFFFFF800  }
0xb7: {  	_ =	swait.ge [sflag:s28], $0x800  }
0xb8: {  	[sflag:s28] =	ssyncset.done $0x0  }
0xb9: {  	p1 =	por $0x1, $0x1;
	s21 =	simm.s32 $0x0;
	[sflag:s28] =	ssyncadd.s32 $0xFFFFF800  }
.LBB2_6:
0xba: {  	v4 =	vor.u32 s21, v0;
	_ =	sdelay $0x4  }
0xbb: {  	v5 =	vld.idx.msk [tilespmem:v4+s24+$0x0], $0xffff;
	_ =	sdelay $0x2  }
0xbc: {  	v1 =	vmov s21  }
0xbd: {  	v6 =	vor.u32 $0x10, v1  }
0xbe: {  	[tilespmem:$0x1100] =	vst v5;
	v5 =	vbroadcast v6, $0x0  }
0xbf: {  	v4 =	vld.idx.msk [tilespmem:v4+s25+$0x0], $0xffff  }
0xc0: {  	v5 =	vor.u32 v0, v5;
	_ =	sdelay $0x3  }
0xc1: {  	[tilespmem:$0x1180] =	vst v4  }
0xc2: {  	v4 =	vld.idx.msk [tilespmem:v5+s24+$0x0], $0xffff;
	_ =	sdelay $0x3  }
0xc3: {  	v6 =	vor.u32 $0x20, v1  }
0xc4: {  	[tilespmem:$0x1110] =	vst v4;
	v4 =	vbroadcast v6, $0x0  }
0xc5: {  	v5 =	vld.idx.msk [tilespmem:v5+s25+$0x0], $0xffff  }
0xc6: {  	v4 =	vor.u32 v0, v4;
	_ =	sdelay $0x3  }
0xc7: {  	[tilespmem:$0x1190] =	vst v5  }
0xc8: {  	v5 =	vld.idx.msk [tilespmem:v4+s24+$0x0], $0xffff;
	_ =	sdelay $0x3  }
0xc9: {  	v6 =	vor.u32 $0x30, v1  }
0xca: {  	[tilespmem:$0x1120] =	vst v5;
	v5 =	vbroadcast v6, $0x0  }
0xcb: {  	v4 =	vld.idx.msk [tilespmem:v4+s25+$0x0], $0xffff  }
0xcc: {  	v5 =	vor.u32 v0, v5;
	_ =	sdelay $0x3  }
0xcd: {  	[tilespmem:$0x11A0] =	vst v4  }
0xce: {  	v4 =	vld.idx.msk [tilespmem:v5+s24+$0x0], $0xffff;
	_ =	sdelay $0x4  }
0xcf: {  	[tilespmem:$0x1130] =	vst v4  }
0xd0: {  	v4 =	vld.idx.msk [tilespmem:v5+s25+$0x0], $0xffff;
	_ =	sdelay $0x4  }
0xd1: {  	[tilespmem:$0x11B0] =	vst v4  }
0xd2: {  	[tilespmem:s31], [sflag:$0x1] =	stream.indirect.gather [hbm4b:s14+s29], $0x80, s30, s29, $0xb8;
	[tilespmem:$0x17A00] =	vst v63  }
0xd3: {  	_ = 	snop  }
0xd4: {  	[tilespmem:s3], [sflag:$0x2] =	stream.indirect.gather [hbm4b:s15+s29], $0x80, s10, s29, $0xb8;
	[tilespmem:$0x17A00] =	vst v63  }
0xd5: {  	[tilespmem:$0x1FFF0] =	vst v1  }
0xd6: {  	[tilespmem:s4], [sflag:$0x3] =	stream.indirect.gather [hbm4b:s16+s29], $0x80, s10, s29, $0xb8;
	[tilespmem:$0x17A00] =	vst v63  }
0xd7: {  	_ =	swait.ge [sflag:s26], $0x2000  }
0xd8: {  	[sflag:s26] =	ssyncset.done $0x0  }
0xd9: {  	v4 =	vmov s12;
	[sflag:s26] =	ssyncadd.s32 $0xFFFFE000  }
0xda: {  	v4 =	vshll.u32 v4, $0x7;
	_ =	swait.ge [sflag:s28], $0x2000  }
0xdb: {  	v4 =	vor.u32 v2, v4;
	[sflag:s28] =	ssyncset.done $0x0  }
0xdc: {  	[sflag:s28] =	ssyncadd.s32 $0xFFFFE000  }
0xdd: {  	v5 =	vor.u32 $0x1, v4;
	_ =	swait.ge [sflag:s5], $0x2000  }
0xde: {  	[sflag:s5] =	ssyncset.done $0x0  }
0xdf: {  	v6 =	vor.u32 $0x2, v4;
	[sflag:s5] =	ssyncadd.s32 $0xFFFFE000  }
0xe0: {  	v7 =	vld.idx.msk [tilespmem:v4+s31+$0x0], $0xffff  }
0xe1: {  	v8 =	vor.u32 $0x3, v4;
	v9 =	vld.idx.msk [tilespmem:v4+s3+$0x0], $0xffff  }
0xe2: {  	v10 =	vld.idx.msk [tilespmem:v5+s3+$0x0], $0xffff  }
0xe3: {  	v11 =	vor.u32 $0x4, v4;
	v5 =	vld.idx.msk [tilespmem:v5+s31+$0x0], $0xffff  }
0xe4: {  	v12 =	vld.idx.msk [tilespmem:v6+s3+$0x0], $0xffff  }
0xe5: {  	v13 =	vor.u32 $0x5, v4;
	v6 =	vld.idx.msk [tilespmem:v6+s31+$0x0], $0xffff  }
0xe6: {  	v14 =	vld.idx.msk [tilespmem:v8+s3+$0x0], $0xffff;
	v7 =	vmul.f32 v9, v7  }
0xe7: {  	v21 =	vor.u32 $0x6, v4;
	v8 =	vld.idx.msk [tilespmem:v8+s31+$0x0], $0xffff  }
0xe8: {  	v15 =	vld.idx.msk [tilespmem:v11+s3+$0x0], $0xffff;
	v5 =	vmul.f32 v10, v5;
	v7 =	vadd.f32 $0.0e+00, v7  }
0xe9: {  	v22 =	vor.u32 $0x7, v4;
	v11 =	vld.idx.msk [tilespmem:v11+s31+$0x0], $0xffff  }
0xea: {  	v23 =	vld.idx.msk [tilespmem:v13+s3+$0x0], $0xffff;
	v6 =	vmul.f32 v12, v6;
	v5 =	vadd.f32 v5, v7  }
0xeb: {  	v13 =	vld.idx.msk [tilespmem:v13+s31+$0x0], $0xffff;
	v7 =	vor.u32 $0x8, v4  }
0xec: {  	v24 =	vld.idx.msk [tilespmem:v21+s3+$0x0], $0xffff;
	v8 =	vmul.f32 v14, v8;
	v5 =	vadd.f32 v6, v5  }
0xed: {  	v9 =	vld.idx.msk [tilespmem:v21+s31+$0x0], $0xffff;
	v6 =	vor.u32 $0x9, v4  }
0xee: {  	v25 =	vld.idx.msk [tilespmem:v22+s3+$0x0], $0xffff;
	v11 =	vmul.f32 v15, v11;
	v5 =	vadd.f32 v8, v5  }
0xef: {  	v10 =	vld.idx.msk [tilespmem:v22+s31+$0x0], $0xffff;
	v8 =	vor.u32 $0xA, v4  }
0xf0: {  	v12 =	vmul.f32 v23, v13;
	v26 =	vld.idx.msk [tilespmem:v7+s3+$0x0], $0xffff;
	v5 =	vadd.f32 v11, v5  }
0xf1: {  	v27 =	vor.u32 $0xB, v4;
	v7 =	vld.idx.msk [tilespmem:v7+s31+$0x0], $0xffff  }
0xf2: {  	v9 =	vmul.f32 v24, v9;
	v28 =	vld.idx.msk [tilespmem:v6+s3+$0x0], $0xffff;
	v5 =	vadd.f32 v12, v5  }
0xf3: {  	v29 =	vor.u32 $0xC, v4;
	v6 =	vld.idx.msk [tilespmem:v6+s31+$0x0], $0xffff  }
0xf4: {  	v10 =	vmul.f32 v25, v10;
	v30 =	vld.idx.msk [tilespmem:v8+s3+$0x0], $0xffff;
	v5 =	vadd.f32 v9, v5  }
0xf5: {  	v31 =	vor.u32 $0xD, v4;
	v8 =	vld.idx.msk [tilespmem:v8+s31+$0x0], $0xffff  }
0xf6: {  	v32 =	vld.idx.msk [tilespmem:v27+s3+$0x0], $0xffff;
	v7 =	vmul.f32 v26, v7;
	v5 =	vadd.f32 v10, v5  }
0xf7: {  	v33 =	vor.u32 $0xE, v4;
	v11 =	vld.idx.msk [tilespmem:v27+s31+$0x0], $0xffff  }
0xf8: {  	v34 =	vld.idx.msk [tilespmem:v29+s3+$0x0], $0xffff;
	v6 =	vmul.f32 v28, v6;
	v5 =	vadd.f32 v7, v5  }
0xf9: {  	v12 =	vld.idx.msk [tilespmem:v29+s31+$0x0], $0xffff;
	v7 =	vor.u32 $0xF, v4  }
0xfa: {  	v35 =	vld.idx.msk [tilespmem:v31+s3+$0x0], $0xffff;
	v8 =	vmul.f32 v30, v8;
	v5 =	vadd.f32 v6, v5  }
0xfb: {  	v9 =	vld.idx.msk [tilespmem:v31+s31+$0x0], $0xffff;
	v6 =	vor.u32 $0x10, v4  }
0xfc: {  	v36 =	vld.idx.msk [tilespmem:v33+s3+$0x0], $0xffff;
	v11 =	vmul.f32 v32, v11;
	v5 =	vadd.f32 v8, v5  }
0xfd: {  	v10 =	vld.idx.msk [tilespmem:v33+s31+$0x0], $0xffff;
	v8 =	vor.u32 $0x11, v4  }
0xfe: {  	v12 =	vmul.f32 v34, v12;
	v37 =	vld.idx.msk [tilespmem:v7+s3+$0x0], $0xffff;
	v5 =	vadd.f32 v11, v5  }
0xff: {  	v38 =	vor.u32 $0x12, v4;
	v7 =	vld.idx.msk [tilespmem:v7+s31+$0x0], $0xffff  }
0x100: {  	v9 =	vmul.f32 v35, v9;
	v39 =	vld.idx.msk [tilespmem:v6+s3+$0x0], $0xffff;
	v5 =	vadd.f32 v12, v5  }
0x101: {  	v40 =	vor.u32 $0x13, v4;
	v6 =	vld.idx.msk [tilespmem:v6+s31+$0x0], $0xffff  }
0x102: {  	v10 =	vmul.f32 v36, v10;
	v41 =	vld.idx.msk [tilespmem:v8+s3+$0x0], $0xffff;
	v5 =	vadd.f32 v9, v5  }
0x103: {  	v42 =	vor.u32 $0x14, v4;
	v8 =	vld.idx.msk [tilespmem:v8+s31+$0x0], $0xffff  }
0x104: {  	v43 =	vld.idx.msk [tilespmem:v38+s3+$0x0], $0xffff;
	v7 =	vmul.f32 v37, v7;
	v5 =	vadd.f32 v10, v5  }
0x105: {  	v44 =	vor.u32 $0x15, v4;
	v11 =	vld.idx.msk [tilespmem:v38+s31+$0x0], $0xffff  }
0x106: {  	v45 =	vld.idx.msk [tilespmem:v40+s3+$0x0], $0xffff;
	v6 =	vmul.f32 v39, v6;
	v5 =	vadd.f32 v7, v5  }
0x107: {  	v12 =	vld.idx.msk [tilespmem:v40+s31+$0x0], $0xffff;
	v7 =	vor.u32 $0x16, v4  }
0x108: {  	v46 =	vld.idx.msk [tilespmem:v42+s3+$0x0], $0xffff;
	v8 =	vmul.f32 v41, v8;
	v5 =	vadd.f32 v6, v5  }
0x109: {  	v9 =	vld.idx.msk [tilespmem:v42+s31+$0x0], $0xffff;
	v6 =	vor.u32 $0x17, v4  }
0x10a: {  	v47 =	vld.idx.msk [tilespmem:v44+s3+$0x0], $0xffff;
	v11 =	vmul.f32 v43, v11;
	v5 =	vadd.f32 v8, v5  }
0x10b: {  	v10 =	vld.idx.msk [tilespmem:v44+s31+$0x0], $0xffff;
	v8 =	vor.u32 $0x18, v4  }
0x10c: {  	v12 =	vmul.f32 v45, v12;
	v48 =	vld.idx.msk [tilespmem:v7+s3+$0x0], $0xffff;
	v5 =	vadd.f32 v11, v5  }
0x10d: {  	v49 =	vor.u32 $0x19, v4;
	v7 =	vld.idx.msk [tilespmem:v7+s31+$0x0], $0xffff  }
0x10e: {  	v9 =	vmul.f32 v46, v9;
	v50 =	vld.idx.msk [tilespmem:v6+s3+$0x0], $0xffff;
	v5 =	vadd.f32 v12, v5  }
0x10f: {  	v51 =	vor.u32 $0x1A, v4;
	v6 =	vld.idx.msk [tilespmem:v6+s31+$0x0], $0xffff  }
0x110: {  	v10 =	vmul.f32 v47, v10;
	v52 =	vld.idx.msk [tilespmem:v8+s3+$0x0], $0xffff;
	v5 =	vadd.f32 v9, v5  }
0x111: {  	v53 =	vor.u32 $0x1B, v4;
	v8 =	vld.idx.msk [tilespmem:v8+s31+$0x0], $0xffff  }
0x112: {  	v54 =	vld.idx.msk [tilespmem:v49+s3+$0x0], $0xffff;
	v7 =	vmul.f32 v48, v7;
	v5 =	vadd.f32 v10, v5  }
0x113: {  	v55 =	vor.u32 $0x1C, v4;
	v11 =	vld.idx.msk [tilespmem:v49+s31+$0x0], $0xffff  }
0x114: {  	v56 =	vld.idx.msk [tilespmem:v51+s3+$0x0], $0xffff;
	v6 =	vmul.f32 v50, v6;
	v5 =	vadd.f32 v7, v5  }
0x115: {  	v12 =	vld.idx.msk [tilespmem:v51+s31+$0x0], $0xffff;
	v7 =	vor.u32 $0x1D, v4  }
0x116: {  	v57 =	vld.idx.msk [tilespmem:v53+s3+$0x0], $0xffff;
	v8 =	vmul.f32 v52, v8;
	v5 =	vadd.f32 v6, v5  }
0x117: {  	v9 =	vld.idx.msk [tilespmem:v53+s31+$0x0], $0xffff;
	v6 =	vor.u32 $0x1E, v4  }
0x118: {  	v58 =	vld.idx.msk [tilespmem:v55+s3+$0x0], $0xffff;
	v11 =	vmul.f32 v54, v11;
	v5 =	vadd.f32 v8, v5  }
0x119: {  	v10 =	vld.idx.msk [tilespmem:v55+s31+$0x0], $0xffff;
	v8 =	vor.u32 $0x1F, v4  }
0x11a: {  	v12 =	vmul.f32 v56, v12;
	v59 =	vld.idx.msk [tilespmem:v7+s3+$0x0], $0xffff;
	v5 =	vadd.f32 v11, v5  }
0x11b: {  	v60 =	vor.u32 $0x20, v4;
	v7 =	vld.idx.msk [tilespmem:v7+s31+$0x0], $0xffff  }
0x11c: {  	v9 =	vmul.f32 v57, v9;
	v61 =	vld.idx.msk [tilespmem:v6+s3+$0x0], $0xffff;
	v5 =	vadd.f32 v12, v5  }
0x11d: {  	v62 =	vor.u32 $0x21, v4;
	v6 =	vld.idx.msk [tilespmem:v6+s31+$0x0], $0xffff  }
0x11e: {  	v10 =	vmul.f32 v58, v10;
	v63 =	vld.idx.msk [tilespmem:v8+s3+$0x0], $0xffff;
	v5 =	vadd.f32 v9, v5  }
0x11f: {  	v18 =	vor.u32 $0x22, v4;
	v8 =	vld.idx.msk [tilespmem:v8+s31+$0x0], $0xffff  }
0x120: {  	v19 =	vld.idx.msk [tilespmem:v60+s3+$0x0], $0xffff;
	v7 =	vmul.f32 v59, v7;
	v5 =	vadd.f32 v10, v5  }
0x121: {  	v20 =	vor.u32 $0x23, v4;
	v11 =	vld.idx.msk [tilespmem:v60+s31+$0x0], $0xffff  }
0x122: {  	v21 =	vld.idx.msk [tilespmem:v62+s3+$0x0], $0xffff;
	v6 =	vmul.f32 v61, v6;
	v5 =	vadd.f32 v7, v5  }
0x123: {  	v12 =	vld.idx.msk [tilespmem:v62+s31+$0x0], $0xffff;
	v7 =	vor.u32 $0x24, v4  }
0x124: {  	v22 =	vld.idx.msk [tilespmem:v18+s3+$0x0], $0xffff;
	v8 =	vmul.f32 v63, v8;
	v5 =	vadd.f32 v6, v5  }
0x125: {  	v9 =	vld.idx.msk [tilespmem:v18+s31+$0x0], $0xffff;
	v6 =	vor.u32 $0x25, v4  }
0x126: {  	v23 =	vld.idx.msk [tilespmem:v20+s3+$0x0], $0xffff;
	v11 =	vmul.f32 v19, v11;
	v5 =	vadd.f32 v8, v5  }
0x127: {  	v10 =	vld.idx.msk [tilespmem:v20+s31+$0x0], $0xffff;
	v8 =	vor.u32 $0x26, v4  }
0x128: {  	v12 =	vmul.f32 v21, v12;
	v24 =	vld.idx.msk [tilespmem:v7+s3+$0x0], $0xffff;
	v5 =	vadd.f32 v11, v5  }
0x129: {  	v25 =	vor.u32 $0x27, v4;
	v7 =	vld.idx.msk [tilespmem:v7+s31+$0x0], $0xffff  }
0x12a: {  	v9 =	vmul.f32 v22, v9;
	v26 =	vld.idx.msk [tilespmem:v6+s3+$0x0], $0xffff;
	v5 =	vadd.f32 v12, v5  }
0x12b: {  	v27 =	vor.u32 $0x28, v4;
	v6 =	vld.idx.msk [tilespmem:v6+s31+$0x0], $0xffff  }
0x12c: {  	v10 =	vmul.f32 v23, v10;
	v28 =	vld.idx.msk [tilespmem:v8+s3+$0x0], $0xffff;
	v5 =	vadd.f32 v9, v5  }
0x12d: {  	v29 =	vor.u32 $0x29, v4;
	v8 =	vld.idx.msk [tilespmem:v8+s31+$0x0], $0xffff  }
0x12e: {  	v30 =	vld.idx.msk [tilespmem:v25+s3+$0x0], $0xffff;
	v7 =	vmul.f32 v24, v7;
	v5 =	vadd.f32 v10, v5  }
0x12f: {  	v31 =	vor.u32 $0x2A, v4;
	v11 =	vld.idx.msk [tilespmem:v25+s31+$0x0], $0xffff  }
0x130: {  	v32 =	vld.idx.msk [tilespmem:v27+s3+$0x0], $0xffff;
	v6 =	vmul.f32 v26, v6;
	v5 =	vadd.f32 v7, v5  }
0x131: {  	v12 =	vld.idx.msk [tilespmem:v27+s31+$0x0], $0xffff;
	v7 =	vor.u32 $0x2B, v4  }
0x132: {  	v33 =	vld.idx.msk [tilespmem:v29+s3+$0x0], $0xffff;
	v8 =	vmul.f32 v28, v8;
	v5 =	vadd.f32 v6, v5  }
0x133: {  	v9 =	vld.idx.msk [tilespmem:v29+s31+$0x0], $0xffff;
	v6 =	vor.u32 $0x2C, v4  }
0x134: {  	v34 =	vld.idx.msk [tilespmem:v31+s3+$0x0], $0xffff;
	v11 =	vmul.f32 v30, v11;
	v5 =	vadd.f32 v8, v5  }
0x135: {  	v10 =	vld.idx.msk [tilespmem:v31+s31+$0x0], $0xffff;
	v8 =	vor.u32 $0x2D, v4  }
0x136: {  	v12 =	vmul.f32 v32, v12;
	v35 =	vld.idx.msk [tilespmem:v7+s3+$0x0], $0xffff;
	v5 =	vadd.f32 v11, v5  }
0x137: {  	v36 =	vor.u32 $0x2E, v4;
	v7 =	vld.idx.msk [tilespmem:v7+s31+$0x0], $0xffff  }
0x138: {  	v9 =	vmul.f32 v33, v9;
	v37 =	vld.idx.msk [tilespmem:v6+s3+$0x0], $0xffff;
	v5 =	vadd.f32 v12, v5  }
0x139: {  	v38 =	vor.u32 $0x2F, v4;
	v6 =	vld.idx.msk [tilespmem:v6+s31+$0x0], $0xffff  }
0x13a: {  	v10 =	vmul.f32 v34, v10;
	v39 =	vld.idx.msk [tilespmem:v8+s3+$0x0], $0xffff;
	v5 =	vadd.f32 v9, v5  }
0x13b: {  	v40 =	vor.u32 $0x30, v4;
	v8 =	vld.idx.msk [tilespmem:v8+s31+$0x0], $0xffff  }
0x13c: {  	v41 =	vld.idx.msk [tilespmem:v36+s3+$0x0], $0xffff;
	v7 =	vmul.f32 v35, v7;
	v5 =	vadd.f32 v10, v5  }
0x13d: {  	v42 =	vor.u32 $0x31, v4;
	v11 =	vld.idx.msk [tilespmem:v36+s31+$0x0], $0xffff  }
0x13e: {  	v43 =	vld.idx.msk [tilespmem:v38+s3+$0x0], $0xffff;
	v6 =	vmul.f32 v37, v6;
	v5 =	vadd.f32 v7, v5  }
0x13f: {  	v12 =	vld.idx.msk [tilespmem:v38+s31+$0x0], $0xffff;
	v7 =	vor.u32 $0x32, v4  }
0x140: {  	v44 =	vld.idx.msk [tilespmem:v40+s3+$0x0], $0xffff;
	v8 =	vmul.f32 v39, v8;
	v5 =	vadd.f32 v6, v5  }
0x141: {  	v9 =	vld.idx.msk [tilespmem:v40+s31+$0x0], $0xffff;
	v6 =	vor.u32 $0x33, v4  }
0x142: {  	v45 =	vld.idx.msk [tilespmem:v42+s3+$0x0], $0xffff;
	v11 =	vmul.f32 v41, v11;
	v5 =	vadd.f32 v8, v5  }
0x143: {  	v10 =	vld.idx.msk [tilespmem:v42+s31+$0x0], $0xffff;
	v8 =	vor.u32 $0x34, v4  }
0x144: {  	v12 =	vmul.f32 v43, v12;
	v46 =	vld.idx.msk [tilespmem:v7+s3+$0x0], $0xffff;
	v5 =	vadd.f32 v11, v5  }
0x145: {  	v47 =	vor.u32 $0x35, v4;
	v7 =	vld.idx.msk [tilespmem:v7+s31+$0x0], $0xffff  }
0x146: {  	v9 =	vmul.f32 v44, v9;
	v48 =	vld.idx.msk [tilespmem:v6+s3+$0x0], $0xffff;
	v5 =	vadd.f32 v12, v5  }
0x147: {  	v49 =	vor.u32 $0x36, v4;
	v6 =	vld.idx.msk [tilespmem:v6+s31+$0x0], $0xffff  }
0x148: {  	v10 =	vmul.f32 v45, v10;
	v50 =	vld.idx.msk [tilespmem:v8+s3+$0x0], $0xffff;
	v5 =	vadd.f32 v9, v5  }
0x149: {  	v51 =	vor.u32 $0x37, v4;
	v8 =	vld.idx.msk [tilespmem:v8+s31+$0x0], $0xffff  }
0x14a: {  	v52 =	vld.idx.msk [tilespmem:v47+s3+$0x0], $0xffff;
	v7 =	vmul.f32 v46, v7;
	v5 =	vadd.f32 v10, v5  }
0x14b: {  	v53 =	vor.u32 $0x38, v4;
	v11 =	vld.idx.msk [tilespmem:v47+s31+$0x0], $0xffff  }
0x14c: {  	v54 =	vld.idx.msk [tilespmem:v49+s3+$0x0], $0xffff;
	v6 =	vmul.f32 v48, v6;
	v5 =	vadd.f32 v7, v5  }
0x14d: {  	v12 =	vld.idx.msk [tilespmem:v49+s31+$0x0], $0xffff;
	v7 =	vor.u32 $0x39, v4  }
0x14e: {  	v55 =	vld.idx.msk [tilespmem:v51+s3+$0x0], $0xffff;
	v8 =	vmul.f32 v50, v8;
	v5 =	vadd.f32 v6, v5  }
0x14f: {  	v9 =	vld.idx.msk [tilespmem:v51+s31+$0x0], $0xffff;
	v6 =	vor.u32 $0x3A, v4  }
0x150: {  	v56 =	vld.idx.msk [tilespmem:v53+s3+$0x0], $0xffff;
	v11 =	vmul.f32 v52, v11;
	v5 =	vadd.f32 v8, v5  }
0x151: {  	v10 =	vld.idx.msk [tilespmem:v53+s31+$0x0], $0xffff;
	v8 =	vor.u32 $0x3B, v4  }
0x152: {  	v12 =	vmul.f32 v54, v12;
	v57 =	vld.idx.msk [tilespmem:v7+s3+$0x0], $0xffff;
	v5 =	vadd.f32 v11, v5  }
0x153: {  	v58 =	vor.u32 $0x3C, v4;
	v7 =	vld.idx.msk [tilespmem:v7+s31+$0x0], $0xffff  }
0x154: {  	v9 =	vmul.f32 v55, v9;
	v59 =	vld.idx.msk [tilespmem:v6+s3+$0x0], $0xffff;
	v5 =	vadd.f32 v12, v5  }
0x155: {  	v60 =	vor.u32 $0x3D, v4;
	v6 =	vld.idx.msk [tilespmem:v6+s31+$0x0], $0xffff  }
0x156: {  	v10 =	vmul.f32 v56, v10;
	v61 =	vld.idx.msk [tilespmem:v8+s3+$0x0], $0xffff;
	v5 =	vadd.f32 v9, v5  }
0x157: {  	v62 =	vor.u32 $0x3E, v4;
	v8 =	vld.idx.msk [tilespmem:v8+s31+$0x0], $0xffff  }
0x158: {  	v63 =	vld.idx.msk [tilespmem:v58+s3+$0x0], $0xffff;
	v7 =	vmul.f32 v57, v7;
	v5 =	vadd.f32 v10, v5  }
0x159: {  	v4 =	vor.u32 $0x3F, v4;
	v11 =	vld.idx.msk [tilespmem:v58+s31+$0x0], $0xffff  }
0x15a: {  	v12 =	vld.idx.msk [tilespmem:v60+s31+$0x0], $0xffff;
	v6 =	vmul.f32 v59, v6;
	v5 =	vadd.f32 v7, v5  }
0x15b: {  	v7 =	vld.idx.msk [tilespmem:v60+s3+$0x0], $0xffff  }
0x15c: {  	v9 =	vld.idx.msk [tilespmem:v62+s31+$0x0], $0xffff;
	v8 =	vmul.f32 v61, v8;
	v5 =	vadd.f32 v6, v5  }
0x15d: {  	v6 =	vld.idx.msk [tilespmem:v62+s3+$0x0], $0xffff  }
0x15e: {  	v10 =	vmul.f32 v63, v11;
	v5 =	vadd.f32 v8, v5;
	v8 =	vld.idx.msk [tilespmem:v4+s3+$0x0], $0xffff  }
0x15f: {  	v4 =	vld.idx.msk [tilespmem:v4+s31+$0x0], $0xffff  }
0x160: {  	v7 =	vmul.f32 v7, v12;
	v5 =	vadd.f32 v10, v5;
	_ =	sdelay $0x1  }
0x161: {  	v6 =	vmul.f32 v6, v9;
	v5 =	vadd.f32 v7, v5;
	_ =	sdelay $0x1  }
0x162: {  	v4 =	vmul.f32 v8, v4;
	v5 =	vadd.f32 v6, v5;
	_ =	sdelay $0x1  }
0x163: {  	v4 =	vadd.f32 v4, v5;
	_ =	sdelay $0x1  }
0x164: {  	v4 =	vmul.f32 $1.250000000e-01, v4;
	_ =	sdelay $0x1  }
0x165: {  	v4 =	vmax.f32 v4, $0.0e+00  }
0x166: {  	v4 =	vmul.f32 $1.442695020e+00, v4;
	_ =	sdelay $0x1  }
0x167: {  	(erf) = vpow2.f32 v4;
	_ =	sdelay $0x1  }
0x168: {  	s2 =	simm.s32 $0x10  }
0x169: {  	v5 =	vmov s2  }
0x16a: {  	v5 =	vshll.u32 v5, $0x7  }
0x16b: {  	s9 =	sadd.s32 $0x80, s21;
	v4 =	vor.u32 v2, v5  }
0x16c: {  	p0 =	por p1, p1;
	s17 =	smov.u32 s9;
	s2 =	simm.s32 $0x20;
	v7 =	vor.u32 $0x1, v4;
	v6 =	vor.u32 $0x2, v4;
	v5 =	vor.u32 $0x3, v4  }
.LBB2_7:
0x16d: {  	p1 =	sne.s32 s2, $0x30  }
0x16e: {  	v8 =	vor.u32 $0x4, v4;
	v9 =	vor.u32 $0x5, v4;
	v10 =	vor.u32 $0x6, v4;
	s9 =	sadd.s32 $0x10, s9;
	s18 =	smov.u32 s2;
	s2 =	sadd.s32 $0x10, s2  }
0x16f: {  	v11 =	vor.u32 $0x7, v4;
	v12 =	vor.u32 $0x8, v4;
	v54 =	vor.u32 $0x9, v4;
	v13 =	vpop (erf)  }
0x170: {  	v55 =	vor.u32 $0xA, v4;
	v56 =	vor.u32 $0xB, v4;
	v57 =	vor.u32 $0xC, v4;
	[tilespmem:s17+$0x0] =	vst v13;
	s17 =	smov.u32 s9  }
0x171: {  	v58 =	vor.u32 $0xD, v4;
	v53 =	vor.u32 $0xE, v4;
	v52 =	vor.u32 $0xF, v4;
	v13 =	vld.idx.msk [tilespmem:v4+s31+$0x0], $0xffff  }
0x172: {  	v51 =	vor.u32 $0x10, v4;
	v50 =	vor.u32 $0x11, v4;
	v49 =	vor.u32 $0x12, v4;
	v14 =	vld.idx.msk [tilespmem:v7+s3+$0x0], $0xffff  }
0x173: {  	v48 =	vor.u32 $0x13, v4;
	v47 =	vor.u32 $0x14, v4;
	v46 =	vor.u32 $0x15, v4;
	v15 =	vld.idx.msk [tilespmem:v4+s3+$0x0], $0xffff  }
0x174: {  	v45 =	vor.u32 $0x16, v4;
	v44 =	vor.u32 $0x17, v4;
	v43 =	vor.u32 $0x18, v4;
	v7 =	vld.idx.msk [tilespmem:v7+s31+$0x0], $0xffff  }
0x175: {  	v42 =	vor.u32 $0x19, v4;
	v41 =	vor.u32 $0x1A, v4;
	v40 =	vor.u32 $0x1B, v4;
	v16 =	vld.idx.msk [tilespmem:v6+s3+$0x0], $0xffff  }
0x176: {  	v39 =	vor.u32 $0x1C, v4;
	v38 =	vor.u32 $0x1D, v4;
	v37 =	vor.u32 $0x1E, v4;
	v6 =	vld.idx.msk [tilespmem:v6+s31+$0x0], $0xffff  }
0x177: {  	v36 =	vor.u32 $0x1F, v4;
	v35 =	vor.u32 $0x20, v4;
	v34 =	vor.u32 $0x21, v4;
	v17 =	vld.idx.msk [tilespmem:v5+s3+$0x0], $0xffff  }
0x178: {  	v33 =	vor.u32 $0x22, v4;
	v32 =	vor.u32 $0x23, v4;
	v31 =	vor.u32 $0x24, v4;
	v5 =	vld.idx.msk [tilespmem:v5+s31+$0x0], $0xffff  }
0x179: {  	v30 =	vor.u32 $0x25, v4;
	v29 =	vor.u32 $0x26, v4;
	v13 =	vmul.f32 v15, v13;
	v15 =	vld.idx.msk [tilespmem:v8+s3+$0x0], $0xffff  }
0x17a: {  	v28 =	vor.u32 $0x27, v4;
	v27 =	vor.u32 $0x28, v4;
	v7 =	vmul.f32 v14, v7;
	v8 =	vld.idx.msk [tilespmem:v8+s31+$0x0], $0xffff  }
0x17b: {  	v26 =	vor.u32 $0x29, v4;
	v25 =	vor.u32 $0x2A, v4;
	v13 =	vadd.f32 $0.0e+00, v13;
	v59 =	vld.idx.msk [tilespmem:v9+s3+$0x0], $0xffff  }
0x17c: {  	v24 =	vor.u32 $0x2B, v4;
	v23 =	vor.u32 $0x2C, v4;
	v6 =	vmul.f32 v16, v6;
	v9 =	vld.idx.msk [tilespmem:v9+s31+$0x0], $0xffff  }
0x17d: {  	v22 =	vor.u32 $0x2D, v4;
	v21 =	vor.u32 $0x2E, v4;
	v7 =	vadd.f32 v7, v13;
	v60 =	vld.idx.msk [tilespmem:v10+s3+$0x0], $0xffff  }
0x17e: {  	v20 =	vor.u32 $0x2F, v4;
	v19 =	vor.u32 $0x30, v4;
	v5 =	vmul.f32 v17, v5;
	v61 =	vld.idx.msk [tilespmem:v10+s31+$0x0], $0xffff  }
0x17f: {  	v18 =	vor.u32 $0x31, v4;
	v17 =	vor.u32 $0x32, v4;
	v6 =	vadd.f32 v6, v7;
	v62 =	vld.idx.msk [tilespmem:v11+s3+$0x0], $0xffff  }
0x180: {  	v16 =	vor.u32 $0x33, v4;
	v7 =	vmul.f32 v15, v8;
	v15 =	vor.u32 $0x34, v4;
	v63 =	vld.idx.msk [tilespmem:v11+s31+$0x0], $0xffff  }
0x181: {  	v14 =	vor.u32 $0x35, v4;
	v13 =	vor.u32 $0x36, v4;
	v5 =	vadd.f32 v5, v6;
	v1 =	vld.idx.msk [tilespmem:v12+s3+$0x0], $0xffff  }
0x182: {  	v11 =	vor.u32 $0x38, v4;
	v6 =	vmul.f32 v59, v9;
	v59 =	vld.idx.msk [tilespmem:v12+s31+$0x0], $0xffff;
	v12 =	vor.u32 $0x37, v4  }
0x183: {  	v10 =	vor.u32 $0x39, v4;
	v9 =	vor.u32 $0x3A, v4;
	v5 =	vadd.f32 v7, v5;
	v0 =	vld.idx.msk [tilespmem:v54+s3+$0x0], $0xffff  }
0x184: {  	v8 =	vor.u32 $0x3B, v4;
	v7 =	vor.u32 $0x3C, v4;
	v60 =	vmul.f32 v60, v61;
	v54 =	vld.idx.msk [tilespmem:v54+s31+$0x0], $0xffff  }
0x185: {  	v61 =	vadd.f32 v6, v5;
	v6 =	vor.u32 $0x3D, v4;
	v5 =	vor.u32 $0x3E, v4;
	v3 =	vld.idx.msk [tilespmem:v55+s3+$0x0], $0xffff  }
0x186: {  	v4 =	vor.u32 $0x3F, v4;
	v62 =	vmul.f32 v62, v63;
	v55 =	vld.idx.msk [tilespmem:v55+s31+$0x0], $0xffff  }
0x187: {  	v60 =	vadd.f32 v60, v61;
	v61 =	vld.idx.msk [tilespmem:v56+s3+$0x0], $0xffff  }
0x188: {  	v1 =	vmul.f32 v1, v59;
	v56 =	vld.idx.msk [tilespmem:v56+s31+$0x0], $0xffff  }
0x189: {  	v59 =	vadd.f32 v62, v60;
	v60 =	vld.idx.msk [tilespmem:v57+s3+$0x0], $0xffff  }
0x18a: {  	v0 =	vmul.f32 v0, v54;
	v54 =	vld.idx.msk [tilespmem:v57+s31+$0x0], $0xffff  }
0x18b: {  	v1 =	vadd.f32 v1, v59;
	v57 =	vld.idx.msk [tilespmem:v58+s3+$0x0], $0xffff  }
0x18c: {  	v3 =	vmul.f32 v3, v55;
	v55 =	vld.idx.msk [tilespmem:v58+s31+$0x0], $0xffff  }
0x18d: {  	v0 =	vadd.f32 v0, v1;
	v1 =	vld.idx.msk [tilespmem:v53+s3+$0x0], $0xffff  }
0x18e: {  	v56 =	vmul.f32 v61, v56;
	v53 =	vld.idx.msk [tilespmem:v53+s31+$0x0], $0xffff  }
0x18f: {  	v0 =	vadd.f32 v3, v0;
	v3 =	vld.idx.msk [tilespmem:v52+s3+$0x0], $0xffff  }
0x190: {  	v54 =	vmul.f32 v60, v54;
	v52 =	vld.idx.msk [tilespmem:v52+s31+$0x0], $0xffff  }
0x191: {  	v0 =	vadd.f32 v56, v0;
	v56 =	vld.idx.msk [tilespmem:v51+s3+$0x0], $0xffff  }
0x192: {  	v55 =	vmul.f32 v57, v55;
	v51 =	vld.idx.msk [tilespmem:v51+s31+$0x0], $0xffff  }
0x193: {  	v0 =	vadd.f32 v54, v0;
	v54 =	vld.idx.msk [tilespmem:v50+s3+$0x0], $0xffff  }
0x194: {  	v1 =	vmul.f32 v1, v53;
	v50 =	vld.idx.msk [tilespmem:v50+s31+$0x0], $0xffff  }
0x195: {  	v0 =	vadd.f32 v55, v0;
	v53 =	vld.idx.msk [tilespmem:v49+s3+$0x0], $0xffff  }
0x196: {  	v3 =	vmul.f32 v3, v52;
	v49 =	vld.idx.msk [tilespmem:v49+s31+$0x0], $0xffff  }
0x197: {  	v0 =	vadd.f32 v1, v0;
	v1 =	vld.idx.msk [tilespmem:v48+s3+$0x0], $0xffff  }
0x198: {  	v51 =	vmul.f32 v56, v51;
	v48 =	vld.idx.msk [tilespmem:v48+s31+$0x0], $0xffff  }
0x199: {  	v0 =	vadd.f32 v3, v0;
	v3 =	vld.idx.msk [tilespmem:v47+s3+$0x0], $0xffff  }
0x19a: {  	v50 =	vmul.f32 v54, v50;
	v47 =	vld.idx.msk [tilespmem:v47+s31+$0x0], $0xffff  }
0x19b: {  	v0 =	vadd.f32 v51, v0;
	v51 =	vld.idx.msk [tilespmem:v46+s3+$0x0], $0xffff  }
0x19c: {  	v49 =	vmul.f32 v53, v49;
	v46 =	vld.idx.msk [tilespmem:v46+s31+$0x0], $0xffff  }
0x19d: {  	v0 =	vadd.f32 v50, v0;
	v50 =	vld.idx.msk [tilespmem:v45+s3+$0x0], $0xffff  }
0x19e: {  	v1 =	vmul.f32 v1, v48;
	v45 =	vld.idx.msk [tilespmem:v45+s31+$0x0], $0xffff  }
0x19f: {  	v0 =	vadd.f32 v49, v0;
	v48 =	vld.idx.msk [tilespmem:v44+s3+$0x0], $0xffff  }
0x1a0: {  	v3 =	vmul.f32 v3, v47;
	v44 =	vld.idx.msk [tilespmem:v44+s31+$0x0], $0xffff  }
0x1a1: {  	v0 =	vadd.f32 v1, v0;
	v1 =	vld.idx.msk [tilespmem:v43+s3+$0x0], $0xffff  }
0x1a2: {  	v46 =	vmul.f32 v51, v46;
	v43 =	vld.idx.msk [tilespmem:v43+s31+$0x0], $0xffff  }
0x1a3: {  	v0 =	vadd.f32 v3, v0;
	v3 =	vld.idx.msk [tilespmem:v42+s3+$0x0], $0xffff  }
0x1a4: {  	v45 =	vmul.f32 v50, v45;
	v42 =	vld.idx.msk [tilespmem:v42+s31+$0x0], $0xffff  }
0x1a5: {  	v0 =	vadd.f32 v46, v0;
	v46 =	vld.idx.msk [tilespmem:v41+s3+$0x0], $0xffff  }
0x1a6: {  	v44 =	vmul.f32 v48, v44;
	v41 =	vld.idx.msk [tilespmem:v41+s31+$0x0], $0xffff  }
0x1a7: {  	v0 =	vadd.f32 v45, v0;
	v45 =	vld.idx.msk [tilespmem:v40+s3+$0x0], $0xffff  }
0x1a8: {  	v1 =	vmul.f32 v1, v43;
	v40 =	vld.idx.msk [tilespmem:v40+s31+$0x0], $0xffff  }
0x1a9: {  	v0 =	vadd.f32 v44, v0;
	v43 =	vld.idx.msk [tilespmem:v39+s3+$0x0], $0xffff  }
0x1aa: {  	v3 =	vmul.f32 v3, v42;
	v39 =	vld.idx.msk [tilespmem:v39+s31+$0x0], $0xffff  }
0x1ab: {  	v0 =	vadd.f32 v1, v0;
	v1 =	vld.idx.msk [tilespmem:v38+s3+$0x0], $0xffff  }
0x1ac: {  	v41 =	vmul.f32 v46, v41;
	v38 =	vld.idx.msk [tilespmem:v38+s31+$0x0], $0xffff  }
0x1ad: {  	v0 =	vadd.f32 v3, v0;
	v3 =	vld.idx.msk [tilespmem:v37+s3+$0x0], $0xffff  }
0x1ae: {  	v40 =	vmul.f32 v45, v40;
	v37 =	vld.idx.msk [tilespmem:v37+s31+$0x0], $0xffff  }
0x1af: {  	v0 =	vadd.f32 v41, v0;
	v41 =	vld.idx.msk [tilespmem:v36+s3+$0x0], $0xffff  }
0x1b0: {  	v39 =	vmul.f32 v43, v39;
	v36 =	vld.idx.msk [tilespmem:v36+s31+$0x0], $0xffff  }
0x1b1: {  	v0 =	vadd.f32 v40, v0;
	v40 =	vld.idx.msk [tilespmem:v35+s3+$0x0], $0xffff  }
0x1b2: {  	v1 =	vmul.f32 v1, v38;
	v35 =	vld.idx.msk [tilespmem:v35+s31+$0x0], $0xffff  }
0x1b3: {  	v0 =	vadd.f32 v39, v0;
	v38 =	vld.idx.msk [tilespmem:v34+s3+$0x0], $0xffff  }
0x1b4: {  	v3 =	vmul.f32 v3, v37;
	v34 =	vld.idx.msk [tilespmem:v34+s31+$0x0], $0xffff  }
0x1b5: {  	v0 =	vadd.f32 v1, v0;
	v1 =	vld.idx.msk [tilespmem:v33+s3+$0x0], $0xffff  }
0x1b6: {  	v36 =	vmul.f32 v41, v36;
	v33 =	vld.idx.msk [tilespmem:v33+s31+$0x0], $0xffff  }
0x1b7: {  	v0 =	vadd.f32 v3, v0;
	v3 =	vld.idx.msk [tilespmem:v32+s3+$0x0], $0xffff  }
0x1b8: {  	v35 =	vmul.f32 v40, v35;
	v32 =	vld.idx.msk [tilespmem:v32+s31+$0x0], $0xffff  }
0x1b9: {  	v0 =	vadd.f32 v36, v0;
	v36 =	vld.idx.msk [tilespmem:v31+s3+$0x0], $0xffff  }
0x1ba: {  	v34 =	vmul.f32 v38, v34;
	v31 =	vld.idx.msk [tilespmem:v31+s31+$0x0], $0xffff  }
0x1bb: {  	v0 =	vadd.f32 v35, v0;
	v35 =	vld.idx.msk [tilespmem:v30+s3+$0x0], $0xffff  }
0x1bc: {  	v1 =	vmul.f32 v1, v33;
	v30 =	vld.idx.msk [tilespmem:v30+s31+$0x0], $0xffff  }
0x1bd: {  	v0 =	vadd.f32 v34, v0;
	v33 =	vld.idx.msk [tilespmem:v29+s3+$0x0], $0xffff  }
0x1be: {  	v3 =	vmul.f32 v3, v32;
	v29 =	vld.idx.msk [tilespmem:v29+s31+$0x0], $0xffff  }
0x1bf: {  	v0 =	vadd.f32 v1, v0;
	v1 =	vld.idx.msk [tilespmem:v28+s3+$0x0], $0xffff  }
0x1c0: {  	v31 =	vmul.f32 v36, v31;
	v28 =	vld.idx.msk [tilespmem:v28+s31+$0x0], $0xffff  }
0x1c1: {  	v0 =	vadd.f32 v3, v0;
	v3 =	vld.idx.msk [tilespmem:v27+s3+$0x0], $0xffff  }
0x1c2: {  	v30 =	vmul.f32 v35, v30;
	v27 =	vld.idx.msk [tilespmem:v27+s31+$0x0], $0xffff  }
0x1c3: {  	v0 =	vadd.f32 v31, v0;
	v31 =	vld.idx.msk [tilespmem:v26+s3+$0x0], $0xffff  }
0x1c4: {  	v29 =	vmul.f32 v33, v29;
	v26 =	vld.idx.msk [tilespmem:v26+s31+$0x0], $0xffff  }
0x1c5: {  	v0 =	vadd.f32 v30, v0;
	v30 =	vld.idx.msk [tilespmem:v25+s3+$0x0], $0xffff  }
0x1c6: {  	v1 =	vmul.f32 v1, v28;
	v25 =	vld.idx.msk [tilespmem:v25+s31+$0x0], $0xffff  }
0x1c7: {  	v0 =	vadd.f32 v29, v0;
	v28 =	vld.idx.msk [tilespmem:v24+s3+$0x0], $0xffff  }
0x1c8: {  	v3 =	vmul.f32 v3, v27;
	v24 =	vld.idx.msk [tilespmem:v24+s31+$0x0], $0xffff  }
0x1c9: {  	v0 =	vadd.f32 v1, v0;
	v1 =	vld.idx.msk [tilespmem:v23+s3+$0x0], $0xffff  }
0x1ca: {  	v26 =	vmul.f32 v31, v26;
	v23 =	vld.idx.msk [tilespmem:v23+s31+$0x0], $0xffff  }
0x1cb: {  	v0 =	vadd.f32 v3, v0;
	v3 =	vld.idx.msk [tilespmem:v22+s3+$0x0], $0xffff  }
0x1cc: {  	v25 =	vmul.f32 v30, v25;
	v22 =	vld.idx.msk [tilespmem:v22+s31+$0x0], $0xffff  }
0x1cd: {  	v0 =	vadd.f32 v26, v0;
	v26 =	vld.idx.msk [tilespmem:v21+s3+$0x0], $0xffff  }
0x1ce: {  	v24 =	vmul.f32 v28, v24;
	v21 =	vld.idx.msk [tilespmem:v21+s31+$0x0], $0xffff  }
0x1cf: {  	v0 =	vadd.f32 v25, v0;
	v25 =	vld.idx.msk [tilespmem:v20+s3+$0x0], $0xffff  }
0x1d0: {  	v1 =	vmul.f32 v1, v23;
	v20 =	vld.idx.msk [tilespmem:v20+s31+$0x0], $0xffff  }
0x1d1: {  	v0 =	vadd.f32 v24, v0;
	v23 =	vld.idx.msk [tilespmem:v19+s3+$0x0], $0xffff  }
0x1d2: {  	v3 =	vmul.f32 v3, v22;
	v19 =	vld.idx.msk [tilespmem:v19+s31+$0x0], $0xffff  }
0x1d3: {  	v0 =	vadd.f32 v1, v0;
	v1 =	vld.idx.msk [tilespmem:v18+s3+$0x0], $0xffff  }
0x1d4: {  	v21 =	vmul.f32 v26, v21;
	v18 =	vld.idx.msk [tilespmem:v18+s31+$0x0], $0xffff  }
0x1d5: {  	v0 =	vadd.f32 v3, v0;
	v3 =	vld.idx.msk [tilespmem:v17+s3+$0x0], $0xffff  }
0x1d6: {  	v20 =	vmul.f32 v25, v20;
	v17 =	vld.idx.msk [tilespmem:v17+s31+$0x0], $0xffff  }
0x1d7: {  	v0 =	vadd.f32 v21, v0;
	v21 =	vld.idx.msk [tilespmem:v16+s3+$0x0], $0xffff  }
0x1d8: {  	v19 =	vmul.f32 v23, v19;
	v16 =	vld.idx.msk [tilespmem:v16+s31+$0x0], $0xffff  }
0x1d9: {  	v0 =	vadd.f32 v20, v0;
	v20 =	vld.idx.msk [tilespmem:v15+s3+$0x0], $0xffff  }
0x1da: {  	v1 =	vmul.f32 v1, v18;
	v15 =	vld.idx.msk [tilespmem:v15+s31+$0x0], $0xffff  }
0x1db: {  	v0 =	vadd.f32 v19, v0;
	v18 =	vld.idx.msk [tilespmem:v14+s3+$0x0], $0xffff  }
0x1dc: {  	v3 =	vmul.f32 v3, v17;
	v14 =	vld.idx.msk [tilespmem:v14+s31+$0x0], $0xffff  }
0x1dd: {  	v0 =	vadd.f32 v1, v0;
	v1 =	vld.idx.msk [tilespmem:v13+s3+$0x0], $0xffff  }
0x1de: {  	v16 =	vmul.f32 v21, v16;
	v13 =	vld.idx.msk [tilespmem:v13+s31+$0x0], $0xffff  }
0x1df: {  	v0 =	vadd.f32 v3, v0;
	v3 =	vld.idx.msk [tilespmem:v12+s3+$0x0], $0xffff  }
0x1e0: {  	v15 =	vmul.f32 v20, v15;
	v12 =	vld.idx.msk [tilespmem:v12+s31+$0x0], $0xffff  }
0x1e1: {  	v0 =	vadd.f32 v16, v0;
	v16 =	vld.idx.msk [tilespmem:v11+s3+$0x0], $0xffff  }
0x1e2: {  	v14 =	vmul.f32 v18, v14;
	v11 =	vld.idx.msk [tilespmem:v11+s31+$0x0], $0xffff  }
0x1e3: {  	v0 =	vadd.f32 v15, v0;
	v15 =	vld.idx.msk [tilespmem:v10+s3+$0x0], $0xffff  }
0x1e4: {  	v1 =	vmul.f32 v1, v13;
	v10 =	vld.idx.msk [tilespmem:v10+s31+$0x0], $0xffff  }
0x1e5: {  	v0 =	vadd.f32 v14, v0;
	v13 =	vld.idx.msk [tilespmem:v9+s3+$0x0], $0xffff  }
0x1e6: {  	v3 =	vmul.f32 v3, v12;
	v9 =	vld.idx.msk [tilespmem:v9+s31+$0x0], $0xffff  }
0x1e7: {  	v0 =	vadd.f32 v1, v0;
	v1 =	vld.idx.msk [tilespmem:v8+s3+$0x0], $0xffff  }
0x1e8: {  	v11 =	vmul.f32 v16, v11;
	v8 =	vld.idx.msk [tilespmem:v8+s31+$0x0], $0xffff  }
0x1e9: {  	v0 =	vadd.f32 v3, v0;
	v3 =	vld.idx.msk [tilespmem:v7+s3+$0x0], $0xffff  }
0x1ea: {  	v10 =	vmul.f32 v15, v10;
	v7 =	vld.idx.msk [tilespmem:v7+s31+$0x0], $0xffff  }
0x1eb: {  	v0 =	vadd.f32 v11, v0;
	v11 =	vld.idx.msk [tilespmem:v6+s3+$0x0], $0xffff  }
0x1ec: {  	v9 =	vmul.f32 v13, v9;
	v6 =	vld.idx.msk [tilespmem:v6+s31+$0x0], $0xffff  }
0x1ed: {  	v0 =	vadd.f32 v10, v0;
	v10 =	vld.idx.msk [tilespmem:v5+s3+$0x0], $0xffff  }
0x1ee: {  	v1 =	vmul.f32 v1, v8;
	v5 =	vld.idx.msk [tilespmem:v5+s31+$0x0], $0xffff  }
0x1ef: {  	v0 =	vadd.f32 v9, v0;
	v8 =	vld.idx.msk [tilespmem:v4+s3+$0x0], $0xffff  }
0x1f0: {  	v3 =	vmul.f32 v3, v7;
	v4 =	vld.idx.msk [tilespmem:v4+s31+$0x0], $0xffff  }
0x1f1: {  	v0 =	vadd.f32 v1, v0  }
0x1f2: {  	v1 =	vmul.f32 v11, v6  }
0x1f3: {  	v0 =	vadd.f32 v3, v0  }
0x1f4: {  	v3 =	vmul.f32 v10, v5  }
0x1f5: {  	v0 =	vadd.f32 v1, v0  }
0x1f6: {  	v1 =	vmul.f32 v8, v4  }
0x1f7: {  	v0 =	vadd.f32 v3, v0;
	_ =	sdelay $0x1  }
0x1f8: {  	v0 =	vadd.f32 v1, v0;
	_ =	sdelay $0x1  }
0x1f9: {  	v0 =	vmul.f32 $1.250000000e-01, v0;
	_ =	sdelay $0x1  }
0x1fa: {  	v0 =	vmax.f32 v0, $0.0e+00  }
0x1fb: {  	v0 =	vmul.f32 $1.442695020e+00, v0;
	_ =	sdelay $0x1  }
0x1fc: {  	(erf) = vpow2.f32 v0;
	_ =	sdelay $0x2  }
.Ltmp6:
0x1fd: {  	(pc) =	sbr.rel @p1 .LBB2_7-.Ltmp6, $4  }
0x1fe: {  	v0 =	vmov s18  }
0x1ff: {  	v0 =	vshll.u32 v0, $0x7  }
0x200: {  	v4 =	vor.u32 v2, v0  }
0x201: {  	v7 =	vor.u32 $0x1, v4;
	v6 =	vor.u32 $0x2, v4;
	v5 =	vor.u32 $0x3, v4  }
0x202: {  	_ =	sdelay $0x1  }
0x203: {  	v0 =	vpop (erf)  }
0x204: {  	[tilespmem:s17+$0x0] =	vst v0  }
0x205: {  	v0 =	vld.idx.msk [tilespmem:v4+s31+$0x0], $0xffff  }
0x206: {  	v1 =	vld.idx.msk [tilespmem:v4+s3+$0x0], $0xffff  }
0x207: {  	v3 =	vld.idx.msk [tilespmem:v7+s3+$0x0], $0xffff  }
0x208: {  	v8 =	vor.u32 $0x4, v4;
	v7 =	vld.idx.msk [tilespmem:v7+s31+$0x0], $0xffff  }
0x209: {  	v9 =	vld.idx.msk [tilespmem:v6+s3+$0x0], $0xffff  }
0x20a: {  	v10 =	vor.u32 $0x5, v4;
	v6 =	vld.idx.msk [tilespmem:v6+s31+$0x0], $0xffff  }
0x20b: {  	v11 =	vld.idx.msk [tilespmem:v5+s3+$0x0], $0xffff;
	v0 =	vmul.f32 v1, v0  }
0x20c: {  	v5 =	vld.idx.msk [tilespmem:v5+s31+$0x0], $0xffff;
	v1 =	vor.u32 $0x6, v4  }
0x20d: {  	v12 =	vld.idx.msk [tilespmem:v8+s3+$0x0], $0xffff;
	v3 =	vmul.f32 v3, v7;
	v0 =	vadd.f32 $0.0e+00, v0  }
0x20e: {  	v8 =	vld.idx.msk [tilespmem:v8+s31+$0x0], $0xffff;
	v7 =	vor.u32 $0x7, v4  }
0x20f: {  	v13 =	vld.idx.msk [tilespmem:v10+s3+$0x0], $0xffff;
	v6 =	vmul.f32 v9, v6;
	v0 =	vadd.f32 v3, v0  }
0x210: {  	v47 =	vld.idx.msk [tilespmem:v10+s31+$0x0], $0xffff;
	v3 =	vor.u32 $0x8, v4  }
0x211: {  	v5 =	vmul.f32 v11, v5;
	v48 =	vld.idx.msk [tilespmem:v1+s3+$0x0], $0xffff;
	v0 =	vadd.f32 v6, v0  }
0x212: {  	v1 =	vld.idx.msk [tilespmem:v1+s31+$0x0], $0xffff;
	v6 =	vor.u32 $0x9, v4  }
0x213: {  	v8 =	vmul.f32 v12, v8;
	v49 =	vld.idx.msk [tilespmem:v7+s3+$0x0], $0xffff;
	v0 =	vadd.f32 v5, v0  }
0x214: {  	v7 =	vld.idx.msk [tilespmem:v7+s31+$0x0], $0xffff;
	v5 =	vor.u32 $0xA, v4  }
0x215: {  	v9 =	vmul.f32 v13, v47;
	v50 =	vld.idx.msk [tilespmem:v3+s3+$0x0], $0xffff;
	v0 =	vadd.f32 v8, v0  }
0x216: {  	v3 =	vld.idx.msk [tilespmem:v3+s31+$0x0], $0xffff;
	v8 =	vor.u32 $0xB, v4  }
0x217: {  	v1 =	vmul.f32 v48, v1;
	v51 =	vld.idx.msk [tilespmem:v6+s3+$0x0], $0xffff;
	v0 =	vadd.f32 v9, v0  }
0x218: {  	v52 =	vor.u32 $0xC, v4;
	v6 =	vld.idx.msk [tilespmem:v6+s31+$0x0], $0xffff  }
0x219: {  	v7 =	vmul.f32 v49, v7;
	v53 =	vld.idx.msk [tilespmem:v5+s3+$0x0], $0xffff;
	v0 =	vadd.f32 v1, v0  }
0x21a: {  	v5 =	vld.idx.msk [tilespmem:v5+s31+$0x0], $0xffff;
	v1 =	vor.u32 $0xD, v4  }
0x21b: {  	v3 =	vmul.f32 v50, v3;
	v54 =	vld.idx.msk [tilespmem:v8+s3+$0x0], $0xffff;
	v0 =	vadd.f32 v7, v0  }
0x21c: {  	v8 =	vld.idx.msk [tilespmem:v8+s31+$0x0], $0xffff;
	v7 =	vor.u32 $0xE, v4  }
0x21d: {  	v55 =	vld.idx.msk [tilespmem:v52+s3+$0x0], $0xffff;
	v6 =	vmul.f32 v51, v6;
	v0 =	vadd.f32 v3, v0  }
0x21e: {  	v9 =	vld.idx.msk [tilespmem:v52+s31+$0x0], $0xffff;
	v3 =	vor.u32 $0xF, v4  }
0x21f: {  	v5 =	vmul.f32 v53, v5;
	v56 =	vld.idx.msk [tilespmem:v1+s3+$0x0], $0xffff;
	v0 =	vadd.f32 v6, v0  }
0x220: {  	v1 =	vld.idx.msk [tilespmem:v1+s31+$0x0], $0xffff;
	v6 =	vor.u32 $0x10, v4  }
0x221: {  	v8 =	vmul.f32 v54, v8;
	v57 =	vld.idx.msk [tilespmem:v7+s3+$0x0], $0xffff;
	v0 =	vadd.f32 v5, v0  }
0x222: {  	v7 =	vld.idx.msk [tilespmem:v7+s31+$0x0], $0xffff;
	v5 =	vor.u32 $0x11, v4  }
0x223: {  	v9 =	vmul.f32 v55, v9;
	v58 =	vld.idx.msk [tilespmem:v3+s3+$0x0], $0xffff;
	v0 =	vadd.f32 v8, v0  }
0x224: {  	v3 =	vld.idx.msk [tilespmem:v3+s31+$0x0], $0xffff;
	v8 =	vor.u32 $0x12, v4  }
0x225: {  	v1 =	vmul.f32 v56, v1;
	v59 =	vld.idx.msk [tilespmem:v6+s3+$0x0], $0xffff;
	v0 =	vadd.f32 v9, v0  }
0x226: {  	v60 =	vor.u32 $0x13, v4;
	v6 =	vld.idx.msk [tilespmem:v6+s31+$0x0], $0xffff  }
0x227: {  	v7 =	vmul.f32 v57, v7;
	v61 =	vld.idx.msk [tilespmem:v5+s3+$0x0], $0xffff;
	v0 =	vadd.f32 v1, v0  }
0x228: {  	v5 =	vld.idx.msk [tilespmem:v5+s31+$0x0], $0xffff;
	v1 =	vor.u32 $0x14, v4  }
0x229: {  	v3 =	vmul.f32 v58, v3;
	v62 =	vld.idx.msk [tilespmem:v8+s3+$0x0], $0xffff;
	v0 =	vadd.f32 v7, v0  }
0x22a: {  	v8 =	vld.idx.msk [tilespmem:v8+s31+$0x0], $0xffff;
	v7 =	vor.u32 $0x15, v4  }
0x22b: {  	v63 =	vld.idx.msk [tilespmem:v60+s3+$0x0], $0xffff;
	v6 =	vmul.f32 v59, v6;
	v0 =	vadd.f32 v3, v0  }
0x22c: {  	v9 =	vld.idx.msk [tilespmem:v60+s31+$0x0], $0xffff;
	v3 =	vor.u32 $0x16, v4  }
0x22d: {  	v5 =	vmul.f32 v61, v5;
	v16 =	vld.idx.msk [tilespmem:v1+s3+$0x0], $0xffff;
	v0 =	vadd.f32 v6, v0  }
0x22e: {  	v1 =	vld.idx.msk [tilespmem:v1+s31+$0x0], $0xffff;
	v6 =	vor.u32 $0x17, v4  }
0x22f: {  	v8 =	vmul.f32 v62, v8;
	v17 =	vld.idx.msk [tilespmem:v7+s3+$0x0], $0xffff;
	v0 =	vadd.f32 v5, v0  }
0x230: {  	v7 =	vld.idx.msk [tilespmem:v7+s31+$0x0], $0xffff;
	v5 =	vor.u32 $0x18, v4  }
0x231: {  	v9 =	vmul.f32 v63, v9;
	v18 =	vld.idx.msk [tilespmem:v3+s3+$0x0], $0xffff;
	v0 =	vadd.f32 v8, v0  }
0x232: {  	v3 =	vld.idx.msk [tilespmem:v3+s31+$0x0], $0xffff;
	v8 =	vor.u32 $0x19, v4  }
0x233: {  	v1 =	vmul.f32 v16, v1;
	v19 =	vld.idx.msk [tilespmem:v6+s3+$0x0], $0xffff;
	v0 =	vadd.f32 v9, v0  }
0x234: {  	v20 =	vor.u32 $0x1A, v4;
	v6 =	vld.idx.msk [tilespmem:v6+s31+$0x0], $0xffff  }
0x235: {  	v7 =	vmul.f32 v17, v7;
	v21 =	vld.idx.msk [tilespmem:v5+s3+$0x0], $0xffff;
	v0 =	vadd.f32 v1, v0  }
0x236: {  	v5 =	vld.idx.msk [tilespmem:v5+s31+$0x0], $0xffff;
	v1 =	vor.u32 $0x1B, v4  }
0x237: {  	v3 =	vmul.f32 v18, v3;
	v22 =	vld.idx.msk [tilespmem:v8+s3+$0x0], $0xffff;
	v0 =	vadd.f32 v7, v0  }
0x238: {  	v8 =	vld.idx.msk [tilespmem:v8+s31+$0x0], $0xffff;
	v7 =	vor.u32 $0x1C, v4  }
0x239: {  	v23 =	vld.idx.msk [tilespmem:v20+s3+$0x0], $0xffff;
	v6 =	vmul.f32 v19, v6;
	v0 =	vadd.f32 v3, v0  }
0x23a: {  	v9 =	vld.idx.msk [tilespmem:v20+s31+$0x0], $0xffff;
	v3 =	vor.u32 $0x1D, v4  }
0x23b: {  	v5 =	vmul.f32 v21, v5;
	v24 =	vld.idx.msk [tilespmem:v1+s3+$0x0], $0xffff;
	v0 =	vadd.f32 v6, v0  }
0x23c: {  	v1 =	vld.idx.msk [tilespmem:v1+s31+$0x0], $0xffff;
	v6 =	vor.u32 $0x1E, v4  }
0x23d: {  	v8 =	vmul.f32 v22, v8;
	v25 =	vld.idx.msk [tilespmem:v7+s3+$0x0], $0xffff;
	v0 =	vadd.f32 v5, v0  }
0x23e: {  	v7 =	vld.idx.msk [tilespmem:v7+s31+$0x0], $0xffff;
	v5 =	vor.u32 $0x1F, v4  }
0x23f: {  	v9 =	vmul.f32 v23, v9;
	v26 =	vld.idx.msk [tilespmem:v3+s3+$0x0], $0xffff;
	v0 =	vadd.f32 v8, v0  }
0x240: {  	v3 =	vld.idx.msk [tilespmem:v3+s31+$0x0], $0xffff;
	v8 =	vor.u32 $0x20, v4  }
0x241: {  	v1 =	vmul.f32 v24, v1;
	v27 =	vld.idx.msk [tilespmem:v6+s3+$0x0], $0xffff;
	v0 =	vadd.f32 v9, v0  }
0x242: {  	v28 =	vor.u32 $0x21, v4;
	v6 =	vld.idx.msk [tilespmem:v6+s31+$0x0], $0xffff  }
0x243: {  	v7 =	vmul.f32 v25, v7;
	v29 =	vld.idx.msk [tilespmem:v5+s3+$0x0], $0xffff;
	v0 =	vadd.f32 v1, v0  }
0x244: {  	v5 =	vld.idx.msk [tilespmem:v5+s31+$0x0], $0xffff;
	v1 =	vor.u32 $0x22, v4  }
0x245: {  	v3 =	vmul.f32 v26, v3;
	v30 =	vld.idx.msk [tilespmem:v8+s3+$0x0], $0xffff;
	v0 =	vadd.f32 v7, v0  }
0x246: {  	v8 =	vld.idx.msk [tilespmem:v8+s31+$0x0], $0xffff;
	v7 =	vor.u32 $0x23, v4  }
0x247: {  	v31 =	vld.idx.msk [tilespmem:v28+s3+$0x0], $0xffff;
	v6 =	vmul.f32 v27, v6;
	v0 =	vadd.f32 v3, v0  }
0x248: {  	v9 =	vld.idx.msk [tilespmem:v28+s31+$0x0], $0xffff;
	v3 =	vor.u32 $0x24, v4  }
0x249: {  	v5 =	vmul.f32 v29, v5;
	v32 =	vld.idx.msk [tilespmem:v1+s3+$0x0], $0xffff;
	v0 =	vadd.f32 v6, v0  }
0x24a: {  	v1 =	vld.idx.msk [tilespmem:v1+s31+$0x0], $0xffff;
	v6 =	vor.u32 $0x25, v4  }
0x24b: {  	v8 =	vmul.f32 v30, v8;
	v33 =	vld.idx.msk [tilespmem:v7+s3+$0x0], $0xffff;
	v0 =	vadd.f32 v5, v0  }
0x24c: {  	v7 =	vld.idx.msk [tilespmem:v7+s31+$0x0], $0xffff;
	v5 =	vor.u32 $0x26, v4  }
0x24d: {  	v9 =	vmul.f32 v31, v9;
	v34 =	vld.idx.msk [tilespmem:v3+s3+$0x0], $0xffff;
	v0 =	vadd.f32 v8, v0  }
0x24e: {  	v3 =	vld.idx.msk [tilespmem:v3+s31+$0x0], $0xffff;
	v8 =	vor.u32 $0x27, v4  }
0x24f: {  	v1 =	vmul.f32 v32, v1;
	v35 =	vld.idx.msk [tilespmem:v6+s3+$0x0], $0xffff;
	v0 =	vadd.f32 v9, v0  }
0x250: {  	v36 =	vor.u32 $0x28, v4;
	v6 =	vld.idx.msk [tilespmem:v6+s31+$0x0], $0xffff  }
0x251: {  	v7 =	vmul.f32 v33, v7;
	v37 =	vld.idx.msk [tilespmem:v5+s3+$0x0], $0xffff;
	v0 =	vadd.f32 v1, v0  }
0x252: {  	v5 =	vld.idx.msk [tilespmem:v5+s31+$0x0], $0xffff;
	v1 =	vor.u32 $0x29, v4  }
0x253: {  	v3 =	vmul.f32 v34, v3;
	v38 =	vld.idx.msk [tilespmem:v8+s3+$0x0], $0xffff;
	v0 =	vadd.f32 v7, v0  }
0x254: {  	v8 =	vld.idx.msk [tilespmem:v8+s31+$0x0], $0xffff;
	v7 =	vor.u32 $0x2A, v4  }
0x255: {  	v39 =	vld.idx.msk [tilespmem:v36+s3+$0x0], $0xffff;
	v6 =	vmul.f32 v35, v6;
	v0 =	vadd.f32 v3, v0  }
0x256: {  	v9 =	vld.idx.msk [tilespmem:v36+s31+$0x0], $0xffff;
	v3 =	vor.u32 $0x2B, v4  }
0x257: {  	v5 =	vmul.f32 v37, v5;
	v40 =	vld.idx.msk [tilespmem:v1+s3+$0x0], $0xffff;
	v0 =	vadd.f32 v6, v0  }
0x258: {  	v1 =	vld.idx.msk [tilespmem:v1+s31+$0x0], $0xffff;
	v6 =	vor.u32 $0x2C, v4  }
0x259: {  	v8 =	vmul.f32 v38, v8;
	v41 =	vld.idx.msk [tilespmem:v7+s3+$0x0], $0xffff;
	v0 =	vadd.f32 v5, v0  }
0x25a: {  	v7 =	vld.idx.msk [tilespmem:v7+s31+$0x0], $0xffff;
	v5 =	vor.u32 $0x2D, v4  }
0x25b: {  	v9 =	vmul.f32 v39, v9;
	v42 =	vld.idx.msk [tilespmem:v3+s3+$0x0], $0xffff;
	v0 =	vadd.f32 v8, v0  }
0x25c: {  	v3 =	vld.idx.msk [tilespmem:v3+s31+$0x0], $0xffff;
	v8 =	vor.u32 $0x2E, v4  }
0x25d: {  	v1 =	vmul.f32 v40, v1;
	v43 =	vld.idx.msk [tilespmem:v6+s3+$0x0], $0xffff;
	v0 =	vadd.f32 v9, v0  }
0x25e: {  	v44 =	vor.u32 $0x2F, v4;
	v6 =	vld.idx.msk [tilespmem:v6+s31+$0x0], $0xffff  }
0x25f: {  	v7 =	vmul.f32 v41, v7;
	v45 =	vld.idx.msk [tilespmem:v5+s3+$0x0], $0xffff;
	v0 =	vadd.f32 v1, v0  }
0x260: {  	v5 =	vld.idx.msk [tilespmem:v5+s31+$0x0], $0xffff;
	v1 =	vor.u32 $0x30, v4  }
0x261: {  	v3 =	vmul.f32 v42, v3;
	v46 =	vld.idx.msk [tilespmem:v8+s3+$0x0], $0xffff;
	v0 =	vadd.f32 v7, v0  }
0x262: {  	v8 =	vld.idx.msk [tilespmem:v8+s31+$0x0], $0xffff;
	v7 =	vor.u32 $0x31, v4  }
0x263: {  	v47 =	vld.idx.msk [tilespmem:v44+s3+$0x0], $0xffff;
	v6 =	vmul.f32 v43, v6;
	v0 =	vadd.f32 v3, v0  }
0x264: {  	v9 =	vld.idx.msk [tilespmem:v44+s31+$0x0], $0xffff;
	v3 =	vor.u32 $0x32, v4  }
0x265: {  	v5 =	vmul.f32 v45, v5;
	v48 =	vld.idx.msk [tilespmem:v1+s3+$0x0], $0xffff;
	v0 =	vadd.f32 v6, v0  }
0x266: {  	v1 =	vld.idx.msk [tilespmem:v1+s31+$0x0], $0xffff;
	v6 =	vor.u32 $0x33, v4  }
0x267: {  	v8 =	vmul.f32 v46, v8;
	v49 =	vld.idx.msk [tilespmem:v7+s3+$0x0], $0xffff;
	v0 =	vadd.f32 v5, v0  }
0x268: {  	v7 =	vld.idx.msk [tilespmem:v7+s31+$0x0], $0xffff;
	v5 =	vor.u32 $0x34, v4  }
0x269: {  	v9 =	vmul.f32 v47, v9;
	v50 =	vld.idx.msk [tilespmem:v3+s3+$0x0], $0xffff;
	v0 =	vadd.f32 v8, v0  }
0x26a: {  	v3 =	vld.idx.msk [tilespmem:v3+s31+$0x0], $0xffff;
	v8 =	vor.u32 $0x35, v4  }
0x26b: {  	v1 =	vmul.f32 v48, v1;
	v51 =	vld.idx.msk [tilespmem:v6+s3+$0x0], $0xffff;
	v0 =	vadd.f32 v9, v0  }
0x26c: {  	v52 =	vor.u32 $0x36, v4;
	v6 =	vld.idx.msk [tilespmem:v6+s31+$0x0], $0xffff  }
0x26d: {  	v7 =	vmul.f32 v49, v7;
	v53 =	vld.idx.msk [tilespmem:v5+s3+$0x0], $0xffff;
	v0 =	vadd.f32 v1, v0  }
0x26e: {  	v5 =	vld.idx.msk [tilespmem:v5+s31+$0x0], $0xffff;
	v1 =	vor.u32 $0x37, v4  }
0x26f: {  	v3 =	vmul.f32 v50, v3;
	v54 =	vld.idx.msk [tilespmem:v8+s3+$0x0], $0xffff;
	v0 =	vadd.f32 v7, v0  }
0x270: {  	v8 =	vld.idx.msk [tilespmem:v8+s31+$0x0], $0xffff;
	v7 =	vor.u32 $0x38, v4  }
0x271: {  	v55 =	vld.idx.msk [tilespmem:v52+s3+$0x0], $0xffff;
	v6 =	vmul.f32 v51, v6;
	v0 =	vadd.f32 v3, v0  }
0x272: {  	v9 =	vld.idx.msk [tilespmem:v52+s31+$0x0], $0xffff;
	v3 =	vor.u32 $0x39, v4  }
0x273: {  	v5 =	vmul.f32 v53, v5;
	v56 =	vld.idx.msk [tilespmem:v1+s3+$0x0], $0xffff;
	v0 =	vadd.f32 v6, v0  }
0x274: {  	v1 =	vld.idx.msk [tilespmem:v1+s31+$0x0], $0xffff;
	v6 =	vor.u32 $0x3A, v4  }
0x275: {  	v8 =	vmul.f32 v54, v8;
	v57 =	vld.idx.msk [tilespmem:v7+s3+$0x0], $0xffff;
	v0 =	vadd.f32 v5, v0  }
0x276: {  	v7 =	vld.idx.msk [tilespmem:v7+s31+$0x0], $0xffff;
	v5 =	vor.u32 $0x3B, v4  }
0x277: {  	v9 =	vmul.f32 v55, v9;
	v58 =	vld.idx.msk [tilespmem:v3+s3+$0x0], $0xffff;
	v0 =	vadd.f32 v8, v0  }
0x278: {  	v3 =	vld.idx.msk [tilespmem:v3+s31+$0x0], $0xffff;
	v8 =	vor.u32 $0x3C, v4  }
0x279: {  	v1 =	vmul.f32 v56, v1;
	v59 =	vld.idx.msk [tilespmem:v6+s3+$0x0], $0xffff;
	v0 =	vadd.f32 v9, v0  }
0x27a: {  	v60 =	vor.u32 $0x3D, v4;
	v6 =	vld.idx.msk [tilespmem:v6+s31+$0x0], $0xffff  }
0x27b: {  	v7 =	vmul.f32 v57, v7;
	v61 =	vld.idx.msk [tilespmem:v5+s3+$0x0], $0xffff;
	v0 =	vadd.f32 v1, v0  }
0x27c: {  	v5 =	vld.idx.msk [tilespmem:v5+s31+$0x0], $0xffff;
	v1 =	vor.u32 $0x3E, v4  }
0x27d: {  	v3 =	vmul.f32 v58, v3;
	v62 =	vld.idx.msk [tilespmem:v8+s3+$0x0], $0xffff;
	v0 =	vadd.f32 v7, v0  }
0x27e: {  	v4 =	vor.u32 $0x3F, v4;
	v7 =	vld.idx.msk [tilespmem:v8+s31+$0x0], $0xffff  }
0x27f: {  	v8 =	vld.idx.msk [tilespmem:v60+s3+$0x0], $0xffff;
	v6 =	vmul.f32 v59, v6;
	v0 =	vadd.f32 v3, v0  }
0x280: {  	v3 =	vld.idx.msk [tilespmem:v60+s31+$0x0], $0xffff  }
0x281: {  	v5 =	vmul.f32 v61, v5;
	v63 =	vld.idx.msk [tilespmem:v1+s3+$0x0], $0xffff;
	v0 =	vadd.f32 v6, v0  }
0x282: {  	v1 =	vld.idx.msk [tilespmem:v1+s31+$0x0], $0xffff  }
0x283: {  	v6 =	vld.idx.msk [tilespmem:v4+s3+$0x0], $0xffff;
	v7 =	vmul.f32 v62, v7;
	v0 =	vadd.f32 v5, v0  }
0x284: {  	v4 =	vld.idx.msk [tilespmem:v4+s31+$0x0], $0xffff  }
0x285: {  	v3 =	vmul.f32 v8, v3;
	v0 =	vadd.f32 v7, v0;
	_ =	sdelay $0x1  }
0x286: {  	v1 =	vmul.f32 v63, v1;
	v0 =	vadd.f32 v3, v0;
	_ =	sdelay $0x1  }
0x287: {  	v3 =	vmul.f32 v6, v4;
	v0 =	vadd.f32 v1, v0;
	_ =	sdelay $0x1  }
0x288: {  	v0 =	vadd.f32 v3, v0;
	_ =	sdelay $0x1  }
0x289: {  	v0 =	vmul.f32 $1.250000000e-01, v0;
	_ =	sdelay $0x1  }
0x28a: {  	v0 =	vmax.f32 v0, $0.0e+00  }
0x28b: {  	v0 =	vmul.f32 $1.442695020e+00, v0;
	_ =	sdelay $0x1  }
0x28c: {  	(erf) = vpow2.f32 v0;
	_ =	sdelay $0x4  }
0x28d: {  	v3 =	vld [tilespmem:$0x1FFF0];
	_ =	sdelay $0x3  }
0x28e: {  	s2 =	sadd.s32 $0x10, s9;
	v0 =	vpop (erf)  }
0x28f: {  	[tilespmem:s2+$0x0] =	vst v0;
	s2 =	simm.s32 $0x0  }
0x290: {  	v0 =	vld [tilespmem:s2+$0x5200]  }
0x291: {  	v1 =	vld [tilespmem:s2+$0x5210]  }
0x292: {  	v7 =	vld.idx.msk [tilespmem:v3+s6+$0x0], $0xffff  }
0x293: {  	v3 =	vld [tilespmem:s2+$0x5220]  }
0x294: {  	v4 =	vld [tilespmem:s2+$0x5230]  }
0x295: {  	v8 =	vld [tilespmem:s2+$0x5240];
	_ =	sdelay $0x2  }
0x296: {  	v0 =	vmul.f32 v0, v7  }
0x297: {  	s9 =	sadd.s32 $0x1, s21;
	v6 =	vmul.f32 v1, v7;
	v5 =	vmul.f32 v3, v7  }
0x298: {  	s18 =	simm.s32 $0x400;
	s17 =	simm.s32 $0x200;
	v4 =	vmul.f32 v4, v7;
	v3 =	vmov s9;
	v7 =	vmul.f32 v8, v7;
	[tilespmem:s2+$0x7200] =	vst v0  }
.LBB2_9:
0x299: {  	p1 =	sne.s32 s18, $0x7E00;
	[tilespmem:s2+$0x7210] =	vst v6  }
0x29a: {  	s21 =	sshra.s32 s17, $0x2;
	s17 =	smov.u32 s18;
	[tilespmem:s2+$0x7220] =	vst v5  }
0x29b: {  	v0 =	vld [tilespmem:s21+$0x5200];
	[tilespmem:s2+$0x7230] =	vst v4  }
0x29c: {  	v1 =	vld [tilespmem:s21+$0x5210];
	[tilespmem:s2+$0x7240] =	vst v7;
	s2 =	smov.u32 s21  }
0x29d: {  	v7 =	vld.idx.msk [tilespmem:v3+s6+$0x0], $0xffff  }
0x29e: {  	v3 =	vld [tilespmem:s2+$0x5220]  }
0x29f: {  	v4 =	vld [tilespmem:s2+$0x5230]  }
0x2a0: {  	v8 =	vld [tilespmem:s2+$0x5240]  }
.Ltmp7:
0x2a1: {  	(pc) =	sbr.rel @p1 .LBB2_9-.Ltmp7, $4  }
0x2a2: {  	_ = 	snop  }
0x2a3: {  	v0 =	vmul.f32 v0, v7;
	v6 =	vmul.f32 v1, v7  }
0x2a4: {  	s9 =	sadd.s32 $0x1, s9;
	v5 =	vmul.f32 v3, v7;
	v4 =	vmul.f32 v4, v7  }
0x2a5: {  	s18 =	sadd.s32 $0x200, s18;
	v3 =	vmov s9;
	[tilespmem:s2+$0x7200] =	vst v0;
	v7 =	vmul.f32 v8, v7  }
0x2a6: {  	[tilespmem:s2+$0x7210] =	vst v6  }
0x2a7: {  	s9 =	sshra.s32 s17, $0x2;
	[tilespmem:s2+$0x7220] =	vst v5  }
0x2a8: {  	v0 =	vld [tilespmem:s9+$0x5200];
	[tilespmem:s2+$0x7230] =	vst v4  }
0x2a9: {  	v1 =	vld [tilespmem:s9+$0x5210];
	[tilespmem:s2+$0x7240] =	vst v7  }
0x2aa: {  	v3 =	vld.idx.msk [tilespmem:v3+s6+$0x0], $0xffff;
	_ =	sdelay $0x1  }
0x2ab: {  	v4 =	vld [tilespmem:s9+$0x5220]  }
0x2ac: {  	v5 =	vld [tilespmem:s9+$0x5230]  }
0x2ad: {  	v6 =	vld [tilespmem:s9+$0x5240]  }
0x2ae: {  	v0 =	vmul.f32 v0, v3  }
0x2af: {  	v1 =	vmul.f32 v1, v3  }
0x2b0: {  	v4 =	vmul.f32 v4, v3;
	[tilespmem:s9+$0x7200] =	vst v0  }
0x2b1: {  	v0 =	vmul.f32 v5, v3;
	[tilespmem:s9+$0x7210] =	vst v1  }
0x2b2: {  	v1 =	vmul.f32 v6, v3;
	[tilespmem:s9+$0x7220] =	vst v4  }
0x2b3: {  	[tilespmem:s9+$0x7230] =	vst v0  }
.Ltmp8:
0x2b4: {  	s21 =	simm.s32 $0x40;
	[tilespmem:s9+$0x7240] =	vst v1;
	(pc) =	sbr.rel @p0 .LBB2_6-.Ltmp8, $4  }
0x2b5: {  	[spmem:s1] =	stream.indirect.scatter.add.f32 [tilespmem:s7], [sflag:$0x5], $0x50, s30, s21, $0xb8;
	[tilespmem:$0x17A00] =	vst v63  }
0x2b6: {  	_ =	swait.ge [sflag:s8], $0x1400  }
0x2b7: {  	[sflag:s8] =	ssyncset.done $0x0  }
0x2b8: {  	p1 =	por $0x0, $0x0;
	v0 =	vlaneseq.u32;
	[sflag:s8] =	ssyncadd.s32 $0xFFFFEC00  }
0x2b9: {  	s2 =	sshll.u32 s11, $0x7  }
0x2ba: {  	s2 =	sadd.s32 s0, s2  }
0x2bb: {  	s2 =	sshrl.u32 s2, $0x3  }
.Ltmp9:
0x2bc: {  	s9 =	simm.s32 $0x0;
	s2 =	sadd.s32 s19, s2;
	(pc) =	sbr.rel .LBB2_12-.Ltmp9, $4  }
0x2bd: {  	[hbm4b:s2+s9] =	stream.linear.scatter [tilespmem:s6], [sflag:$0x4], $0x80, $0x38;
	[tilespmem:$0x17A00] =	vst v63  }
0x2be: {  	_ =	swait.ge [sflag:s22], $0x80  }
0x2bf: {  	[sflag:s22] =	ssyncset.done $0x0  }
0x2c0: {  	v1 =	vimm.f32 $0.0e+00;
	[sflag:s22] =	ssyncadd.s32 $0xFFFFFF80  }
.LBB2_14:
0x2c1: {  	_ =	sfence.sel $0x180000  }
0x2c2: {  	[bflag:$0x0] =	sbarrier.arrive $0xFFFF  }
0x2c3: {  	_ =	strace $0x90000047  }
0x2c4: {  	s0 =	stileid.u32;
	[bflag:$0x2] =	sbarrier.arrive $0xFFFF  }
0x2c5: {  	p0 =	sne.s32 s0, $0x0;
	s0 =	rddreg [dreg:$0x2]  }
0x2c6: {  	s0 =	sadd.s32 @!p0 $0x100000, s0  }
0x2c7: {  	[sflag:s0] =	ssyncadd.tile.s32 @!p0 $0x1;
	_ =	shalt  }
.Lfunc_end2:
_tile_overlayer_lowered:
.L_overlay_start_2:
0x2c8: {  	(tag) =	ssettag $0x2  }
0x2c9: {  	s0 =	rddreg [dreg:$0x0];
	s2 =	stileid.u32  }
0x2ca: {  	s1 =	rddreg [dreg:$0x1];
	p0 =	sne.s32 s2, $0x0  }
0x2cb: {  	s3 =	rddreg [dreg:$0x2];
	[bflag:$0x3] =	sbarrier.arrive $0xFFFF;
	s2 =	simm.s32 @!p0 $0x1C04  }
0x2cc: {  	[timem:s3], [sflag:s2] =	dma.local @!p0 [hbm:s0], s1  }
0x2cd: {  	s0 =	simm.s32 @!p0 $0x4  }
0x2ce: {  	_ =	swait.ge @!p0 [sflag:s0], s1  }
0x2cf: {  	s1 =	ssub.s32 @!p0 $0x0, s1;
	[sflag:s0] =	ssyncset.done @!p0 $0x0  }
0x2d0: {  	[sflag:s0] =	ssyncadd.s32 @!p0 s1  }
0x2d1: {  	[bflag:$0x3] =	sbarrier.arrive $0xFFFF  }
0x2d2: {  	_ =	shalt  }

// kernel: scatter_offload_async_start.1
scs
__scs_entry_jumppad:
0x0: {  	(pc) =	sbr.rel $0x88, $3  }
0x1: {  	(tag) =	ssettag $0x0;
	lr =	simm.s32 $0x1  }
0x2: {  	[smem:$0x3F95] =	sst lr;
	_ =	strace $0xD0000000  }
0x3: {  	_ = 	snop  }
0x4: {  	_ = 	snop  }
0x5: {  	_ = 	snop  }
0x6: {  	_ = 	snop  }
0x7: {  	_ = 	snop  }
__scs_overlays_trampoline_lowered:
0x8: {  	[smem:$0x3FA4] =	sst s0  }
0x9: {  	[smem:$0x3FA5] =	sst s1  }
0xa: {  	[smem:$0x3FA6] =	sst s2  }
0xb: {  	[smem:$0x3FA7] =	sst s3  }
0xc: {  	[smem:$0x3FA8] =	sst s4  }
0xd: {  	[smem:$0x3FA9] =	sst s5  }
0xe: {  	[smem:$0x3FAA] =	sst s6  }
0xf: {  	[smem:$0x3FAB] =	sst s7  }
0x10: {  	[smem:$0x3FAC] =	sst s8  }
0x11: {  	[smem:$0x3FAD] =	sst s9;
	s0 =	simm.s32 @!p0 $0x0  }
0x12: {  	s1 =	sld [smem:$0x3F93];
	s0 =	simm.s32 @p0 $0x1  }
0x13: {  	[smem:$0x3FAE] =	sst s0;
	s0 =	simm.s32 @!p1 $0x0  }
0x14: {  	s2 =	sld [smem:$0x3F92];
	s0 =	simm.s32 @p1 $0x1  }
0x15: {  	[smem:$0x3FAF] =	sst s0;
	s0 =	simm.s32 @!p2 $0x0  }
0x16: {  	s3 =	sld [smem:$0x3FDB];
	s0 =	simm.s32 @p2 $0x1  }
0x17: {  	s4 =	simm.s32 $0x1BF5;
	[smem:$0x3FB1] =	sst s0  }
0x18: {  	s0 =	sld [smem:$0x3F94];
	_ =	swait.ge [sflag:s4], $0x0  }
0x19: {  	s7 =	sld [smem:$0x3F95]  }
0x1a: {  	s8 =	sadd.s32 $0xFFFFE003, lr  }
0x1b: {  	s9 =	sadd.s32 $0xFFFFFEF7, lr;
	s5 =	simm.s32 $0xFFFFFFFF;
	p2 =	slt.u32 s8, $0xFFFFF086  }
0x1c: {  	p1 =	slt.u32 s9, $0xF7A;
	s5 =	simm.s32 @!p2 $0x0  }
0x1d: {  	s5 =	simm.s32 @p1 $0x1;
	p0 =	seq.s32 s7, s2  }
0x1e: {  	s7 =	smul.u32 @!p0 $0xF7A, s2;
	p2 =	seq.s32 @!p0 s5, $0x0  }
0x1f: {  	s9 =	smul.u32 $0xF7A, s1;
	s8 =	simm.s32 @!p0 $0x1BF5;
	p2 =	por !p2, p0  }
0x20: {  	[sflag:s8] =	ssyncset.s32 @!p0 $0xFFFFF086;
	s6 =	sadd.s32 @!p0 s3, s7;
	s7 =	simm.s32 @!p0 $0x108  }
0x21: {  	s3 =	sadd.s32 s3, s9;
	s6 =	sadd.s32 @!p0 $0x88, s6;
	s7 =	simm.s32 @p2 $0x1082  }
0x22: {  	[simem:s7], [sflag:s8] =	dma.local @!p0 [hbm:s6], $0xF7A  }
0x23: {  	s9 =	sor.u32 $0xD0000000, s2;
	s6 =	simm.s32 $0x108;
	_ =	swait.ge @!p0 [sflag:s8], $0x0  }
0x24: {  	s3 =	sadd.s32 $0x88, s3;
	s6 =	simm.s32 @!p1 $0x1082;
	[sflag:s4] =	ssyncset.s32 $0xFFFFF086  }
0x25: {  	[simem:s6], [sflag:s4] =	dma.local [hbm:s3], $0xF7A  }
0x26: {  	[smem:$0x3F95] =	sst s1;
	(tag) =	ssettag s2;
	_ =	strace s9  }
0x27: {  	s1 =	sld [smem:$0x3FA5]  }
0x28: {  	s2 =	sld [smem:$0x3FA6]  }
0x29: {  	s4 =	sld [smem:$0x3FA8]  }
0x2a: {  	p0 =	seq.s32 s5, $0x0;
	s5 =	sld [smem:$0x3FA9]  }
0x2b: {  	s6 =	sld [smem:$0x3FAA]  }
0x2c: {  	s7 =	sld [smem:$0x3FAB]  }
0x2d: {  	s3 =	simm.s32 $0x108;
	s8 =	sld [smem:$0x3FAC]  }
0x2e: {  	s3 =	simm.s32 @!p0 $0x1082;
	s9 =	sld [smem:$0x3FAD]  }
0x2f: {  	lr =	sadd.s32 s0, s3;
	s0 =	sld [smem:$0x3FA4]  }
0x30: {  	s3 =	sld [smem:$0x3FA7]  }
0x31: {  	[smem:$0x3FB0] =	sst s10  }
0x32: {  	s10 =	sld [smem:$0x3FAE];
	_ =	sdelay $0x3  }
0x33: {  	p0 =	seq.s32 s10, $0x1;
	s10 =	sld [smem:$0x3FB0];
	_ =	sdelay $0x3  }
0x34: {  	[smem:$0x3FB0] =	sst s10  }
0x35: {  	s10 =	sld [smem:$0x3FAF];
	_ =	sdelay $0x3  }
0x36: {  	p1 =	seq.s32 s10, $0x1;
	s10 =	sld [smem:$0x3FB0];
	_ =	sdelay $0x3  }
0x37: {  	[smem:$0x3FB0] =	sst s10  }
0x38: {  	s10 =	sld [smem:$0x3FB1]  }
0x39: {  	_ = 	snop;
	(pc) =	sbr.ind lr, $3  }
0x3a: {  	_ = 	snop  }
0x3b: {  	_ = 	snop  }
0x3c: {  	p2 =	seq.s32 s10, $0x1;
	s10 =	sld [smem:$0x3FB0]  }
0x3d: {  	_ =	shalt  }
0x3e: {  	_ =	shalt  }
0x3f: {  	_ =	shalt  }
0x40: {  	_ =	shalt  }
0x41: {  	_ =	shalt  }
0x42: {  	_ =	shalt  }
0x43: {  	_ =	shalt  }
0x44: {  	_ =	shalt  }
0x45: {  	_ =	shalt  }
0x46: {  	_ =	shalt  }
0x47: {  	_ =	shalt  }
0x48: {  	_ =	shalt  }
0x49: {  	_ =	shalt  }
0x4a: {  	_ =	shalt  }
0x4b: {  	_ =	shalt  }
0x4c: {  	_ =	shalt  }
0x4d: {  	_ =	shalt  }
0x4e: {  	_ =	shalt  }
0x4f: {  	_ =	shalt  }
0x50: {  	_ =	shalt  }
0x51: {  	_ =	shalt  }
0x52: {  	_ =	shalt  }
0x53: {  	_ =	shalt  }
0x54: {  	_ =	shalt  }
0x55: {  	_ =	shalt  }
0x56: {  	_ =	shalt  }
0x57: {  	_ =	shalt  }
0x58: {  	_ =	shalt  }
0x59: {  	_ =	shalt  }
0x5a: {  	_ =	shalt  }
0x5b: {  	_ =	shalt  }
0x5c: {  	_ =	shalt  }
0x5d: {  	_ =	shalt  }
0x5e: {  	_ =	shalt  }
0x5f: {  	_ =	shalt  }
0x60: {  	_ =	shalt  }
0x61: {  	_ =	shalt  }
0x62: {  	_ =	shalt  }
0x63: {  	_ =	shalt  }
0x64: {  	_ =	shalt  }
0x65: {  	_ =	shalt  }
0x66: {  	_ =	shalt  }
0x67: {  	_ =	shalt  }
0x68: {  	_ =	shalt  }
0x69: {  	_ =	shalt  }
0x6a: {  	_ =	shalt  }
0x6b: {  	_ =	shalt  }
0x6c: {  	_ =	shalt  }
0x6d: {  	_ =	shalt  }
0x6e: {  	_ =	shalt  }
0x6f: {  	_ =	shalt  }
0x70: {  	_ =	shalt  }
0x71: {  	_ =	shalt  }
0x72: {  	_ =	shalt  }
0x73: {  	_ =	shalt  }
0x74: {  	_ =	shalt  }
0x75: {  	_ =	shalt  }
0x76: {  	_ =	shalt  }
0x77: {  	_ =	shalt  }
0x78: {  	_ =	shalt  }
0x79: {  	_ =	shalt  }
0x7a: {  	_ =	shalt  }
0x7b: {  	_ =	shalt  }
0x7c: {  	_ =	shalt  }
0x7d: {  	_ =	shalt  }
0x7e: {  	_ =	shalt  }
0x7f: {  	_ =	shalt  }
0x80: {  	_ =	shalt  }
0x81: {  	_ =	shalt  }
0x82: {  	_ =	shalt  }
0x83: {  	_ =	shalt  }
0x84: {  	_ =	shalt  }
0x85: {  	_ =	shalt  }
0x86: {  	_ =	shalt  }
0x87: {  	_ =	shalt  }
.Lfunc_end0:
.L_simem_size_0:
called_computation.1_lowered:
.L_overlay_start_0:
0x88: {  	s0 =	sld [smem:$0x3FD9]  }
0x89: {  	s1 =	sld [smem:$0x3FFE];
	_ =	sdelay $0x3  }
0x8a: {  	s0 =	sadd.s32 s1, s0  }
0x8b: {  	[smem:$0x3FBC] =	sst s0  }
0x8c: {  	_ = 	snop  }
0x8d: {  	(tm) =	ssettm $0x1  }
0x8e: {  	s15 =	sld [smem:$0x3FFB];
	_ =	sdelay $0x3  }
0x8f: {  	_ =	strace s15  }
0x90: {  	s0 =	sld [smem:$0x3FFC];
	_ =	sdelay $0x3  }
0x91: {  	_ =	strace s0  }
0x92: {  	s0 =	sld [smem:$0x3FFD];
	_ =	sdelay $0x3  }
0x93: {  	_ =	strace s0  }
0x94: {  	_ =	strace $0x8FFFFFFF  }
0x95: {  	s16 =	sld [smem:$0x3FDB];
	_ =	sdelay $0x1  }
0x96: {  	s17 =	simm.s32 $_scs_section_size  }
0x97: {  	s2 =	simm.s32 $_size__tile_overlayer_lowered;
	s3 =	simm.s32 $_tile_overlayer_lowered  }
0x98: {  	s20 =	simm.s32 $0x1BFF;
	s19 =	sshll.u32 s3, $0x1;
	s0 =	sadd.s32 s17, s16  }
0x99: {  	s4 =	simm.s32 $0x0;
	s18 =	sshll.u32 s2, $0x1;
	s2 =	sadd.s32 s19, s0  }
0x9a: {  	[timem:s4], [sflag:s20] =	dma.local [hbm:s2], s18  }
0x9b: {  	_ =	swait.ge [sflag:s20], s18  }
0x9c: {  	s1 =	ssub.s32 $0x0, s18;
	[sflag:s20] =	ssyncset.done $0x0  }
0x9d: {  	[sflag:s20] =	ssyncadd.s32 s1;
	_ =	sdelay $0x1  }
0x9e: {  	s21 =	simm.s32 $0x1B8B  }
0x9f: {  	_ =	swait.ge [sflag:s21], $0x1  }
0xa0: {  	[sflag:s21] =	ssyncset.done $0x0  }
0xa1: {  	s23 =	simm.s32 $0x1B8E;
	s22 =	sld [smem:$0x3FFE];
	[sflag:s21] =	ssyncadd.s32 $0xFFFFFFFF  }
0xa2: {  	s24 =	simm.s32 $execute0_lowered;
	[smem:$0x3FD2] =	sst s23  }
0xa3: {  	s2 =	sshll.u32 s24, $0x1;
	_ =	strace $0x80000052;
	[dreg:$0x1] =	wrdreg $0xFFFFFFFF  }
0xa4: {  	s25 =	simm.s32 $_size_execute0_lowered;
	s0 =	sadd.s32 s0, s2;
	[dreg:$0x0] =	wrdreg $0x0  }
0xa5: {  	s2 =	sshll.u32 s25, $0x1;
	[dreg:$0x2] =	wrdreg s0  }
0xa6: {  	[dreg:$0x3] =	wrdreg s2  }
0xa7: {  	[dreg:$0x4] =	wrdreg $0xC0  }
0xa8: {  	_ =	task [dreg:s4], $0x5FFFF  }
0xa9: {  	[dreg:$0x1] =	wrdreg $0xFFFFFFFF  }
0xaa: {  	[dreg:$0x0] =	wrdreg $0x60  }
0xab: {  	[dreg:$0x2] =	wrdreg s22  }
0xac: {  	[dreg:$0x3] =	wrdreg $0x9  }
0xad: {  	_ =	task.clear_ibuf [dreg:s4], $0x4FFFF;
	_ =	strace $0x90000052  }
0xae: {  	s26 =	simm.s32 $0x9;
	_ =	strace $0x80000054  }
0xaf: {  	_ =	swait.ge [sflag:s26], $0x1  }
0xb0: {  	[sflag:s26] =	ssyncadd.s32 $0xFFFFFFFF  }
0xb1: {  	_ =	strace $0x90000054  }
0xb2: {  	_ =	sfence  }
0xb3: {  	s28 =	sld [smem:$0x0];
	_ =	sdelay $0x1  }
0xb4: {  	s29 =	srdreg.scid  }
0xb5: {  	s30 =	sshll.u32 s29, $0xD;
	s31 =	sshrl.u32 s29, $0x2  }
0xb6: {  	s1 =	sand.u32 $0x1, s29;
	s2 =	sand.u32 $0x4000, s30;
	s0 =	sadd.s32 s31, s28  }
0xb7: {  	s1 =	sor.u32 s2, s1;
	s0 =	sshll.u32 s0, $0x11  }
0xb8: {  	s0 =	sor.u32 s0, s1  }
0xb9: {  	s0 =	sadd.s32 $0x8F2B, s0  }
0xba: {  	[sflag:s0] =	ssyncadd.remote.s32 $0x1  }
0xbb: {  	_ =	sfence.sel $0xFFFF  }
0xbc: {  	[dreg:$0x0] =	wrdreg $0xFFFFFFFF;
	(pc) =	sbr.abs _section_cstart, $3  }
0xbd: {  	[dreg:$0x1] =	wrdreg $0xFFFFFFFF  }
0xbe: {  	_ =	task.clear_ibuf [dreg:s4], $0x2FFFF;
	_ =	strace $0x9FFFFFFF  }
0xbf: {  	(tm) =	ssettm $0x7FFFFFFF  }
tec
execute0_lowered:
.L_overlay_start_1:
0x0: {  	(tag) =	ssettag $0x1  }
0x1: {  	s0 =	rddreg [dreg:$0x0];
	_ =	strace $0x80000053;
	s15 =	stileid.u32  }
0x2: {  	s2 =	simm.s32 $0x1;
	s1 =	smin.u32 s15, $0x8;
	s3 =	sshll.u32 s15, $0x1  }
0x3: {  	v1 =	vimm.s32 $0xFFFFFFFF;
	[sflag:s2] =	ssyncpa.u1 $0x0;
	s1 =	sadd.s32 s1, s3  }
0x4: {  	p0 =	slt.u32 s15, $0x8;
	[tilespmem:$0x10] =	vst v1;
	s4 =	smul.u32 $0x1F40, s1;
	s1 =	simm.s32 $0x5DC0  }
0x5: {  	v0 =	vimm.f32 $0.0e+00;
	[tilespmem:$0x20] =	vst v1;
	s1 =	simm.s32 @!p0 $0x3E80  }
0x6: {  	[tilespmem:$0x30] =	vst v0;
	s1 =	sadd.s32 s1, s4  }
0x7: {  	[tilespmem:$0x40] =	vst v0;
	s5 =	smin.u32 s1, $0x4E200  }
0x8: {  	s7 =	simm.s32 $0x2;
	s8 =	simm.s32 $0x8;
	[tilespmem:$0x50] =	vst v0;
	s9 =	ssub.s32 s5, s4  }
0x9: {  	s31 =	simm.s32 $0x9;
	s16 =	simm.s32 $0x0;
	[tilespmem:$0x60] =	vst v1;
	p0 =	sgt.s32 s9, $0x0  }
0xa: {  	s17 =	simm.s32 $0xF0;
	s18 =	simm.s32 $0xFFFFFFFF;
	[tilespmem:$0x70] =	vst v1;
	s9 =	simm.s32 @!p0 $0x0  }
0xb: {  	s19 =	simm.s32 $0xFFFFC280;
	s20 =	simm.s32 $0xFFFFFFFE;
	[tilespmem:$0x80] =	vst v1;
	s30 =	smulhi.u32 $0x10624DD3, s9  }
0xc: {  	s21 =	simm.s32 $0xF;
	s25 =	simm.s32 $0x0;
	s24 =	simm.s32 $0x0;
	v1 =	vimm.s32 $0x0;
	[tilespmem:$0xB0] =	vst v0  }
0xd: {  	s6 =	sadd.s32 $0x2200, s0;
	s15 =	sshllo.u32 s15, $0x1;
	[tilespmem:$0x90] =	vst v1;
	s10 =	sshrl.u32 s30, $0x9  }
0xe: {  	[tilespmem:$0xA0] =	vst v1;
	[sflag:s7] =	ssyncpa.u1 $0x0;
	s7 =	simm.s32 $0x7;
	s11 =	smul.u32 $0x1F40, s10  }
.Ltmp0:
0xf: {  	s13 =	sor.u32 $0x80, s3;
	[sflag:s7] =	ssyncpa.u1 $0x0;
	(pc) =	sbr.rel .LBB2_1-.Ltmp0, $4  }
0x10: {  	s14 =	sor.u32 $0x81, s3;
	[sflag:s8] =	ssyncpa.u1 $0x0;
	p0 =	sne.s32 s9, s11  }
0x11: {  	s23 =	smov.u32 s4;
	s1 =	sadd.s32 $0x5AA00, s0;
	s2 =	simm.s32 @!p0 $0x0  }
0x12: {  	vm0 =	vmmov $0xffff;
	v2 =	vlaneseq.u32;
	[sflag:s31] =	ssyncpa.u1 $0x0;
	s9 =	sadd.s32 $0xC000, s0;
	s10 =	sadd.s32 s2, s10  }
0x13: {  	vm1 =	vmxor vm1, vm1;
	vm2 =	vmmov $0x1;
	vm3 =	vcmask $0x3F3C;
	p0 =	por $0x0, $0x0;
	s11 =	sadd.s32 $0x1, s10;
	s12 =	sadd.s32 $0x2, s10  }
.LBB2_9:
0x14: {  	p1 =	slt.u32 s24, $0x3  }
0x15: {  	s0 =	simm.s32 @!p1 $0x2  }
0x16: {  	_ =	swait.ge @!p1 [sflag:s0], $0x1F40  }
0x17: {  	[sflag:s0] =	ssyncset.done @!p1 $0x0  }
0x18: {  	[sflag:s0] =	ssyncadd.s32 @!p1 $0xFFFFE0C0;
	s0 =	simm.s32 @!p1 $0x9  }
0x19: {  	_ =	swait.ge @!p1 [sflag:s0], $0x10  }
0x1a: {  	[sflag:s0] =	ssyncset.done @!p1 $0x0  }
0x1b: {  	[sflag:s0] =	ssyncadd.s32 @!p1 $0xFFFFFFF0;
	p1 =	sne.s32 s24, s12  }
.Ltmp1:
0x1c: {  	s2 =	sadd.s32 $0x1F40, s23;
	(pc) =	sbr.rel @!p1 .LBB2_10-.Ltmp1, $4  }
0x1d: {  	s22 =	smov.u32 s4;
	s31 =	sadd.s32 $0x1, s24;
	s17 =	sadd.s32 $0x1F40, s17  }
0x1e: {  	s18 =	sadd.s32 $0x1, s18;
	s25 =	smov.u32 s23;
	p2 =	slt.s32 s2, s5  }
0x1f: {  	p0 =	por !p0, !p0;
	s19 =	sadd.s32 $0x1F40, s19;
	s22 =	smov.u32 @p2 s2  }
0x20: {  	s20 =	sadd.s32 $0x1, s20;
	s23 =	smov.u32 s22;
	s24 =	smov.u32 s31  }
.LBB2_1:
0x21: {  	p1 =	sge.u32 s24, s10  }
0x22: {  	s0 =	smulhi.u32 @!p1 $0xAAAAAAAB, s24;
	_ =	sdelay $0x1  }
0x23: {  	s0 =	sshrl.u32 @!p1 s0, $0x1  }
0x24: {  	s0 =	smul.u32 @!p1 $0x3, s0;
	_ =	sdelay $0x1  }
0x25: {  	s0 =	ssub.s32 @!p1 s24, s0  }
0x26: {  	s0 =	smul.u32 @!p1 $0x7D00, s0;
	_ =	sdelay $0x1  }
0x27: {  	s2 =	sshrl.u32 @!p1 s23, $0x3;
	s0 =	sshrl.u32 @!p1 s0, $0x2  }
0x28: {  	s22 =	sand.u32 @!p1 $0x7, s23;
	s2 =	sadd.s32 @!p1 s6, s2;
	s0 =	sadd.s32 @!p1 $0x100, s0  }
0x29: {  	[tilespmem:s0], [sflag:$0x7] =	stream.linear.gather @!p1 [hbm4b:s2+s22], $0x1F40, $0x38;
	[tilespmem:$0x11A60] =	vst v63  }
0x2a: {  	s0 =	sadd.s32 $0xFFFFFFFF, s24  }
0x2b: {  	p1 =	sge.u32 s0, s10  }
.Ltmp2:
0x2c: {  	_ = 	snop;
	(pc) =	sbr.rel @p1 .LBB2_5-.Ltmp2, $1  }
0x2d: {  	_ =	sdelay $0x3  }
0x2e: {  	s2 =	smulhi.u32 $0xAAAAAAAB, s0;
	_ =	sdelay $0x1  }
0x2f: {  	s2 =	sshrl.u32 s2, $0x1  }
0x30: {  	s2 =	smul.u32 $0x3, s2;
	_ =	sdelay $0x1  }
0x31: {  	s2 =	ssub.s32 s0, s2  }
0x32: {  	s2 =	smul.u32 $0x7D00, s2  }
0x33: {  	_ =	swait.ge [sflag:s7], $0x1F40  }
0x34: {  	[sflag:s7] =	ssyncset.done $0x0;
	s2 =	sshrl.u32 s2, $0x2  }
0x35: {  	[sflag:s7] =	ssyncadd.s32 $0xFFFFE0C0;
	(ifvalue) =	ssetifvalue $0xFFFFFFFF;
	v3 =	vld.msk [tilespmem:s2+$0x100 ss:$0x1], $0xffff;
	_ =	sdelay $0x2  }
0x36: {  	s30 =	smulhi.u32 $0xAAAAAAAB, s18;
	p1 =	sne.s32 s24, $0x1  }
0x37: {  	v4 =	vimm.s32 @!p1 $0x0  }
0x38: {  	s2 =	sshrl.u32 s30, $0x1;
	v4 =	vperm.xlane @!p1 v3, v4  }
0x39: {  	s22 =	sshll.u32 s24, $0x4;
	s2 =	smul.u32 $0xFFFE8900, s2;
	vm4 =	vlt.u32 v3, $0x2800  }
0x3a: {  	s22 =	sand.u32 $0x10, s22;
	v3 =	vnsel vm4, $0xFFFFFFFE, v3;
	vm4 =	vlt.u32 @!p1 v4, $0x2800  }
0x3b: {  	s2 =	sshra.s32 s2, $0x2;
	[tilespmem:s22+$0x60] =	vst v3;
	v3 =	vnsel @!p1 vm4, $0xFFFFFFFE, v4  }
0x3c: {  	s28 =	sadd.s32 s2, s17;
	[tilespmem:$0x80] =	vst @!p1 v3  }
0x3d: {  	v3 =	vld.msk [tilespmem:s28+$0x0 ss:$0x1], $0xffff;
	_ =	sdelay $0x4  }
0x3e: {  	(xrf1) =	vunique.msk.u32 $0xffff, v3;
	_ =	sdelay $0xd  }
0x3f: {  	v4 =	vimm.s32 $0xFFFFFFFF;
	v5, _, _ =	vpop (xrf1)  }
0x40: {  	vm5 =	vne.s32 v3, v4;
	vm4 =	veq.s32 v5, v2  }
0x41: {  	vm6 =	vlt.u32 v3, $0x2800;
	vm4 =	vmand vm5, vm4  }
0x42: {  	vm4 =	vmand vm6, vm4  }
0x43: {  	v4 =	vnsel vm4, $0xFFFFFFFF, v3  }
0x44: {  	s31 =	sand.u32 $0x1, s0  }
0x45: {  	s0 =	simm.s32 $0x1F40;
	p1 =	seq.s32 s31, $0x1  }
0x46: {  	s0 =	simm.s32 @!p1 $0x0  }
0x47: {  	s26 =	sadd.s32 $0x7DF0, s0;
	(ifvalue) =	ssetifvalue $0xFFFFFFFF  }
0x48: {  	v3 =	vperm.xlane v3, v1;
	[tilespmem:s26], [sflag:$0x8] =	stream.indirect_vreg.gather [hbm4b:s1+s16], $0x1, v4, vm0, $0x4038;
	v4 =	vnsel vm6, $0xFFFFFFFE, v4;
	[tilespmem:$0x11A60] =	vst v63  }
0x49: {  	s2 =	simm.s32 $0x0;
	s22 =	sadd.s32 $0xFFFFFFF0, s28;
	[tilespmem:s28+$0x0] =	vst v4  }
.LBB2_3:
0x4a: {  	v4 =	vld.msk [tilespmem:s22+$0x0 ss:$0x1], $0xffff;
	s2 =	sadd.s32 $0x10, s2;
	v5 =	vmov v3;
	s28 =	smov.u32 s22  }
0x4b: {  	p1 =	slt.u32 s2, $0x1F30;
	_ =	sdelay $0x4  }
0x4c: {  	v3 =	vperm.xlane v4, v1;
	(xrf1) =	vunique.msk.u32 $0xffff, v4;
	_ =	sdelay $0xd  }
0x4d: {  	v6, _, _ =	vpop (xrf1)  }
0x4e: {  	vm5 =	vne.s32 v4, v5;
	vm4 =	veq.s32 v6, v2  }
0x4f: {  	vm6 =	vlt.u32 v4, $0x2800;
	vm4 =	vmand vm5, vm4  }
0x50: {  	vm4 =	vmand vm6, vm4  }
0x51: {  	v4 =	vnsel vm4, $0xFFFFFFFF, v4  }
.Ltmp3:
0x52: {  	v5 =	vnsel vm6, $0xFFFFFFFE, v4;
	(pc) =	sbr.rel @p1 .LBB2_3-.Ltmp3, $3  }
0x53: {  	_ =	sdelay $0x1  }
0x54: {  	s22 =	sadd.s32 $0xFFFFFFF0, s22;
	s26 =	sadd.s32 $0xFFFFFFF0, s26;
	(ifvalue) =	ssetifvalue $0xFFFFFFFF  }
0x55: {  	[tilespmem:s26], [sflag:$0x8] =	stream.indirect_vreg.gather [hbm4b:s1+s16], $0x1, v4, vm0, $0x4038;
	[tilespmem:s28+$0x0] =	vst v5  }
0x56: {  	s2 =	sshrl.u32 s25, $0x3  }
0x57: {  	s0 =	sadd.s32 $0x9D40, s0;
	s2 =	sadd.s32 s9, s2  }
0x58: {  	[tilespmem:s0], [sflag:$0x8] =	stream.linear.gather [hbm:s2], $0x1F40, $0x38;
	[tilespmem:$0x11A60] =	vst v63  }
.LBB2_5:
0x59: {  	p1 =	slt.u32 s24, $0x2  }
0x5a: {  	p2 =	sge.u32 @!p1 s24, s12  }
0x5b: {  	p1 =	por p1, p2  }
.Ltmp4:
0x5c: {  	_ = 	snop;
	(pc) =	sbr.rel @p1 .LBB2_9-.Ltmp4, $1  }
0x5d: {  	_ =	sdelay $0x3  }
0x5e: {  	s0 =	sadd.s32 $0xFFFFFFFE, s24  }
0x5f: {  	s2 =	smulhi.u32 $0xAAAAAAAB, s0;
	_ =	sdelay $0x1  }
0x60: {  	s2 =	sshrl.u32 s2, $0x1  }
0x61: {  	s2 =	smul.u32 $0x3, s2;
	_ =	sdelay $0x1  }
0x62: {  	s0 =	ssub.s32 s0, s2  }
0x63: {  	_ =	swait.ge [sflag:s8], $0x3E80;
	s0 =	smul.u32 $0x1F40, s0  }
0x64: {  	p1 =	sne.s32 s24, s11;
	[sflag:s8] =	ssyncset.done $0x0  }
0x65: {  	[sflag:s8] =	ssyncadd.s32 $0xFFFFC180;
	s2 =	sadd.s32 @!p1 $0x203F, s0  }
0x66: {  	[spmem:s14] =	stream.linear.scatter @!p1 [tilespmem:s2], [sflag:$0x1], $0x1, $0x38;
	[tilespmem:$0x11A60] =	vst v63  }
0x67: {  	s2 =	simm.s32 @!p1 $0x1  }
0x68: {  	_ =	swait.ge @!p1 [sflag:s2], $0x1  }
0x69: {  	s22 =	sshll.u32 s24, $0x4;
	[sflag:s2] =	ssyncset.done @!p1 $0x0  }
0x6a: {  	s25 =	sand.u32 $0x10, s22;
	[sflag:s2] =	ssyncadd.s32 @!p1 $0xFFFFFFFF  }
0x6b: {  	s2 =	sxor.u32 $0x10, s25;
	v4 =	vld [tilespmem:s25+$0x10]  }
0x6c: {  	v5 =	vld [tilespmem:s2+$0x60]  }
0x6d: {  	v3 =	vld [tilespmem:$0x80];
	_ =	sdelay $0x2  }
0x6e: {  	(v2sf) =	vpush v4, $0x0  }
0x6f: {  	(v2sf) =	vpush v5, $0x0  }
0x70: {  	(v2sf) =	vpush v3, $0x0;
	_ =	sdelay $0xc  }
0x71: {  	s22 =	spop (v2sf)  }
0x72: {  	s26 =	spop (v2sf)  }
0x73: {  	s28 =	spop (v2sf)  }
0x74: {  	p2 =	seq.s32 s22, s26;
	p3 =	seq.s32 s28, s22  }
0x75: {  	p3 =	por p2, p3  }
0x76: {  	s26 =	sand.u32 $0x1, s24;
	v4 =	vpsel p3, $0xFFFFFFFF, v4  }
0x77: {  	s29 =	smul.u32 $0x1F40, s26;
	[tilespmem:s25+$0x10] =	vst.msk $0x1, v4  }
0x78: {  	v4 =	vld [tilespmem:$0x30]  }
0x79: {  	v5 =	vld [tilespmem:s29+$0x9D40]  }
0x7a: {  	v6 =	vld [tilespmem:s25+$0x40];
	_ =	sdelay $0x3  }
0x7b: {  	vm4 =	vmmov vm1;
	v5 =	vadd.f32 v5, v4  }
0x7c: {  	vm5 =	vmmov vm2;
	vm4 =	vmmov @p2 vm2;
	s22 =	sshll.u32 s26, $0x4;
	v4 =	vadd.f32 v6, v4  }
0x7d: {  	s26 =	sor.u32 $0x11A40, s22;
	vm5 =	vmmov @p3 vm1;
	[tilespmem:s29+$0x9D40] =	vst.msk vm4, v5  }
0x7e: {  	[tilespmem:s26+$0x0] =	vst.msk vm5, v4  }
0x7f: {  	v4 =	vld [tilespmem:s29+$0x7DF0];
	_ =	sdelay $0x3  }
0x80: {  	v5 =	vimm.f32 $0.0e+00  }
0x81: {  	v4 =	vshift.insert v4, v5, s21  }
0x82: {  	s22 =	sor.u32 $0x40, s2  }
0x83: {  	[tilespmem:s22+$0x0] =	vst.msk $0x1, v4  }
0x84: {  	[tilespmem:s29+$0x7DFF] =	vst.msk $0x1, v5  }
0x85: {  	v4 =	vld [tilespmem:s0+$0x2030];
	_ =	sdelay $0x1  }
0x86: {  	s22 =	smulhi.u32 $0xAAAAAAAB, s20;
	s0 =	simm.s32 $0x1  }
0x87: {  	s0 =	simm.s32 @!p0 $0x0  }
0x88: {  	s22 =	sshrl.u32 s22, $0x1;
	s0 =	smul.u32 $0x7D00, s0  }
0x89: {  	s22 =	smul.u32 $0xFFFE8900, s22;
	v4 =	vshift.insert v4, v1, s21  }
0x8a: {  	s0 =	sshrl.u32 s0, $0x2  }
0x8b: {  	s22 =	sshra.s32 s22, $0x2;
	s30 =	sadd.s32 $0x9D40, s0;
	[tilespmem:s2+$0x10] =	vst.msk $0x1, v4  }
0x8c: {  	s22 =	sadd.s32 s22, s19;
	v6 =	vld [tilespmem:s30+$0x0]  }
0x8d: {  	v7 =	vld [tilespmem:s22+$0x0];
	_ =	sdelay $0x3  }
0x8e: {  	v5 =	vadd.f32 v6, v5  }
0x8f: {  	vm4 =	vne.s32 v7, $0xFFFFFFFF  }
0x90: {  	(xrf2) =	vadd.seg.scan.f32 vm4, v5;
	_ =	sdelay $0x3  }
0x91: {  	s31 =	sadd.s32 $0x5EC0, s0;
	v5 =	vperm.xlane v4, v1  }
0x92: {  	v6 =	vld [tilespmem:s31+$0x0]  }
0x93: {  	vm5 =	veq.s32 v7, v3;
	vm6 =	veq.s32 v7, v5  }
0x94: {  	vm7 =	vgt.u32 v7, $0xFFFFFFFD;
	vm6 =	vmor vm6, vm5  }
0x95: {  	vm6 =	vmor vm6, vm7  }
0x96: {  	v9 =	vld [tilespmem:$0xA0];
	v7 =	vsel vm6, $0xFFFFFFFF, v7  }
0x97: {  	v10 =	vld [tilespmem:$0x90];
	v6 =	vsel vm5, $0x0, v6;
	v8, _, _ =	vpop (xrf2)  }
0x98: {  	v6 =	vadd.f32 v8, v6  }
0x99: {  	s0 =	sadd.s32 $0xDBC0, s0  }
0x9a: {  	vm4 =	vmand vm4, vm3;
	[tilespmem:s0+$0x0] =	vst v6;
	(ifvalue) =	ssetifvalue $0xFFFFFFFF  }
0x9b: {  	vm6 =	veq.s32 v9, $0x1;
	[hbm4b:s1+s16] =	stream.indirect_vreg.scatter [tilespmem:s0], [sflag:$0x2], $0x1, v7, vm0, $0x4038;
	v7 =	vsel vm4, $0x0, v8;
	[tilespmem:$0x11A60] =	vst v63  }
0x9c: {  	s2 =	simm.s32 $0x0;
	s22 =	sadd.s32 $0x10, s22;
	vm4 =	vmor vm6, vm5;
	v6 =	vsel vm5, v8, v10;
	v7 =	vshift.insert v7, v0, s21  }
.LBB2_7:
0x9d: {  	v8 =	vld [tilespmem:s22+$0x0];
	s30 =	sadd.s32 $0x10, s30  }
0x9e: {  	s31 =	sadd.s32 $0x10, s31;
	v9 =	vld [tilespmem:s30+$0x0]  }
0x9f: {  	s2 =	sadd.s32 $0x10, s2;
	v10 =	vld [tilespmem:s31+$0x0]  }
0xa0: {  	p2 =	slt.u32 s2, $0x1F30;
	_ =	sdelay $0x2  }
0xa1: {  	v7 =	vadd.f32 v9, v7  }
0xa2: {  	vm5 =	vne.s32 v8, $0xFFFFFFFF  }
0xa3: {  	vm6 =	vmand vm5, vm3;
	(xrf2) =	vadd.seg.scan.f32 vm5, v7;
	_ =	sdelay $0x5  }
0xa4: {  	vm7 =	veq.s32 v8, v5;
	vm5 =	veq.s32 v8, v3  }
0xa5: {  	vm8 =	vgt.u32 v8, $0xFFFFFFFD;
	vm4 =	vmor vm4, vm5;
	vm7 =	vmor vm7, vm5  }
0xa6: {  	vm7 =	vmor vm7, vm8  }
0xa7: {  	v8 =	vsel vm7, $0xFFFFFFFF, v8  }
.Ltmp5:
0xa8: {  	v7 =	vsel vm5, $0x0, v10;
	v9, _, _ =	vpop (xrf2);
	(pc) =	sbr.rel @p2 .LBB2_7-.Ltmp5, $4  }
0xa9: {  	v6 =	vsel vm5, v9, v6;
	v10 =	vadd.f32 v9, v7;
	v7 =	vsel vm6, $0x0, v9  }
0xaa: {  	s0 =	sadd.s32 $0x10, s0;
	v7 =	vshift.insert v7, v0, s21  }
0xab: {  	s22 =	sadd.s32 $0x10, s22;
	[tilespmem:s0+$0x0] =	vst v10;
	(ifvalue) =	ssetifvalue $0xFFFFFFFF  }
0xac: {  	[hbm4b:s1+s16] =	stream.indirect_vreg.scatter [tilespmem:s0], [sflag:$0x2], $0x1, v8, vm0, $0x4038;
	[tilespmem:$0x11A60] =	vst v63  }
0xad: {  	v3 =	vld [tilespmem:s29+$0xFAF0];
	_ =	sdelay $0x4  }
0xae: {  	v3 =	vshift.insert v3, v0, s21  }
0xaf: {  	s0 =	simm.s32 $0x30  }
0xb0: {  	[tilespmem:s0+$0x0] =	vst.msk $0x1, v3  }
0xb1: {  	v3 =	vsel vm4, $0x1, v1;
	[tilespmem:$0x90] =	vst v6  }
0xb2: {  	s0 =	sadd.s32 @!p1 $0xFAFF, s29;
	[tilespmem:$0xA0] =	vst v3  }
0xb3: {  	[spmem:s15] =	stream.linear.scatter @!p1 [tilespmem:s0], [sflag:$0x1], $0x1, $0x38;
	[tilespmem:$0x11A60] =	vst v63  }
0xb4: {  	s0 =	simm.s32 @!p1 $0x1  }
0xb5: {  	v3 =	vmctz.xlane @!p1 vm4;
	_ =	swait.ge @!p1 [sflag:s0], $0x1  }
0xb6: {  	(v2sf) =	vpush @!p1 v4, $0x0  }
0xb7: {  	(v2sf) =	vpush @!p1 v3, $0x0;
	_ =	sdelay $0xd  }
0xb8: {  	s2 =	spop @!p1 (v2sf)  }
0xb9: {  	s22 =	spop @!p1 (v2sf)  }
0xba: {  	p2 =	sne.s32 @!p1 s28, s2;
	p3 =	slt.s32 @!p1 s22, $0xF  }
0xbb: {  	[sflag:s0] =	ssyncset.done @!p1 $0x0;
	p2 =	por p2, p1;
	p3 =	por !p3, p1  }
0xbc: {  	[sflag:s0] =	ssyncadd.s32 @!p1 $0xFFFFFFFF;
	v3 =	vimm.s32 @!p2 $0xFFFFFFFF;
	s22 =	simm.s32 @p3 $0xF  }
0xbd: {  	[tilespmem:$0x80] =	vst @!p2 v3;
	s2 =	sadd.s32 @!p1 $0x90, s22  }
0xbe: {  	[spmem:s3] =	stream.linear.scatter @!p1 [tilespmem:s2], [sflag:$0x1], $0x1, $0x38;
	[tilespmem:$0x11A60] =	vst v63  }
0xbf: {  	_ =	swait.ge @!p1 [sflag:s0], $0x1  }
0xc0: {  	[sflag:s0] =	ssyncset.done @!p1 $0x0  }
0xc1: {  	s2 =	simm.s32 @!p1 $0x80;
	[sflag:s0] =	ssyncadd.s32 @!p1 $0xFFFFFFFF  }
0xc2: {  	[spmem:s13] =	stream.linear.scatter @!p1 [tilespmem:s2], [sflag:$0x1], $0x1, $0x38;
	[tilespmem:$0x11A60] =	vst v63  }
0xc3: {  	_ =	swait.ge @!p1 [sflag:s0], $0x1  }
0xc4: {  	[sflag:s0] =	ssyncset.done @!p1 $0x0  }
0xc5: {  	[sflag:s0] =	ssyncadd.s32 @!p1 $0xFFFFFFFF;
	(ifvalue) =	ssetifvalue $0xFFFFFFFF;
	v3 =	vld [tilespmem:s25+$0x10];
	_ =	sdelay $0x3  }
.Ltmp6:
0xc6: {  	_ = 	snop;
	(pc) =	sbr.rel .LBB2_9-.Ltmp6, $3  }
0xc7: {  	_ =	sdelay $0x1  }
0xc8: {  	(ifvalue) =	ssetifvalue $0xFFFFFFFF  }
0xc9: {  	[hbm4b:s1+s16] =	stream.indirect_vreg.scatter [tilespmem:s26], [sflag:$0x9], $0x1, v3, vm0, $0x4038;
	[tilespmem:$0x11A60] =	vst v63  }
.LBB2_10:
0xca: {  	_ =	sfence.sel $0x180000  }
0xcb: {  	s0 =	simm.s32 $0x7;
	[bflag:$0x0] =	sbarrier.arrive $0xFFFF  }
0xcc: {  	s26 =	simm.s32 $0x8;
	[sflag:s0] =	ssyncpa.u1 $0x1  }
0xcd: {  	s28 =	simm.s32 $0x9;
	[sflag:s26] =	ssyncpa.u1 $0x1  }
0xce: {  	[sflag:s28] =	ssyncpa.u1 $0x1  }
0xcf: {  	_ =	sfence.stream.spmem  }
0xd0: {  	s29 =	simm.s32 $0x3;
	[bflag:$0x0] =	sbarrier.arrive $0xFFFF  }
0xd1: {  	s30 =	simm.s32 $0x4;
	[sflag:s29] =	ssyncpa.u1 $0x1  }
0xd2: {  	s31 =	simm.s32 $0x3C;
	s2 =	stileid.u32;
	[sflag:s30] =	ssyncpa.u1 $0x1  }
0xd3: {  	p0 =	sne.s32 s2, $0x0;
	[sflag:s31] =	ssyncpa.u1 $0x1  }
0xd4: {  	s0 =	simm.s32 @p0 $0x1;
	_ =	sfence @p0  }
0xd5: {  	[sflag:s0] =	ssyncpa.u1 @p0 $0x1;
	s0 =	simm.s32 @p0 $0x2  }
0xd6: {  	[sflag:s0] =	ssyncpa.u1 @p0 $0x1  }
0xd7: {  	_ =	strace @p0 $0x90000053  }
0xd8: {  	[bflag:$0x2] =	sbarrier.arrive @p0 $0xFFFF  }
0xd9: {  	_ =	shalt @p0  }
.LBB2_11:
0xda: {  	_ =	sfence.stream.spmem;
	s0 =	simm.s32 $0x5  }
0xdb: {  	s2 =	simm.s32 $0x80;
	s3 =	simm.s32 $0xC0;
	[sflag:s0] =	ssyncpa.u1 $0x0  }
0xdc: {  	[tilespmem:s3], [sflag:$0x5] =	stream.linear.gather [spmem:s2], $0x20, $0x38;
	[tilespmem:$0x11A60] =	vst v63  }
0xdd: {  	s2 =	simm.s32 $0x0;
	s3 =	simm.s32 $0xE0  }
0xde: {  	[tilespmem:s3], [sflag:$0x5] =	stream.linear.gather [spmem:s2], $0x20, $0x38;
	[tilespmem:$0x11A60] =	vst v63  }
.Ltmp7:
0xdf: {  	_ = 	snop;
	(pc) =	sbr.rel .LBB2_12-.Ltmp7, $4  }
0xe0: {  	_ =	swait.ge [sflag:s0], $0x40  }
0xe1: {  	[sflag:s0] =	ssyncset.done $0x0  }
0xe2: {  	s31 =	simm.s32 $0x6;
	[sflag:s0] =	ssyncadd.s32 $0xFFFFFFC0  }
0xe3: {  	s4 =	simm.s32 $0x0;
	[sflag:s31] =	ssyncpa.u1 $0x0  }
.LBB2_17:
0xe4: {  	p0 =	sgt.u32 s5, $0x27FF  }
0xe5: {  	s0 =	sshrl.u32 @!p0 s5, $0x3  }
0xe6: {  	s5 =	sand.u32 @!p0 $0x7, s5;
	s6 =	simm.s32 @!p0 $0xB0;
	s0 =	sadd.s32 @!p0 s1, s0  }
0xe7: {  	[tilespmem:s6], [sflag:$0x6] =	stream.linear.gather @!p0 [hbm4b:s0+s5], $0x1, $0x38;
	[tilespmem:$0x11A60] =	vst v63  }
0xe8: {  	s0 =	simm.s32 @!p0 $0x6  }
0xe9: {  	_ =	swait.ge @!p0 [sflag:s0], $0x1  }
0xea: {  	[sflag:s0] =	ssyncset.done @!p0 $0x0  }
0xeb: {  	[sflag:s0] =	ssyncadd.s32 @!p0 $0xFFFFFFFF  }
0xec: {  	v2 =	vmov @!p0 s4;
	v1 =	vld.msk @!p0 [tilespmem:$0xB0], $0x1;
	_ =	sdelay $0x3  }
0xed: {  	s0 =	simm.s32 @!p0 $0xE0  }
0xee: {  	[tilespmem:v2+s0+$0x0], v1 =	vst.idx.ret.add.f32.msk @!p0 $0x1, v1  }
0xef: {  	[tilespmem:s2+$0xC0] =	vst.msk $0x1, v0  }
0xf0: {  	v0 =	vld.msk [tilespmem:s4+$0xE0], $0x1;
	_ =	sdelay $0x4  }
0xf1: {  	[tilespmem:s2+$0xE0] =	vst.msk $0x1, v0;
	s2 =	sadd.s32 $0x1, s2  }
.LBB2_19:
0xf2: {  	s4 =	sadd.s32 $0x1, s4  }
0xf3: {  	p0 =	sne.s32 s4, $0x20  }
.Ltmp8:
0xf4: {  	_ = 	snop;
	(pc) =	sbr.rel @!p0 .LBB2_20-.Ltmp8, $1  }
0xf5: {  	_ =	sdelay $0x3  }
.LBB2_12:
0xf6: {  	v0 =	vld.msk [tilespmem:s4+$0xC0], $0x1;
	_ =	sdelay $0x4  }
0xf7: {  	(v2sf) =	vpush v0, $0x0;
	_ =	sdelay $0xe  }
0xf8: {  	s5 =	spop (v2sf)  }
0xf9: {  	p0 =	seq.s32 s5, $0xFFFFFFFF  }
.Ltmp9:
0xfa: {  	_ = 	snop;
	(pc) =	sbr.rel @p0 .LBB2_19-.Ltmp9, $1  }
0xfb: {  	_ =	sdelay $0x3  }
0xfc: {  	p0 =	slt.s32 s2, $0x1  }
.Ltmp10:
0xfd: {  	_ = 	snop;
	(pc) =	sbr.rel @p0 .LBB2_17-.Ltmp10, $1  }
0xfe: {  	_ =	sdelay $0x3  }
0xff: {  	s0 =	simm.s32 $0xC0;
	p0 =	por $0x0, $0x0  }
0x100: {  	v1 =	vld.msk @!p0 [tilespmem:s0+$0x0], $0x1;
	_ =	sdelay $0x4  }
0x101: {  	(v2sf) =	vpush @!p0 v1, $0x0;
	_ =	sdelay $0xd  }
0x102: {  	p2 =	sne.s32 s2, $0x1  }
.Ltmp11:
0x103: {  	s6 =	spop @!p0 (v2sf);
	(pc) =	sbr.rel @!p2 .LBB2_16-.Ltmp11, $4  }
0x104: {  	p1 =	seq.s32 @!p0 s5, s6  }
0x105: {  	s6 =	simm.s32 $0x0;
	p1 =	por !p1, p0  }
0x106: {  	s8 =	simm.s32 $0xFFFFFFFF;
	s6 =	simm.s32 @p1 $0xFFFFFFFF  }
0x107: {  	s7 =	simm.s32 $0x1;
	s6 =	smov.u32 @p0 s8  }
.LBB2_15:
0x108: {  	s8 =	smov.u32 s6;
	p0 =	sne.s32 s6, $0xFFFFFFFF  }
0x109: {  	s0 =	sadd.s32 $0x1, s0;
	s6 =	smov.u32 s7;
	s7 =	sadd.s32 $0x1, s7  }
0x10a: {  	p1 =	sne.s32 s2, s7;
	v1 =	vld.msk @!p0 [tilespmem:s0+$0x0], $0x1;
	_ =	sdelay $0x4  }
0x10b: {  	(v2sf) =	vpush @!p0 v1, $0x0;
	_ =	sdelay $0xe  }
.Ltmp12:
0x10c: {  	s9 =	spop @!p0 (v2sf);
	(pc) =	sbr.rel @p1 .LBB2_15-.Ltmp12, $4  }
0x10d: {  	p2 =	seq.s32 @!p0 s5, s9  }
0x10e: {  	p2 =	por !p2, p0  }
0x10f: {  	s6 =	simm.s32 @p2 $0xFFFFFFFF  }
0x110: {  	s6 =	smov.u32 @p0 s8  }
.LBB2_16:
0x111: {  	p0 =	sne.s32 s6, $0xFFFFFFFF  }
.Ltmp13:
0x112: {  	_ = 	snop;
	(pc) =	sbr.rel @!p0 .LBB2_17-.Ltmp13, $1  }
0x113: {  	_ =	sdelay $0x3  }
0x114: {  	v0 =	vld.msk [tilespmem:s4+$0xE0], $0x1;
	v1 =	vmov s6  }
.Ltmp14:
0x115: {  	_ = 	snop;
	(pc) =	sbr.rel .LBB2_19-.Ltmp14, $2  }
0x116: {  	_ =	sdelay $0x2  }
0x117: {  	[tilespmem:v1+s3+$0x0], v0 =	vst.idx.ret.add.f32.msk $0x1, v0  }
.LBB2_20:
0x118: {  	p0 =	slt.s32 s2, $0x1  }
.Ltmp15:
0x119: {  	_ = 	snop;
	(pc) =	sbr.rel @p0 .LBB2_24-.Ltmp15, $3  }
0x11a: {  	_ =	sdelay $0x1  }
0x11b: {  	s0 =	simm.s32 $0x6  }
0x11c: {  	s3 =	simm.s32 $0x0;
	[sflag:s0] =	ssyncpa.u1 $0x1  }
0x11d: {  	s0 =	simm.s32 $0xC0  }
0x11e: {  	v0 =	vld.msk [tilespmem:s0+$0x0], $0x1;
	_ =	sdelay $0x4  }
0x11f: {  	(v2sf) =	vpush v0, $0x0;
	_ =	sdelay $0xe  }
0x120: {  	s2 =	sadd.s32 $0xFFFFFFFF, s2;
	s4 =	spop (v2sf)  }
0x121: {  	p1 =	sne.s32 s2, $0x0;
	p0 =	sgt.u32 s4, $0x27FF  }
.Ltmp16:
0x122: {  	s5 =	sshrl.u32 @!p0 s4, $0x3;
	(pc) =	sbr.rel @!p1 .LBB2_23-.Ltmp16, $4  }
0x123: {  	s0 =	simm.s32 $0xE0;
	s4 =	sand.u32 @!p0 $0x7, s4;
	s5 =	sadd.s32 @!p0 s1, s5  }
0x124: {  	[hbm4b:s5+s4] =	stream.linear.scatter @!p0 [tilespmem:s0], [sflag:$0x5], $0x1, $0x38;
	[tilespmem:$0x11A60] =	vst v63  }
0x125: {  	s5 =	simm.s32 $0x0  }
0x126: {  	s4 =	simm.s32 $0xC1;
	s5 =	simm.s32 @!p0 $0x4  }
.LBB2_22:
0x127: {  	v0 =	vld.msk [tilespmem:s4+$0x0], $0x1;
	s2 =	sadd.s32 $0xFFFFFFFF, s2;
	s3 =	sadd.s32 s3, s5  }
0x128: {  	p0 =	sne.s32 s2, $0x0;
	_ =	sdelay $0x3  }
0x129: {  	(v2sf) =	vpush v0, $0x0;
	_ =	sdelay $0xe  }
.Ltmp17:
0x12a: {  	s6 =	spop (v2sf);
	(pc) =	sbr.rel @p0 .LBB2_22-.Ltmp17, $4  }
0x12b: {  	s5 =	simm.s32 $0x0;
	p1 =	sgt.u32 s6, $0x27FF  }
0x12c: {  	s0 =	sadd.s32 $0x1, s0;
	s5 =	simm.s32 @!p1 $0x4;
	s7 =	sshrl.u32 @!p1 s6, $0x3  }
0x12d: {  	s4 =	sadd.s32 $0x1, s4;
	s6 =	sand.u32 @!p1 $0x7, s6;
	s7 =	sadd.s32 @!p1 s1, s7  }
0x12e: {  	[hbm4b:s7+s6] =	stream.linear.scatter @!p1 [tilespmem:s0], [sflag:$0x5], $0x1, $0x38;
	[tilespmem:$0x11A60] =	vst v63  }
.LBB2_23:
0x12f: {  	s0 =	sadd.s32 s3, s5  }
0x130: {  	s3 =	sshrl.u32 s0, $0x2  }
.LBB2_24:
0x131: {  	s0 =	simm.s32 $0x5  }
0x132: {  	_ =	swait.ge [sflag:s0], s3  }
0x133: {  	s1 =	ssub.s32 $0x0, s3;
	[sflag:s0] =	ssyncset.done $0x0  }
0x134: {  	[sflag:s0] =	ssyncadd.s32 s1  }
0x135: {  	[sflag:s0] =	ssyncpa.u1 $0x1  }
0x136: {  	s29 =	simm.s32 $0x1;
	_ =	sfence  }
0x137: {  	s30 =	simm.s32 $0x2;
	[sflag:s29] =	ssyncpa.u1 $0x1  }
0x138: {  	[sflag:s30] =	ssyncpa.u1 $0x1  }
0x139: {  	_ =	strace $0x90000053  }
0x13a: {  	[bflag:$0x2] =	sbarrier.arrive $0xFFFF  }
0x13b: {  	s31 =	rddreg [dreg:$0x1]  }
0x13c: {  	s0 =	sadd.s32 $0x100000, s31  }
0x13d: {  	[sflag:s0] =	ssyncadd.tile.s32 $0x1;
	_ =	shalt  }
.Lfunc_end2:
_tile_overlayer_lowered:
.L_overlay_start_2:
0x13e: {  	(tag) =	ssettag $0x2  }
0x13f: {  	s0 =	rddreg [dreg:$0x0];
	s2 =	stileid.u32  }
0x140: {  	s1 =	rddreg [dreg:$0x1];
	p0 =	sne.s32 s2, $0x0  }
0x141: {  	s3 =	rddreg [dreg:$0x2];
	[bflag:$0x3] =	sbarrier.arrive $0xFFFF;
	s2 =	simm.s32 @!p0 $0x1C01  }
0x142: {  	[timem:s3], [sflag:s2] =	dma.local @!p0 [hbm:s0], s1  }
0x143: {  	s0 =	simm.s32 @!p0 $0x1  }
0x144: {  	_ =	swait.ge @!p0 [sflag:s0], s1  }
0x145: {  	s1 =	ssub.s32 @!p0 $0x0, s1;
	[sflag:s0] =	ssyncset.done @!p0 $0x0  }
0x146: {  	[sflag:s0] =	ssyncadd.s32 @!p0 s1  }
0x147: {  	[bflag:$0x3] =	sbarrier.arrive $0xFFFF  }
0x148: {  	_ =	shalt  }

// kernel: scatter_offload_async_start
scs
__scs_entry_jumppad:
0x0: {  	(pc) =	sbr.rel $0x88, $3  }
0x1: {  	(tag) =	ssettag $0x0;
	lr =	simm.s32 $0x1  }
0x2: {  	[smem:$0x3F95] =	sst lr;
	_ =	strace $0xD0000000  }
0x3: {  	_ = 	snop  }
0x4: {  	_ = 	snop  }
0x5: {  	_ = 	snop  }
0x6: {  	_ = 	snop  }
0x7: {  	_ = 	snop  }
__scs_overlays_trampoline_lowered:
0x8: {  	[smem:$0x3FA4] =	sst s0  }
0x9: {  	[smem:$0x3FA5] =	sst s1  }
0xa: {  	[smem:$0x3FA6] =	sst s2  }
0xb: {  	[smem:$0x3FA7] =	sst s3  }
0xc: {  	[smem:$0x3FA8] =	sst s4  }
0xd: {  	[smem:$0x3FA9] =	sst s5  }
0xe: {  	[smem:$0x3FAA] =	sst s6  }
0xf: {  	[smem:$0x3FAB] =	sst s7  }
0x10: {  	[smem:$0x3FAC] =	sst s8  }
0x11: {  	[smem:$0x3FAD] =	sst s9;
	s0 =	simm.s32 @!p0 $0x0  }
0x12: {  	s1 =	sld [smem:$0x3F93];
	s0 =	simm.s32 @p0 $0x1  }
0x13: {  	[smem:$0x3FAE] =	sst s0;
	s0 =	simm.s32 @!p1 $0x0  }
0x14: {  	s2 =	sld [smem:$0x3F92];
	s0 =	simm.s32 @p1 $0x1  }
0x15: {  	[smem:$0x3FAF] =	sst s0;
	s0 =	simm.s32 @!p2 $0x0  }
0x16: {  	s3 =	sld [smem:$0x3FDB];
	s0 =	simm.s32 @p2 $0x1  }
0x17: {  	s4 =	simm.s32 $0x1BF5;
	[smem:$0x3FB1] =	sst s0  }
0x18: {  	s0 =	sld [smem:$0x3F94];
	_ =	swait.ge [sflag:s4], $0x0  }
0x19: {  	s7 =	sld [smem:$0x3F95]  }
0x1a: {  	s8 =	sadd.s32 $0xFFFFE003, lr  }
0x1b: {  	s9 =	sadd.s32 $0xFFFFFEF7, lr;
	s5 =	simm.s32 $0xFFFFFFFF;
	p2 =	slt.u32 s8, $0xFFFFF086  }
0x1c: {  	p1 =	slt.u32 s9, $0xF7A;
	s5 =	simm.s32 @!p2 $0x0  }
0x1d: {  	s5 =	simm.s32 @p1 $0x1;
	p0 =	seq.s32 s7, s2  }
0x1e: {  	s7 =	smul.u32 @!p0 $0xF7A, s2;
	p2 =	seq.s32 @!p0 s5, $0x0  }
0x1f: {  	s9 =	smul.u32 $0xF7A, s1;
	s8 =	simm.s32 @!p0 $0x1BF5;
	p2 =	por !p2, p0  }
0x20: {  	[sflag:s8] =	ssyncset.s32 @!p0 $0xFFFFF086;
	s6 =	sadd.s32 @!p0 s3, s7;
	s7 =	simm.s32 @!p0 $0x108  }
0x21: {  	s3 =	sadd.s32 s3, s9;
	s6 =	sadd.s32 @!p0 $0x88, s6;
	s7 =	simm.s32 @p2 $0x1082  }
0x22: {  	[simem:s7], [sflag:s8] =	dma.local @!p0 [hbm:s6], $0xF7A  }
0x23: {  	s9 =	sor.u32 $0xD0000000, s2;
	s6 =	simm.s32 $0x108;
	_ =	swait.ge @!p0 [sflag:s8], $0x0  }
0x24: {  	s3 =	sadd.s32 $0x88, s3;
	s6 =	simm.s32 @!p1 $0x1082;
	[sflag:s4] =	ssyncset.s32 $0xFFFFF086  }
0x25: {  	[simem:s6], [sflag:s4] =	dma.local [hbm:s3], $0xF7A  }
0x26: {  	[smem:$0x3F95] =	sst s1;
	(tag) =	ssettag s2;
	_ =	strace s9  }
0x27: {  	s1 =	sld [smem:$0x3FA5]  }
0x28: {  	s2 =	sld [smem:$0x3FA6]  }
0x29: {  	s4 =	sld [smem:$0x3FA8]  }
0x2a: {  	p0 =	seq.s32 s5, $0x0;
	s5 =	sld [smem:$0x3FA9]  }
0x2b: {  	s6 =	sld [smem:$0x3FAA]  }
0x2c: {  	s7 =	sld [smem:$0x3FAB]  }
0x2d: {  	s3 =	simm.s32 $0x108;
	s8 =	sld [smem:$0x3FAC]  }
0x2e: {  	s3 =	simm.s32 @!p0 $0x1082;
	s9 =	sld [smem:$0x3FAD]  }
0x2f: {  	lr =	sadd.s32 s0, s3;
	s0 =	sld [smem:$0x3FA4]  }
0x30: {  	s3 =	sld [smem:$0x3FA7]  }
0x31: {  	[smem:$0x3FB0] =	sst s10  }
0x32: {  	s10 =	sld [smem:$0x3FAE];
	_ =	sdelay $0x3  }
0x33: {  	p0 =	seq.s32 s10, $0x1;
	s10 =	sld [smem:$0x3FB0];
	_ =	sdelay $0x3  }
0x34: {  	[smem:$0x3FB0] =	sst s10  }
0x35: {  	s10 =	sld [smem:$0x3FAF];
	_ =	sdelay $0x3  }
0x36: {  	p1 =	seq.s32 s10, $0x1;
	s10 =	sld [smem:$0x3FB0];
	_ =	sdelay $0x3  }
0x37: {  	[smem:$0x3FB0] =	sst s10  }
0x38: {  	s10 =	sld [smem:$0x3FB1]  }
0x39: {  	_ = 	snop;
	(pc) =	sbr.ind lr, $3  }
0x3a: {  	_ = 	snop  }
0x3b: {  	_ = 	snop  }
0x3c: {  	p2 =	seq.s32 s10, $0x1;
	s10 =	sld [smem:$0x3FB0]  }
0x3d: {  	_ =	shalt  }
0x3e: {  	_ =	shalt  }
0x3f: {  	_ =	shalt  }
0x40: {  	_ =	shalt  }
0x41: {  	_ =	shalt  }
0x42: {  	_ =	shalt  }
0x43: {  	_ =	shalt  }
0x44: {  	_ =	shalt  }
0x45: {  	_ =	shalt  }
0x46: {  	_ =	shalt  }
0x47: {  	_ =	shalt  }
0x48: {  	_ =	shalt  }
0x49: {  	_ =	shalt  }
0x4a: {  	_ =	shalt  }
0x4b: {  	_ =	shalt  }
0x4c: {  	_ =	shalt  }
0x4d: {  	_ =	shalt  }
0x4e: {  	_ =	shalt  }
0x4f: {  	_ =	shalt  }
0x50: {  	_ =	shalt  }
0x51: {  	_ =	shalt  }
0x52: {  	_ =	shalt  }
0x53: {  	_ =	shalt  }
0x54: {  	_ =	shalt  }
0x55: {  	_ =	shalt  }
0x56: {  	_ =	shalt  }
0x57: {  	_ =	shalt  }
0x58: {  	_ =	shalt  }
0x59: {  	_ =	shalt  }
0x5a: {  	_ =	shalt  }
0x5b: {  	_ =	shalt  }
0x5c: {  	_ =	shalt  }
0x5d: {  	_ =	shalt  }
0x5e: {  	_ =	shalt  }
0x5f: {  	_ =	shalt  }
0x60: {  	_ =	shalt  }
0x61: {  	_ =	shalt  }
0x62: {  	_ =	shalt  }
0x63: {  	_ =	shalt  }
0x64: {  	_ =	shalt  }
0x65: {  	_ =	shalt  }
0x66: {  	_ =	shalt  }
0x67: {  	_ =	shalt  }
0x68: {  	_ =	shalt  }
0x69: {  	_ =	shalt  }
0x6a: {  	_ =	shalt  }
0x6b: {  	_ =	shalt  }
0x6c: {  	_ =	shalt  }
0x6d: {  	_ =	shalt  }
0x6e: {  	_ =	shalt  }
0x6f: {  	_ =	shalt  }
0x70: {  	_ =	shalt  }
0x71: {  	_ =	shalt  }
0x72: {  	_ =	shalt  }
0x73: {  	_ =	shalt  }
0x74: {  	_ =	shalt  }
0x75: {  	_ =	shalt  }
0x76: {  	_ =	shalt  }
0x77: {  	_ =	shalt  }
0x78: {  	_ =	shalt  }
0x79: {  	_ =	shalt  }
0x7a: {  	_ =	shalt  }
0x7b: {  	_ =	shalt  }
0x7c: {  	_ =	shalt  }
0x7d: {  	_ =	shalt  }
0x7e: {  	_ =	shalt  }
0x7f: {  	_ =	shalt  }
0x80: {  	_ =	shalt  }
0x81: {  	_ =	shalt  }
0x82: {  	_ =	shalt  }
0x83: {  	_ =	shalt  }
0x84: {  	_ =	shalt  }
0x85: {  	_ =	shalt  }
0x86: {  	_ =	shalt  }
0x87: {  	_ =	shalt  }
.Lfunc_end0:
.L_simem_size_0:
called_computation_lowered:
.L_overlay_start_0:
0x88: {  	s0 =	sld [smem:$0x3FD9]  }
0x89: {  	s1 =	sld [smem:$0x3FFE];
	_ =	sdelay $0x3  }
0x8a: {  	s0 =	sadd.s32 s1, s0  }
0x8b: {  	[smem:$0x3FBC] =	sst s0  }
0x8c: {  	_ = 	snop  }
0x8d: {  	s0 =	sld [smem:$0x3FD0];
	_ =	sdelay $0x2  }
0x8e: {  	s12 =	simm.s32 $0xC;
	s2 =	simm.s32 $0x10  }
0x8f: {  	[smem:s2], [sflag:s12] =	dma.local [hbm:s0], $0x1  }
0x90: {  	_ =	swait.eq [sflag:s12], $0x1  }
0x91: {  	[sflag:s12] =	ssyncset.done $0x0  }
0x92: {  	[sflag:s12] =	ssyncadd.s32 $0xFFFFFFFF  }
0x93: {  	s13 =	sld [smem:$0x11];
	(tm) =	ssettm $0x1  }
0x94: {  	s14 =	sld [smem:$0x3FFB];
	_ =	sdelay $0x3  }
0x95: {  	_ =	strace s14  }
0x96: {  	s0 =	sld [smem:$0x3FFC];
	_ =	sdelay $0x3  }
0x97: {  	_ =	strace s0  }
0x98: {  	s0 =	sld [smem:$0x3FFD];
	_ =	sdelay $0x3  }
0x99: {  	_ =	strace s0  }
0x9a: {  	_ =	strace $0x8FFFFFFF  }
0x9b: {  	s15 =	sld [smem:$0x3FDB];
	_ =	sdelay $0x1  }
0x9c: {  	s16 =	simm.s32 $_scs_section_size  }
0x9d: {  	s3 =	simm.s32 $_size__tile_overlayer_lowered;
	s4 =	simm.s32 $_tile_overlayer_lowered  }
0x9e: {  	s5 =	simm.s32 $0x1BFF;
	s17 =	sshll.u32 s4, $0x1;
	s2 =	sadd.s32 s16, s15  }
0x9f: {  	s18 =	simm.s32 $0x0;
	s3 =	sshll.u32 s3, $0x1;
	s4 =	sadd.s32 s17, s2  }
0xa0: {  	[timem:s18], [sflag:s5] =	dma.local [hbm:s4], s3  }
0xa1: {  	_ =	swait.ge [sflag:s5], s3  }
0xa2: {  	s3 =	ssub.s32 $0x0, s3;
	[sflag:s5] =	ssyncset.done $0x0  }
0xa3: {  	[sflag:s5] =	ssyncadd.s32 s3;
	_ =	sdelay $0x1  }
0xa4: {  	s19 =	simm.s32 $0x1B8B  }
0xa5: {  	_ =	swait.ge [sflag:s19], $0x1  }
0xa6: {  	[sflag:s19] =	ssyncset.done $0x0  }
0xa7: {  	s21 =	simm.s32 $0x1B8E;
	s20 =	sld [smem:$0x3FFE];
	[sflag:s19] =	ssyncadd.s32 $0xFFFFFFFF  }
0xa8: {  	s22 =	simm.s32 $execute0_lowered;
	[smem:$0x3FD2] =	sst s21  }
0xa9: {  	s4 =	sshll.u32 s22, $0x1;
	_ =	strace $0x80000049;
	[dreg:$0x1] =	wrdreg $0xFFFFFFFF  }
0xaa: {  	s23 =	simm.s32 $_size_execute0_lowered;
	s4 =	sadd.s32 s2, s4;
	[dreg:$0x0] =	wrdreg $0x0  }
0xab: {  	s5 =	sshll.u32 s23, $0x1;
	[dreg:$0x2] =	wrdreg s4  }
0xac: {  	[dreg:$0x3] =	wrdreg s5  }
0xad: {  	[dreg:$0x4] =	wrdreg $0xC0  }
0xae: {  	s24 =	simm.s32 $execute1_lowered;
	_ =	task [dreg:s18], $0x5FFFF  }
0xaf: {  	s4 =	sshll.u32 s24, $0x1;
	[dreg:$0x1] =	wrdreg $0xFFFFFFFF  }
0xb0: {  	s2 =	sadd.s32 s2, s4;
	[dreg:$0x0] =	wrdreg $0x60  }
0xb1: {  	[dreg:$0x2] =	wrdreg s2  }
0xb2: {  	[dreg:$0x3] =	wrdreg s20  }
0xb3: {  	[dreg:$0x4] =	wrdreg s13  }
0xb4: {  	[dreg:$0x5] =	wrdreg $0x9  }
0xb5: {  	_ =	task.clear_ibuf [dreg:s18], $0x6FFFF;
	_ =	strace $0x90000049  }
0xb6: {  	s25 =	simm.s32 $0x9;
	_ =	strace $0x8000004B  }
0xb7: {  	_ =	swait.ge [sflag:s25], $0x1  }
0xb8: {  	[sflag:s25] =	ssyncadd.s32 $0xFFFFFFFF  }
0xb9: {  	_ =	strace $0x9000004B  }
0xba: {  	_ =	strace $0x8000004C;
	[dreg:$0x1] =	wrdreg $0xFFFFFFFF  }
0xbb: {  	[dreg:$0x0] =	wrdreg $0x2030  }
0xbc: {  	[dreg:$0x2] =	wrdreg s13  }
0xbd: {  	[dreg:$0x3] =	wrdreg s20  }
0xbe: {  	[dreg:$0x4] =	wrdreg $0xA  }
0xbf: {  	_ =	task.clear_ibuf [dreg:s18], $0x5FFFF;
	_ =	strace $0x9000004C  }
0xc0: {  	s26 =	simm.s32 $0xA;
	_ =	strace $0x8000004E  }
0xc1: {  	_ =	swait.ge [sflag:s26], $0x1  }
0xc2: {  	[sflag:s26] =	ssyncadd.s32 $0xFFFFFFFF  }
0xc3: {  	_ =	strace $0x9000004E  }
0xc4: {  	_ =	sfence  }
0xc5: {  	s28 =	sld [smem:$0x0];
	_ =	sdelay $0x1  }
0xc6: {  	s29 =	srdreg.scid  }
0xc7: {  	s30 =	sshll.u32 s29, $0xD;
	s31 =	sshrl.u32 s29, $0x2  }
0xc8: {  	s3 =	sand.u32 $0x4000, s30;
	s2 =	sand.u32 $0x1, s29;
	s1 =	sadd.s32 s31, s28  }
0xc9: {  	s2 =	sor.u32 s3, s2;
	s1 =	sshll.u32 s1, $0x11  }
0xca: {  	s1 =	sor.u32 s1, s2  }
0xcb: {  	s1 =	sadd.s32 $0x8F2B, s1  }
0xcc: {  	[sflag:s1] =	ssyncadd.remote.s32 $0x1  }
0xcd: {  	_ =	sfence.sel $0xFFFF  }
0xce: {  	[dreg:$0x0] =	wrdreg $0xFFFFFFFF;
	(pc) =	sbr.abs _section_cstart, $3  }
0xcf: {  	[dreg:$0x1] =	wrdreg $0xFFFFFFFF  }
0xd0: {  	_ =	task.clear_ibuf [dreg:s18], $0x2FFFF;
	_ =	strace $0x9FFFFFFF  }
0xd1: {  	(tm) =	ssettm $0x7FFFFFFF  }
tec
execute0_lowered:
.L_overlay_start_1:
0x0: {  	(tag) =	ssettag $0x1  }
0x1: {  	s3 =	rddreg [dreg:$0x0]  }
0x2: {  	s5 =	rddreg [dreg:$0x1]  }
0x3: {  	s2 =	rddreg [dreg:$0x2]  }
0x4: {  	s0 =	rddreg [dreg:$0x3];
	s4 =	stileid.u32  }
0x5: {  	[bflag:$0x3] =	sbarrier.arrive $0xFFFF;
	s1 =	simm.s32 $_size_execute1_lowered;
	p0 =	sne.s32 s4, $0x0  }
0x6: {  	s1 =	sshll.u32 s1, $0x1;
	s6 =	simm.s32 @!p0 $0x1C3F;
	s7 =	simm.s32 @!p0 $0x4060  }
0x7: {  	[timem:s7], [sflag:s6] =	dma.local @!p0 [hbm:s3], s1  }
0x8: {  	s3 =	smul.u32 $0x280, s4  }
.Ltmp0:
0x9: {  	s31 =	simm.s32 $0x2;
	(pc) =	sbr.rel .LBB2_1-.Ltmp0, $4  }
0xa: {  	s8 =	simm.s32 $0x780;
	s10 =	simm.s32 $0x0;
	s9 =	simm.s32 $0x0  }
0xb: {  	s4 =	simm.s32 $0x1;
	_ =	strace $0x8000004A;
	s30 =	sshrl.u32 s3, $0x3  }
0xc: {  	s6 =	simm.s32 $0x0;
	[sflag:s4] =	ssyncpa.u1 $0x0;
	s5 =	sadd.s32 s30, s5  }
0xd: {  	s7 =	simm.s32 $0x280;
	[sflag:s31] =	ssyncpa.u1 $0x0;
	s5 =	sadd.s32 $0x5AA00, s5  }
.LBB2_8:
0xe: {  	p1 =	seq.s32 s9, $0x2  }
.Ltmp1:
0xf: {  	_ = 	snop;
	(pc) =	sbr.rel @p1 .LBB2_10-.Ltmp1, $1  }
0x10: {  	_ =	sdelay $0x3  }
.LBB2_9:
0x11: {  	s9 =	sadd.s32 $0x1, s9;
	s10 =	smov.u32 s3  }
.LBB2_1:
0x12: {  	p1 =	sne.s32 s9, $0x0  }
.Ltmp2:
0x13: {  	_ = 	snop;
	(pc) =	sbr.rel @!p1 .LBB2_2-.Ltmp2, $1  }
0x14: {  	_ =	sdelay $0x3  }
0x15: {  	s11 =	sand.u32 $0x1, s9  }
0x16: {  	p1 =	seq.s32 s11, $0x0  }
.Ltmp3:
0x17: {  	_ = 	snop;
	(pc) =	sbr.rel @p1 .LBB2_8-.Ltmp3, $1  }
0x18: {  	_ =	sdelay $0x3  }
0x19: {  	_ =	swait.ge [sflag:s4], $0x280  }
0x1a: {  	[sflag:s4] =	ssyncset.done $0x0  }
0x1b: {  	s11 =	simm.s32 $0x0;
	p1 =	por $0x1, $0x1;
	[sflag:s4] =	ssyncadd.s32 $0xFFFFFD80  }
.LBB2_5:
0x1c: {  	v0 =	vld [tilespmem:s11+$0x280]  }
0x1d: {  	v1 =	vld [tilespmem:s11+$0x290]  }
0x1e: {  	v2 =	vld [tilespmem:s11+$0x2A0]  }
0x1f: {  	v3 =	vld [tilespmem:s11+$0x2B0]  }
0x20: {  	v4 =	vld [tilespmem:s11+$0x2C0]  }
0x21: {  	v53 =	vld [tilespmem:s11+$0x2D0];
	[tilespmem:s11+$0x780] =	vst v0  }
0x22: {  	v54 =	vld [tilespmem:s11+$0x2E0];
	[tilespmem:s11+$0x790] =	vst v1  }
0x23: {  	v55 =	vld [tilespmem:s11+$0x2F0];
	[tilespmem:s11+$0x7A0] =	vst v2  }
0x24: {  	v56 =	vld [tilespmem:s11+$0x300];
	[tilespmem:s11+$0x7B0] =	vst v3  }
0x25: {  	v57 =	vld [tilespmem:s11+$0x310];
	[tilespmem:s11+$0x7C0] =	vst v4  }
0x26: {  	v58 =	vld [tilespmem:s11+$0x320];
	[tilespmem:s11+$0x7D0] =	vst v53  }
0x27: {  	v59 =	vld [tilespmem:s11+$0x330];
	[tilespmem:s11+$0x7E0] =	vst v54  }
0x28: {  	v60 =	vld [tilespmem:s11+$0x340];
	[tilespmem:s11+$0x7F0] =	vst v55  }
0x29: {  	v61 =	vld [tilespmem:s11+$0x350];
	[tilespmem:s11+$0x800] =	vst v56  }
0x2a: {  	v62 =	vld [tilespmem:s11+$0x360];
	[tilespmem:s11+$0x810] =	vst v57  }
0x2b: {  	v63 =	vld [tilespmem:s11+$0x370];
	p2 =	por p1, p1;
	[tilespmem:s11+$0x820] =	vst v58  }
.Ltmp4:
0x2c: {  	[tilespmem:s11+$0x830] =	vst v59;
	(pc) =	sbr.rel @p2 .LBB2_5-.Ltmp4, $4  }
0x2d: {  	[tilespmem:s11+$0x840] =	vst v60  }
0x2e: {  	[tilespmem:s11+$0x850] =	vst v61  }
0x2f: {  	s12 =	simm.s32 $0x1F0;
	s13 =	simm.s32 $0x980;
	[tilespmem:s11+$0x860] =	vst v62  }
0x30: {  	s14 =	simm.s32 $0x480;
	p1 =	por $0x0, $0x0;
	[tilespmem:s11+$0x870] =	vst v63;
	s11 =	simm.s32 $0x100  }
.LBB2_6:
0x31: {  	s12 =	sadd.s32 $0x10, s12  }
0x32: {  	v0 =	vld [tilespmem:s14+$0x0];
	p1 =	slt.u32 s12, $0x270  }
.Ltmp5:
0x33: {  	_ = 	snop;
	(pc) =	sbr.rel @p1 .LBB2_6-.Ltmp5, $2  }
0x34: {  	_ =	sdelay $0x2  }
0x35: {  	s14 =	sadd.s32 $0x10, s14;
	[tilespmem:s13+$0x0] =	vst v0;
	s13 =	sadd.s32 $0x10, s13  }
.Ltmp6:
0x36: {  	(pc) =	sbr.rel .LBB2_8-.Ltmp6, $4  }
0x37: {  	_ = 	snop  }
0x38: {  	s10 =	sshrl.u32 s10, $0x3  }
0x39: {  	s10 =	sadd.s32 s2, s10  }
0x3a: {  	[hbm4b:s10+s6] =	stream.linear.scatter [tilespmem:s8], [sflag:$0x2], $0x280, $0x38;
	[tilespmem:$0xA00] =	vst v63  }
.LBB2_2:
.Ltmp7:
0x3b: {  	(pc) =	sbr.rel .LBB2_9-.Ltmp7, $2  }
0x3c: {  	_ =	sdelay $0x2  }
0x3d: {  	[tilespmem:s7], [sflag:$0x1] =	stream.linear.gather [hbm4b:s5+s6], $0x280, $0x38;
	[tilespmem:$0xA00] =	vst v63  }
.LBB2_10:
0x3e: {  	s2 =	simm.s32 $0x2  }
0x3f: {  	_ =	swait.ge [sflag:s2], $0x280  }
0x40: {  	[sflag:s2] =	ssyncset.done $0x0  }
0x41: {  	[sflag:s2] =	ssyncadd.s32 $0xFFFFFD80  }
0x42: {  	_ =	sfence.sel $0x180000  }
0x43: {  	s3 =	simm.s32 $0x1;
	[bflag:$0x0] =	sbarrier.arrive $0xFFFF  }
0x44: {  	[sflag:s3] =	ssyncpa.u1 $0x1  }
0x45: {  	[sflag:s2] =	ssyncpa.u1 $0x1  }
0x46: {  	_ =	strace $0x9000004A  }
0x47: {  	s0 =	sadd.s32 @!p0 $0x100000, s0;
	[bflag:$0x2] =	sbarrier.arrive $0xFFFF  }
0x48: {  	[sflag:s0] =	ssyncadd.tile.s32 @!p0 $0x1;
	s0 =	simm.s32 @!p0 $0x3F  }
0x49: {  	_ =	swait.ge @!p0 [sflag:s0], s1  }
0x4a: {  	s1 =	ssub.s32 @!p0 $0x0, s1;
	[sflag:s0] =	ssyncset.done @!p0 $0x0  }
0x4b: {  	[sflag:s0] =	ssyncadd.s32 @!p0 s1  }
0x4c: {  	[bflag:$0x3] =	sbarrier.arrive $0xFFFF  }
0x4d: {  	_ =	shalt  }
.Lfunc_end2:
execute1_lowered:
.L_overlay_start_2:
0x4e: {  	(tag) =	ssettag $0x2  }
0x4f: {  	s1 =	rddreg [dreg:$0x0]  }
0x50: {  	s0 =	rddreg [dreg:$0x1];
	_ =	strace $0x8000004D;
	s15 =	stileid.u32  }
0x51: {  	s2 =	simm.s32 $0x1;
	s4 =	smin.u32 s15, $0x8;
	s3 =	sshll.u32 s15, $0x1  }
0x52: {  	v1 =	vimm.s32 $0xFFFFFFFF;
	[sflag:s2] =	ssyncpa.u1 $0x0;
	s4 =	sadd.s32 s4, s3  }
0x53: {  	s5 =	simm.s32 $0x5DC0;
	p0 =	slt.u32 s15, $0x8;
	[tilespmem:$0x10] =	vst v1;
	s4 =	smul.u32 $0x1F40, s4  }
0x54: {  	v0 =	vimm.f32 $0.0e+00;
	[tilespmem:$0x20] =	vst v1;
	s5 =	simm.s32 @!p0 $0x3E80  }
0x55: {  	[tilespmem:$0x30] =	vst v0;
	s5 =	sadd.s32 s5, s4  }
0x56: {  	[tilespmem:$0x40] =	vst v0;
	s5 =	smin.u32 s5, $0x4E200  }
0x57: {  	s7 =	simm.s32 $0x2;
	[tilespmem:$0x50] =	vst v0;
	s9 =	ssub.s32 s5, s4  }
0x58: {  	s8 =	simm.s32 $0x8;
	s31 =	simm.s32 $0x9;
	[tilespmem:$0x60] =	vst v1;
	p0 =	sgt.s32 s9, $0x0  }
0x59: {  	s16 =	simm.s32 $0x0;
	s17 =	simm.s32 $0xF0;
	[tilespmem:$0x70] =	vst v1;
	s9 =	simm.s32 @!p0 $0x0  }
0x5a: {  	s18 =	simm.s32 $0xFFFFFFFF;
	s19 =	simm.s32 $0xFFFFC280;
	[tilespmem:$0x80] =	vst v1;
	s6 =	smulhi.u32 $0x10624DD3, s9  }
0x5b: {  	s20 =	simm.s32 $0xFFFFFFFE;
	s21 =	simm.s32 $0xF;
	s25 =	simm.s32 $0x0;
	v1 =	vimm.s32 $0x0;
	[tilespmem:$0xB0] =	vst v0  }
0x5c: {  	s24 =	simm.s32 $0x0;
	s15 =	sshllo.u32 s15, $0x1;
	[tilespmem:$0x90] =	vst v1;
	s10 =	sshrl.u32 s6, $0x9  }
0x5d: {  	[tilespmem:$0xA0] =	vst v1;
	[sflag:s7] =	ssyncpa.u1 $0x0;
	s7 =	simm.s32 $0x7;
	s11 =	smul.u32 $0x1F40, s10  }
.Ltmp8:
0x5e: {  	s13 =	sor.u32 $0x80, s3;
	[sflag:s7] =	ssyncpa.u1 $0x0;
	(pc) =	sbr.rel .LBB3_1-.Ltmp8, $4  }
0x5f: {  	s14 =	sor.u32 $0x81, s3;
	[sflag:s8] =	ssyncpa.u1 $0x0;
	p0 =	sne.s32 s9, s11  }
0x60: {  	s23 =	smov.u32 s4;
	[sflag:s31] =	ssyncpa.u1 $0x0;
	s2 =	simm.s32 @!p0 $0x0  }
0x61: {  	vm0 =	vmmov $0xffff;
	v2 =	vlaneseq.u32;
	s6 =	sadd.s32 $0x46E00, s0;
	s9 =	sadd.s32 $0x50C00, s0;
	s10 =	sadd.s32 s2, s10  }
0x62: {  	vm1 =	vmxor vm1, vm1;
	vm2 =	vmmov $0x1;
	vm3 =	vcmask $0x3F3C;
	p0 =	por $0x0, $0x0;
	s11 =	sadd.s32 $0x1, s10;
	s12 =	sadd.s32 $0x2, s10  }
.LBB3_9:
0x63: {  	p1 =	slt.u32 s24, $0x3  }
0x64: {  	s0 =	simm.s32 @!p1 $0x2  }
0x65: {  	_ =	swait.ge @!p1 [sflag:s0], $0x1F40  }
0x66: {  	[sflag:s0] =	ssyncset.done @!p1 $0x0  }
0x67: {  	[sflag:s0] =	ssyncadd.s32 @!p1 $0xFFFFE0C0;
	s0 =	simm.s32 @!p1 $0x9  }
0x68: {  	_ =	swait.ge @!p1 [sflag:s0], $0x10  }
0x69: {  	[sflag:s0] =	ssyncset.done @!p1 $0x0  }
0x6a: {  	[sflag:s0] =	ssyncadd.s32 @!p1 $0xFFFFFFF0;
	p1 =	sne.s32 s24, s12  }
.Ltmp9:
0x6b: {  	s2 =	sadd.s32 $0x1F40, s23;
	(pc) =	sbr.rel @!p1 .LBB3_10-.Ltmp9, $4  }
0x6c: {  	s22 =	smov.u32 s4;
	s31 =	sadd.s32 $0x1, s24;
	s17 =	sadd.s32 $0x1F40, s17  }
0x6d: {  	s18 =	sadd.s32 $0x1, s18;
	s25 =	smov.u32 s23;
	p2 =	slt.s32 s2, s5  }
0x6e: {  	p0 =	por !p0, !p0;
	s19 =	sadd.s32 $0x1F40, s19;
	s22 =	smov.u32 @p2 s2  }
0x6f: {  	s20 =	sadd.s32 $0x1, s20;
	s23 =	smov.u32 s22;
	s24 =	smov.u32 s31  }
.LBB3_1:
0x70: {  	p1 =	sge.u32 s24, s10  }
0x71: {  	s0 =	smulhi.u32 @!p1 $0xAAAAAAAB, s24;
	_ =	sdelay $0x1  }
0x72: {  	s0 =	sshrl.u32 @!p1 s0, $0x1  }
0x73: {  	s0 =	smul.u32 @!p1 $0x3, s0;
	_ =	sdelay $0x1  }
0x74: {  	s0 =	ssub.s32 @!p1 s24, s0  }
0x75: {  	s0 =	smul.u32 @!p1 $0x7D00, s0;
	_ =	sdelay $0x1  }
0x76: {  	s2 =	sshrl.u32 @!p1 s23, $0x3;
	s0 =	sshrl.u32 @!p1 s0, $0x2  }
0x77: {  	s22 =	sand.u32 @!p1 $0x7, s23;
	s2 =	sadd.s32 @!p1 s6, s2;
	s0 =	sadd.s32 @!p1 $0x100, s0  }
0x78: {  	[tilespmem:s0], [sflag:$0x7] =	stream.linear.gather @!p1 [hbm4b:s2+s22], $0x1F40, $0x38;
	[tilespmem:$0x11A60] =	vst v63  }
0x79: {  	s0 =	sadd.s32 $0xFFFFFFFF, s24  }
0x7a: {  	p1 =	sge.u32 s0, s10  }
.Ltmp10:
0x7b: {  	_ = 	snop;
	(pc) =	sbr.rel @p1 .LBB3_5-.Ltmp10, $1  }
0x7c: {  	_ =	sdelay $0x3  }
0x7d: {  	s2 =	smulhi.u32 $0xAAAAAAAB, s0;
	_ =	sdelay $0x1  }
0x7e: {  	s2 =	sshrl.u32 s2, $0x1  }
0x7f: {  	s2 =	smul.u32 $0x3, s2;
	_ =	sdelay $0x1  }
0x80: {  	s2 =	ssub.s32 s0, s2  }
0x81: {  	s2 =	smul.u32 $0x7D00, s2  }
0x82: {  	_ =	swait.ge [sflag:s7], $0x1F40  }
0x83: {  	[sflag:s7] =	ssyncset.done $0x0;
	s2 =	sshrl.u32 s2, $0x2  }
0x84: {  	[sflag:s7] =	ssyncadd.s32 $0xFFFFE0C0;
	(ifvalue) =	ssetifvalue $0xFFFFFFFF;
	v3 =	vld.msk [tilespmem:s2+$0x100 ss:$0x1], $0xffff;
	_ =	sdelay $0x2  }
0x85: {  	s30 =	smulhi.u32 $0xAAAAAAAB, s18;
	p1 =	sne.s32 s24, $0x1  }
0x86: {  	v4 =	vimm.s32 @!p1 $0x0  }
0x87: {  	s2 =	sshrl.u32 s30, $0x1;
	v4 =	vperm.xlane @!p1 v3, v4  }
0x88: {  	s22 =	sshll.u32 s24, $0x4;
	s2 =	smul.u32 $0xFFFE8900, s2;
	vm4 =	vlt.u32 v3, $0x2800  }
0x89: {  	s22 =	sand.u32 $0x10, s22;
	v3 =	vnsel vm4, $0xFFFFFFFE, v3;
	vm4 =	vlt.u32 @!p1 v4, $0x2800  }
0x8a: {  	s2 =	sshra.s32 s2, $0x2;
	[tilespmem:s22+$0x60] =	vst v3;
	v3 =	vnsel @!p1 vm4, $0xFFFFFFFE, v4  }
0x8b: {  	s28 =	sadd.s32 s2, s17;
	[tilespmem:$0x80] =	vst @!p1 v3  }
0x8c: {  	v3 =	vld.msk [tilespmem:s28+$0x0 ss:$0x1], $0xffff;
	_ =	sdelay $0x4  }
0x8d: {  	(xrf1) =	vunique.msk.u32 $0xffff, v3;
	_ =	sdelay $0xd  }
0x8e: {  	v4 =	vimm.s32 $0xFFFFFFFF;
	v5, _, _ =	vpop (xrf1)  }
0x8f: {  	vm5 =	vne.s32 v3, v4;
	vm4 =	veq.s32 v5, v2  }
0x90: {  	vm6 =	vlt.u32 v3, $0x2800;
	vm4 =	vmand vm5, vm4  }
0x91: {  	vm4 =	vmand vm6, vm4  }
0x92: {  	v4 =	vnsel vm4, $0xFFFFFFFF, v3  }
0x93: {  	s31 =	sand.u32 $0x1, s0  }
0x94: {  	s0 =	simm.s32 $0x1F40;
	p1 =	seq.s32 s31, $0x1  }
0x95: {  	s0 =	simm.s32 @!p1 $0x0  }
0x96: {  	s26 =	sadd.s32 $0x7DF0, s0;
	(ifvalue) =	ssetifvalue $0xFFFFFFFF  }
0x97: {  	v3 =	vperm.xlane v3, v1;
	[tilespmem:s26], [sflag:$0x8] =	stream.indirect_vreg.gather [hbm4b:s1+s16], $0x1, v4, vm0, $0x4038;
	v4 =	vnsel vm6, $0xFFFFFFFE, v4;
	[tilespmem:$0x11A60] =	vst v63  }
0x98: {  	s2 =	simm.s32 $0x0;
	s22 =	sadd.s32 $0xFFFFFFF0, s28;
	[tilespmem:s28+$0x0] =	vst v4  }
.LBB3_3:
0x99: {  	v4 =	vld.msk [tilespmem:s22+$0x0 ss:$0x1], $0xffff;
	s2 =	sadd.s32 $0x10, s2;
	v5 =	vmov v3;
	s28 =	smov.u32 s22  }
0x9a: {  	p1 =	slt.u32 s2, $0x1F30;
	_ =	sdelay $0x4  }
0x9b: {  	v3 =	vperm.xlane v4, v1;
	(xrf1) =	vunique.msk.u32 $0xffff, v4;
	_ =	sdelay $0xd  }
0x9c: {  	v6, _, _ =	vpop (xrf1)  }
0x9d: {  	vm5 =	vne.s32 v4, v5;
	vm4 =	veq.s32 v6, v2  }
0x9e: {  	vm6 =	vlt.u32 v4, $0x2800;
	vm4 =	vmand vm5, vm4  }
0x9f: {  	vm4 =	vmand vm6, vm4  }
0xa0: {  	v4 =	vnsel vm4, $0xFFFFFFFF, v4  }
.Ltmp11:
0xa1: {  	v5 =	vnsel vm6, $0xFFFFFFFE, v4;
	(pc) =	sbr.rel @p1 .LBB3_3-.Ltmp11, $3  }
0xa2: {  	_ =	sdelay $0x1  }
0xa3: {  	s22 =	sadd.s32 $0xFFFFFFF0, s22;
	s26 =	sadd.s32 $0xFFFFFFF0, s26;
	(ifvalue) =	ssetifvalue $0xFFFFFFFF  }
0xa4: {  	[tilespmem:s26], [sflag:$0x8] =	stream.indirect_vreg.gather [hbm4b:s1+s16], $0x1, v4, vm0, $0x4038;
	[tilespmem:s28+$0x0] =	vst v5  }
0xa5: {  	s2 =	sshrl.u32 s25, $0x3  }
0xa6: {  	s0 =	sadd.s32 $0x9D40, s0;
	s2 =	sadd.s32 s9, s2  }
0xa7: {  	[tilespmem:s0], [sflag:$0x8] =	stream.linear.gather [hbm:s2], $0x1F40, $0x38;
	[tilespmem:$0x11A60] =	vst v63  }
.LBB3_5:
0xa8: {  	p1 =	slt.u32 s24, $0x2  }
0xa9: {  	p2 =	sge.u32 @!p1 s24, s12  }
0xaa: {  	p1 =	por p1, p2  }
.Ltmp12:
0xab: {  	_ = 	snop;
	(pc) =	sbr.rel @p1 .LBB3_9-.Ltmp12, $1  }
0xac: {  	_ =	sdelay $0x3  }
0xad: {  	s0 =	sadd.s32 $0xFFFFFFFE, s24  }
0xae: {  	s2 =	smulhi.u32 $0xAAAAAAAB, s0;
	_ =	sdelay $0x1  }
0xaf: {  	s2 =	sshrl.u32 s2, $0x1  }
0xb0: {  	s2 =	smul.u32 $0x3, s2;
	_ =	sdelay $0x1  }
0xb1: {  	s0 =	ssub.s32 s0, s2  }
0xb2: {  	_ =	swait.ge [sflag:s8], $0x3E80;
	s0 =	smul.u32 $0x1F40, s0  }
0xb3: {  	p1 =	sne.s32 s24, s11;
	[sflag:s8] =	ssyncset.done $0x0  }
0xb4: {  	[sflag:s8] =	ssyncadd.s32 $0xFFFFC180;
	s2 =	sadd.s32 @!p1 $0x203F, s0  }
0xb5: {  	[spmem:s14] =	stream.linear.scatter @!p1 [tilespmem:s2], [sflag:$0x1], $0x1, $0x38;
	[tilespmem:$0x11A60] =	vst v63  }
0xb6: {  	s2 =	simm.s32 @!p1 $0x1  }
0xb7: {  	_ =	swait.ge @!p1 [sflag:s2], $0x1  }
0xb8: {  	s22 =	sshll.u32 s24, $0x4;
	[sflag:s2] =	ssyncset.done @!p1 $0x0  }
0xb9: {  	s25 =	sand.u32 $0x10, s22;
	[sflag:s2] =	ssyncadd.s32 @!p1 $0xFFFFFFFF  }
0xba: {  	s2 =	sxor.u32 $0x10, s25;
	v4 =	vld [tilespmem:s25+$0x10]  }
0xbb: {  	v5 =	vld [tilespmem:s2+$0x60]  }
0xbc: {  	v3 =	vld [tilespmem:$0x80];
	_ =	sdelay $0x2  }
0xbd: {  	(v2sf) =	vpush v4, $0x0  }
0xbe: {  	(v2sf) =	vpush v5, $0x0  }
0xbf: {  	(v2sf) =	vpush v3, $0x0;
	_ =	sdelay $0xc  }
0xc0: {  	s22 =	spop (v2sf)  }
0xc1: {  	s26 =	spop (v2sf)  }
0xc2: {  	s28 =	spop (v2sf)  }
0xc3: {  	p2 =	seq.s32 s22, s26;
	p3 =	seq.s32 s28, s22  }
0xc4: {  	p3 =	por p2, p3  }
0xc5: {  	s26 =	sand.u32 $0x1, s24;
	v4 =	vpsel p3, $0xFFFFFFFF, v4  }
0xc6: {  	s29 =	smul.u32 $0x1F40, s26;
	[tilespmem:s25+$0x10] =	vst.msk $0x1, v4  }
0xc7: {  	v4 =	vld [tilespmem:$0x30]  }
0xc8: {  	v5 =	vld [tilespmem:s29+$0x9D40]  }
0xc9: {  	v6 =	vld [tilespmem:s25+$0x40];
	_ =	sdelay $0x3  }
0xca: {  	vm4 =	vmmov vm1;
	v5 =	vadd.f32 v5, v4  }
0xcb: {  	vm5 =	vmmov vm2;
	vm4 =	vmmov @p2 vm2;
	s22 =	sshll.u32 s26, $0x4;
	v4 =	vadd.f32 v6, v4  }
0xcc: {  	s26 =	sor.u32 $0x11A40, s22;
	vm5 =	vmmov @p3 vm1;
	[tilespmem:s29+$0x9D40] =	vst.msk vm4, v5  }
0xcd: {  	[tilespmem:s26+$0x0] =	vst.msk vm5, v4  }
0xce: {  	v4 =	vld [tilespmem:s29+$0x7DF0];
	_ =	sdelay $0x3  }
0xcf: {  	v5 =	vimm.f32 $0.0e+00  }
0xd0: {  	v4 =	vshift.insert v4, v5, s21  }
0xd1: {  	s22 =	sor.u32 $0x40, s2  }
0xd2: {  	[tilespmem:s22+$0x0] =	vst.msk $0x1, v4  }
0xd3: {  	[tilespmem:s29+$0x7DFF] =	vst.msk $0x1, v5  }
0xd4: {  	v4 =	vld [tilespmem:s0+$0x2030];
	_ =	sdelay $0x1  }
0xd5: {  	s22 =	smulhi.u32 $0xAAAAAAAB, s20;
	s0 =	simm.s32 $0x1  }
0xd6: {  	s0 =	simm.s32 @!p0 $0x0  }
0xd7: {  	s22 =	sshrl.u32 s22, $0x1;
	s0 =	smul.u32 $0x7D00, s0  }
0xd8: {  	s22 =	smul.u32 $0xFFFE8900, s22;
	v4 =	vshift.insert v4, v1, s21  }
0xd9: {  	s0 =	sshrl.u32 s0, $0x2  }
0xda: {  	s22 =	sshra.s32 s22, $0x2;
	s30 =	sadd.s32 $0x9D40, s0;
	[tilespmem:s2+$0x10] =	vst.msk $0x1, v4  }
0xdb: {  	s22 =	sadd.s32 s22, s19;
	v6 =	vld [tilespmem:s30+$0x0]  }
0xdc: {  	v7 =	vld [tilespmem:s22+$0x0];
	_ =	sdelay $0x3  }
0xdd: {  	v5 =	vadd.f32 v6, v5  }
0xde: {  	vm4 =	vne.s32 v7, $0xFFFFFFFF  }
0xdf: {  	(xrf2) =	vadd.seg.scan.f32 vm4, v5;
	_ =	sdelay $0x3  }
0xe0: {  	s31 =	sadd.s32 $0x5EC0, s0;
	v5 =	vperm.xlane v4, v1  }
0xe1: {  	v6 =	vld [tilespmem:s31+$0x0]  }
0xe2: {  	vm5 =	veq.s32 v7, v3;
	vm6 =	veq.s32 v7, v5  }
0xe3: {  	vm7 =	vgt.u32 v7, $0xFFFFFFFD;
	vm6 =	vmor vm6, vm5  }
0xe4: {  	vm6 =	vmor vm6, vm7  }
0xe5: {  	v9 =	vld [tilespmem:$0xA0];
	v7 =	vsel vm6, $0xFFFFFFFF, v7  }
0xe6: {  	v10 =	vld [tilespmem:$0x90];
	v6 =	vsel vm5, $0x0, v6;
	v8, _, _ =	vpop (xrf2)  }
0xe7: {  	v6 =	vadd.f32 v8, v6  }
0xe8: {  	s0 =	sadd.s32 $0xDBC0, s0  }
0xe9: {  	vm4 =	vmand vm4, vm3;
	[tilespmem:s0+$0x0] =	vst v6;
	(ifvalue) =	ssetifvalue $0xFFFFFFFF  }
0xea: {  	vm6 =	veq.s32 v9, $0x1;
	[hbm4b:s1+s16] =	stream.indirect_vreg.scatter [tilespmem:s0], [sflag:$0x2], $0x1, v7, vm0, $0x4038;
	v7 =	vsel vm4, $0x0, v8;
	[tilespmem:$0x11A60] =	vst v63  }
0xeb: {  	s2 =	simm.s32 $0x0;
	s22 =	sadd.s32 $0x10, s22;
	vm4 =	vmor vm6, vm5;
	v6 =	vsel vm5, v8, v10;
	v7 =	vshift.insert v7, v0, s21  }
.LBB3_7:
0xec: {  	v8 =	vld [tilespmem:s22+$0x0];
	s30 =	sadd.s32 $0x10, s30  }
0xed: {  	s31 =	sadd.s32 $0x10, s31;
	v9 =	vld [tilespmem:s30+$0x0]  }
0xee: {  	s2 =	sadd.s32 $0x10, s2;
	v10 =	vld [tilespmem:s31+$0x0]  }
0xef: {  	p2 =	slt.u32 s2, $0x1F30;
	_ =	sdelay $0x2  }
0xf0: {  	v7 =	vadd.f32 v9, v7  }
0xf1: {  	vm5 =	vne.s32 v8, $0xFFFFFFFF  }
0xf2: {  	vm6 =	vmand vm5, vm3;
	(xrf2) =	vadd.seg.scan.f32 vm5, v7;
	_ =	sdelay $0x5  }
0xf3: {  	vm7 =	veq.s32 v8, v5;
	vm5 =	veq.s32 v8, v3  }
0xf4: {  	vm8 =	vgt.u32 v8, $0xFFFFFFFD;
	vm4 =	vmor vm4, vm5;
	vm7 =	vmor vm7, vm5  }
0xf5: {  	vm7 =	vmor vm7, vm8  }
0xf6: {  	v8 =	vsel vm7, $0xFFFFFFFF, v8  }
.Ltmp13:
0xf7: {  	v7 =	vsel vm5, $0x0, v10;
	v9, _, _ =	vpop (xrf2);
	(pc) =	sbr.rel @p2 .LBB3_7-.Ltmp13, $4  }
0xf8: {  	v6 =	vsel vm5, v9, v6;
	v10 =	vadd.f32 v9, v7;
	v7 =	vsel vm6, $0x0, v9  }
0xf9: {  	s0 =	sadd.s32 $0x10, s0;
	v7 =	vshift.insert v7, v0, s21  }
0xfa: {  	s22 =	sadd.s32 $0x10, s22;
	[tilespmem:s0+$0x0] =	vst v10;
	(ifvalue) =	ssetifvalue $0xFFFFFFFF  }
0xfb: {  	[hbm4b:s1+s16] =	stream.indirect_vreg.scatter [tilespmem:s0], [sflag:$0x2], $0x1, v8, vm0, $0x4038;
	[tilespmem:$0x11A60] =	vst v63  }
0xfc: {  	v3 =	vld [tilespmem:s29+$0xFAF0];
	_ =	sdelay $0x4  }
0xfd: {  	v3 =	vshift.insert v3, v0, s21  }
0xfe: {  	s0 =	simm.s32 $0x30  }
0xff: {  	[tilespmem:s0+$0x0] =	vst.msk $0x1, v3  }
0x100: {  	v3 =	vsel vm4, $0x1, v1;
	[tilespmem:$0x90] =	vst v6  }
0x101: {  	s0 =	sadd.s32 @!p1 $0xFAFF, s29;
	[tilespmem:$0xA0] =	vst v3  }
0x102: {  	[spmem:s15] =	stream.linear.scatter @!p1 [tilespmem:s0], [sflag:$0x1], $0x1, $0x38;
	[tilespmem:$0x11A60] =	vst v63  }
0x103: {  	s0 =	simm.s32 @!p1 $0x1  }
0x104: {  	v3 =	vmctz.xlane @!p1 vm4;
	_ =	swait.ge @!p1 [sflag:s0], $0x1  }
0x105: {  	(v2sf) =	vpush @!p1 v4, $0x0  }
0x106: {  	(v2sf) =	vpush @!p1 v3, $0x0;
	_ =	sdelay $0xd  }
0x107: {  	s2 =	spop @!p1 (v2sf)  }
0x108: {  	s22 =	spop @!p1 (v2sf)  }
0x109: {  	p2 =	sne.s32 @!p1 s28, s2;
	p3 =	slt.s32 @!p1 s22, $0xF  }
0x10a: {  	[sflag:s0] =	ssyncset.done @!p1 $0x0;
	p2 =	por p2, p1;
	p3 =	por !p3, p1  }
0x10b: {  	[sflag:s0] =	ssyncadd.s32 @!p1 $0xFFFFFFFF;
	v3 =	vimm.s32 @!p2 $0xFFFFFFFF;
	s22 =	simm.s32 @p3 $0xF  }
0x10c: {  	[tilespmem:$0x80] =	vst @!p2 v3;
	s2 =	sadd.s32 @!p1 $0x90, s22  }
0x10d: {  	[spmem:s3] =	stream.linear.scatter @!p1 [tilespmem:s2], [sflag:$0x1], $0x1, $0x38;
	[tilespmem:$0x11A60] =	vst v63  }
0x10e: {  	_ =	swait.ge @!p1 [sflag:s0], $0x1  }
0x10f: {  	[sflag:s0] =	ssyncset.done @!p1 $0x0  }
0x110: {  	s2 =	simm.s32 @!p1 $0x80;
	[sflag:s0] =	ssyncadd.s32 @!p1 $0xFFFFFFFF  }
0x111: {  	[spmem:s13] =	stream.linear.scatter @!p1 [tilespmem:s2], [sflag:$0x1], $0x1, $0x38;
	[tilespmem:$0x11A60] =	vst v63  }
0x112: {  	_ =	swait.ge @!p1 [sflag:s0], $0x1  }
0x113: {  	[sflag:s0] =	ssyncset.done @!p1 $0x0  }
0x114: {  	[sflag:s0] =	ssyncadd.s32 @!p1 $0xFFFFFFFF;
	(ifvalue) =	ssetifvalue $0xFFFFFFFF;
	v3 =	vld [tilespmem:s25+$0x10];
	_ =	sdelay $0x3  }
.Ltmp14:
0x115: {  	_ = 	snop;
	(pc) =	sbr.rel .LBB3_9-.Ltmp14, $3  }
0x116: {  	_ =	sdelay $0x1  }
0x117: {  	(ifvalue) =	ssetifvalue $0xFFFFFFFF  }
0x118: {  	[hbm4b:s1+s16] =	stream.indirect_vreg.scatter [tilespmem:s26], [sflag:$0x9], $0x1, v3, vm0, $0x4038;
	[tilespmem:$0x11A60] =	vst v63  }
.LBB3_10:
0x119: {  	_ =	sfence.sel $0x180000  }
0x11a: {  	s0 =	simm.s32 $0x7;
	[bflag:$0x0] =	sbarrier.arrive $0xFFFF  }
0x11b: {  	s26 =	simm.s32 $0x8;
	[sflag:s0] =	ssyncpa.u1 $0x1  }
0x11c: {  	s28 =	simm.s32 $0x9;
	[sflag:s26] =	ssyncpa.u1 $0x1  }
0x11d: {  	[sflag:s28] =	ssyncpa.u1 $0x1  }
0x11e: {  	_ =	sfence.stream.spmem  }
0x11f: {  	s29 =	simm.s32 $0x3;
	[bflag:$0x0] =	sbarrier.arrive $0xFFFF  }
0x120: {  	s30 =	simm.s32 $0x4;
	[sflag:s29] =	ssyncpa.u1 $0x1  }
0x121: {  	s31 =	simm.s32 $0x3C;
	s2 =	stileid.u32;
	[sflag:s30] =	ssyncpa.u1 $0x1  }
0x122: {  	p0 =	sne.s32 s2, $0x0;
	[sflag:s31] =	ssyncpa.u1 $0x1  }
0x123: {  	s0 =	simm.s32 @p0 $0x1;
	_ =	sfence @p0  }
0x124: {  	[sflag:s0] =	ssyncpa.u1 @p0 $0x1;
	s0 =	simm.s32 @p0 $0x2  }
0x125: {  	[sflag:s0] =	ssyncpa.u1 @p0 $0x1  }
0x126: {  	_ =	strace @p0 $0x9000004D  }
0x127: {  	[bflag:$0x2] =	sbarrier.arrive @p0 $0xFFFF  }
0x128: {  	_ =	shalt @p0  }
.LBB3_11:
0x129: {  	_ =	sfence.stream.spmem;
	s0 =	simm.s32 $0x5  }
0x12a: {  	s2 =	simm.s32 $0x80;
	s3 =	simm.s32 $0xC0;
	[sflag:s0] =	ssyncpa.u1 $0x0  }
0x12b: {  	[tilespmem:s3], [sflag:$0x5] =	stream.linear.gather [spmem:s2], $0x20, $0x38;
	[tilespmem:$0x11A60] =	vst v63  }
0x12c: {  	s2 =	simm.s32 $0x0;
	s3 =	simm.s32 $0xE0  }
0x12d: {  	[tilespmem:s3], [sflag:$0x5] =	stream.linear.gather [spmem:s2], $0x20, $0x38;
	[tilespmem:$0x11A60] =	vst v63  }
.Ltmp15:
0x12e: {  	_ = 	snop;
	(pc) =	sbr.rel .LBB3_12-.Ltmp15, $4  }
0x12f: {  	_ =	swait.ge [sflag:s0], $0x40  }
0x130: {  	[sflag:s0] =	ssyncset.done $0x0  }
0x131: {  	s31 =	simm.s32 $0x6;
	[sflag:s0] =	ssyncadd.s32 $0xFFFFFFC0  }
0x132: {  	s4 =	simm.s32 $0x0;
	[sflag:s31] =	ssyncpa.u1 $0x0  }
.LBB3_17:
0x133: {  	p0 =	sgt.u32 s5, $0x27FF  }
0x134: {  	s0 =	sshrl.u32 @!p0 s5, $0x3  }
0x135: {  	s5 =	sand.u32 @!p0 $0x7, s5;
	s6 =	simm.s32 @!p0 $0xB0;
	s0 =	sadd.s32 @!p0 s1, s0  }
0x136: {  	[tilespmem:s6], [sflag:$0x6] =	stream.linear.gather @!p0 [hbm4b:s0+s5], $0x1, $0x38;
	[tilespmem:$0x11A60] =	vst v63  }
0x137: {  	s0 =	simm.s32 @!p0 $0x6  }
0x138: {  	_ =	swait.ge @!p0 [sflag:s0], $0x1  }
0x139: {  	[sflag:s0] =	ssyncset.done @!p0 $0x0  }
0x13a: {  	[sflag:s0] =	ssyncadd.s32 @!p0 $0xFFFFFFFF  }
0x13b: {  	v2 =	vmov @!p0 s4;
	v1 =	vld.msk @!p0 [tilespmem:$0xB0], $0x1;
	_ =	sdelay $0x3  }
0x13c: {  	s0 =	simm.s32 @!p0 $0xE0  }
0x13d: {  	[tilespmem:v2+s0+$0x0], v1 =	vst.idx.ret.add.f32.msk @!p0 $0x1, v1  }
0x13e: {  	[tilespmem:s2+$0xC0] =	vst.msk $0x1, v0  }
0x13f: {  	v0 =	vld.msk [tilespmem:s4+$0xE0], $0x1;
	_ =	sdelay $0x4  }
0x140: {  	[tilespmem:s2+$0xE0] =	vst.msk $0x1, v0;
	s2 =	sadd.s32 $0x1, s2  }
.LBB3_19:
0x141: {  	s4 =	sadd.s32 $0x1, s4  }
0x142: {  	p0 =	sne.s32 s4, $0x20  }
.Ltmp16:
0x143: {  	_ = 	snop;
	(pc) =	sbr.rel @!p0 .LBB3_20-.Ltmp16, $1  }
0x144: {  	_ =	sdelay $0x3  }
.LBB3_12:
0x145: {  	v0 =	vld.msk [tilespmem:s4+$0xC0], $0x1;
	_ =	sdelay $0x4  }
0x146: {  	(v2sf) =	vpush v0, $0x0;
	_ =	sdelay $0xe  }
0x147: {  	s5 =	spop (v2sf)  }
0x148: {  	p0 =	seq.s32 s5, $0xFFFFFFFF  }
.Ltmp17:
0x149: {  	_ = 	snop;
	(pc) =	sbr.rel @p0 .LBB3_19-.Ltmp17, $1  }
0x14a: {  	_ =	sdelay $0x3  }
0x14b: {  	p0 =	slt.s32 s2, $0x1  }
.Ltmp18:
0x14c: {  	_ = 	snop;
	(pc) =	sbr.rel @p0 .LBB3_17-.Ltmp18, $1  }
0x14d: {  	_ =	sdelay $0x3  }
0x14e: {  	s0 =	simm.s32 $0xC0;
	p0 =	por $0x0, $0x0  }
0x14f: {  	v1 =	vld.msk @!p0 [tilespmem:s0+$0x0], $0x1;
	_ =	sdelay $0x4  }
0x150: {  	(v2sf) =	vpush @!p0 v1, $0x0;
	_ =	sdelay $0xd  }
0x151: {  	p2 =	sne.s32 s2, $0x1  }
.Ltmp19:
0x152: {  	s6 =	spop @!p0 (v2sf);
	(pc) =	sbr.rel @!p2 .LBB3_16-.Ltmp19, $4  }
0x153: {  	p1 =	seq.s32 @!p0 s5, s6  }
0x154: {  	s6 =	simm.s32 $0x0;
	p1 =	por !p1, p0  }
0x155: {  	s8 =	simm.s32 $0xFFFFFFFF;
	s6 =	simm.s32 @p1 $0xFFFFFFFF  }
0x156: {  	s7 =	simm.s32 $0x1;
	s6 =	smov.u32 @p0 s8  }
.LBB3_15:
0x157: {  	s8 =	smov.u32 s6;
	p0 =	sne.s32 s6, $0xFFFFFFFF  }
0x158: {  	s0 =	sadd.s32 $0x1, s0;
	s6 =	smov.u32 s7;
	s7 =	sadd.s32 $0x1, s7  }
0x159: {  	p1 =	sne.s32 s2, s7;
	v1 =	vld.msk @!p0 [tilespmem:s0+$0x0], $0x1;
	_ =	sdelay $0x4  }
0x15a: {  	(v2sf) =	vpush @!p0 v1, $0x0;
	_ =	sdelay $0xe  }
.Ltmp20:
0x15b: {  	s9 =	spop @!p0 (v2sf);
	(pc) =	sbr.rel @p1 .LBB3_15-.Ltmp20, $4  }
0x15c: {  	p2 =	seq.s32 @!p0 s5, s9  }
0x15d: {  	p2 =	por !p2, p0  }
0x15e: {  	s6 =	simm.s32 @p2 $0xFFFFFFFF  }
0x15f: {  	s6 =	smov.u32 @p0 s8  }
.LBB3_16:
0x160: {  	p0 =	sne.s32 s6, $0xFFFFFFFF  }
.Ltmp21:
0x161: {  	_ = 	snop;
	(pc) =	sbr.rel @!p0 .LBB3_17-.Ltmp21, $1  }
0x162: {  	_ =	sdelay $0x3  }
0x163: {  	v0 =	vld.msk [tilespmem:s4+$0xE0], $0x1;
	v1 =	vmov s6  }
.Ltmp22:
0x164: {  	_ = 	snop;
	(pc) =	sbr.rel .LBB3_19-.Ltmp22, $2  }
0x165: {  	_ =	sdelay $0x2  }
0x166: {  	[tilespmem:v1+s3+$0x0], v0 =	vst.idx.ret.add.f32.msk $0x1, v0  }
.LBB3_20:
0x167: {  	p0 =	slt.s32 s2, $0x1  }
.Ltmp23:
0x168: {  	_ = 	snop;
	(pc) =	sbr.rel @p0 .LBB3_24-.Ltmp23, $3  }
0x169: {  	_ =	sdelay $0x1  }
0x16a: {  	s0 =	simm.s32 $0x6  }
0x16b: {  	s3 =	simm.s32 $0x0;
	[sflag:s0] =	ssyncpa.u1 $0x1  }
0x16c: {  	s0 =	simm.s32 $0xC0  }
0x16d: {  	v0 =	vld.msk [tilespmem:s0+$0x0], $0x1;
	_ =	sdelay $0x4  }
0x16e: {  	(v2sf) =	vpush v0, $0x0;
	_ =	sdelay $0xe  }
0x16f: {  	s2 =	sadd.s32 $0xFFFFFFFF, s2;
	s4 =	spop (v2sf)  }
0x170: {  	p1 =	sne.s32 s2, $0x0;
	p0 =	sgt.u32 s4, $0x27FF  }
.Ltmp24:
0x171: {  	s5 =	sshrl.u32 @!p0 s4, $0x3;
	(pc) =	sbr.rel @!p1 .LBB3_23-.Ltmp24, $4  }
0x172: {  	s0 =	simm.s32 $0xE0;
	s4 =	sand.u32 @!p0 $0x7, s4;
	s5 =	sadd.s32 @!p0 s1, s5  }
0x173: {  	[hbm4b:s5+s4] =	stream.linear.scatter @!p0 [tilespmem:s0], [sflag:$0x5], $0x1, $0x38;
	[tilespmem:$0x11A60] =	vst v63  }
0x174: {  	s5 =	simm.s32 $0x0  }
0x175: {  	s4 =	simm.s32 $0xC1;
	s5 =	simm.s32 @!p0 $0x4  }
.LBB3_22:
0x176: {  	v0 =	vld.msk [tilespmem:s4+$0x0], $0x1;
	s2 =	sadd.s32 $0xFFFFFFFF, s2;
	s3 =	sadd.s32 s3, s5  }
0x177: {  	p0 =	sne.s32 s2, $0x0;
	_ =	sdelay $0x3  }
0x178: {  	(v2sf) =	vpush v0, $0x0;
	_ =	sdelay $0xe  }
.Ltmp25:
0x179: {  	s6 =	spop (v2sf);
	(pc) =	sbr.rel @p0 .LBB3_22-.Ltmp25, $4  }
0x17a: {  	s5 =	simm.s32 $0x0;
	p1 =	sgt.u32 s6, $0x27FF  }
0x17b: {  	s0 =	sadd.s32 $0x1, s0;
	s5 =	simm.s32 @!p1 $0x4;
	s7 =	sshrl.u32 @!p1 s6, $0x3  }
0x17c: {  	s4 =	sadd.s32 $0x1, s4;
	s6 =	sand.u32 @!p1 $0x7, s6;
	s7 =	sadd.s32 @!p1 s1, s7  }
0x17d: {  	[hbm4b:s7+s6] =	stream.linear.scatter @!p1 [tilespmem:s0], [sflag:$0x5], $0x1, $0x38;
	[tilespmem:$0x11A60] =	vst v63  }
.LBB3_23:
0x17e: {  	s0 =	sadd.s32 s3, s5  }
0x17f: {  	s3 =	sshrl.u32 s0, $0x2  }
.LBB3_24:
0x180: {  	s0 =	simm.s32 $0x5  }
0x181: {  	_ =	swait.ge [sflag:s0], s3  }
0x182: {  	s1 =	ssub.s32 $0x0, s3;
	[sflag:s0] =	ssyncset.done $0x0  }
0x183: {  	[sflag:s0] =	ssyncadd.s32 s1  }
0x184: {  	[sflag:s0] =	ssyncpa.u1 $0x1  }
0x185: {  	s29 =	simm.s32 $0x1;
	_ =	sfence  }
0x186: {  	s30 =	simm.s32 $0x2;
	[sflag:s29] =	ssyncpa.u1 $0x1  }
0x187: {  	[sflag:s30] =	ssyncpa.u1 $0x1  }
0x188: {  	_ =	strace $0x9000004D  }
0x189: {  	[bflag:$0x2] =	sbarrier.arrive $0xFFFF  }
0x18a: {  	s31 =	rddreg [dreg:$0x2]  }
0x18b: {  	s0 =	sadd.s32 $0x100000, s31  }
0x18c: {  	[sflag:s0] =	ssyncadd.tile.s32 $0x1;
	_ =	shalt  }
.Lfunc_end3:
_tile_overlayer_lowered:
.L_overlay_start_3:
0x18d: {  	(tag) =	ssettag $0x3  }
0x18e: {  	s0 =	rddreg [dreg:$0x0];
	s2 =	stileid.u32  }
0x18f: {  	s1 =	rddreg [dreg:$0x1];
	p0 =	sne.s32 s2, $0x0  }
0x190: {  	s3 =	rddreg [dreg:$0x2];
	[bflag:$0x3] =	sbarrier.arrive $0xFFFF;
	s2 =	simm.s32 @!p0 $0x1C01  }
0x191: {  	[timem:s3], [sflag:s2] =	dma.local @!p0 [hbm:s0], s1  }
0x192: {  	s0 =	simm.s32 @!p0 $0x1  }
0x193: {  	_ =	swait.ge @!p0 [sflag:s0], s1  }
0x194: {  	s1 =	ssub.s32 @!p0 $0x0, s1;
	[sflag:s0] =	ssyncset.done @!p0 $0x0  }
0x195: {  	[sflag:s0] =	ssyncadd.s32 @!p0 s1  }
0x196: {  	[bflag:$0x3] =	sbarrier.arrive $0xFFFF  }
0x197: {  	_ =	shalt  }

</sc_bundles>
